<compile_context>
chip_gen: v7x
topology: tpu7x:2x2x1
jax: 0.10.2.dev20260603
libtpu: 0.0.44.dev20260713+nightly
codegen_flags: <defaults>
</compile_context>

<pallas_src>
import functools

import jax
import jax.numpy as jnp
from jax import lax
from jax.experimental import pallas as pl
from jax.experimental.pallas import tpu as pltpu
from jax.experimental.pallas import tpu_sc as plsc

NC, NS, LANES = 2, 16, 16
NW = NC * NS


def _make_t1_body(r):
    def _t1_body(x_ref, w_ref, out_ref):
        for rr in range(r):
            out_ref[rr] = jnp.dot(x_ref[...], w_ref[rr],
                                  preferred_element_type=jnp.float32)
    return _t1_body


def _transform(x, weight, bn_rows):
    n, din = x.shape
    r, _, dout = weight.shape
    nb = n // bn_rows
    return pl.pallas_call(
        _make_t1_body(r),
        grid=(nb,),
        in_specs=[
            pl.BlockSpec((bn_rows, din), lambda i: (i, 0)),
            pl.BlockSpec((r, din, dout), lambda i: (0, 0, 0)),
        ],
        out_specs=pl.BlockSpec((r, bn_rows, dout), lambda i: (0, i, 0)),
        out_shape=jax.ShapeDtypeStruct((r, n, dout), jnp.float32),
    )(x, weight)


def _make_sc_agg(n_pad, dout, ch, k, grp, per_w):
    mesh = plsc.VectorSubcoreMesh(
        core_axis_name="c", subcore_axis_name="s", num_cores=NC, num_subcores=NS
    )
    rps = n_pad // NS
    nz = rps // k
    ng = ch // grp
    gk = grp * k
    nlan = dout // LANES

    assert ng % 2 == 0

    @functools.partial(
        pl.kernel,
        out_type=jax.ShapeDtypeStruct((NC, n_pad, dout), jnp.float32),
        mesh=mesh,
        scratch_types=[
            pltpu.VMEM((2, grp, k), jnp.int32),
            pltpu.VMEM((2, grp, k), jnp.int32),
            pltpu.VMEM((grp, k, dout), jnp.float32),
            pltpu.VMEM_SHARED((n_pad, dout), jnp.float32),
        ] + [pltpu.SemaphoreType.DMA] * (2 + 2 * grp),
    )
    def sc_agg(tr_hbm, flat_hbm, dst_hbm, out_hbm,
               idxb, dstb, rows_v, agg_sh, *sems):
        sem_ix = sems[:2]
        gath_sem = sems[2:2 + grp]
        scat_sem = sems[2 + grp:]
        c = lax.axis_index("c")
        s = lax.axis_index("s")
        w = c * NS + s
        base = s * rps
        woff = w * per_w

        def fetch_ix(g, pp):
            off = woff + g * gk
            for b in range(grp):
                pltpu.async_copy(flat_hbm.at[pl.ds(off + b * k, k)],
                                 idxb.at[pp].at[b], sem_ix[pp])
                pltpu.async_copy(dst_hbm.at[pl.ds(off + b * k, k)],
                                 dstb.at[pp].at[b], sem_ix[pp])

        def wait_ix(g, pp):
            off = woff + g * gk
            for b in range(grp):
                pltpu.make_async_copy(flat_hbm.at[pl.ds(off + b * k, k)],
                                      idxb.at[pp].at[b], sem_ix[pp]).wait()
                pltpu.make_async_copy(dst_hbm.at[pl.ds(off + b * k, k)],
                                      dstb.at[pp].at[b], sem_ix[pp]).wait()

        fetch_ix(0, 0)

        z16 = jnp.zeros((LANES,), jnp.float32)

        def zfill(i, carry):
            rows_v[0, i // nlan, pl.ds((i % nlan) * LANES, LANES)] = z16
            return carry

        lax.fori_loop(0, k * nlan, zfill, 0)

        def zcopy(j, carry):
            pltpu.sync_copy(rows_v.at[0], agg_sh.at[pl.ds(base + j * k, k)])
            return carry

        lax.fori_loop(0, nz, zcopy, 0)

        plsc.subcore_barrier()

        def pair(g2, carry):
            for p in (0, 1):
                g = 2 * g2 + p
                wait_ix(g, p)
                cps = []
                for b in range(grp):
                    @pl.when(g > 0)
                    def _():
                        pltpu.make_async_copy(
                            rows_v.at[b], agg_sh.at[dstb.at[1 - p].at[b]],
                            scat_sem[b]).wait()
                    cps.append(pltpu.async_copy(
                        tr_hbm.at[idxb.at[p].at[b]], rows_v.at[b],
                        gath_sem[b]))
                @pl.when(g + 1 < ng)
                def _():
                    fetch_ix(g + 1, 1 - p)
                for b in range(grp):
                    cps[b].wait()
                    pltpu.async_copy(rows_v.at[b],
                                     agg_sh.at[dstb.at[p].at[b]],
                                     scat_sem[b], add=True)
            return carry

        lax.fori_loop(0, ng // 2, pair, 0)
        for b in range(grp):
            pltpu.make_async_copy(rows_v.at[b], agg_sh.at[dstb.at[1].at[b]],
                                  scat_sem[b]).wait()
        plsc.subcore_barrier()

        def wout(j, carry):
            r0 = base + j * k
            pltpu.sync_copy(agg_sh.at[pl.ds(r0, k)],
                            out_hbm.at[c, pl.ds(r0, k)])
            return carry

        lax.fori_loop(0, nz, wout, 0)

    return sc_agg


def _t2_body(agg_ref, x_ref, lw_ref, wn_ref, bn_ref, u_ref, wgu_ref, wgs_ref,
             bg_ref, n_ref, unew_ref, acc_ref):
    i = pl.program_id(0)
    h = (agg_ref[0] + agg_ref[1]
         + jnp.dot(x_ref[...], lw_ref[...], preferred_element_type=jnp.float32))
    n_ref[...] = jnp.maximum(
        jnp.dot(h, wn_ref[...], preferred_element_type=jnp.float32) + bn_ref[...],
        0.0)
    bs = jnp.sum(h, axis=0, keepdims=True)

    @pl.when(i == 0)
    def _():
        acc_ref[...] = bs

    @pl.when(i > 0)
    def _():
        acc_ref[...] = acc_ref[...] + bs

    @pl.when(i == pl.num_programs(0) - 1)
    def _():
        z = (jnp.dot(u_ref[...], wgu_ref[...], preferred_element_type=jnp.float32)
             + jnp.dot(acc_ref[...], wgs_ref[...], preferred_element_type=jnp.float32)
             + bg_ref[...])
        unew_ref[...] = jnp.maximum(z, 0.0)


def _tail(agg2, x, loop_weight, wn, bn2, u, wgu, wgs, bg2, bn_rows):
    n, din = x.shape
    dout = wn.shape[1]
    dg = u.shape[1]
    nb = n // bn_rows
    return pl.pallas_call(
        _t2_body,
        grid=(nb,),
        in_specs=[
            pl.BlockSpec((NC, bn_rows, dout), lambda i: (0, i, 0)),
            pl.BlockSpec((bn_rows, din), lambda i: (i, 0)),
            pl.BlockSpec(loop_weight.shape, lambda i: (0, 0)),
            pl.BlockSpec(wn.shape, lambda i: (0, 0)),
            pl.BlockSpec(bn2.shape, lambda i: (0, 0)),
            pl.BlockSpec(u.shape, lambda i: (0, 0)),
            pl.BlockSpec(wgu.shape, lambda i: (0, 0)),
            pl.BlockSpec(wgs.shape, lambda i: (0, 0)),
            pl.BlockSpec(bg2.shape, lambda i: (0, 0)),
        ],
        out_specs=[
            pl.BlockSpec((bn_rows, dout), lambda i: (i, 0)),
            pl.BlockSpec((1, dg), lambda i: (0, 0)),
        ],
        out_shape=[
            jax.ShapeDtypeStruct((n, dout), jnp.float32),
            jax.ShapeDtypeStruct((1, dg), jnp.float32),
        ],
        scratch_shapes=[pltpu.VMEM((1, dout), jnp.float32)],
    )(agg2, x, loop_weight, wn, bn2, u, wgu, wgs, bg2)


def kernel(x, edge_index, rel_type, u, weight, loop_weight, Wn, bn, Wg, bg):
    n, din = x.shape
    r, _, dout = weight.shape
    dg = u.shape[1]
    e = rel_type.shape[0]

    k = 40
    per_w = e // NW
    ch = per_w // k
    grp = 5
    flat1 = rel_type * n + edge_index[0]
    dst1 = edge_index[1]

    n_pad = ((n + NS * k - 1) // (NS * k)) * (NS * k)
    transformed = _transform(x, weight, bn_rows=1000).reshape(r * n, dout)
    agg2 = _make_sc_agg(n_pad, dout, ch, k, grp, per_w)(transformed, flat1, dst1)

    bn2 = bn.reshape(1, dout)
    bg2 = bg.reshape(1, dg)
    wgu = Wg[:dg]
    wgs = Wg[dg:]
    n_out, u_new = _tail(agg2, x, loop_weight, Wn, bn2, u, wgu, wgs, bg2,
                         bn_rows=1000)
    return jnp.concatenate([u_new, n_out], axis=0)

# --- scband reference (transcript-rebuilt; emitter-appended) ---
"""Pipeline reference for scband-rgcnlayer-515396075757 (READ-ONLY COPY).

The authoritative reference and input builder live on the scoring server;
editing this copy changes nothing except your own understanding.
"""

import jax, jax.numpy as jnp
import numpy as np

N, E, DIN, DOUT, DG, R = 10000, 320000, 128, 128, 128, 8

def _xavier(key, shape, gain=1.4142135623730951):
    fan_in, fan_out = shape[-2], shape[-1]
    a = gain * np.sqrt(6.0 / (fan_in + fan_out))
    return jax.random.uniform(key, shape, dtype=jnp.float32, minval=-a, maxval=a)

def setup_inputs(seed: int = 0) -> dict:
    key = jax.random.key(seed)
    ks = jax.random.split(key, 12)
    x = jax.random.normal(ks[0], (N, DIN), dtype=jnp.float32)
    edge_index = jax.random.randint(ks[1], (2, E), 0, N, dtype=jnp.int32)
    rel_type = jax.random.randint(ks[2], (E,), 0, R, dtype=jnp.int32)
    u = jax.random.normal(ks[3], (1, DG), dtype=jnp.float32)
    weight = _xavier(ks[4], (R, DIN, DOUT))
    loop_weight = _xavier(ks[5], (DIN, DOUT))
    Wn = _xavier(ks[6], (DOUT, DOUT), gain=1.0)
    bn = jnp.zeros((DOUT,), dtype=jnp.float32)
    Wg = _xavier(ks[7], (DG + DOUT, DG), gain=1.0)
    bg = jnp.zeros((DG,), dtype=jnp.float32)
    return {"x": x, "edge_index": edge_index, "rel_type": rel_type, "u": u,
            "weight": weight, "loop_weight": loop_weight,
            "Wn": Wn, "bn": bn, "Wg": Wg, "bg": bg}

def reference(x, edge_index, rel_type, u, weight, loop_weight, Wn, bn, Wg, bg):
    # Eval mode: edge_dropout / loop_dropout are identity.
    src = edge_index[0]
    dst = edge_index[1]
    # num_bases == num_rels, so weight is used directly (no w_comp basis mixing).
    # msg_e = h_src[e] @ weight[rel_type[e]]  == gather from per-relation transformed node feats
    transformed = jnp.einsum('ni,rio->rno', x, weight)  # [R, N, DOUT]
    msg = transformed[rel_type, src]                    # [E, DOUT] gather
    agg = jnp.zeros((x.shape[0], DOUT), dtype=x.dtype).at[dst].add(msg)  # scatter-add (fn.sum)
    loop_message = x @ loop_weight
    h = agg + loop_message
    sum_node_feats = jnp.sum(h, axis=0, keepdims=True)  # dgl.sum_nodes (single graph)
    u_new = jax.nn.relu(jnp.concatenate([u, sum_node_feats], axis=1) @ Wg + bg)  # [1, DG]
    n = jax.nn.relu(h @ Wn + bn)  # updated g.ndata['h'], [N, DOUT]
    # torch forward returns u and mutates g.ndata['h']; expose both, concatenated (DG == DOUT).
    return jnp.concatenate([u_new, n], axis=0)

if __name__ == "__main__":
    import jax
    _d = setup_inputs()
    print(jax.jit(kernel)(*tuple(_d.values())))

</pallas_src>

<mosaic_0001>
#map = affine_map<(d0, d1) -> (0, 0)>
#map1 = affine_map<(d0, d1) -> (0)>
#map2 = affine_map<(d0, d1) -> (0, 0, 0)>
module attributes {stable_mosaic.version = 14 : i64} {
  func.func @sc_agg(%arg0: i32, %arg1: i32, %arg2: memref<80000x128xf32, #tpu.memory_space<hbm>>, %arg3: memref<320000xi32, #tpu.memory_space<hbm>>, %arg4: memref<320000xi32, #tpu.memory_space<hbm>>, %arg5: memref<2x10240x128xf32, #tpu.memory_space<hbm>>, %arg6: memref<2x5x40xi32, #tpu.memory_space<vmem>>, %arg7: memref<2x5x40xi32, #tpu.memory_space<vmem>>, %arg8: memref<5x40x128xf32, #tpu.memory_space<vmem>>, %arg9: memref<10240x128xf32, #tpu.memory_space<vmem_shared>>, %arg10: memref<!tpu.dma_semaphore, #tpu.memory_space<semaphore_mem>>, %arg11: memref<!tpu.dma_semaphore, #tpu.memory_space<semaphore_mem>>, %arg12: memref<!tpu.dma_semaphore, #tpu.memory_space<semaphore_mem>>, %arg13: memref<!tpu.dma_semaphore, #tpu.memory_space<semaphore_mem>>, %arg14: memref<!tpu.dma_semaphore, #tpu.memory_space<semaphore_mem>>, %arg15: memref<!tpu.dma_semaphore, #tpu.memory_space<semaphore_mem>>, %arg16: memref<!tpu.dma_semaphore, #tpu.memory_space<semaphore_mem>>, %arg17: memref<!tpu.dma_semaphore, #tpu.memory_space<semaphore_mem>>, %arg18: memref<!tpu.dma_semaphore, #tpu.memory_space<semaphore_mem>>, %arg19: memref<!tpu.dma_semaphore, #tpu.memory_space<semaphore_mem>>, %arg20: memref<!tpu.dma_semaphore, #tpu.memory_space<semaphore_mem>>, %arg21: memref<!tpu.dma_semaphore, #tpu.memory_space<semaphore_mem>>) attributes {dimension_semantics = [#tpu.dimension_semantics<core_parallel>, #tpu.dimension_semantics<subcore_parallel>], iteration_bounds = array<i64: 2, 16>, scalar_prefetch = 0 : i64, scratch_operands = 16 : i64, tpu.core_type = #tpu.core_type<sc_vector_subcore>, window_params = [{transform_indices = #map}, {transform_indices = #map1}, {transform_indices = #map1}, {transform_indices = #map2}]} {
    %mul3A = arith.constant 16 : i32
    %mul3A_0 = arith.muli %arg0, %mul3A : i32
    %add3A = arith.addi %mul3A_0, %arg1 : i32
    %mul3A_1 = arith.constant 640 : i32
    %mul3A_2 = arith.muli %arg1, %mul3A_1 : i32
    %mul3A_3 = arith.constant 10000 : i32
    %mul3A_4 = arith.muli %add3A, %mul3A_3 : i32
    %add3A_5 = arith.constant 0 : i32
    %add3A_6 = arith.addi %mul3A_4, %add3A_5 : i32
    %add3A_7 = arith.constant 0 : i32
    %add3A_8 = arith.addi %add3A_6, %add3A_7 : i32
    %dma_start3A = arith.constant 0 : i32
    %dma_start3A_9 = arith.constant 0 : i32
    %dma_start3A_10 = arith.constant 0 : i32
    %dma_start3A_11 = arith.constant 0 : i32
    %dma_start3A_12 = tpu.memref_slice %arg6[%dma_start3A, %dma_start3A_10, %dma_start3A_11] : memref<2x5x40xi32, #tpu.memory_space<vmem>> -> memref<1x5x40xi32, #tpu.memory_space<vmem>>
    %dma_start3A_13 = tpu.memref_squeeze %dma_start3A_12 : memref<1x5x40xi32, #tpu.memory_space<vmem>> -> memref<5x40xi32, #tpu.memory_space<vmem>>
    %dma_start3A_14 = arith.constant 0 : i32
    %dma_start3A_15 = tpu.memref_slice %dma_start3A_13[%dma_start3A_9, %dma_start3A_14] : memref<5x40xi32, #tpu.memory_space<vmem>> -> memref<1x40xi32, #tpu.memory_space<vmem>>
    %dma_start3A_16 = tpu.memref_squeeze %dma_start3A_15 : memref<1x40xi32, #tpu.memory_space<vmem>> -> memref<40xi32, #tpu.memory_space<vmem>>
    %dma_start3A_17 = tpu.memref_slice %arg3[%add3A_8] : memref<320000xi32, #tpu.memory_space<hbm>> -> memref<40xi32, #tpu.memory_space<hbm>>
    %dma_start3A_18 = arith.constant 0 : i32
    %dma_start3A_19 = arith.constant 0 : i32
    %dma_start3A_20 = tpu.memref_slice %arg6[%dma_start3A, %dma_start3A_18, %dma_start3A_19] : memref<2x5x40xi32, #tpu.memory_space<vmem>> -> memref<1x5x40xi32, #tpu.memory_space<vmem>>
    %dma_start3A_21 = tpu.memref_squeeze %dma_start3A_20 : memref<1x5x40xi32, #tpu.memory_space<vmem>> -> memref<5x40xi32, #tpu.memory_space<vmem>>
    %dma_start3A_22 = arith.constant 0 : i32
    %dma_start3A_23 = tpu.memref_slice %dma_start3A_21[%dma_start3A_9, %dma_start3A_22] : memref<5x40xi32, #tpu.memory_space<vmem>> -> memref<1x40xi32, #tpu.memory_space<vmem>>
    %dma_start3A_24 = tpu.memref_squeeze %dma_start3A_23 : memref<1x40xi32, #tpu.memory_space<vmem>> -> memref<40xi32, #tpu.memory_space<vmem>>
    %dma_start3A_25 = tpu.memref_slice %arg3[%add3A_8] : memref<320000xi32, #tpu.memory_space<hbm>> -> memref<40xi32, #tpu.memory_space<hbm>>
    tpu.enqueue_dma source(%dma_start3A_25 : memref<40xi32, #tpu.memory_space<hbm>>) target(%dma_start3A_24 : memref<40xi32, #tpu.memory_space<vmem>>) target_semaphore(%arg10 : memref<!tpu.dma_semaphore, #tpu.memory_space<semaphore_mem>>)
    %add3A_26 = arith.constant 0 : i32
    %add3A_27 = arith.addi %add3A_6, %add3A_26 : i32
    %dma_start3A_28 = arith.constant 0 : i32
    %dma_start3A_29 = arith.constant 0 : i32
    %dma_start3A_30 = arith.constant 0 : i32
    %dma_start3A_31 = arith.constant 0 : i32
    %dma_start3A_32 = tpu.memref_slice %arg7[%dma_start3A_28, %dma_start3A_30, %dma_start3A_31] : memref<2x5x40xi32, #tpu.memory_space<vmem>> -> memref<1x5x40xi32, #tpu.memory_space<vmem>>
    %dma_start3A_33 = tpu.memref_squeeze %dma_start3A_32 : memref<1x5x40xi32, #tpu.memory_space<vmem>> -> memref<5x40xi32, #tpu.memory_space<vmem>>
    %dma_start3A_34 = arith.constant 0 : i32
    %dma_start3A_35 = tpu.memref_slice %dma_start3A_33[%dma_start3A_29, %dma_start3A_34] : memref<5x40xi32, #tpu.memory_space<vmem>> -> memref<1x40xi32, #tpu.memory_space<vmem>>
    %dma_start3A_36 = tpu.memref_squeeze %dma_start3A_35 : memref<1x40xi32, #tpu.memory_space<vmem>> -> memref<40xi32, #tpu.memory_space<vmem>>
    %dma_start3A_37 = tpu.memref_slice %arg4[%add3A_27] : memref<320000xi32, #tpu.memory_space<hbm>> -> memref<40xi32, #tpu.memory_space<hbm>>
    %dma_start3A_38 = arith.constant 0 : i32
    %dma_start3A_39 = arith.constant 0 : i32
    %dma_start3A_40 = tpu.memref_slice %arg7[%dma_start3A_28, %dma_start3A_38, %dma_start3A_39] : memref<2x5x40xi32, #tpu.memory_space<vmem>> -> memref<1x5x40xi32, #tpu.memory_space<vmem>>
    %dma_start3A_41 = tpu.memref_squeeze %dma_start3A_40 : memref<1x5x40xi32, #tpu.memory_space<vmem>> -> memref<5x40xi32, #tpu.memory_space<vmem>>
    %dma_start3A_42 = arith.constant 0 : i32
    %dma_start3A_43 = tpu.memref_slice %dma_start3A_41[%dma_start3A_29, %dma_start3A_42] : memref<5x40xi32, #tpu.memory_space<vmem>> -> memref<1x40xi32, #tpu.memory_space<vmem>>
    %dma_start3A_44 = tpu.memref_squeeze %dma_start3A_43 : memref<1x40xi32, #tpu.memory_space<vmem>> -> memref<40xi32, #tpu.memory_space<vmem>>
    %dma_start3A_45 = tpu.memref_slice %arg4[%add3A_27] : memref<320000xi32, #tpu.memory_space<hbm>> -> memref<40xi32, #tpu.memory_space<hbm>>
    tpu.enqueue_dma source(%dma_start3A_45 : memref<40xi32, #tpu.memory_space<hbm>>) target(%dma_start3A_44 : memref<40xi32, #tpu.memory_space<vmem>>) target_semaphore(%arg10 : memref<!tpu.dma_semaphore, #tpu.memory_space<semaphore_mem>>)
    %add3A_46 = arith.constant 40 : i32
    %add3A_47 = arith.addi %add3A_6, %add3A_46 : i32
    %dma_start3A_48 = arith.constant 0 : i32
    %dma_start3A_49 = arith.constant 1 : i32
    %dma_start3A_50 = arith.constant 0 : i32
    %dma_start3A_51 = arith.constant 0 : i32
    %dma_start3A_52 = tpu.memref_slice %arg6[%dma_start3A_48, %dma_start3A_50, %dma_start3A_51] : memref<2x5x40xi32, #tpu.memory_space<vmem>> -> memref<1x5x40xi32, #tpu.memory_space<vmem>>
    %dma_start3A_53 = tpu.memref_squeeze %dma_start3A_52 : memref<1x5x40xi32, #tpu.memory_space<vmem>> -> memref<5x40xi32, #tpu.memory_space<vmem>>
    %dma_start3A_54 = arith.constant 0 : i32
    %dma_start3A_55 = tpu.memref_slice %dma_start3A_53[%dma_start3A_49, %dma_start3A_54] : memref<5x40xi32, #tpu.memory_space<vmem>> -> memref<1x40xi32, #tpu.memory_space<vmem>>
    %dma_start3A_56 = tpu.memref_squeeze %dma_start3A_55 : memref<1x40xi32, #tpu.memory_space<vmem>> -> memref<40xi32, #tpu.memory_space<vmem>>
    %dma_start3A_57 = tpu.memref_slice %arg3[%add3A_47] : memref<320000xi32, #tpu.memory_space<hbm>> -> memref<40xi32, #tpu.memory_space<hbm>>
    %dma_start3A_58 = arith.constant 0 : i32
    %dma_start3A_59 = arith.constant 0 : i32
    %dma_start3A_60 = tpu.memref_slice %arg6[%dma_start3A_48, %dma_start3A_58, %dma_start3A_59] : memref<2x5x40xi32, #tpu.memory_space<vmem>> -> memref<1x5x40xi32, #tpu.memory_space<vmem>>
    %dma_start3A_61 = tpu.memref_squeeze %dma_start3A_60 : memref<1x5x40xi32, #tpu.memory_space<vmem>> -> memref<5x40xi32, #tpu.memory_space<vmem>>
    %dma_start3A_62 = arith.constant 0 : i32
    %dma_start3A_63 = tpu.memref_slice %dma_start3A_61[%dma_start3A_49, %dma_start3A_62] : memref<5x40xi32, #tpu.memory_space<vmem>> -> memref<1x40xi32, #tpu.memory_space<vmem>>
    %dma_start3A_64 = tpu.memref_squeeze %dma_start3A_63 : memref<1x40xi32, #tpu.memory_space<vmem>> -> memref<40xi32, #tpu.memory_space<vmem>>
    %dma_start3A_65 = tpu.memref_slice %arg3[%add3A_47] : memref<320000xi32, #tpu.memory_space<hbm>> -> memref<40xi32, #tpu.memory_space<hbm>>
    tpu.enqueue_dma source(%dma_start3A_65 : memref<40xi32, #tpu.memory_space<hbm>>) target(%dma_start3A_64 : memref<40xi32, #tpu.memory_space<vmem>>) target_semaphore(%arg10 : memref<!tpu.dma_semaphore, #tpu.memory_space<semaphore_mem>>)
    %add3A_66 = arith.constant 40 : i32
    %add3A_67 = arith.addi %add3A_6, %add3A_66 : i32
    %dma_start3A_68 = arith.constant 0 : i32
    %dma_start3A_69 = arith.constant 1 : i32
    %dma_start3A_70 = arith.constant 0 : i32
    %dma_start3A_71 = arith.constant 0 : i32
    %dma_start3A_72 = tpu.memref_slice %arg7[%dma_start3A_68, %dma_start3A_70, %dma_start3A_71] : memref<2x5x40xi32, #tpu.memory_space<vmem>> -> memref<1x5x40xi32, #tpu.memory_space<vmem>>
    %dma_start3A_73 = tpu.memref_squeeze %dma_start3A_72 : memref<1x5x40xi32, #tpu.memory_space<vmem>> -> memref<5x40xi32, #tpu.memory_space<vmem>>
    %dma_start3A_74 = arith.constant 0 : i32
    %dma_start3A_75 = tpu.memref_slice %dma_start3A_73[%dma_start3A_69, %dma_start3A_74] : memref<5x40xi32, #tpu.memory_space<vmem>> -> memref<1x40xi32, #tpu.memory_space<vmem>>
    %dma_start3A_76 = tpu.memref_squeeze %dma_start3A_75 : memref<1x40xi32, #tpu.memory_space<vmem>> -> memref<40xi32, #tpu.memory_space<vmem>>
    %dma_start3A_77 = tpu.memref_slice %arg4[%add3A_67] : memref<320000xi32, #tpu.memory_space<hbm>> -> memref<40xi32, #tpu.memory_space<hbm>>
    %dma_start3A_78 = arith.constant 0 : i32
    %dma_start3A_79 = arith.constant 0 : i32
    %dma_start3A_80 = tpu.memref_slice %arg7[%dma_start3A_68, %dma_start3A_78, %dma_start3A_79] : memref<2x5x40xi32, #tpu.memory_space<vmem>> -> memref<1x5x40xi32, #tpu.memory_space<vmem>>
    %dma_start3A_81 = tpu.memref_squeeze %dma_start3A_80 : memref<1x5x40xi32, #tpu.memory_space<vmem>> -> memref<5x40xi32, #tpu.memory_space<vmem>>
    %dma_start3A_82 = arith.constant 0 : i32
    %dma_start3A_83 = tpu.memref_slice %dma_start3A_81[%dma_start3A_69, %dma_start3A_82] : memref<5x40xi32, #tpu.memory_space<vmem>> -> memref<1x40xi32, #tpu.memory_space<vmem>>
    %dma_start3A_84 = tpu.memref_squeeze %dma_start3A_83 : memref<1x40xi32, #tpu.memory_space<vmem>> -> memref<40xi32, #tpu.memory_space<vmem>>
    %dma_start3A_85 = tpu.memref_slice %arg4[%add3A_67] : memref<320000xi32, #tpu.memory_space<hbm>> -> memref<40xi32, #tpu.memory_space<hbm>>
    tpu.enqueue_dma source(%dma_start3A_85 : memref<40xi32, #tpu.memory_space<hbm>>) target(%dma_start3A_84 : memref<40xi32, #tpu.memory_space<vmem>>) target_semaphore(%arg10 : memref<!tpu.dma_semaphore, #tpu.memory_space<semaphore_mem>>)
    %add3A_86 = arith.constant 80 : i32
    %add3A_87 = arith.addi %add3A_6, %add3A_86 : i32
    %dma_start3A_88 = arith.constant 0 : i32
    %dma_start3A_89 = arith.constant 2 : i32
    %dma_start3A_90 = arith.constant 0 : i32
    %dma_start3A_91 = arith.constant 0 : i32
    %dma_start3A_92 = tpu.memref_slice %arg6[%dma_start3A_88, %dma_start3A_90, %dma_start3A_91] : memref<2x5x40xi32, #tpu.memory_space<vmem>> -> memref<1x5x40xi32, #tpu.memory_space<vmem>>
    %dma_start3A_93 = tpu.memref_squeeze %dma_start3A_92 : memref<1x5x40xi32, #tpu.memory_space<vmem>> -> memref<5x40xi32, #tpu.memory_space<vmem>>
    %dma_start3A_94 = arith.constant 0 : i32
    %dma_start3A_95 = tpu.memref_slice %dma_start3A_93[%dma_start3A_89, %dma_start3A_94] : memref<5x40xi32, #tpu.memory_space<vmem>> -> memref<1x40xi32, #tpu.memory_space<vmem>>
    %dma_start3A_96 = tpu.memref_squeeze %dma_start3A_95 : memref<1x40xi32, #tpu.memory_space<vmem>> -> memref<40xi32, #tpu.memory_space<vmem>>
    %dma_start3A_97 = tpu.memref_slice %arg3[%add3A_87] : memref<320000xi32, #tpu.memory_space<hbm>> -> memref<40xi32, #tpu.memory_space<hbm>>
    %dma_start3A_98 = arith.constant 0 : i32
    %dma_start3A_99 = arith.constant 0 : i32
    %dma_start3A_100 = tpu.memref_slice %arg6[%dma_start3A_88, %dma_start3A_98, %dma_start3A_99] : memref<2x5x40xi32, #tpu.memory_space<vmem>> -> memref<1x5x40xi32, #tpu.memory_space<vmem>>
    %dma_start3A_101 = tpu.memref_squeeze %dma_start3A_100 : memref<1x5x40xi32, #tpu.memory_space<vmem>> -> memref<5x40xi32, #tpu.memory_space<vmem>>
    %dma_start3A_102 = arith.constant 0 : i32
    %dma_start3A_103 = tpu.memref_slice %dma_start3A_101[%dma_start3A_89, %dma_start3A_102] : memref<5x40xi32, #tpu.memory_space<vmem>> -> memref<1x40xi32, #tpu.memory_space<vmem>>
    %dma_start3A_104 = tpu.memref_squeeze %dma_start3A_103 : memref<1x40xi32, #tpu.memory_space<vmem>> -> memref<40xi32, #tpu.memory_space<vmem>>
    %dma_start3A_105 = tpu.memref_slice %arg3[%add3A_87] : memref<320000xi32, #tpu.memory_space<hbm>> -> memref<40xi32, #tpu.memory_space<hbm>>
    tpu.enqueue_dma source(%dma_start3A_105 : memref<40xi32, #tpu.memory_space<hbm>>) target(%dma_start3A_104 : memref<40xi32, #tpu.memory_space<vmem>>) target_semaphore(%arg10 : memref<!tpu.dma_semaphore, #tpu.memory_space<semaphore_mem>>)
    %add3A_106 = arith.constant 80 : i32
    %add3A_107 = arith.addi %add3A_6, %add3A_106 : i32
    %dma_start3A_108 = arith.constant 0 : i32
    %dma_start3A_109 = arith.constant 2 : i32
    %dma_start3A_110 = arith.constant 0 : i32
    %dma_start3A_111 = arith.constant 0 : i32
    %dma_start3A_112 = tpu.memref_slice %arg7[%dma_start3A_108, %dma_start3A_110, %dma_start3A_111] : memref<2x5x40xi32, #tpu.memory_space<vmem>> -> memref<1x5x40xi32, #tpu.memory_space<vmem>>
    %dma_start3A_113 = tpu.memref_squeeze %dma_start3A_112 : memref<1x5x40xi32, #tpu.memory_space<vmem>> -> memref<5x40xi32, #tpu.memory_space<vmem>>
    %dma_start3A_114 = arith.constant 0 : i32
    %dma_start3A_115 = tpu.memref_slice %dma_start3A_113[%dma_start3A_109, %dma_start3A_114] : memref<5x40xi32, #tpu.memory_space<vmem>> -> memref<1x40xi32, #tpu.memory_space<vmem>>
    %dma_start3A_116 = tpu.memref_squeeze %dma_start3A_115 : memref<1x40xi32, #tpu.memory_space<vmem>> -> memref<40xi32, #tpu.memory_space<vmem>>
    %dma_start3A_117 = tpu.memref_slice %arg4[%add3A_107] : memref<320000xi32, #tpu.memory_space<hbm>> -> memref<40xi32, #tpu.memory_space<hbm>>
    %dma_start3A_118 = arith.constant 0 : i32
    %dma_start3A_119 = arith.constant 0 : i32
    %dma_start3A_120 = tpu.memref_slice %arg7[%dma_start3A_108, %dma_start3A_118, %dma_start3A_119] : memref<2x5x40xi32, #tpu.memory_space<vmem>> -> memref<1x5x40xi32, #tpu.memory_space<vmem>>
    %dma_start3A_121 = tpu.memref_squeeze %dma_start3A_120 : memref<1x5x40xi32, #tpu.memory_space<vmem>> -> memref<5x40xi32, #tpu.memory_space<vmem>>
    %dma_start3A_122 = arith.constant 0 : i32
    %dma_start3A_123 = tpu.memref_slice %dma_start3A_121[%dma_start3A_109, %dma_start3A_122] : memref<5x40xi32, #tpu.memory_space<vmem>> -> memref<1x40xi32, #tpu.memory_space<vmem>>
    %dma_start3A_124 = tpu.memref_squeeze %dma_start3A_123 : memref<1x40xi32, #tpu.memory_space<vmem>> -> memref<40xi32, #tpu.memory_space<vmem>>
    %dma_start3A_125 = tpu.memref_slice %arg4[%add3A_107] : memref<320000xi32, #tpu.memory_space<hbm>> -> memref<40xi32, #tpu.memory_space<hbm>>
    tpu.enqueue_dma source(%dma_start3A_125 : memref<40xi32, #tpu.memory_space<hbm>>) target(%dma_start3A_124 : memref<40xi32, #tpu.memory_space<vmem>>) target_semaphore(%arg10 : memref<!tpu.dma_semaphore, #tpu.memory_space<semaphore_mem>>)
    %add3A_126 = arith.constant 120 : i32
    %add3A_127 = arith.addi %add3A_6, %add3A_126 : i32
    %dma_start3A_128 = arith.constant 0 : i32
    %dma_start3A_129 = arith.constant 3 : i32
    %dma_start3A_130 = arith.constant 0 : i32
    %dma_start3A_131 = arith.constant 0 : i32
    %dma_start3A_132 = tpu.memref_slice %arg6[%dma_start3A_128, %dma_start3A_130, %dma_start3A_131] : memref<2x5x40xi32, #tpu.memory_space<vmem>> -> memref<1x5x40xi32, #tpu.memory_space<vmem>>
    %dma_start3A_133 = tpu.memref_squeeze %dma_start3A_132 : memref<1x5x40xi32, #tpu.memory_space<vmem>> -> memref<5x40xi32, #tpu.memory_space<vmem>>
    %dma_start3A_134 = arith.constant 0 : i32
    %dma_start3A_135 = tpu.memref_slice %dma_start3A_133[%dma_start3A_129, %dma_start3A_134] : memref<5x40xi32, #tpu.memory_space<vmem>> -> memref<1x40xi32, #tpu.memory_space<vmem>>
    %dma_start3A_136 = tpu.memref_squeeze %dma_start3A_135 : memref<1x40xi32, #tpu.memory_space<vmem>> -> memref<40xi32, #tpu.memory_space<vmem>>
    %dma_start3A_137 = tpu.memref_slice %arg3[%add3A_127] : memref<320000xi32, #tpu.memory_space<hbm>> -> memref<40xi32, #tpu.memory_space<hbm>>
    %dma_start3A_138 = arith.constant 0 : i32
    %dma_start3A_139 = arith.constant 0 : i32
    %dma_start3A_140 = tpu.memref_slice %arg6[%dma_start3A_128, %dma_start3A_138, %dma_start3A_139] : memref<2x5x40xi32, #tpu.memory_space<vmem>> -> memref<1x5x40xi32, #tpu.memory_space<vmem>>
    %dma_start3A_141 = tpu.memref_squeeze %dma_start3A_140 : memref<1x5x40xi32, #tpu.memory_space<vmem>> -> memref<5x40xi32, #tpu.memory_space<vmem>>
    %dma_start3A_142 = arith.constant 0 : i32
    %dma_start3A_143 = tpu.memref_slice %dma_start3A_141[%dma_start3A_129, %dma_start3A_142] : memref<5x40xi32, #tpu.memory_space<vmem>> -> memref<1x40xi32, #tpu.memory_space<vmem>>
    %dma_start3A_144 = tpu.memref_squeeze %dma_start3A_143 : memref<1x40xi32, #tpu.memory_space<vmem>> -> memref<40xi32, #tpu.memory_space<vmem>>
    %dma_start3A_145 = tpu.memref_slice %arg3[%add3A_127] : memref<320000xi32, #tpu.memory_space<hbm>> -> memref<40xi32, #tpu.memory_space<hbm>>
    tpu.enqueue_dma source(%dma_start3A_145 : memref<40xi32, #tpu.memory_space<hbm>>) target(%dma_start3A_144 : memref<40xi32, #tpu.memory_space<vmem>>) target_semaphore(%arg10 : memref<!tpu.dma_semaphore, #tpu.memory_space<semaphore_mem>>)
    %add3A_146 = arith.constant 120 : i32
    %add3A_147 = arith.addi %add3A_6, %add3A_146 : i32
    %dma_start3A_148 = arith.constant 0 : i32
    %dma_start3A_149 = arith.constant 3 : i32
    %dma_start3A_150 = arith.constant 0 : i32
    %dma_start3A_151 = arith.constant 0 : i32
    %dma_start3A_152 = tpu.memref_slice %arg7[%dma_start3A_148, %dma_start3A_150, %dma_start3A_151] : memref<2x5x40xi32, #tpu.memory_space<vmem>> -> memref<1x5x40xi32, #tpu.memory_space<vmem>>
    %dma_start3A_153 = tpu.memref_squeeze %dma_start3A_152 : memref<1x5x40xi32, #tpu.memory_space<vmem>> -> memref<5x40xi32, #tpu.memory_space<vmem>>
    %dma_start3A_154 = arith.constant 0 : i32
    %dma_start3A_155 = tpu.memref_slice %dma_start3A_153[%dma_start3A_149, %dma_start3A_154] : memref<5x40xi32, #tpu.memory_space<vmem>> -> memref<1x40xi32, #tpu.memory_space<vmem>>
    %dma_start3A_156 = tpu.memref_squeeze %dma_start3A_155 : memref<1x40xi32, #tpu.memory_space<vmem>> -> memref<40xi32, #tpu.memory_space<vmem>>
    %dma_start3A_157 = tpu.memref_slice %arg4[%add3A_147] : memref<320000xi32, #tpu.memory_space<hbm>> -> memref<40xi32, #tpu.memory_space<hbm>>
    %dma_start3A_158 = arith.constant 0 : i32
    %dma_start3A_159 = arith.constant 0 : i32
    %dma_start3A_160 = tpu.memref_slice %arg7[%dma_start3A_148, %dma_start3A_158, %dma_start3A_159] : memref<2x5x40xi32, #tpu.memory_space<vmem>> -> memref<1x5x40xi32, #tpu.memory_space<vmem>>
    %dma_start3A_161 = tpu.memref_squeeze %dma_start3A_160 : memref<1x5x40xi32, #tpu.memory_space<vmem>> -> memref<5x40xi32, #tpu.memory_space<vmem>>
    %dma_start3A_162 = arith.constant 0 : i32
    %dma_start3A_163 = tpu.memref_slice %dma_start3A_161[%dma_start3A_149, %dma_start3A_162] : memref<5x40xi32, #tpu.memory_space<vmem>> -> memref<1x40xi32, #tpu.memory_space<vmem>>
    %dma_start3A_164 = tpu.memref_squeeze %dma_start3A_163 : memref<1x40xi32, #tpu.memory_space<vmem>> -> memref<40xi32, #tpu.memory_space<vmem>>
    %dma_start3A_165 = tpu.memref_slice %arg4[%add3A_147] : memref<320000xi32, #tpu.memory_space<hbm>> -> memref<40xi32, #tpu.memory_space<hbm>>
    tpu.enqueue_dma source(%dma_start3A_165 : memref<40xi32, #tpu.memory_space<hbm>>) target(%dma_start3A_164 : memref<40xi32, #tpu.memory_space<vmem>>) target_semaphore(%arg10 : memref<!tpu.dma_semaphore, #tpu.memory_space<semaphore_mem>>)
    %add3A_166 = arith.constant 160 : i32
    %add3A_167 = arith.addi %add3A_6, %add3A_166 : i32
    %dma_start3A_168 = arith.constant 0 : i32
    %dma_start3A_169 = arith.constant 4 : i32
    %dma_start3A_170 = arith.constant 0 : i32
    %dma_start3A_171 = arith.constant 0 : i32
    %dma_start3A_172 = tpu.memref_slice %arg6[%dma_start3A_168, %dma_start3A_170, %dma_start3A_171] : memref<2x5x40xi32, #tpu.memory_space<vmem>> -> memref<1x5x40xi32, #tpu.memory_space<vmem>>
    %dma_start3A_173 = tpu.memref_squeeze %dma_start3A_172 : memref<1x5x40xi32, #tpu.memory_space<vmem>> -> memref<5x40xi32, #tpu.memory_space<vmem>>
    %dma_start3A_174 = arith.constant 0 : i32
    %dma_start3A_175 = tpu.memref_slice %dma_start3A_173[%dma_start3A_169, %dma_start3A_174] : memref<5x40xi32, #tpu.memory_space<vmem>> -> memref<1x40xi32, #tpu.memory_space<vmem>>
    %dma_start3A_176 = tpu.memref_squeeze %dma_start3A_175 : memref<1x40xi32, #tpu.memory_space<vmem>> -> memref<40xi32, #tpu.memory_space<vmem>>
    %dma_start3A_177 = tpu.memref_slice %arg3[%add3A_167] : memref<320000xi32, #tpu.memory_space<hbm>> -> memref<40xi32, #tpu.memory_space<hbm>>
    %dma_start3A_178 = arith.constant 0 : i32
    %dma_start3A_179 = arith.constant 0 : i32
    %dma_start3A_180 = tpu.memref_slice %arg6[%dma_start3A_168, %dma_start3A_178, %dma_start3A_179] : memref<2x5x40xi32, #tpu.memory_space<vmem>> -> memref<1x5x40xi32, #tpu.memory_space<vmem>>
    %dma_start3A_181 = tpu.memref_squeeze %dma_start3A_180 : memref<1x5x40xi32, #tpu.memory_space<vmem>> -> memref<5x40xi32, #tpu.memory_space<vmem>>
    %dma_start3A_182 = arith.constant 0 : i32
    %dma_start3A_183 = tpu.memref_slice %dma_start3A_181[%dma_start3A_169, %dma_start3A_182] : memref<5x40xi32, #tpu.memory_space<vmem>> -> memref<1x40xi32, #tpu.memory_space<vmem>>
    %dma_start3A_184 = tpu.memref_squeeze %dma_start3A_183 : memref<1x40xi32, #tpu.memory_space<vmem>> -> memref<40xi32, #tpu.memory_space<vmem>>
    %dma_start3A_185 = tpu.memref_slice %arg3[%add3A_167] : memref<320000xi32, #tpu.memory_space<hbm>> -> memref<40xi32, #tpu.memory_space<hbm>>
    tpu.enqueue_dma source(%dma_start3A_185 : memref<40xi32, #tpu.memory_space<hbm>>) target(%dma_start3A_184 : memref<40xi32, #tpu.memory_space<vmem>>) target_semaphore(%arg10 : memref<!tpu.dma_semaphore, #tpu.memory_space<semaphore_mem>>)
    %add3A_186 = arith.constant 160 : i32
    %add3A_187 = arith.addi %add3A_6, %add3A_186 : i32
    %dma_start3A_188 = arith.constant 0 : i32
    %dma_start3A_189 = arith.constant 4 : i32
    %dma_start3A_190 = arith.constant 0 : i32
    %dma_start3A_191 = arith.constant 0 : i32
    %dma_start3A_192 = tpu.memref_slice %arg7[%dma_start3A_188, %dma_start3A_190, %dma_start3A_191] : memref<2x5x40xi32, #tpu.memory_space<vmem>> -> memref<1x5x40xi32, #tpu.memory_space<vmem>>
    %dma_start3A_193 = tpu.memref_squeeze %dma_start3A_192 : memref<1x5x40xi32, #tpu.memory_space<vmem>> -> memref<5x40xi32, #tpu.memory_space<vmem>>
    %dma_start3A_194 = arith.constant 0 : i32
    %dma_start3A_195 = tpu.memref_slice %dma_start3A_193[%dma_start3A_189, %dma_start3A_194] : memref<5x40xi32, #tpu.memory_space<vmem>> -> memref<1x40xi32, #tpu.memory_space<vmem>>
    %dma_start3A_196 = tpu.memref_squeeze %dma_start3A_195 : memref<1x40xi32, #tpu.memory_space<vmem>> -> memref<40xi32, #tpu.memory_space<vmem>>
    %dma_start3A_197 = tpu.memref_slice %arg4[%add3A_187] : memref<320000xi32, #tpu.memory_space<hbm>> -> memref<40xi32, #tpu.memory_space<hbm>>
    %dma_start3A_198 = arith.constant 0 : i32
    %dma_start3A_199 = arith.constant 0 : i32
    %dma_start3A_200 = tpu.memref_slice %arg7[%dma_start3A_188, %dma_start3A_198, %dma_start3A_199] : memref<2x5x40xi32, #tpu.memory_space<vmem>> -> memref<1x5x40xi32, #tpu.memory_space<vmem>>
    %dma_start3A_201 = tpu.memref_squeeze %dma_start3A_200 : memref<1x5x40xi32, #tpu.memory_space<vmem>> -> memref<5x40xi32, #tpu.memory_space<vmem>>
    %dma_start3A_202 = arith.constant 0 : i32
    %dma_start3A_203 = tpu.memref_slice %dma_start3A_201[%dma_start3A_189, %dma_start3A_202] : memref<5x40xi32, #tpu.memory_space<vmem>> -> memref<1x40xi32, #tpu.memory_space<vmem>>
    %dma_start3A_204 = tpu.memref_squeeze %dma_start3A_203 : memref<1x40xi32, #tpu.memory_space<vmem>> -> memref<40xi32, #tpu.memory_space<vmem>>
    %dma_start3A_205 = tpu.memref_slice %arg4[%add3A_187] : memref<320000xi32, #tpu.memory_space<hbm>> -> memref<40xi32, #tpu.memory_space<hbm>>
    tpu.enqueue_dma source(%dma_start3A_205 : memref<40xi32, #tpu.memory_space<hbm>>) target(%dma_start3A_204 : memref<40xi32, #tpu.memory_space<vmem>>) target_semaphore(%arg10 : memref<!tpu.dma_semaphore, #tpu.memory_space<semaphore_mem>>)
    %broadcast_in_dim3A = arith.constant 0.000000e+00 : f32
    %broadcast_in_dim3A_206 = vector.broadcast %broadcast_in_dim3A : f32 to vector<16xf32>
    %scan3A = arith.constant 0 : i32
    %scan3A_207 = arith.constant 0 : i32
    %scan3A_208 = arith.constant 320 : i32
    %scan3A_209 = arith.addi %scan3A_207, %scan3A_208 : i32
    %scan3A_210 = arith.constant 1 : i32
    scf.for %scan3A_315 = %scan3A_207 to %scan3A_209 step %scan3A_210  : i32 {
      %jit3A = arith.constant 8 : i32
      %div3A = arith.divsi %scan3A_315, %jit3A : i32
      %sign3A = arith.constant 0 : i32
      %sign3A_316 = arith.cmpi sgt, %scan3A_315, %sign3A : i32
      %sign3A_317 = arith.extui %sign3A_316 : i1 to i32
      %sign3A_318 = arith.constant 0 : i32
      %sign3A_319 = arith.cmpi slt, %scan3A_315, %sign3A_318 : i32
      %sign3A_320 = arith.extui %sign3A_319 : i1 to i32
      %sign3A_321 = arith.subi %sign3A_317, %sign3A_320 : i32
      %sign3A_322 = arith.constant 0 : i32
      %sign3A_323 = arith.cmpi sgt, %jit3A, %sign3A_322 : i32
      %sign3A_324 = arith.extui %sign3A_323 : i1 to i32
      %sign3A_325 = arith.constant 0 : i32
      %sign3A_326 = arith.cmpi slt, %jit3A, %sign3A_325 : i32
      %sign3A_327 = arith.extui %sign3A_326 : i1 to i32
      %sign3A_328 = arith.subi %sign3A_324, %sign3A_327 : i32
      %ne3A = arith.cmpi ne, %sign3A_321, %sign3A_328 : i32
      %rem3A = arith.remsi %scan3A_315, %jit3A : i32
      %ne3A_329 = arith.constant 0 : i32
      %ne3A_330 = arith.cmpi ne, %rem3A, %ne3A_329 : i32
      %and3A = arith.andi %ne3A, %ne3A_330 : i1
      %sub3A = arith.constant 1 : i32
      %sub3A_331 = arith.subi %div3A, %sub3A : i32
      %select_n3A = arith.select %and3A, %sub3A_331, %div3A : i32
      %jit3A_332 = arith.constant 8 : i32
      %eq3A = arith.constant 0 : i32
      %eq3A_333 = arith.cmpi eq, %jit3A_332, %eq3A : i32
      %jit3A_334 = arith.constant 1 : i32
      %select_n3A_335 = arith.select %eq3A_333, %jit3A_334, %jit3A_332 : i32
      %rem3A_336 = arith.remsi %scan3A_315, %select_n3A_335 : i32
      %ne3A_337 = arith.constant 0 : i32
      %ne3A_338 = arith.cmpi ne, %rem3A_336, %ne3A_337 : i32
      %lt3A = arith.constant 0 : i32
      %lt3A_339 = arith.cmpi slt, %rem3A_336, %lt3A : i32
      %lt3A_340 = arith.constant 0 : i32
      %lt3A_341 = arith.cmpi slt, %select_n3A_335, %lt3A_340 : i32
      %ne3A_342 = arith.xori %lt3A_339, %lt3A_341 : i1
      %and3A_343 = arith.andi %ne3A_342, %ne3A_338 : i1
      %add3A_344 = arith.addi %rem3A_336, %select_n3A_335 : i32
      %select_n3A_345 = arith.select %and3A_343, %add3A_344, %rem3A_336 : i32
      %mul3A_346 = arith.constant 16 : i32
      %mul3A_347 = arith.muli %select_n3A_345, %mul3A_346 : i32
      %swap3A = arith.constant 0 : i32
      %swap3A_348 = arith.index_cast %swap3A : i32 to index
      %swap3A_349 = arith.index_cast %select_n3A : i32 to index
      %swap3A_350 = arith.index_cast %mul3A_347 : i32 to index
      %swap3A_351 = tpu.vector_load %arg8[%swap3A_348, %swap3A_349, %swap3A_350] {strides = array<i32>} : memref<5x40x128xf32, #tpu.memory_space<vmem>>, vector<1x1x16xf32>,
      %swap3A_352 = vector.shape_cast %swap3A_351 : vector<1x1x16xf32> to vector<16xf32>
      %swap3A_353 = vector.shape_cast %broadcast_in_dim3A_206 : vector<16xf32> to vector<1x1x16xf32>
      tpu.vector_store %arg8[%swap3A_348, %swap3A_349, %swap3A_350], %swap3A_353 {strides = array<i32>} : memref<5x40x128xf32, #tpu.memory_space<vmem>>, vector<1x1x16xf32>,
    }
    %scan3A_211 = arith.constant 320 : i32
    %scan3A_212 = arith.constant 0 : i32
    %scan3A_213 = arith.constant 0 : i32
    %scan3A_214 = arith.constant 16 : i32
    %scan3A_215 = arith.addi %scan3A_213, %scan3A_214 : i32
    %scan3A_216 = arith.constant 1 : i32
    scf.for %scan3A_315 = %scan3A_213 to %scan3A_215 step %scan3A_216  : i32 {
      %mul3A_316 = arith.constant 40 : i32
      %mul3A_317 = arith.muli %scan3A_315, %mul3A_316 : i32
      %add3A_318 = arith.addi %mul3A_2, %mul3A_317 : i32
      %run_scoped3A = arith.constant 0 : i32
      "tpu.region"() ({
        %run_scoped3A_319 = tpu.sem_alloc : memref<!tpu.dma_semaphore, #tpu.memory_space<semaphore_mem>>
        %dma_start3A_320 = arith.constant 0 : i32
        %dma_start3A_321 = arith.constant 0 : i32
        %dma_start3A_322 = tpu.memref_slice %arg8[%run_scoped3A, %dma_start3A_320, %dma_start3A_321] : memref<5x40x128xf32, #tpu.memory_space<vmem>> -> memref<1x40x128xf32, #tpu.memory_space<vmem>>
        %dma_start3A_323 = tpu.memref_squeeze %dma_start3A_322 : memref<1x40x128xf32, #tpu.memory_space<vmem>> -> memref<40x128xf32, #tpu.memory_space<vmem>>
        %dma_start3A_324 = arith.constant 0 : i32
        %dma_start3A_325 = tpu.memref_slice %arg9[%add3A_318, %dma_start3A_324] : memref<10240x128xf32, #tpu.memory_space<vmem_shared>> -> memref<40x128xf32, #tpu.memory_space<vmem_shared>>
        %dma_start3A_326 = arith.constant 0 : i32
        %dma_start3A_327 = tpu.memref_slice %arg9[%add3A_318, %dma_start3A_326] : memref<10240x128xf32, #tpu.memory_space<vmem_shared>> -> memref<40x128xf32, #tpu.memory_space<vmem_shared>>
        %dma_start3A_328 = arith.constant 0 : i32
        %dma_start3A_329 = arith.constant 0 : i32
        %dma_start3A_330 = tpu.memref_slice %arg8[%run_scoped3A, %dma_start3A_328, %dma_start3A_329] : memref<5x40x128xf32, #tpu.memory_space<vmem>> -> memref<1x40x128xf32, #tpu.memory_space<vmem>>
        %dma_start3A_331 = tpu.memref_squeeze %dma_start3A_330 : memref<1x40x128xf32, #tpu.memory_space<vmem>> -> memref<40x128xf32, #tpu.memory_space<vmem>>
        tpu.enqueue_dma source(%dma_start3A_331 : memref<40x128xf32, #tpu.memory_space<vmem>>) target(%dma_start3A_327 : memref<40x128xf32, #tpu.memory_space<vmem_shared>>) target_semaphore(%run_scoped3A_319 : memref<!tpu.dma_semaphore, #tpu.memory_space<semaphore_mem>>)
        %dma_wait3A_332 = arith.constant 0 : i32
        %dma_wait3A_333 = arith.constant 0 : i32
        %dma_wait3A_334 = tpu.memref_slice %arg8[%run_scoped3A, %dma_wait3A_332, %dma_wait3A_333] : memref<5x40x128xf32, #tpu.memory_space<vmem>> -> memref<1x40x128xf32, #tpu.memory_space<vmem>>
        %dma_wait3A_335 = tpu.memref_squeeze %dma_wait3A_334 : memref<1x40x128xf32, #tpu.memory_space<vmem>> -> memref<40x128xf32, #tpu.memory_space<vmem>>
        %dma_wait3A_336 = arith.constant 0 : i32
        %dma_wait3A_337 = tpu.memref_slice %arg9[%add3A_318, %dma_wait3A_336] : memref<10240x128xf32, #tpu.memory_space<vmem_shared>> -> memref<40x128xf32, #tpu.memory_space<vmem_shared>>
        %dma_wait3A_338 = arith.constant 0 : i32
        %dma_wait3A_339 = tpu.memref_slice %arg9[%add3A_318, %dma_wait3A_338] : memref<10240x128xf32, #tpu.memory_space<vmem_shared>> -> memref<40x128xf32, #tpu.memory_space<vmem_shared>>
        %dma_wait3A_340 = arith.constant 0 : i32
        %dma_wait3A_341 = arith.constant 0 : i32
        %dma_wait3A_342 = tpu.memref_slice %arg8[%run_scoped3A, %dma_wait3A_340, %dma_wait3A_341] : memref<5x40x128xf32, #tpu.memory_space<vmem>> -> memref<1x40x128xf32, #tpu.memory_space<vmem>>
        %dma_wait3A_343 = tpu.memref_squeeze %dma_wait3A_342 : memref<1x40x128xf32, #tpu.memory_space<vmem>> -> memref<40x128xf32, #tpu.memory_space<vmem>>
        tpu.wait_dma2 semaphore(%run_scoped3A_319 : memref<!tpu.dma_semaphore, #tpu.memory_space<semaphore_mem>>) src(%dma_wait3A_343 : memref<40x128xf32, #tpu.memory_space<vmem>>) dst(%dma_wait3A_339 : memref<40x128xf32, #tpu.memory_space<vmem_shared>>)
        tpu.yield
      }) : () -> ()
    }
    %scan3A_217 = arith.constant 16 : i32
    %barrier3A = arith.constant 0 : index
    tpu.barrier barrier_id(%barrier3A)
    %scan3A_218 = arith.constant 0 : i32
    %scan3A_219 = arith.constant 0 : i32
    %scan3A_220 = arith.constant 25 : i32
    %scan3A_221 = arith.addi %scan3A_219, %scan3A_220 : i32
    %scan3A_222 = arith.constant 1 : i32
    scf.for %scan3A_315 = %scan3A_219 to %scan3A_221 step %scan3A_222  : i32 {
      %mul3A_316 = arith.constant 2 : i32
      %mul3A_317 = arith.muli %mul3A_316, %scan3A_315 : i32
      %add3A_318 = arith.constant 0 : i32
      %add3A_319 = arith.addi %mul3A_317, %add3A_318 : i32
      %mul3A_320 = arith.constant 200 : i32
      %mul3A_321 = arith.muli %add3A_319, %mul3A_320 : i32
      %add3A_322 = arith.addi %mul3A_4, %mul3A_321 : i32
      %add3A_323 = arith.constant 0 : i32
      %add3A_324 = arith.addi %add3A_322, %add3A_323 : i32
      %dma_wait3A_325 = arith.constant 0 : i32
      %dma_wait3A_326 = arith.constant 0 : i32
      %dma_wait3A_327 = arith.constant 0 : i32
      %dma_wait3A_328 = arith.constant 0 : i32
      %dma_wait3A_329 = tpu.memref_slice %arg6[%dma_wait3A_325, %dma_wait3A_327, %dma_wait3A_328] : memref<2x5x40xi32, #tpu.memory_space<vmem>> -> memref<1x5x40xi32, #tpu.memory_space<vmem>>
      %dma_wait3A_330 = tpu.memref_squeeze %dma_wait3A_329 : memref<1x5x40xi32, #tpu.memory_space<vmem>> -> memref<5x40xi32, #tpu.memory_space<vmem>>
      %dma_wait3A_331 = arith.constant 0 : i32
      %dma_wait3A_332 = tpu.memref_slice %dma_wait3A_330[%dma_wait3A_326, %dma_wait3A_331] : memref<5x40xi32, #tpu.memory_space<vmem>> -> memref<1x40xi32, #tpu.memory_space<vmem>>
      %dma_wait3A_333 = tpu.memref_squeeze %dma_wait3A_332 : memref<1x40xi32, #tpu.memory_space<vmem>> -> memref<40xi32, #tpu.memory_space<vmem>>
      %dma_wait3A_334 = tpu.memref_slice %arg3[%add3A_324] : memref<320000xi32, #tpu.memory_space<hbm>> -> memref<40xi32, #tpu.memory_space<hbm>>
      %dma_wait3A_335 = arith.constant 0 : i32
      %dma_wait3A_336 = arith.constant 0 : i32
      %dma_wait3A_337 = tpu.memref_slice %arg6[%dma_wait3A_325, %dma_wait3A_335, %dma_wait3A_336] : memref<2x5x40xi32, #tpu.memory_space<vmem>> -> memref<1x5x40xi32, #tpu.memory_space<vmem>>
      %dma_wait3A_338 = tpu.memref_squeeze %dma_wait3A_337 : memref<1x5x40xi32, #tpu.memory_space<vmem>> -> memref<5x40xi32, #tpu.memory_space<vmem>>
      %dma_wait3A_339 = arith.constant 0 : i32
      %dma_wait3A_340 = tpu.memref_slice %dma_wait3A_338[%dma_wait3A_326, %dma_wait3A_339] : memref<5x40xi32, #tpu.memory_space<vmem>> -> memref<1x40xi32, #tpu.memory_space<vmem>>
      %dma_wait3A_341 = tpu.memref_squeeze %dma_wait3A_340 : memref<1x40xi32, #tpu.memory_space<vmem>> -> memref<40xi32, #tpu.memory_space<vmem>>
      %dma_wait3A_342 = tpu.memref_slice %arg3[%add3A_324] : memref<320000xi32, #tpu.memory_space<hbm>> -> memref<40xi32, #tpu.memory_space<hbm>>
      tpu.wait_dma2 semaphore(%arg10 : memref<!tpu.dma_semaphore, #tpu.memory_space<semaphore_mem>>) src(%dma_wait3A_342 : memref<40xi32, #tpu.memory_space<hbm>>) dst(%dma_wait3A_341 : memref<40xi32, #tpu.memory_space<vmem>>)
      %add3A_343 = arith.constant 0 : i32
      %add3A_344 = arith.addi %add3A_322, %add3A_343 : i32
      %dma_wait3A_345 = arith.constant 0 : i32
      %dma_wait3A_346 = arith.constant 0 : i32
      %dma_wait3A_347 = arith.constant 0 : i32
      %dma_wait3A_348 = arith.constant 0 : i32
      %dma_wait3A_349 = tpu.memref_slice %arg7[%dma_wait3A_345, %dma_wait3A_347, %dma_wait3A_348] : memref<2x5x40xi32, #tpu.memory_space<vmem>> -> memref<1x5x40xi32, #tpu.memory_space<vmem>>
      %dma_wait3A_350 = tpu.memref_squeeze %dma_wait3A_349 : memref<1x5x40xi32, #tpu.memory_space<vmem>> -> memref<5x40xi32, #tpu.memory_space<vmem>>
      %dma_wait3A_351 = arith.constant 0 : i32
      %dma_wait3A_352 = tpu.memref_slice %dma_wait3A_350[%dma_wait3A_346, %dma_wait3A_351] : memref<5x40xi32, #tpu.memory_space<vmem>> -> memref<1x40xi32, #tpu.memory_space<vmem>>
      %dma_wait3A_353 = tpu.memref_squeeze %dma_wait3A_352 : memref<1x40xi32, #tpu.memory_space<vmem>> -> memref<40xi32, #tpu.memory_space<vmem>>
      %dma_wait3A_354 = tpu.memref_slice %arg4[%add3A_344] : memref<320000xi32, #tpu.memory_space<hbm>> -> memref<40xi32, #tpu.memory_space<hbm>>
      %dma_wait3A_355 = arith.constant 0 : i32
      %dma_wait3A_356 = arith.constant 0 : i32
      %dma_wait3A_357 = tpu.memref_slice %arg7[%dma_wait3A_345, %dma_wait3A_355, %dma_wait3A_356] : memref<2x5x40xi32, #tpu.memory_space<vmem>> -> memref<1x5x40xi32, #tpu.memory_space<vmem>>
      %dma_wait3A_358 = tpu.memref_squeeze %dma_wait3A_357 : memref<1x5x40xi32, #tpu.memory_space<vmem>> -> memref<5x40xi32, #tpu.memory_space<vmem>>
      %dma_wait3A_359 = arith.constant 0 : i32
      %dma_wait3A_360 = tpu.memref_slice %dma_wait3A_358[%dma_wait3A_346, %dma_wait3A_359] : memref<5x40xi32, #tpu.memory_space<vmem>> -> memref<1x40xi32, #tpu.memory_space<vmem>>
      %dma_wait3A_361 = tpu.memref_squeeze %dma_wait3A_360 : memref<1x40xi32, #tpu.memory_space<vmem>> -> memref<40xi32, #tpu.memory_space<vmem>>
      %dma_wait3A_362 = tpu.memref_slice %arg4[%add3A_344] : memref<320000xi32, #tpu.memory_space<hbm>> -> memref<40xi32, #tpu.memory_space<hbm>>
      tpu.wait_dma2 semaphore(%arg10 : memref<!tpu.dma_semaphore, #tpu.memory_space<semaphore_mem>>) src(%dma_wait3A_362 : memref<40xi32, #tpu.memory_space<hbm>>) dst(%dma_wait3A_361 : memref<40xi32, #tpu.memory_space<vmem>>)
      %add3A_363 = arith.constant 40 : i32
      %add3A_364 = arith.addi %add3A_322, %add3A_363 : i32
      %dma_wait3A_365 = arith.constant 0 : i32
      %dma_wait3A_366 = arith.constant 1 : i32
      %dma_wait3A_367 = arith.constant 0 : i32
      %dma_wait3A_368 = arith.constant 0 : i32
      %dma_wait3A_369 = tpu.memref_slice %arg6[%dma_wait3A_365, %dma_wait3A_367, %dma_wait3A_368] : memref<2x5x40xi32, #tpu.memory_space<vmem>> -> memref<1x5x40xi32, #tpu.memory_space<vmem>>
      %dma_wait3A_370 = tpu.memref_squeeze %dma_wait3A_369 : memref<1x5x40xi32, #tpu.memory_space<vmem>> -> memref<5x40xi32, #tpu.memory_space<vmem>>
      %dma_wait3A_371 = arith.constant 0 : i32
      %dma_wait3A_372 = tpu.memref_slice %dma_wait3A_370[%dma_wait3A_366, %dma_wait3A_371] : memref<5x40xi32, #tpu.memory_space<vmem>> -> memref<1x40xi32, #tpu.memory_space<vmem>>
      %dma_wait3A_373 = tpu.memref_squeeze %dma_wait3A_372 : memref<1x40xi32, #tpu.memory_space<vmem>> -> memref<40xi32, #tpu.memory_space<vmem>>
      %dma_wait3A_374 = tpu.memref_slice %arg3[%add3A_364] : memref<320000xi32, #tpu.memory_space<hbm>> -> memref<40xi32, #tpu.memory_space<hbm>>
      %dma_wait3A_375 = arith.constant 0 : i32
      %dma_wait3A_376 = arith.constant 0 : i32
      %dma_wait3A_377 = tpu.memref_slice %arg6[%dma_wait3A_365, %dma_wait3A_375, %dma_wait3A_376] : memref<2x5x40xi32, #tpu.memory_space<vmem>> -> memref<1x5x40xi32, #tpu.memory_space<vmem>>
      %dma_wait3A_378 = tpu.memref_squeeze %dma_wait3A_377 : memref<1x5x40xi32, #tpu.memory_space<vmem>> -> memref<5x40xi32, #tpu.memory_space<vmem>>
      %dma_wait3A_379 = arith.constant 0 : i32
      %dma_wait3A_380 = tpu.memref_slice %dma_wait3A_378[%dma_wait3A_366, %dma_wait3A_379] : memref<5x40xi32, #tpu.memory_space<vmem>> -> memref<1x40xi32, #tpu.memory_space<vmem>>
      %dma_wait3A_381 = tpu.memref_squeeze %dma_wait3A_380 : memref<1x40xi32, #tpu.memory_space<vmem>> -> memref<40xi32, #tpu.memory_space<vmem>>
      %dma_wait3A_382 = tpu.memref_slice %arg3[%add3A_364] : memref<320000xi32, #tpu.memory_space<hbm>> -> memref<40xi32, #tpu.memory_space<hbm>>
      tpu.wait_dma2 semaphore(%arg10 : memref<!tpu.dma_semaphore, #tpu.memory_space<semaphore_mem>>) src(%dma_wait3A_382 : memref<40xi32, #tpu.memory_space<hbm>>) dst(%dma_wait3A_381 : memref<40xi32, #tpu.memory_space<vmem>>)
      %add3A_383 = arith.constant 40 : i32
      %add3A_384 = arith.addi %add3A_322, %add3A_383 : i32
      %dma_wait3A_385 = arith.constant 0 : i32
      %dma_wait3A_386 = arith.constant 1 : i32
      %dma_wait3A_387 = arith.constant 0 : i32
      %dma_wait3A_388 = arith.constant 0 : i32
      %dma_wait3A_389 = tpu.memref_slice %arg7[%dma_wait3A_385, %dma_wait3A_387, %dma_wait3A_388] : memref<2x5x40xi32, #tpu.memory_space<vmem>> -> memref<1x5x40xi32, #tpu.memory_space<vmem>>
      %dma_wait3A_390 = tpu.memref_squeeze %dma_wait3A_389 : memref<1x5x40xi32, #tpu.memory_space<vmem>> -> memref<5x40xi32, #tpu.memory_space<vmem>>
      %dma_wait3A_391 = arith.constant 0 : i32
      %dma_wait3A_392 = tpu.memref_slice %dma_wait3A_390[%dma_wait3A_386, %dma_wait3A_391] : memref<5x40xi32, #tpu.memory_space<vmem>> -> memref<1x40xi32, #tpu.memory_space<vmem>>
      %dma_wait3A_393 = tpu.memref_squeeze %dma_wait3A_392 : memref<1x40xi32, #tpu.memory_space<vmem>> -> memref<40xi32, #tpu.memory_space<vmem>>
      %dma_wait3A_394 = tpu.memref_slice %arg4[%add3A_384] : memref<320000xi32, #tpu.memory_space<hbm>> -> memref<40xi32, #tpu.memory_space<hbm>>
      %dma_wait3A_395 = arith.constant 0 : i32
      %dma_wait3A_396 = arith.constant 0 : i32
      %dma_wait3A_397 = tpu.memref_slice %arg7[%dma_wait3A_385, %dma_wait3A_395, %dma_wait3A_396] : memref<2x5x40xi32, #tpu.memory_space<vmem>> -> memref<1x5x40xi32, #tpu.memory_space<vmem>>
      %dma_wait3A_398 = tpu.memref_squeeze %dma_wait3A_397 : memref<1x5x40xi32, #tpu.memory_space<vmem>> -> memref<5x40xi32, #tpu.memory_space<vmem>>
      %dma_wait3A_399 = arith.constant 0 : i32
      %dma_wait3A_400 = tpu.memref_slice %dma_wait3A_398[%dma_wait3A_386, %dma_wait3A_399] : memref<5x40xi32, #tpu.memory_space<vmem>> -> memref<1x40xi32, #tpu.memory_space<vmem>>
      %dma_wait3A_401 = tpu.memref_squeeze %dma_wait3A_400 : memref<1x40xi32, #tpu.memory_space<vmem>> -> memref<40xi32, #tpu.memory_space<vmem>>
      %dma_wait3A_402 = tpu.memref_slice %arg4[%add3A_384] : memref<320000xi32, #tpu.memory_space<hbm>> -> memref<40xi32, #tpu.memory_space<hbm>>
      tpu.wait_dma2 semaphore(%arg10 : memref<!tpu.dma_semaphore, #tpu.memory_space<semaphore_mem>>) src(%dma_wait3A_402 : memref<40xi32, #tpu.memory_space<hbm>>) dst(%dma_wait3A_401 : memref<40xi32, #tpu.memory_space<vmem>>)
      %add3A_403 = arith.constant 80 : i32
      %add3A_404 = arith.addi %add3A_322, %add3A_403 : i32
      %dma_wait3A_405 = arith.constant 0 : i32
      %dma_wait3A_406 = arith.constant 2 : i32
      %dma_wait3A_407 = arith.constant 0 : i32
      %dma_wait3A_408 = arith.constant 0 : i32
      %dma_wait3A_409 = tpu.memref_slice %arg6[%dma_wait3A_405, %dma_wait3A_407, %dma_wait3A_408] : memref<2x5x40xi32, #tpu.memory_space<vmem>> -> memref<1x5x40xi32, #tpu.memory_space<vmem>>
      %dma_wait3A_410 = tpu.memref_squeeze %dma_wait3A_409 : memref<1x5x40xi32, #tpu.memory_space<vmem>> -> memref<5x40xi32, #tpu.memory_space<vmem>>
      %dma_wait3A_411 = arith.constant 0 : i32
      %dma_wait3A_412 = tpu.memref_slice %dma_wait3A_410[%dma_wait3A_406, %dma_wait3A_411] : memref<5x40xi32, #tpu.memory_space<vmem>> -> memref<1x40xi32, #tpu.memory_space<vmem>>
      %dma_wait3A_413 = tpu.memref_squeeze %dma_wait3A_412 : memref<1x40xi32, #tpu.memory_space<vmem>> -> memref<40xi32, #tpu.memory_space<vmem>>
      %dma_wait3A_414 = tpu.memref_slice %arg3[%add3A_404] : memref<320000xi32, #tpu.memory_space<hbm>> -> memref<40xi32, #tpu.memory_space<hbm>>
      %dma_wait3A_415 = arith.constant 0 : i32
      %dma_wait3A_416 = arith.constant 0 : i32
      %dma_wait3A_417 = tpu.memref_slice %arg6[%dma_wait3A_405, %dma_wait3A_415, %dma_wait3A_416] : memref<2x5x40xi32, #tpu.memory_space<vmem>> -> memref<1x5x40xi32, #tpu.memory_space<vmem>>
      %dma_wait3A_418 = tpu.memref_squeeze %dma_wait3A_417 : memref<1x5x40xi32, #tpu.memory_space<vmem>> -> memref<5x40xi32, #tpu.memory_space<vmem>>
      %dma_wait3A_419 = arith.constant 0 : i32
      %dma_wait3A_420 = tpu.memref_slice %dma_wait3A_418[%dma_wait3A_406, %dma_wait3A_419] : memref<5x40xi32, #tpu.memory_space<vmem>> -> memref<1x40xi32, #tpu.memory_space<vmem>>
      %dma_wait3A_421 = tpu.memref_squeeze %dma_wait3A_420 : memref<1x40xi32, #tpu.memory_space<vmem>> -> memref<40xi32, #tpu.memory_space<vmem>>
      %dma_wait3A_422 = tpu.memref_slice %arg3[%add3A_404] : memref<320000xi32, #tpu.memory_space<hbm>> -> memref<40xi32, #tpu.memory_space<hbm>>
      tpu.wait_dma2 semaphore(%arg10 : memref<!tpu.dma_semaphore, #tpu.memory_space<semaphore_mem>>) src(%dma_wait3A_422 : memref<40xi32, #tpu.memory_space<hbm>>) dst(%dma_wait3A_421 : memref<40xi32, #tpu.memory_space<vmem>>)
      %add3A_423 = arith.constant 80 : i32
      %add3A_424 = arith.addi %add3A_322, %add3A_423 : i32
      %dma_wait3A_425 = arith.constant 0 : i32
      %dma_wait3A_426 = arith.constant 2 : i32
      %dma_wait3A_427 = arith.constant 0 : i32
      %dma_wait3A_428 = arith.constant 0 : i32
      %dma_wait3A_429 = tpu.memref_slice %arg7[%dma_wait3A_425, %dma_wait3A_427, %dma_wait3A_428] : memref<2x5x40xi32, #tpu.memory_space<vmem>> -> memref<1x5x40xi32, #tpu.memory_space<vmem>>
      %dma_wait3A_430 = tpu.memref_squeeze %dma_wait3A_429 : memref<1x5x40xi32, #tpu.memory_space<vmem>> -> memref<5x40xi32, #tpu.memory_space<vmem>>
      %dma_wait3A_431 = arith.constant 0 : i32
      %dma_wait3A_432 = tpu.memref_slice %dma_wait3A_430[%dma_wait3A_426, %dma_wait3A_431] : memref<5x40xi32, #tpu.memory_space<vmem>> -> memref<1x40xi32, #tpu.memory_space<vmem>>
      %dma_wait3A_433 = tpu.memref_squeeze %dma_wait3A_432 : memref<1x40xi32, #tpu.memory_space<vmem>> -> memref<40xi32, #tpu.memory_space<vmem>>
      %dma_wait3A_434 = tpu.memref_slice %arg4[%add3A_424] : memref<320000xi32, #tpu.memory_space<hbm>> -> memref<40xi32, #tpu.memory_space<hbm>>
      %dma_wait3A_435 = arith.constant 0 : i32
      %dma_wait3A_436 = arith.constant 0 : i32
      %dma_wait3A_437 = tpu.memref_slice %arg7[%dma_wait3A_425, %dma_wait3A_435, %dma_wait3A_436] : memref<2x5x40xi32, #tpu.memory_space<vmem>> -> memref<1x5x40xi32, #tpu.memory_space<vmem>>
      %dma_wait3A_438 = tpu.memref_squeeze %dma_wait3A_437 : memref<1x5x40xi32, #tpu.memory_space<vmem>> -> memref<5x40xi32, #tpu.memory_space<vmem>>
      %dma_wait3A_439 = arith.constant 0 : i32
      %dma_wait3A_440 = tpu.memref_slice %dma_wait3A_438[%dma_wait3A_426, %dma_wait3A_439] : memref<5x40xi32, #tpu.memory_space<vmem>> -> memref<1x40xi32, #tpu.memory_space<vmem>>
      %dma_wait3A_441 = tpu.memref_squeeze %dma_wait3A_440 : memref<1x40xi32, #tpu.memory_space<vmem>> -> memref<40xi32, #tpu.memory_space<vmem>>
      %dma_wait3A_442 = tpu.memref_slice %arg4[%add3A_424] : memref<320000xi32, #tpu.memory_space<hbm>> -> memref<40xi32, #tpu.memory_space<hbm>>
      tpu.wait_dma2 semaphore(%arg10 : memref<!tpu.dma_semaphore, #tpu.memory_space<semaphore_mem>>) src(%dma_wait3A_442 : memref<40xi32, #tpu.memory_space<hbm>>) dst(%dma_wait3A_441 : memref<40xi32, #tpu.memory_space<vmem>>)
      %add3A_443 = arith.constant 120 : i32
      %add3A_444 = arith.addi %add3A_322, %add3A_443 : i32
      %dma_wait3A_445 = arith.constant 0 : i32
      %dma_wait3A_446 = arith.constant 3 : i32
      %dma_wait3A_447 = arith.constant 0 : i32
      %dma_wait3A_448 = arith.constant 0 : i32
      %dma_wait3A_449 = tpu.memref_slice %arg6[%dma_wait3A_445, %dma_wait3A_447, %dma_wait3A_448] : memref<2x5x40xi32, #tpu.memory_space<vmem>> -> memref<1x5x40xi32, #tpu.memory_space<vmem>>
      %dma_wait3A_450 = tpu.memref_squeeze %dma_wait3A_449 : memref<1x5x40xi32, #tpu.memory_space<vmem>> -> memref<5x40xi32, #tpu.memory_space<vmem>>
      %dma_wait3A_451 = arith.constant 0 : i32
      %dma_wait3A_452 = tpu.memref_slice %dma_wait3A_450[%dma_wait3A_446, %dma_wait3A_451] : memref<5x40xi32, #tpu.memory_space<vmem>> -> memref<1x40xi32, #tpu.memory_space<vmem>>
      %dma_wait3A_453 = tpu.memref_squeeze %dma_wait3A_452 : memref<1x40xi32, #tpu.memory_space<vmem>> -> memref<40xi32, #tpu.memory_space<vmem>>
      %dma_wait3A_454 = tpu.memref_slice %arg3[%add3A_444] : memref<320000xi32, #tpu.memory_space<hbm>> -> memref<40xi32, #tpu.memory_space<hbm>>
      %dma_wait3A_455 = arith.constant 0 : i32
      %dma_wait3A_456 = arith.constant 0 : i32
      %dma_wait3A_457 = tpu.memref_slice %arg6[%dma_wait3A_445, %dma_wait3A_455, %dma_wait3A_456] : memref<2x5x40xi32, #tpu.memory_space<vmem>> -> memref<1x5x40xi32, #tpu.memory_space<vmem>>
      %dma_wait3A_458 = tpu.memref_squeeze %dma_wait3A_457 : memref<1x5x40xi32, #tpu.memory_space<vmem>> -> memref<5x40xi32, #tpu.memory_space<vmem>>
      %dma_wait3A_459 = arith.constant 0 : i32
      %dma_wait3A_460 = tpu.memref_slice %dma_wait3A_458[%dma_wait3A_446, %dma_wait3A_459] : memref<5x40xi32, #tpu.memory_space<vmem>> -> memref<1x40xi32, #tpu.memory_space<vmem>>
      %dma_wait3A_461 = tpu.memref_squeeze %dma_wait3A_460 : memref<1x40xi32, #tpu.memory_space<vmem>> -> memref<40xi32, #tpu.memory_space<vmem>>
      %dma_wait3A_462 = tpu.memref_slice %arg3[%add3A_444] : memref<320000xi32, #tpu.memory_space<hbm>> -> memref<40xi32, #tpu.memory_space<hbm>>
      tpu.wait_dma2 semaphore(%arg10 : memref<!tpu.dma_semaphore, #tpu.memory_space<semaphore_mem>>) src(%dma_wait3A_462 : memref<40xi32, #tpu.memory_space<hbm>>) dst(%dma_wait3A_461 : memref<40xi32, #tpu.memory_space<vmem>>)
      %add3A_463 = arith.constant 120 : i32
      %add3A_464 = arith.addi %add3A_322, %add3A_463 : i32
      %dma_wait3A_465 = arith.constant 0 : i32
      %dma_wait3A_466 = arith.constant 3 : i32
      %dma_wait3A_467 = arith.constant 0 : i32
      %dma_wait3A_468 = arith.constant 0 : i32
      %dma_wait3A_469 = tpu.memref_slice %arg7[%dma_wait3A_465, %dma_wait3A_467, %dma_wait3A_468] : memref<2x5x40xi32, #tpu.memory_space<vmem>> -> memref<1x5x40xi32, #tpu.memory_space<vmem>>
      %dma_wait3A_470 = tpu.memref_squeeze %dma_wait3A_469 : memref<1x5x40xi32, #tpu.memory_space<vmem>> -> memref<5x40xi32, #tpu.memory_space<vmem>>
      %dma_wait3A_471 = arith.constant 0 : i32
      %dma_wait3A_472 = tpu.memref_slice %dma_wait3A_470[%dma_wait3A_466, %dma_wait3A_471] : memref<5x40xi32, #tpu.memory_space<vmem>> -> memref<1x40xi32, #tpu.memory_space<vmem>>
      %dma_wait3A_473 = tpu.memref_squeeze %dma_wait3A_472 : memref<1x40xi32, #tpu.memory_space<vmem>> -> memref<40xi32, #tpu.memory_space<vmem>>
      %dma_wait3A_474 = tpu.memref_slice %arg4[%add3A_464] : memref<320000xi32, #tpu.memory_space<hbm>> -> memref<40xi32, #tpu.memory_space<hbm>>
      %dma_wait3A_475 = arith.constant 0 : i32
      %dma_wait3A_476 = arith.constant 0 : i32
      %dma_wait3A_477 = tpu.memref_slice %arg7[%dma_wait3A_465, %dma_wait3A_475, %dma_wait3A_476] : memref<2x5x40xi32, #tpu.memory_space<vmem>> -> memref<1x5x40xi32, #tpu.memory_space<vmem>>
      %dma_wait3A_478 = tpu.memref_squeeze %dma_wait3A_477 : memref<1x5x40xi32, #tpu.memory_space<vmem>> -> memref<5x40xi32, #tpu.memory_space<vmem>>
      %dma_wait3A_479 = arith.constant 0 : i32
      %dma_wait3A_480 = tpu.memref_slice %dma_wait3A_478[%dma_wait3A_466, %dma_wait3A_479] : memref<5x40xi32, #tpu.memory_space<vmem>> -> memref<1x40xi32, #tpu.memory_space<vmem>>
      %dma_wait3A_481 = tpu.memref_squeeze %dma_wait3A_480 : memref<1x40xi32, #tpu.memory_space<vmem>> -> memref<40xi32, #tpu.memory_space<vmem>>
      %dma_wait3A_482 = tpu.memref_slice %arg4[%add3A_464] : memref<320000xi32, #tpu.memory_space<hbm>> -> memref<40xi32, #tpu.memory_space<hbm>>
      tpu.wait_dma2 semaphore(%arg10 : memref<!tpu.dma_semaphore, #tpu.memory_space<semaphore_mem>>) src(%dma_wait3A_482 : memref<40xi32, #tpu.memory_space<hbm>>) dst(%dma_wait3A_481 : memref<40xi32, #tpu.memory_space<vmem>>)
      %add3A_483 = arith.constant 160 : i32
      %add3A_484 = arith.addi %add3A_322, %add3A_483 : i32
      %dma_wait3A_485 = arith.constant 0 : i32
      %dma_wait3A_486 = arith.constant 4 : i32
      %dma_wait3A_487 = arith.constant 0 : i32
      %dma_wait3A_488 = arith.constant 0 : i32
      %dma_wait3A_489 = tpu.memref_slice %arg6[%dma_wait3A_485, %dma_wait3A_487, %dma_wait3A_488] : memref<2x5x40xi32, #tpu.memory_space<vmem>> -> memref<1x5x40xi32, #tpu.memory_space<vmem>>
      %dma_wait3A_490 = tpu.memref_squeeze %dma_wait3A_489 : memref<1x5x40xi32, #tpu.memory_space<vmem>> -> memref<5x40xi32, #tpu.memory_space<vmem>>
      %dma_wait3A_491 = arith.constant 0 : i32
      %dma_wait3A_492 = tpu.memref_slice %dma_wait3A_490[%dma_wait3A_486, %dma_wait3A_491] : memref<5x40xi32, #tpu.memory_space<vmem>> -> memref<1x40xi32, #tpu.memory_space<vmem>>
      %dma_wait3A_493 = tpu.memref_squeeze %dma_wait3A_492 : memref<1x40xi32, #tpu.memory_space<vmem>> -> memref<40xi32, #tpu.memory_space<vmem>>
      %dma_wait3A_494 = tpu.memref_slice %arg3[%add3A_484] : memref<320000xi32, #tpu.memory_space<hbm>> -> memref<40xi32, #tpu.memory_space<hbm>>
      %dma_wait3A_495 = arith.constant 0 : i32
      %dma_wait3A_496 = arith.constant 0 : i32
      %dma_wait3A_497 = tpu.memref_slice %arg6[%dma_wait3A_485, %dma_wait3A_495, %dma_wait3A_496] : memref<2x5x40xi32, #tpu.memory_space<vmem>> -> memref<1x5x40xi32, #tpu.memory_space<vmem>>
      %dma_wait3A_498 = tpu.memref_squeeze %dma_wait3A_497 : memref<1x5x40xi32, #tpu.memory_space<vmem>> -> memref<5x40xi32, #tpu.memory_space<vmem>>
      %dma_wait3A_499 = arith.constant 0 : i32
      %dma_wait3A_500 = tpu.memref_slice %dma_wait3A_498[%dma_wait3A_486, %dma_wait3A_499] : memref<5x40xi32, #tpu.memory_space<vmem>> -> memref<1x40xi32, #tpu.memory_space<vmem>>
      %dma_wait3A_501 = tpu.memref_squeeze %dma_wait3A_500 : memref<1x40xi32, #tpu.memory_space<vmem>> -> memref<40xi32, #tpu.memory_space<vmem>>
      %dma_wait3A_502 = tpu.memref_slice %arg3[%add3A_484] : memref<320000xi32, #tpu.memory_space<hbm>> -> memref<40xi32, #tpu.memory_space<hbm>>
      tpu.wait_dma2 semaphore(%arg10 : memref<!tpu.dma_semaphore, #tpu.memory_space<semaphore_mem>>) src(%dma_wait3A_502 : memref<40xi32, #tpu.memory_space<hbm>>) dst(%dma_wait3A_501 : memref<40xi32, #tpu.memory_space<vmem>>)
      %add3A_503 = arith.constant 160 : i32
      %add3A_504 = arith.addi %add3A_322, %add3A_503 : i32
      %dma_wait3A_505 = arith.constant 0 : i32
      %dma_wait3A_506 = arith.constant 4 : i32
      %dma_wait3A_507 = arith.constant 0 : i32
      %dma_wait3A_508 = arith.constant 0 : i32
      %dma_wait3A_509 = tpu.memref_slice %arg7[%dma_wait3A_505, %dma_wait3A_507, %dma_wait3A_508] : memref<2x5x40xi32, #tpu.memory_space<vmem>> -> memref<1x5x40xi32, #tpu.memory_space<vmem>>
      %dma_wait3A_510 = tpu.memref_squeeze %dma_wait3A_509 : memref<1x5x40xi32, #tpu.memory_space<vmem>> -> memref<5x40xi32, #tpu.memory_space<vmem>>
      %dma_wait3A_511 = arith.constant 0 : i32
      %dma_wait3A_512 = tpu.memref_slice %dma_wait3A_510[%dma_wait3A_506, %dma_wait3A_511] : memref<5x40xi32, #tpu.memory_space<vmem>> -> memref<1x40xi32, #tpu.memory_space<vmem>>
      %dma_wait3A_513 = tpu.memref_squeeze %dma_wait3A_512 : memref<1x40xi32, #tpu.memory_space<vmem>> -> memref<40xi32, #tpu.memory_space<vmem>>
      %dma_wait3A_514 = tpu.memref_slice %arg4[%add3A_504] : memref<320000xi32, #tpu.memory_space<hbm>> -> memref<40xi32, #tpu.memory_space<hbm>>
      %dma_wait3A_515 = arith.constant 0 : i32
      %dma_wait3A_516 = arith.constant 0 : i32
      %dma_wait3A_517 = tpu.memref_slice %arg7[%dma_wait3A_505, %dma_wait3A_515, %dma_wait3A_516] : memref<2x5x40xi32, #tpu.memory_space<vmem>> -> memref<1x5x40xi32, #tpu.memory_space<vmem>>
      %dma_wait3A_518 = tpu.memref_squeeze %dma_wait3A_517 : memref<1x5x40xi32, #tpu.memory_space<vmem>> -> memref<5x40xi32, #tpu.memory_space<vmem>>
      %dma_wait3A_519 = arith.constant 0 : i32
      %dma_wait3A_520 = tpu.memref_slice %dma_wait3A_518[%dma_wait3A_506, %dma_wait3A_519] : memref<5x40xi32, #tpu.memory_space<vmem>> -> memref<1x40xi32, #tpu.memory_space<vmem>>
      %dma_wait3A_521 = tpu.memref_squeeze %dma_wait3A_520 : memref<1x40xi32, #tpu.memory_space<vmem>> -> memref<40xi32, #tpu.memory_space<vmem>>
      %dma_wait3A_522 = tpu.memref_slice %arg4[%add3A_504] : memref<320000xi32, #tpu.memory_space<hbm>> -> memref<40xi32, #tpu.memory_space<hbm>>
      tpu.wait_dma2 semaphore(%arg10 : memref<!tpu.dma_semaphore, #tpu.memory_space<semaphore_mem>>) src(%dma_wait3A_522 : memref<40xi32, #tpu.memory_space<hbm>>) dst(%dma_wait3A_521 : memref<40xi32, #tpu.memory_space<vmem>>)
      %gt3A = arith.constant 0 : i32
      %gt3A_523 = arith.cmpi sgt, %add3A_319, %gt3A : i32
      %convert_element_type3A = arith.extui %gt3A_523 : i1 to i32
      %cond3A = arith.constant 0 : i32
      %cond3A_524 = arith.cmpi ne, %convert_element_type3A, %cond3A : i32
      scf.if %cond3A_524 {
        %dma_wait3A_1300 = arith.constant 0 : i32
        %dma_wait3A_1301 = arith.constant 1 : i32
        %dma_wait3A_1302 = arith.constant 0 : i32
        %dma_wait3A_1303 = arith.constant 0 : i32
        %dma_wait3A_1304 = arith.constant 0 : i32
        %dma_wait3A_1305 = tpu.memref_slice %arg8[%dma_wait3A_1300, %dma_wait3A_1303, %dma_wait3A_1304] : memref<5x40x128xf32, #tpu.memory_space<vmem>> -> memref<1x40x128xf32, #tpu.memory_space<vmem>>
        %dma_wait3A_1306 = tpu.memref_squeeze %dma_wait3A_1305 : memref<1x40x128xf32, #tpu.memory_space<vmem>> -> memref<40x128xf32, #tpu.memory_space<vmem>>
        %dma_wait3A_1307 = arith.constant 0 : i32
        %dma_wait3A_1308 = arith.constant 0 : i32
        %dma_wait3A_1309 = tpu.memref_slice %arg7[%dma_wait3A_1301, %dma_wait3A_1307, %dma_wait3A_1308] : memref<2x5x40xi32, #tpu.memory_space<vmem>> -> memref<1x5x40xi32, #tpu.memory_space<vmem>>
        %dma_wait3A_1310 = tpu.memref_squeeze %dma_wait3A_1309 : memref<1x5x40xi32, #tpu.memory_space<vmem>> -> memref<5x40xi32, #tpu.memory_space<vmem>>
        %dma_wait3A_1311 = arith.constant 0 : i32
        %dma_wait3A_1312 = tpu.memref_slice %dma_wait3A_1310[%dma_wait3A_1302, %dma_wait3A_1311] : memref<5x40xi32, #tpu.memory_space<vmem>> -> memref<1x40xi32, #tpu.memory_space<vmem>>
        %dma_wait3A_1313 = tpu.memref_squeeze %dma_wait3A_1312 : memref<1x40xi32, #tpu.memory_space<vmem>> -> memref<40xi32, #tpu.memory_space<vmem>>
        %dma_wait3A_1314 = arith.constant 0 : i32
        %dma_wait3A_1315 = arith.constant 0 : i32
        %dma_wait3A_1316 = tpu.memref_slice %arg9[%dma_wait3A_1314, %dma_wait3A_1315] : memref<10240x128xf32, #tpu.memory_space<vmem_shared>> -> memref<10240x128xf32, #tpu.memory_space<vmem_shared>>
        tpu.wait_indirect_dma semaphore(%arg17 : memref<!tpu.dma_semaphore, #tpu.memory_space<semaphore_mem>>) src(%dma_wait3A_1306 : memref<40x128xf32, #tpu.memory_space<vmem>>) dst(%dma_wait3A_1316 : memref<10240x128xf32, #tpu.memory_space<vmem_shared>>)
      } else {
      }
      %dma_start3A_525 = arith.constant 0 : i32
      %dma_start3A_526 = arith.constant 0 : i32
      %dma_start3A_527 = arith.constant 0 : i32
      %dma_start3A_528 = arith.constant 0 : i32
      %dma_start3A_529 = arith.constant 0 : i32
      %dma_start3A_530 = tpu.memref_slice %arg8[%dma_start3A_527, %dma_start3A_528, %dma_start3A_529] : memref<5x40x128xf32, #tpu.memory_space<vmem>> -> memref<1x40x128xf32, #tpu.memory_space<vmem>>
      %dma_start3A_531 = tpu.memref_squeeze %dma_start3A_530 : memref<1x40x128xf32, #tpu.memory_space<vmem>> -> memref<40x128xf32, #tpu.memory_space<vmem>>
      %dma_start3A_532 = arith.constant 0 : i32
      %dma_start3A_533 = arith.constant 0 : i32
      %dma_start3A_534 = tpu.memref_slice %arg6[%dma_start3A_525, %dma_start3A_532, %dma_start3A_533] : memref<2x5x40xi32, #tpu.memory_space<vmem>> -> memref<1x5x40xi32, #tpu.memory_space<vmem>>
      %dma_start3A_535 = tpu.memref_squeeze %dma_start3A_534 : memref<1x5x40xi32, #tpu.memory_space<vmem>> -> memref<5x40xi32, #tpu.memory_space<vmem>>
      %dma_start3A_536 = arith.constant 0 : i32
      %dma_start3A_537 = tpu.memref_slice %dma_start3A_535[%dma_start3A_526, %dma_start3A_536] : memref<5x40xi32, #tpu.memory_space<vmem>> -> memref<1x40xi32, #tpu.memory_space<vmem>>
      %dma_start3A_538 = tpu.memref_squeeze %dma_start3A_537 : memref<1x40xi32, #tpu.memory_space<vmem>> -> memref<40xi32, #tpu.memory_space<vmem>>
      %dma_start3A_539 = arith.constant 0 : i32
      %dma_start3A_540 = arith.constant 0 : i32
      %dma_start3A_541 = tpu.memref_slice %arg2[%dma_start3A_539, %dma_start3A_540] : memref<80000x128xf32, #tpu.memory_space<hbm>> -> memref<80000x128xf32, #tpu.memory_space<hbm>>
      tpu.enqueue_indirect_dma source(%dma_start3A_541 : memref<80000x128xf32, #tpu.memory_space<hbm>>) target(%dma_start3A_531 : memref<40x128xf32, #tpu.memory_space<vmem>>) offsets(%dma_start3A_538 : memref<40xi32, #tpu.memory_space<vmem>>) semaphore(%arg12 : memref<!tpu.dma_semaphore, #tpu.memory_space<semaphore_mem>>)
      %gt3A_542 = arith.constant 0 : i32
      %gt3A_543 = arith.cmpi sgt, %add3A_319, %gt3A_542 : i32
      %convert_element_type3A_544 = arith.extui %gt3A_543 : i1 to i32
      %cond3A_545 = arith.constant 0 : i32
      %cond3A_546 = arith.cmpi ne, %convert_element_type3A_544, %cond3A_545 : i32
      scf.if %cond3A_546 {
        %dma_wait3A_1300 = arith.constant 1 : i32
        %dma_wait3A_1301 = arith.constant 1 : i32
        %dma_wait3A_1302 = arith.constant 1 : i32
        %dma_wait3A_1303 = arith.constant 0 : i32
        %dma_wait3A_1304 = arith.constant 0 : i32
        %dma_wait3A_1305 = tpu.memref_slice %arg8[%dma_wait3A_1300, %dma_wait3A_1303, %dma_wait3A_1304] : memref<5x40x128xf32, #tpu.memory_space<vmem>> -> memref<1x40x128xf32, #tpu.memory_space<vmem>>
        %dma_wait3A_1306 = tpu.memref_squeeze %dma_wait3A_1305 : memref<1x40x128xf32, #tpu.memory_space<vmem>> -> memref<40x128xf32, #tpu.memory_space<vmem>>
        %dma_wait3A_1307 = arith.constant 0 : i32
        %dma_wait3A_1308 = arith.constant 0 : i32
        %dma_wait3A_1309 = tpu.memref_slice %arg7[%dma_wait3A_1301, %dma_wait3A_1307, %dma_wait3A_1308] : memref<2x5x40xi32, #tpu.memory_space<vmem>> -> memref<1x5x40xi32, #tpu.memory_space<vmem>>
        %dma_wait3A_1310 = tpu.memref_squeeze %dma_wait3A_1309 : memref<1x5x40xi32, #tpu.memory_space<vmem>> -> memref<5x40xi32, #tpu.memory_space<vmem>>
        %dma_wait3A_1311 = arith.constant 0 : i32
        %dma_wait3A_1312 = tpu.memref_slice %dma_wait3A_1310[%dma_wait3A_1302, %dma_wait3A_1311] : memref<5x40xi32, #tpu.memory_space<vmem>> -> memref<1x40xi32, #tpu.memory_space<vmem>>
        %dma_wait3A_1313 = tpu.memref_squeeze %dma_wait3A_1312 : memref<1x40xi32, #tpu.memory_space<vmem>> -> memref<40xi32, #tpu.memory_space<vmem>>
        %dma_wait3A_1314 = arith.constant 0 : i32
        %dma_wait3A_1315 = arith.constant 0 : i32
        %dma_wait3A_1316 = tpu.memref_slice %arg9[%dma_wait3A_1314, %dma_wait3A_1315] : memref<10240x128xf32, #tpu.memory_space<vmem_shared>> -> memref<10240x128xf32, #tpu.memory_space<vmem_shared>>
        tpu.wait_indirect_dma semaphore(%arg18 : memref<!tpu.dma_semaphore, #tpu.memory_space<semaphore_mem>>) src(%dma_wait3A_1306 : memref<40x128xf32, #tpu.memory_space<vmem>>) dst(%dma_wait3A_1316 : memref<10240x128xf32, #tpu.memory_space<vmem_shared>>)
      } else {
      }
      %dma_start3A_547 = arith.constant 0 : i32
      %dma_start3A_548 = arith.constant 1 : i32
      %dma_start3A_549 = arith.constant 1 : i32
      %dma_start3A_550 = arith.constant 0 : i32
      %dma_start3A_551 = arith.constant 0 : i32
      %dma_start3A_552 = tpu.memref_slice %arg8[%dma_start3A_549, %dma_start3A_550, %dma_start3A_551] : memref<5x40x128xf32, #tpu.memory_space<vmem>> -> memref<1x40x128xf32, #tpu.memory_space<vmem>>
      %dma_start3A_553 = tpu.memref_squeeze %dma_start3A_552 : memref<1x40x128xf32, #tpu.memory_space<vmem>> -> memref<40x128xf32, #tpu.memory_space<vmem>>
      %dma_start3A_554 = arith.constant 0 : i32
      %dma_start3A_555 = arith.constant 0 : i32
      %dma_start3A_556 = tpu.memref_slice %arg6[%dma_start3A_547, %dma_start3A_554, %dma_start3A_555] : memref<2x5x40xi32, #tpu.memory_space<vmem>> -> memref<1x5x40xi32, #tpu.memory_space<vmem>>
      %dma_start3A_557 = tpu.memref_squeeze %dma_start3A_556 : memref<1x5x40xi32, #tpu.memory_space<vmem>> -> memref<5x40xi32, #tpu.memory_space<vmem>>
      %dma_start3A_558 = arith.constant 0 : i32
      %dma_start3A_559 = tpu.memref_slice %dma_start3A_557[%dma_start3A_548, %dma_start3A_558] : memref<5x40xi32, #tpu.memory_space<vmem>> -> memref<1x40xi32, #tpu.memory_space<vmem>>
      %dma_start3A_560 = tpu.memref_squeeze %dma_start3A_559 : memref<1x40xi32, #tpu.memory_space<vmem>> -> memref<40xi32, #tpu.memory_space<vmem>>
      %dma_start3A_561 = arith.constant 0 : i32
      %dma_start3A_562 = arith.constant 0 : i32
      %dma_start3A_563 = tpu.memref_slice %arg2[%dma_start3A_561, %dma_start3A_562] : memref<80000x128xf32, #tpu.memory_space<hbm>> -> memref<80000x128xf32, #tpu.memory_space<hbm>>
      tpu.enqueue_indirect_dma source(%dma_start3A_563 : memref<80000x128xf32, #tpu.memory_space<hbm>>) target(%dma_start3A_553 : memref<40x128xf32, #tpu.memory_space<vmem>>) offsets(%dma_start3A_560 : memref<40xi32, #tpu.memory_space<vmem>>) semaphore(%arg13 : memref<!tpu.dma_semaphore, #tpu.memory_space<semaphore_mem>>)
      %gt3A_564 = arith.constant 0 : i32
      %gt3A_565 = arith.cmpi sgt, %add3A_319, %gt3A_564 : i32
      %convert_element_type3A_566 = arith.extui %gt3A_565 : i1 to i32
      %cond3A_567 = arith.constant 0 : i32
      %cond3A_568 = arith.cmpi ne, %convert_element_type3A_566, %cond3A_567 : i32
      scf.if %cond3A_568 {
        %dma_wait3A_1300 = arith.constant 2 : i32
        %dma_wait3A_1301 = arith.constant 1 : i32
        %dma_wait3A_1302 = arith.constant 2 : i32
        %dma_wait3A_1303 = arith.constant 0 : i32
        %dma_wait3A_1304 = arith.constant 0 : i32
        %dma_wait3A_1305 = tpu.memref_slice %arg8[%dma_wait3A_1300, %dma_wait3A_1303, %dma_wait3A_1304] : memref<5x40x128xf32, #tpu.memory_space<vmem>> -> memref<1x40x128xf32, #tpu.memory_space<vmem>>
        %dma_wait3A_1306 = tpu.memref_squeeze %dma_wait3A_1305 : memref<1x40x128xf32, #tpu.memory_space<vmem>> -> memref<40x128xf32, #tpu.memory_space<vmem>>
        %dma_wait3A_1307 = arith.constant 0 : i32
        %dma_wait3A_1308 = arith.constant 0 : i32
        %dma_wait3A_1309 = tpu.memref_slice %arg7[%dma_wait3A_1301, %dma_wait3A_1307, %dma_wait3A_1308] : memref<2x5x40xi32, #tpu.memory_space<vmem>> -> memref<1x5x40xi32, #tpu.memory_space<vmem>>
        %dma_wait3A_1310 = tpu.memref_squeeze %dma_wait3A_1309 : memref<1x5x40xi32, #tpu.memory_space<vmem>> -> memref<5x40xi32, #tpu.memory_space<vmem>>
        %dma_wait3A_1311 = arith.constant 0 : i32
        %dma_wait3A_1312 = tpu.memref_slice %dma_wait3A_1310[%dma_wait3A_1302, %dma_wait3A_1311] : memref<5x40xi32, #tpu.memory_space<vmem>> -> memref<1x40xi32, #tpu.memory_space<vmem>>
        %dma_wait3A_1313 = tpu.memref_squeeze %dma_wait3A_1312 : memref<1x40xi32, #tpu.memory_space<vmem>> -> memref<40xi32, #tpu.memory_space<vmem>>
        %dma_wait3A_1314 = arith.constant 0 : i32
        %dma_wait3A_1315 = arith.constant 0 : i32
        %dma_wait3A_1316 = tpu.memref_slice %arg9[%dma_wait3A_1314, %dma_wait3A_1315] : memref<10240x128xf32, #tpu.memory_space<vmem_shared>> -> memref<10240x128xf32, #tpu.memory_space<vmem_shared>>
        tpu.wait_indirect_dma semaphore(%arg19 : memref<!tpu.dma_semaphore, #tpu.memory_space<semaphore_mem>>) src(%dma_wait3A_1306 : memref<40x128xf32, #tpu.memory_space<vmem>>) dst(%dma_wait3A_1316 : memref<10240x128xf32, #tpu.memory_space<vmem_shared>>)
      } else {
      }
      %dma_start3A_569 = arith.constant 0 : i32
      %dma_start3A_570 = arith.constant 2 : i32
      %dma_start3A_571 = arith.constant 2 : i32
      %dma_start3A_572 = arith.constant 0 : i32
      %dma_start3A_573 = arith.constant 0 : i32
      %dma_start3A_574 = tpu.memref_slice %arg8[%dma_start3A_571, %dma_start3A_572, %dma_start3A_573] : memref<5x40x128xf32, #tpu.memory_space<vmem>> -> memref<1x40x128xf32, #tpu.memory_space<vmem>>
      %dma_start3A_575 = tpu.memref_squeeze %dma_start3A_574 : memref<1x40x128xf32, #tpu.memory_space<vmem>> -> memref<40x128xf32, #tpu.memory_space<vmem>>
      %dma_start3A_576 = arith.constant 0 : i32
      %dma_start3A_577 = arith.constant 0 : i32
      %dma_start3A_578 = tpu.memref_slice %arg6[%dma_start3A_569, %dma_start3A_576, %dma_start3A_577] : memref<2x5x40xi32, #tpu.memory_space<vmem>> -> memref<1x5x40xi32, #tpu.memory_space<vmem>>
      %dma_start3A_579 = tpu.memref_squeeze %dma_start3A_578 : memref<1x5x40xi32, #tpu.memory_space<vmem>> -> memref<5x40xi32, #tpu.memory_space<vmem>>
      %dma_start3A_580 = arith.constant 0 : i32
      %dma_start3A_581 = tpu.memref_slice %dma_start3A_579[%dma_start3A_570, %dma_start3A_580] : memref<5x40xi32, #tpu.memory_space<vmem>> -> memref<1x40xi32, #tpu.memory_space<vmem>>
      %dma_start3A_582 = tpu.memref_squeeze %dma_start3A_581 : memref<1x40xi32, #tpu.memory_space<vmem>> -> memref<40xi32, #tpu.memory_space<vmem>>
      %dma_start3A_583 = arith.constant 0 : i32
      %dma_start3A_584 = arith.constant 0 : i32
      %dma_start3A_585 = tpu.memref_slice %arg2[%dma_start3A_583, %dma_start3A_584] : memref<80000x128xf32, #tpu.memory_space<hbm>> -> memref<80000x128xf32, #tpu.memory_space<hbm>>
      tpu.enqueue_indirect_dma source(%dma_start3A_585 : memref<80000x128xf32, #tpu.memory_space<hbm>>) target(%dma_start3A_575 : memref<40x128xf32, #tpu.memory_space<vmem>>) offsets(%dma_start3A_582 : memref<40xi32, #tpu.memory_space<vmem>>) semaphore(%arg14 : memref<!tpu.dma_semaphore, #tpu.memory_space<semaphore_mem>>)
      %gt3A_586 = arith.constant 0 : i32
      %gt3A_587 = arith.cmpi sgt, %add3A_319, %gt3A_586 : i32
      %convert_element_type3A_588 = arith.extui %gt3A_587 : i1 to i32
      %cond3A_589 = arith.constant 0 : i32
      %cond3A_590 = arith.cmpi ne, %convert_element_type3A_588, %cond3A_589 : i32
      scf.if %cond3A_590 {
        %dma_wait3A_1300 = arith.constant 3 : i32
        %dma_wait3A_1301 = arith.constant 1 : i32
        %dma_wait3A_1302 = arith.constant 3 : i32
        %dma_wait3A_1303 = arith.constant 0 : i32
        %dma_wait3A_1304 = arith.constant 0 : i32
        %dma_wait3A_1305 = tpu.memref_slice %arg8[%dma_wait3A_1300, %dma_wait3A_1303, %dma_wait3A_1304] : memref<5x40x128xf32, #tpu.memory_space<vmem>> -> memref<1x40x128xf32, #tpu.memory_space<vmem>>
        %dma_wait3A_1306 = tpu.memref_squeeze %dma_wait3A_1305 : memref<1x40x128xf32, #tpu.memory_space<vmem>> -> memref<40x128xf32, #tpu.memory_space<vmem>>
        %dma_wait3A_1307 = arith.constant 0 : i32
        %dma_wait3A_1308 = arith.constant 0 : i32
        %dma_wait3A_1309 = tpu.memref_slice %arg7[%dma_wait3A_1301, %dma_wait3A_1307, %dma_wait3A_1308] : memref<2x5x40xi32, #tpu.memory_space<vmem>> -> memref<1x5x40xi32, #tpu.memory_space<vmem>>
        %dma_wait3A_1310 = tpu.memref_squeeze %dma_wait3A_1309 : memref<1x5x40xi32, #tpu.memory_space<vmem>> -> memref<5x40xi32, #tpu.memory_space<vmem>>
        %dma_wait3A_1311 = arith.constant 0 : i32
        %dma_wait3A_1312 = tpu.memref_slice %dma_wait3A_1310[%dma_wait3A_1302, %dma_wait3A_1311] : memref<5x40xi32, #tpu.memory_space<vmem>> -> memref<1x40xi32, #tpu.memory_space<vmem>>
        %dma_wait3A_1313 = tpu.memref_squeeze %dma_wait3A_1312 : memref<1x40xi32, #tpu.memory_space<vmem>> -> memref<40xi32, #tpu.memory_space<vmem>>
        %dma_wait3A_1314 = arith.constant 0 : i32
        %dma_wait3A_1315 = arith.constant 0 : i32
        %dma_wait3A_1316 = tpu.memref_slice %arg9[%dma_wait3A_1314, %dma_wait3A_1315] : memref<10240x128xf32, #tpu.memory_space<vmem_shared>> -> memref<10240x128xf32, #tpu.memory_space<vmem_shared>>
        tpu.wait_indirect_dma semaphore(%arg20 : memref<!tpu.dma_semaphore, #tpu.memory_space<semaphore_mem>>) src(%dma_wait3A_1306 : memref<40x128xf32, #tpu.memory_space<vmem>>) dst(%dma_wait3A_1316 : memref<10240x128xf32, #tpu.memory_space<vmem_shared>>)
      } else {
      }
      %dma_start3A_591 = arith.constant 0 : i32
      %dma_start3A_592 = arith.constant 3 : i32
      %dma_start3A_593 = arith.constant 3 : i32
      %dma_start3A_594 = arith.constant 0 : i32
      %dma_start3A_595 = arith.constant 0 : i32
      %dma_start3A_596 = tpu.memref_slice %arg8[%dma_start3A_593, %dma_start3A_594, %dma_start3A_595] : memref<5x40x128xf32, #tpu.memory_space<vmem>> -> memref<1x40x128xf32, #tpu.memory_space<vmem>>
      %dma_start3A_597 = tpu.memref_squeeze %dma_start3A_596 : memref<1x40x128xf32, #tpu.memory_space<vmem>> -> memref<40x128xf32, #tpu.memory_space<vmem>>
      %dma_start3A_598 = arith.constant 0 : i32
      %dma_start3A_599 = arith.constant 0 : i32
      %dma_start3A_600 = tpu.memref_slice %arg6[%dma_start3A_591, %dma_start3A_598, %dma_start3A_599] : memref<2x5x40xi32, #tpu.memory_space<vmem>> -> memref<1x5x40xi32, #tpu.memory_space<vmem>>
      %dma_start3A_601 = tpu.memref_squeeze %dma_start3A_600 : memref<1x5x40xi32, #tpu.memory_space<vmem>> -> memref<5x40xi32, #tpu.memory_space<vmem>>
      %dma_start3A_602 = arith.constant 0 : i32
      %dma_start3A_603 = tpu.memref_slice %dma_start3A_601[%dma_start3A_592, %dma_start3A_602] : memref<5x40xi32, #tpu.memory_space<vmem>> -> memref<1x40xi32, #tpu.memory_space<vmem>>
      %dma_start3A_604 = tpu.memref_squeeze %dma_start3A_603 : memref<1x40xi32, #tpu.memory_space<vmem>> -> memref<40xi32, #tpu.memory_space<vmem>>
      %dma_start3A_605 = arith.constant 0 : i32
      %dma_start3A_606 = arith.constant 0 : i32
      %dma_start3A_607 = tpu.memref_slice %arg2[%dma_start3A_605, %dma_start3A_606] : memref<80000x128xf32, #tpu.memory_space<hbm>> -> memref<80000x128xf32, #tpu.memory_space<hbm>>
      tpu.enqueue_indirect_dma source(%dma_start3A_607 : memref<80000x128xf32, #tpu.memory_space<hbm>>) target(%dma_start3A_597 : memref<40x128xf32, #tpu.memory_space<vmem>>) offsets(%dma_start3A_604 : memref<40xi32, #tpu.memory_space<vmem>>) semaphore(%arg15 : memref<!tpu.dma_semaphore, #tpu.memory_space<semaphore_mem>>)
      %gt3A_608 = arith.constant 0 : i32
      %gt3A_609 = arith.cmpi sgt, %add3A_319, %gt3A_608 : i32
      %convert_element_type3A_610 = arith.extui %gt3A_609 : i1 to i32
      %cond3A_611 = arith.constant 0 : i32
      %cond3A_612 = arith.cmpi ne, %convert_element_type3A_610, %cond3A_611 : i32
      scf.if %cond3A_612 {
        %dma_wait3A_1300 = arith.constant 4 : i32
        %dma_wait3A_1301 = arith.constant 1 : i32
        %dma_wait3A_1302 = arith.constant 4 : i32
        %dma_wait3A_1303 = arith.constant 0 : i32
        %dma_wait3A_1304 = arith.constant 0 : i32
        %dma_wait3A_1305 = tpu.memref_slice %arg8[%dma_wait3A_1300, %dma_wait3A_1303, %dma_wait3A_1304] : memref<5x40x128xf32, #tpu.memory_space<vmem>> -> memref<1x40x128xf32, #tpu.memory_space<vmem>>
        %dma_wait3A_1306 = tpu.memref_squeeze %dma_wait3A_1305 : memref<1x40x128xf32, #tpu.memory_space<vmem>> -> memref<40x128xf32, #tpu.memory_space<vmem>>
        %dma_wait3A_1307 = arith.constant 0 : i32
        %dma_wait3A_1308 = arith.constant 0 : i32
        %dma_wait3A_1309 = tpu.memref_slice %arg7[%dma_wait3A_1301, %dma_wait3A_1307, %dma_wait3A_1308] : memref<2x5x40xi32, #tpu.memory_space<vmem>> -> memref<1x5x40xi32, #tpu.memory_space<vmem>>
        %dma_wait3A_1310 = tpu.memref_squeeze %dma_wait3A_1309 : memref<1x5x40xi32, #tpu.memory_space<vmem>> -> memref<5x40xi32, #tpu.memory_space<vmem>>
        %dma_wait3A_1311 = arith.constant 0 : i32
        %dma_wait3A_1312 = tpu.memref_slice %dma_wait3A_1310[%dma_wait3A_1302, %dma_wait3A_1311] : memref<5x40xi32, #tpu.memory_space<vmem>> -> memref<1x40xi32, #tpu.memory_space<vmem>>
        %dma_wait3A_1313 = tpu.memref_squeeze %dma_wait3A_1312 : memref<1x40xi32, #tpu.memory_space<vmem>> -> memref<40xi32, #tpu.memory_space<vmem>>
        %dma_wait3A_1314 = arith.constant 0 : i32
        %dma_wait3A_1315 = arith.constant 0 : i32
        %dma_wait3A_1316 = tpu.memref_slice %arg9[%dma_wait3A_1314, %dma_wait3A_1315] : memref<10240x128xf32, #tpu.memory_space<vmem_shared>> -> memref<10240x128xf32, #tpu.memory_space<vmem_shared>>
        tpu.wait_indirect_dma semaphore(%arg21 : memref<!tpu.dma_semaphore, #tpu.memory_space<semaphore_mem>>) src(%dma_wait3A_1306 : memref<40x128xf32, #tpu.memory_space<vmem>>) dst(%dma_wait3A_1316 : memref<10240x128xf32, #tpu.memory_space<vmem_shared>>)
      } else {
      }
      %dma_start3A_613 = arith.constant 0 : i32
      %dma_start3A_614 = arith.constant 4 : i32
      %dma_start3A_615 = arith.constant 4 : i32
      %dma_start3A_616 = arith.constant 0 : i32
      %dma_start3A_617 = arith.constant 0 : i32
      %dma_start3A_618 = tpu.memref_slice %arg8[%dma_start3A_615, %dma_start3A_616, %dma_start3A_617] : memref<5x40x128xf32, #tpu.memory_space<vmem>> -> memref<1x40x128xf32, #tpu.memory_space<vmem>>
      %dma_start3A_619 = tpu.memref_squeeze %dma_start3A_618 : memref<1x40x128xf32, #tpu.memory_space<vmem>> -> memref<40x128xf32, #tpu.memory_space<vmem>>
      %dma_start3A_620 = arith.constant 0 : i32
      %dma_start3A_621 = arith.constant 0 : i32
      %dma_start3A_622 = tpu.memref_slice %arg6[%dma_start3A_613, %dma_start3A_620, %dma_start3A_621] : memref<2x5x40xi32, #tpu.memory_space<vmem>> -> memref<1x5x40xi32, #tpu.memory_space<vmem>>
      %dma_start3A_623 = tpu.memref_squeeze %dma_start3A_622 : memref<1x5x40xi32, #tpu.memory_space<vmem>> -> memref<5x40xi32, #tpu.memory_space<vmem>>
      %dma_start3A_624 = arith.constant 0 : i32
      %dma_start3A_625 = tpu.memref_slice %dma_start3A_623[%dma_start3A_614, %dma_start3A_624] : memref<5x40xi32, #tpu.memory_space<vmem>> -> memref<1x40xi32, #tpu.memory_space<vmem>>
      %dma_start3A_626 = tpu.memref_squeeze %dma_start3A_625 : memref<1x40xi32, #tpu.memory_space<vmem>> -> memref<40xi32, #tpu.memory_space<vmem>>
      %dma_start3A_627 = arith.constant 0 : i32
      %dma_start3A_628 = arith.constant 0 : i32
      %dma_start3A_629 = tpu.memref_slice %arg2[%dma_start3A_627, %dma_start3A_628] : memref<80000x128xf32, #tpu.memory_space<hbm>> -> memref<80000x128xf32, #tpu.memory_space<hbm>>
      tpu.enqueue_indirect_dma source(%dma_start3A_629 : memref<80000x128xf32, #tpu.memory_space<hbm>>) target(%dma_start3A_619 : memref<40x128xf32, #tpu.memory_space<vmem>>) offsets(%dma_start3A_626 : memref<40xi32, #tpu.memory_space<vmem>>) semaphore(%arg16 : memref<!tpu.dma_semaphore, #tpu.memory_space<semaphore_mem>>)
      %add3A_630 = arith.constant 1 : i32
      %add3A_631 = arith.addi %add3A_319, %add3A_630 : i32
      %lt3A = arith.constant 50 : i32
      %lt3A_632 = arith.cmpi slt, %add3A_631, %lt3A : i32
      %convert_element_type3A_633 = arith.extui %lt3A_632 : i1 to i32
      %cond3A_634 = arith.constant 0 : i32
      %cond3A_635 = arith.cmpi ne, %convert_element_type3A_633, %cond3A_634 : i32
      scf.if %cond3A_635 {
        %add3A_1300 = arith.constant 1 : i32
        %add3A_1301 = arith.addi %add3A_319, %add3A_1300 : i32
        %mul3A_1302 = arith.constant 200 : i32
        %mul3A_1303 = arith.muli %add3A_1301, %mul3A_1302 : i32
        %add3A_1304 = arith.addi %mul3A_4, %mul3A_1303 : i32
        %add3A_1305 = arith.constant 0 : i32
        %add3A_1306 = arith.addi %add3A_1304, %add3A_1305 : i32
        %dma_start3A_1307 = arith.constant 1 : i32
        %dma_start3A_1308 = arith.constant 0 : i32
        %dma_start3A_1309 = arith.constant 0 : i32
        %dma_start3A_1310 = arith.constant 0 : i32
        %dma_start3A_1311 = tpu.memref_slice %arg6[%dma_start3A_1307, %dma_start3A_1309, %dma_start3A_1310] : memref<2x5x40xi32, #tpu.memory_space<vmem>> -> memref<1x5x40xi32, #tpu.memory_space<vmem>>
        %dma_start3A_1312 = tpu.memref_squeeze %dma_start3A_1311 : memref<1x5x40xi32, #tpu.memory_space<vmem>> -> memref<5x40xi32, #tpu.memory_space<vmem>>
        %dma_start3A_1313 = arith.constant 0 : i32
        %dma_start3A_1314 = tpu.memref_slice %dma_start3A_1312[%dma_start3A_1308, %dma_start3A_1313] : memref<5x40xi32, #tpu.memory_space<vmem>> -> memref<1x40xi32, #tpu.memory_space<vmem>>
        %dma_start3A_1315 = tpu.memref_squeeze %dma_start3A_1314 : memref<1x40xi32, #tpu.memory_space<vmem>> -> memref<40xi32, #tpu.memory_space<vmem>>
        %dma_start3A_1316 = tpu.memref_slice %arg3[%add3A_1306] : memref<320000xi32, #tpu.memory_space<hbm>> -> memref<40xi32, #tpu.memory_space<hbm>>
        %dma_start3A_1317 = arith.constant 0 : i32
        %dma_start3A_1318 = arith.constant 0 : i32
        %dma_start3A_1319 = tpu.memref_slice %arg6[%dma_start3A_1307, %dma_start3A_1317, %dma_start3A_1318] : memref<2x5x40xi32, #tpu.memory_space<vmem>> -> memref<1x5x40xi32, #tpu.memory_space<vmem>>
        %dma_start3A_1320 = tpu.memref_squeeze %dma_start3A_1319 : memref<1x5x40xi32, #tpu.memory_space<vmem>> -> memref<5x40xi32, #tpu.memory_space<vmem>>
        %dma_start3A_1321 = arith.constant 0 : i32
        %dma_start3A_1322 = tpu.memref_slice %dma_start3A_1320[%dma_start3A_1308, %dma_start3A_1321] : memref<5x40xi32, #tpu.memory_space<vmem>> -> memref<1x40xi32, #tpu.memory_space<vmem>>
        %dma_start3A_1323 = tpu.memref_squeeze %dma_start3A_1322 : memref<1x40xi32, #tpu.memory_space<vmem>> -> memref<40xi32, #tpu.memory_space<vmem>>
        %dma_start3A_1324 = tpu.memref_slice %arg3[%add3A_1306] : memref<320000xi32, #tpu.memory_space<hbm>> -> memref<40xi32, #tpu.memory_space<hbm>>
        tpu.enqueue_dma source(%dma_start3A_1324 : memref<40xi32, #tpu.memory_space<hbm>>) target(%dma_start3A_1323 : memref<40xi32, #tpu.memory_space<vmem>>) target_semaphore(%arg11 : memref<!tpu.dma_semaphore, #tpu.memory_space<semaphore_mem>>)
        %add3A_1325 = arith.constant 0 : i32
        %add3A_1326 = arith.addi %add3A_1304, %add3A_1325 : i32
        %dma_start3A_1327 = arith.constant 1 : i32
        %dma_start3A_1328 = arith.constant 0 : i32
        %dma_start3A_1329 = arith.constant 0 : i32
        %dma_start3A_1330 = arith.constant 0 : i32
        %dma_start3A_1331 = tpu.memref_slice %arg7[%dma_start3A_1327, %dma_start3A_1329, %dma_start3A_1330] : memref<2x5x40xi32, #tpu.memory_space<vmem>> -> memref<1x5x40xi32, #tpu.memory_space<vmem>>
        %dma_start3A_1332 = tpu.memref_squeeze %dma_start3A_1331 : memref<1x5x40xi32, #tpu.memory_space<vmem>> -> memref<5x40xi32, #tpu.memory_space<vmem>>
        %dma_start3A_1333 = arith.constant 0 : i32
        %dma_start3A_1334 = tpu.memref_slice %dma_start3A_1332[%dma_start3A_1328, %dma_start3A_1333] : memref<5x40xi32, #tpu.memory_space<vmem>> -> memref<1x40xi32, #tpu.memory_space<vmem>>
        %dma_start3A_1335 = tpu.memref_squeeze %dma_start3A_1334 : memref<1x40xi32, #tpu.memory_space<vmem>> -> memref<40xi32, #tpu.memory_space<vmem>>
        %dma_start3A_1336 = tpu.memref_slice %arg4[%add3A_1326] : memref<320000xi32, #tpu.memory_space<hbm>> -> memref<40xi32, #tpu.memory_space<hbm>>
        %dma_start3A_1337 = arith.constant 0 : i32
        %dma_start3A_1338 = arith.constant 0 : i32
        %dma_start3A_1339 = tpu.memref_slice %arg7[%dma_start3A_1327, %dma_start3A_1337, %dma_start3A_1338] : memref<2x5x40xi32, #tpu.memory_space<vmem>> -> memref<1x5x40xi32, #tpu.memory_space<vmem>>
        %dma_start3A_1340 = tpu.memref_squeeze %dma_start3A_1339 : memref<1x5x40xi32, #tpu.memory_space<vmem>> -> memref<5x40xi32, #tpu.memory_space<vmem>>
        %dma_start3A_1341 = arith.constant 0 : i32
        %dma_start3A_1342 = tpu.memref_slice %dma_start3A_1340[%dma_start3A_1328, %dma_start3A_1341] : memref<5x40xi32, #tpu.memory_space<vmem>> -> memref<1x40xi32, #tpu.memory_space<vmem>>
        %dma_start3A_1343 = tpu.memref_squeeze %dma_start3A_1342 : memref<1x40xi32, #tpu.memory_space<vmem>> -> memref<40xi32, #tpu.memory_space<vmem>>
        %dma_start3A_1344 = tpu.memref_slice %arg4[%add3A_1326] : memref<320000xi32, #tpu.memory_space<hbm>> -> memref<40xi32, #tpu.memory_space<hbm>>
        tpu.enqueue_dma source(%dma_start3A_1344 : memref<40xi32, #tpu.memory_space<hbm>>) target(%dma_start3A_1343 : memref<40xi32, #tpu.memory_space<vmem>>) target_semaphore(%arg11 : memref<!tpu.dma_semaphore, #tpu.memory_space<semaphore_mem>>)
        %add3A_1345 = arith.constant 40 : i32
        %add3A_1346 = arith.addi %add3A_1304, %add3A_1345 : i32
        %dma_start3A_1347 = arith.constant 1 : i32
        %dma_start3A_1348 = arith.constant 1 : i32
        %dma_start3A_1349 = arith.constant 0 : i32
        %dma_start3A_1350 = arith.constant 0 : i32
        %dma_start3A_1351 = tpu.memref_slice %arg6[%dma_start3A_1347, %dma_start3A_1349, %dma_start3A_1350] : memref<2x5x40xi32, #tpu.memory_space<vmem>> -> memref<1x5x40xi32, #tpu.memory_space<vmem>>
        %dma_start3A_1352 = tpu.memref_squeeze %dma_start3A_1351 : memref<1x5x40xi32, #tpu.memory_space<vmem>> -> memref<5x40xi32, #tpu.memory_space<vmem>>
        %dma_start3A_1353 = arith.constant 0 : i32
        %dma_start3A_1354 = tpu.memref_slice %dma_start3A_1352[%dma_start3A_1348, %dma_start3A_1353] : memref<5x40xi32, #tpu.memory_space<vmem>> -> memref<1x40xi32, #tpu.memory_space<vmem>>
        %dma_start3A_1355 = tpu.memref_squeeze %dma_start3A_1354 : memref<1x40xi32, #tpu.memory_space<vmem>> -> memref<40xi32, #tpu.memory_space<vmem>>
        %dma_start3A_1356 = tpu.memref_slice %arg3[%add3A_1346] : memref<320000xi32, #tpu.memory_space<hbm>> -> memref<40xi32, #tpu.memory_space<hbm>>
        %dma_start3A_1357 = arith.constant 0 : i32
        %dma_start3A_1358 = arith.constant 0 : i32
        %dma_start3A_1359 = tpu.memref_slice %arg6[%dma_start3A_1347, %dma_start3A_1357, %dma_start3A_1358] : memref<2x5x40xi32, #tpu.memory_space<vmem>> -> memref<1x5x40xi32, #tpu.memory_space<vmem>>
        %dma_start3A_1360 = tpu.memref_squeeze %dma_start3A_1359 : memref<1x5x40xi32, #tpu.memory_space<vmem>> -> memref<5x40xi32, #tpu.memory_space<vmem>>
        %dma_start3A_1361 = arith.constant 0 : i32
        %dma_start3A_1362 = tpu.memref_slice %dma_start3A_1360[%dma_start3A_1348, %dma_start3A_1361] : memref<5x40xi32, #tpu.memory_space<vmem>> -> memref<1x40xi32, #tpu.memory_space<vmem>>
        %dma_start3A_1363 = tpu.memref_squeeze %dma_start3A_1362 : memref<1x40xi32, #tpu.memory_space<vmem>> -> memref<40xi32, #tpu.memory_space<vmem>>
        %dma_start3A_1364 = tpu.memref_slice %arg3[%add3A_1346] : memref<320000xi32, #tpu.memory_space<hbm>> -> memref<40xi32, #tpu.memory_space<hbm>>
        tpu.enqueue_dma source(%dma_start3A_1364 : memref<40xi32, #tpu.memory_space<hbm>>) target(%dma_start3A_1363 : memref<40xi32, #tpu.memory_space<vmem>>) target_semaphore(%arg11 : memref<!tpu.dma_semaphore, #tpu.memory_space<semaphore_mem>>)
        %add3A_1365 = arith.constant 40 : i32
        %add3A_1366 = arith.addi %add3A_1304, %add3A_1365 : i32
        %dma_start3A_1367 = arith.constant 1 : i32
        %dma_start3A_1368 = arith.constant 1 : i32
        %dma_start3A_1369 = arith.constant 0 : i32
        %dma_start3A_1370 = arith.constant 0 : i32
        %dma_start3A_1371 = tpu.memref_slice %arg7[%dma_start3A_1367, %dma_start3A_1369, %dma_start3A_1370] : memref<2x5x40xi32, #tpu.memory_space<vmem>> -> memref<1x5x40xi32, #tpu.memory_space<vmem>>
        %dma_start3A_1372 = tpu.memref_squeeze %dma_start3A_1371 : memref<1x5x40xi32, #tpu.memory_space<vmem>> -> memref<5x40xi32, #tpu.memory_space<vmem>>
        %dma_start3A_1373 = arith.constant 0 : i32
        %dma_start3A_1374 = tpu.memref_slice %dma_start3A_1372[%dma_start3A_1368, %dma_start3A_1373] : memref<5x40xi32, #tpu.memory_space<vmem>> -> memref<1x40xi32, #tpu.memory_space<vmem>>
        %dma_start3A_1375 = tpu.memref_squeeze %dma_start3A_1374 : memref<1x40xi32, #tpu.memory_space<vmem>> -> memref<40xi32, #tpu.memory_space<vmem>>
        %dma_start3A_1376 = tpu.memref_slice %arg4[%add3A_1366] : memref<320000xi32, #tpu.memory_space<hbm>> -> memref<40xi32, #tpu.memory_space<hbm>>
        %dma_start3A_1377 = arith.constant 0 : i32
        %dma_start3A_1378 = arith.constant 0 : i32
        %dma_start3A_1379 = tpu.memref_slice %arg7[%dma_start3A_1367, %dma_start3A_1377, %dma_start3A_1378] : memref<2x5x40xi32, #tpu.memory_space<vmem>> -> memref<1x5x40xi32, #tpu.memory_space<vmem>>
        %dma_start3A_1380 = tpu.memref_squeeze %dma_start3A_1379 : memref<1x5x40xi32, #tpu.memory_space<vmem>> -> memref<5x40xi32, #tpu.memory_space<vmem>>
        %dma_start3A_1381 = arith.constant 0 : i32
        %dma_start3A_1382 = tpu.memref_slice %dma_start3A_1380[%dma_start3A_1368, %dma_start3A_1381] : memref<5x40xi32, #tpu.memory_space<vmem>> -> memref<1x40xi32, #tpu.memory_space<vmem>>
        %dma_start3A_1383 = tpu.memref_squeeze %dma_start3A_1382 : memref<1x40xi32, #tpu.memory_space<vmem>> -> memref<40xi32, #tpu.memory_space<vmem>>
        %dma_start3A_1384 = tpu.memref_slice %arg4[%add3A_1366] : memref<320000xi32, #tpu.memory_space<hbm>> -> memref<40xi32, #tpu.memory_space<hbm>>
        tpu.enqueue_dma source(%dma_start3A_1384 : memref<40xi32, #tpu.memory_space<hbm>>) target(%dma_start3A_1383 : memref<40xi32, #tpu.memory_space<vmem>>) target_semaphore(%arg11 : memref<!tpu.dma_semaphore, #tpu.memory_space<semaphore_mem>>)
        %add3A_1385 = arith.constant 80 : i32
        %add3A_1386 = arith.addi %add3A_1304, %add3A_1385 : i32
        %dma_start3A_1387 = arith.constant 1 : i32
        %dma_start3A_1388 = arith.constant 2 : i32
        %dma_start3A_1389 = arith.constant 0 : i32
        %dma_start3A_1390 = arith.constant 0 : i32
        %dma_start3A_1391 = tpu.memref_slice %arg6[%dma_start3A_1387, %dma_start3A_1389, %dma_start3A_1390] : memref<2x5x40xi32, #tpu.memory_space<vmem>> -> memref<1x5x40xi32, #tpu.memory_space<vmem>>
        %dma_start3A_1392 = tpu.memref_squeeze %dma_start3A_1391 : memref<1x5x40xi32, #tpu.memory_space<vmem>> -> memref<5x40xi32, #tpu.memory_space<vmem>>
        %dma_start3A_1393 = arith.constant 0 : i32
        %dma_start3A_1394 = tpu.memref_slice %dma_start3A_1392[%dma_start3A_1388, %dma_start3A_1393] : memref<5x40xi32, #tpu.memory_space<vmem>> -> memref<1x40xi32, #tpu.memory_space<vmem>>
        %dma_start3A_1395 = tpu.memref_squeeze %dma_start3A_1394 : memref<1x40xi32, #tpu.memory_space<vmem>> -> memref<40xi32, #tpu.memory_space<vmem>>
        %dma_start3A_1396 = tpu.memref_slice %arg3[%add3A_1386] : memref<320000xi32, #tpu.memory_space<hbm>> -> memref<40xi32, #tpu.memory_space<hbm>>
        %dma_start3A_1397 = arith.constant 0 : i32
        %dma_start3A_1398 = arith.constant 0 : i32
        %dma_start3A_1399 = tpu.memref_slice %arg6[%dma_start3A_1387, %dma_start3A_1397, %dma_start3A_1398] : memref<2x5x40xi32, #tpu.memory_space<vmem>> -> memref<1x5x40xi32, #tpu.memory_space<vmem>>
        %dma_start3A_1400 = tpu.memref_squeeze %dma_start3A_1399 : memref<1x5x40xi32, #tpu.memory_space<vmem>> -> memref<5x40xi32, #tpu.memory_space<vmem>>
        %dma_start3A_1401 = arith.constant 0 : i32
        %dma_start3A_1402 = tpu.memref_slice %dma_start3A_1400[%dma_start3A_1388, %dma_start3A_1401] : memref<5x40xi32, #tpu.memory_space<vmem>> -> memref<1x40xi32, #tpu.memory_space<vmem>>
        %dma_start3A_1403 = tpu.memref_squeeze %dma_start3A_1402 : memref<1x40xi32, #tpu.memory_space<vmem>> -> memref<40xi32, #tpu.memory_space<vmem>>
        %dma_start3A_1404 = tpu.memref_slice %arg3[%add3A_1386] : memref<320000xi32, #tpu.memory_space<hbm>> -> memref<40xi32, #tpu.memory_space<hbm>>
        tpu.enqueue_dma source(%dma_start3A_1404 : memref<40xi32, #tpu.memory_space<hbm>>) target(%dma_start3A_1403 : memref<40xi32, #tpu.memory_space<vmem>>) target_semaphore(%arg11 : memref<!tpu.dma_semaphore, #tpu.memory_space<semaphore_mem>>)
        %add3A_1405 = arith.constant 80 : i32
        %add3A_1406 = arith.addi %add3A_1304, %add3A_1405 : i32
        %dma_start3A_1407 = arith.constant 1 : i32
        %dma_start3A_1408 = arith.constant 2 : i32
        %dma_start3A_1409 = arith.constant 0 : i32
        %dma_start3A_1410 = arith.constant 0 : i32
        %dma_start3A_1411 = tpu.memref_slice %arg7[%dma_start3A_1407, %dma_start3A_1409, %dma_start3A_1410] : memref<2x5x40xi32, #tpu.memory_space<vmem>> -> memref<1x5x40xi32, #tpu.memory_space<vmem>>
        %dma_start3A_1412 = tpu.memref_squeeze %dma_start3A_1411 : memref<1x5x40xi32, #tpu.memory_space<vmem>> -> memref<5x40xi32, #tpu.memory_space<vmem>>
        %dma_start3A_1413 = arith.constant 0 : i32
        %dma_start3A_1414 = tpu.memref_slice %dma_start3A_1412[%dma_start3A_1408, %dma_start3A_1413] : memref<5x40xi32, #tpu.memory_space<vmem>> -> memref<1x40xi32, #tpu.memory_space<vmem>>
        %dma_start3A_1415 = tpu.memref_squeeze %dma_start3A_1414 : memref<1x40xi32, #tpu.memory_space<vmem>> -> memref<40xi32, #tpu.memory_space<vmem>>
        %dma_start3A_1416 = tpu.memref_slice %arg4[%add3A_1406] : memref<320000xi32, #tpu.memory_space<hbm>> -> memref<40xi32, #tpu.memory_space<hbm>>
        %dma_start3A_1417 = arith.constant 0 : i32
        %dma_start3A_1418 = arith.constant 0 : i32
        %dma_start3A_1419 = tpu.memref_slice %arg7[%dma_start3A_1407, %dma_start3A_1417, %dma_start3A_1418] : memref<2x5x40xi32, #tpu.memory_space<vmem>> -> memref<1x5x40xi32, #tpu.memory_space<vmem>>
        %dma_start3A_1420 = tpu.memref_squeeze %dma_start3A_1419 : memref<1x5x40xi32, #tpu.memory_space<vmem>> -> memref<5x40xi32, #tpu.memory_space<vmem>>
        %dma_start3A_1421 = arith.constant 0 : i32
        %dma_start3A_1422 = tpu.memref_slice %dma_start3A_1420[%dma_start3A_1408, %dma_start3A_1421] : memref<5x40xi32, #tpu.memory_space<vmem>> -> memref<1x40xi32, #tpu.memory_space<vmem>>
        %dma_start3A_1423 = tpu.memref_squeeze %dma_start3A_1422 : memref<1x40xi32, #tpu.memory_space<vmem>> -> memref<40xi32, #tpu.memory_space<vmem>>
        %dma_start3A_1424 = tpu.memref_slice %arg4[%add3A_1406] : memref<320000xi32, #tpu.memory_space<hbm>> -> memref<40xi32, #tpu.memory_space<hbm>>
        tpu.enqueue_dma source(%dma_start3A_1424 : memref<40xi32, #tpu.memory_space<hbm>>) target(%dma_start3A_1423 : memref<40xi32, #tpu.memory_space<vmem>>) target_semaphore(%arg11 : memref<!tpu.dma_semaphore, #tpu.memory_space<semaphore_mem>>)
        %add3A_1425 = arith.constant 120 : i32
        %add3A_1426 = arith.addi %add3A_1304, %add3A_1425 : i32
        %dma_start3A_1427 = arith.constant 1 : i32
        %dma_start3A_1428 = arith.constant 3 : i32
        %dma_start3A_1429 = arith.constant 0 : i32
        %dma_start3A_1430 = arith.constant 0 : i32
        %dma_start3A_1431 = tpu.memref_slice %arg6[%dma_start3A_1427, %dma_start3A_1429, %dma_start3A_1430] : memref<2x5x40xi32, #tpu.memory_space<vmem>> -> memref<1x5x40xi32, #tpu.memory_space<vmem>>
        %dma_start3A_1432 = tpu.memref_squeeze %dma_start3A_1431 : memref<1x5x40xi32, #tpu.memory_space<vmem>> -> memref<5x40xi32, #tpu.memory_space<vmem>>
        %dma_start3A_1433 = arith.constant 0 : i32
        %dma_start3A_1434 = tpu.memref_slice %dma_start3A_1432[%dma_start3A_1428, %dma_start3A_1433] : memref<5x40xi32, #tpu.memory_space<vmem>> -> memref<1x40xi32, #tpu.memory_space<vmem>>
        %dma_start3A_1435 = tpu.memref_squeeze %dma_start3A_1434 : memref<1x40xi32, #tpu.memory_space<vmem>> -> memref<40xi32, #tpu.memory_space<vmem>>
        %dma_start3A_1436 = tpu.memref_slice %arg3[%add3A_1426] : memref<320000xi32, #tpu.memory_space<hbm>> -> memref<40xi32, #tpu.memory_space<hbm>>
        %dma_start3A_1437 = arith.constant 0 : i32
        %dma_start3A_1438 = arith.constant 0 : i32
        %dma_start3A_1439 = tpu.memref_slice %arg6[%dma_start3A_1427, %dma_start3A_1437, %dma_start3A_1438] : memref<2x5x40xi32, #tpu.memory_space<vmem>> -> memref<1x5x40xi32, #tpu.memory_space<vmem>>
        %dma_start3A_1440 = tpu.memref_squeeze %dma_start3A_1439 : memref<1x5x40xi32, #tpu.memory_space<vmem>> -> memref<5x40xi32, #tpu.memory_space<vmem>>
        %dma_start3A_1441 = arith.constant 0 : i32
        %dma_start3A_1442 = tpu.memref_slice %dma_start3A_1440[%dma_start3A_1428, %dma_start3A_1441] : memref<5x40xi32, #tpu.memory_space<vmem>> -> memref<1x40xi32, #tpu.memory_space<vmem>>
        %dma_start3A_1443 = tpu.memref_squeeze %dma_start3A_1442 : memref<1x40xi32, #tpu.memory_space<vmem>> -> memref<40xi32, #tpu.memory_space<vmem>>
        %dma_start3A_1444 = tpu.memref_slice %arg3[%add3A_1426] : memref<320000xi32, #tpu.memory_space<hbm>> -> memref<40xi32, #tpu.memory_space<hbm>>
        tpu.enqueue_dma source(%dma_start3A_1444 : memref<40xi32, #tpu.memory_space<hbm>>) target(%dma_start3A_1443 : memref<40xi32, #tpu.memory_space<vmem>>) target_semaphore(%arg11 : memref<!tpu.dma_semaphore, #tpu.memory_space<semaphore_mem>>)
        %add3A_1445 = arith.constant 120 : i32
        %add3A_1446 = arith.addi %add3A_1304, %add3A_1445 : i32
        %dma_start3A_1447 = arith.constant 1 : i32
        %dma_start3A_1448 = arith.constant 3 : i32
        %dma_start3A_1449 = arith.constant 0 : i32
        %dma_start3A_1450 = arith.constant 0 : i32
        %dma_start3A_1451 = tpu.memref_slice %arg7[%dma_start3A_1447, %dma_start3A_1449, %dma_start3A_1450] : memref<2x5x40xi32, #tpu.memory_space<vmem>> -> memref<1x5x40xi32, #tpu.memory_space<vmem>>
        %dma_start3A_1452 = tpu.memref_squeeze %dma_start3A_1451 : memref<1x5x40xi32, #tpu.memory_space<vmem>> -> memref<5x40xi32, #tpu.memory_space<vmem>>
        %dma_start3A_1453 = arith.constant 0 : i32
        %dma_start3A_1454 = tpu.memref_slice %dma_start3A_1452[%dma_start3A_1448, %dma_start3A_1453] : memref<5x40xi32, #tpu.memory_space<vmem>> -> memref<1x40xi32, #tpu.memory_space<vmem>>
        %dma_start3A_1455 = tpu.memref_squeeze %dma_start3A_1454 : memref<1x40xi32, #tpu.memory_space<vmem>> -> memref<40xi32, #tpu.memory_space<vmem>>
        %dma_start3A_1456 = tpu.memref_slice %arg4[%add3A_1446] : memref<320000xi32, #tpu.memory_space<hbm>> -> memref<40xi32, #tpu.memory_space<hbm>>
        %dma_start3A_1457 = arith.constant 0 : i32
        %dma_start3A_1458 = arith.constant 0 : i32
        %dma_start3A_1459 = tpu.memref_slice %arg7[%dma_start3A_1447, %dma_start3A_1457, %dma_start3A_1458] : memref<2x5x40xi32, #tpu.memory_space<vmem>> -> memref<1x5x40xi32, #tpu.memory_space<vmem>>
        %dma_start3A_1460 = tpu.memref_squeeze %dma_start3A_1459 : memref<1x5x40xi32, #tpu.memory_space<vmem>> -> memref<5x40xi32, #tpu.memory_space<vmem>>
        %dma_start3A_1461 = arith.constant 0 : i32
        %dma_start3A_1462 = tpu.memref_slice %dma_start3A_1460[%dma_start3A_1448, %dma_start3A_1461] : memref<5x40xi32, #tpu.memory_space<vmem>> -> memref<1x40xi32, #tpu.memory_space<vmem>>
        %dma_start3A_1463 = tpu.memref_squeeze %dma_start3A_1462 : memref<1x40xi32, #tpu.memory_space<vmem>> -> memref<40xi32, #tpu.memory_space<vmem>>
        %dma_start3A_1464 = tpu.memref_slice %arg4[%add3A_1446] : memref<320000xi32, #tpu.memory_space<hbm>> -> memref<40xi32, #tpu.memory_space<hbm>>
        tpu.enqueue_dma source(%dma_start3A_1464 : memref<40xi32, #tpu.memory_space<hbm>>) target(%dma_start3A_1463 : memref<40xi32, #tpu.memory_space<vmem>>) target_semaphore(%arg11 : memref<!tpu.dma_semaphore, #tpu.memory_space<semaphore_mem>>)
        %add3A_1465 = arith.constant 160 : i32
        %add3A_1466 = arith.addi %add3A_1304, %add3A_1465 : i32
        %dma_start3A_1467 = arith.constant 1 : i32
        %dma_start3A_1468 = arith.constant 4 : i32
        %dma_start3A_1469 = arith.constant 0 : i32
        %dma_start3A_1470 = arith.constant 0 : i32
        %dma_start3A_1471 = tpu.memref_slice %arg6[%dma_start3A_1467, %dma_start3A_1469, %dma_start3A_1470] : memref<2x5x40xi32, #tpu.memory_space<vmem>> -> memref<1x5x40xi32, #tpu.memory_space<vmem>>
        %dma_start3A_1472 = tpu.memref_squeeze %dma_start3A_1471 : memref<1x5x40xi32, #tpu.memory_space<vmem>> -> memref<5x40xi32, #tpu.memory_space<vmem>>
        %dma_start3A_1473 = arith.constant 0 : i32
        %dma_start3A_1474 = tpu.memref_slice %dma_start3A_1472[%dma_start3A_1468, %dma_start3A_1473] : memref<5x40xi32, #tpu.memory_space<vmem>> -> memref<1x40xi32, #tpu.memory_space<vmem>>
        %dma_start3A_1475 = tpu.memref_squeeze %dma_start3A_1474 : memref<1x40xi32, #tpu.memory_space<vmem>> -> memref<40xi32, #tpu.memory_space<vmem>>
        %dma_start3A_1476 = tpu.memref_slice %arg3[%add3A_1466] : memref<320000xi32, #tpu.memory_space<hbm>> -> memref<40xi32, #tpu.memory_space<hbm>>
        %dma_start3A_1477 = arith.constant 0 : i32
        %dma_start3A_1478 = arith.constant 0 : i32
        %dma_start3A_1479 = tpu.memref_slice %arg6[%dma_start3A_1467, %dma_start3A_1477, %dma_start3A_1478] : memref<2x5x40xi32, #tpu.memory_space<vmem>> -> memref<1x5x40xi32, #tpu.memory_space<vmem>>
        %dma_start3A_1480 = tpu.memref_squeeze %dma_start3A_1479 : memref<1x5x40xi32, #tpu.memory_space<vmem>> -> memref<5x40xi32, #tpu.memory_space<vmem>>
        %dma_start3A_1481 = arith.constant 0 : i32
        %dma_start3A_1482 = tpu.memref_slice %dma_start3A_1480[%dma_start3A_1468, %dma_start3A_1481] : memref<5x40xi32, #tpu.memory_space<vmem>> -> memref<1x40xi32, #tpu.memory_space<vmem>>
        %dma_start3A_1483 = tpu.memref_squeeze %dma_start3A_1482 : memref<1x40xi32, #tpu.memory_space<vmem>> -> memref<40xi32, #tpu.memory_space<vmem>>
        %dma_start3A_1484 = tpu.memref_slice %arg3[%add3A_1466] : memref<320000xi32, #tpu.memory_space<hbm>> -> memref<40xi32, #tpu.memory_space<hbm>>
        tpu.enqueue_dma source(%dma_start3A_1484 : memref<40xi32, #tpu.memory_space<hbm>>) target(%dma_start3A_1483 : memref<40xi32, #tpu.memory_space<vmem>>) target_semaphore(%arg11 : memref<!tpu.dma_semaphore, #tpu.memory_space<semaphore_mem>>)
        %add3A_1485 = arith.constant 160 : i32
        %add3A_1486 = arith.addi %add3A_1304, %add3A_1485 : i32
        %dma_start3A_1487 = arith.constant 1 : i32
        %dma_start3A_1488 = arith.constant 4 : i32
        %dma_start3A_1489 = arith.constant 0 : i32
        %dma_start3A_1490 = arith.constant 0 : i32
        %dma_start3A_1491 = tpu.memref_slice %arg7[%dma_start3A_1487, %dma_start3A_1489, %dma_start3A_1490] : memref<2x5x40xi32, #tpu.memory_space<vmem>> -> memref<1x5x40xi32, #tpu.memory_space<vmem>>
        %dma_start3A_1492 = tpu.memref_squeeze %dma_start3A_1491 : memref<1x5x40xi32, #tpu.memory_space<vmem>> -> memref<5x40xi32, #tpu.memory_space<vmem>>
        %dma_start3A_1493 = arith.constant 0 : i32
        %dma_start3A_1494 = tpu.memref_slice %dma_start3A_1492[%dma_start3A_1488, %dma_start3A_1493] : memref<5x40xi32, #tpu.memory_space<vmem>> -> memref<1x40xi32, #tpu.memory_space<vmem>>
        %dma_start3A_1495 = tpu.memref_squeeze %dma_start3A_1494 : memref<1x40xi32, #tpu.memory_space<vmem>> -> memref<40xi32, #tpu.memory_space<vmem>>
        %dma_start3A_1496 = tpu.memref_slice %arg4[%add3A_1486] : memref<320000xi32, #tpu.memory_space<hbm>> -> memref<40xi32, #tpu.memory_space<hbm>>
        %dma_start3A_1497 = arith.constant 0 : i32
        %dma_start3A_1498 = arith.constant 0 : i32
        %dma_start3A_1499 = tpu.memref_slice %arg7[%dma_start3A_1487, %dma_start3A_1497, %dma_start3A_1498] : memref<2x5x40xi32, #tpu.memory_space<vmem>> -> memref<1x5x40xi32, #tpu.memory_space<vmem>>
        %dma_start3A_1500 = tpu.memref_squeeze %dma_start3A_1499 : memref<1x5x40xi32, #tpu.memory_space<vmem>> -> memref<5x40xi32, #tpu.memory_space<vmem>>
        %dma_start3A_1501 = arith.constant 0 : i32
        %dma_start3A_1502 = tpu.memref_slice %dma_start3A_1500[%dma_start3A_1488, %dma_start3A_1501] : memref<5x40xi32, #tpu.memory_space<vmem>> -> memref<1x40xi32, #tpu.memory_space<vmem>>
        %dma_start3A_1503 = tpu.memref_squeeze %dma_start3A_1502 : memref<1x40xi32, #tpu.memory_space<vmem>> -> memref<40xi32, #tpu.memory_space<vmem>>
        %dma_start3A_1504 = tpu.memref_slice %arg4[%add3A_1486] : memref<320000xi32, #tpu.memory_space<hbm>> -> memref<40xi32, #tpu.memory_space<hbm>>
        tpu.enqueue_dma source(%dma_start3A_1504 : memref<40xi32, #tpu.memory_space<hbm>>) target(%dma_start3A_1503 : memref<40xi32, #tpu.memory_space<vmem>>) target_semaphore(%arg11 : memref<!tpu.dma_semaphore, #tpu.memory_space<semaphore_mem>>)
      } else {
      }
      %dma_wait3A_636 = arith.constant 0 : i32
      %dma_wait3A_637 = arith.constant 0 : i32
      %dma_wait3A_638 = arith.constant 0 : i32
      %dma_wait3A_639 = arith.constant 0 : i32
      %dma_wait3A_640 = arith.constant 0 : i32
      %dma_wait3A_641 = tpu.memref_slice %arg8[%dma_wait3A_638, %dma_wait3A_639, %dma_wait3A_640] : memref<5x40x128xf32, #tpu.memory_space<vmem>> -> memref<1x40x128xf32, #tpu.memory_space<vmem>>
      %dma_wait3A_642 = tpu.memref_squeeze %dma_wait3A_641 : memref<1x40x128xf32, #tpu.memory_space<vmem>> -> memref<40x128xf32, #tpu.memory_space<vmem>>
      %dma_wait3A_643 = arith.constant 0 : i32
      %dma_wait3A_644 = arith.constant 0 : i32
      %dma_wait3A_645 = tpu.memref_slice %arg6[%dma_wait3A_636, %dma_wait3A_643, %dma_wait3A_644] : memref<2x5x40xi32, #tpu.memory_space<vmem>> -> memref<1x5x40xi32, #tpu.memory_space<vmem>>
      %dma_wait3A_646 = tpu.memref_squeeze %dma_wait3A_645 : memref<1x5x40xi32, #tpu.memory_space<vmem>> -> memref<5x40xi32, #tpu.memory_space<vmem>>
      %dma_wait3A_647 = arith.constant 0 : i32
      %dma_wait3A_648 = tpu.memref_slice %dma_wait3A_646[%dma_wait3A_637, %dma_wait3A_647] : memref<5x40xi32, #tpu.memory_space<vmem>> -> memref<1x40xi32, #tpu.memory_space<vmem>>
      %dma_wait3A_649 = tpu.memref_squeeze %dma_wait3A_648 : memref<1x40xi32, #tpu.memory_space<vmem>> -> memref<40xi32, #tpu.memory_space<vmem>>
      %dma_wait3A_650 = arith.constant 0 : i32
      %dma_wait3A_651 = arith.constant 0 : i32
      %dma_wait3A_652 = tpu.memref_slice %arg2[%dma_wait3A_650, %dma_wait3A_651] : memref<80000x128xf32, #tpu.memory_space<hbm>> -> memref<80000x128xf32, #tpu.memory_space<hbm>>
      tpu.wait_indirect_dma semaphore(%arg12 : memref<!tpu.dma_semaphore, #tpu.memory_space<semaphore_mem>>) src(%dma_wait3A_652 : memref<80000x128xf32, #tpu.memory_space<hbm>>) dst(%dma_wait3A_642 : memref<40x128xf32, #tpu.memory_space<vmem>>)
      %dma_start3A_653 = arith.constant 0 : i32
      %dma_start3A_654 = arith.constant 0 : i32
      %dma_start3A_655 = arith.constant 0 : i32
      %dma_start3A_656 = arith.constant 0 : i32
      %dma_start3A_657 = arith.constant 0 : i32
      %dma_start3A_658 = tpu.memref_slice %arg8[%dma_start3A_653, %dma_start3A_656, %dma_start3A_657] : memref<5x40x128xf32, #tpu.memory_space<vmem>> -> memref<1x40x128xf32, #tpu.memory_space<vmem>>
      %dma_start3A_659 = tpu.memref_squeeze %dma_start3A_658 : memref<1x40x128xf32, #tpu.memory_space<vmem>> -> memref<40x128xf32, #tpu.memory_space<vmem>>
      %dma_start3A_660 = arith.constant 0 : i32
      %dma_start3A_661 = arith.constant 0 : i32
      %dma_start3A_662 = tpu.memref_slice %arg7[%dma_start3A_654, %dma_start3A_660, %dma_start3A_661] : memref<2x5x40xi32, #tpu.memory_space<vmem>> -> memref<1x5x40xi32, #tpu.memory_space<vmem>>
      %dma_start3A_663 = tpu.memref_squeeze %dma_start3A_662 : memref<1x5x40xi32, #tpu.memory_space<vmem>> -> memref<5x40xi32, #tpu.memory_space<vmem>>
      %dma_start3A_664 = arith.constant 0 : i32
      %dma_start3A_665 = tpu.memref_slice %dma_start3A_663[%dma_start3A_655, %dma_start3A_664] : memref<5x40xi32, #tpu.memory_space<vmem>> -> memref<1x40xi32, #tpu.memory_space<vmem>>
      %dma_start3A_666 = tpu.memref_squeeze %dma_start3A_665 : memref<1x40xi32, #tpu.memory_space<vmem>> -> memref<40xi32, #tpu.memory_space<vmem>>
      %dma_start3A_667 = arith.constant 0 : i32
      %dma_start3A_668 = arith.constant 0 : i32
      %dma_start3A_669 = tpu.memref_slice %arg9[%dma_start3A_667, %dma_start3A_668] : memref<10240x128xf32, #tpu.memory_space<vmem_shared>> -> memref<10240x128xf32, #tpu.memory_space<vmem_shared>>
      tpu.enqueue_indirect_dma source(%dma_start3A_659 : memref<40x128xf32, #tpu.memory_space<vmem>>) target(%dma_start3A_669 : memref<10240x128xf32, #tpu.memory_space<vmem_shared>>) offsets(%dma_start3A_666 : memref<40xi32, #tpu.memory_space<vmem>>) semaphore(%arg17 : memref<!tpu.dma_semaphore, #tpu.memory_space<semaphore_mem>>) {add = true}
      %dma_wait3A_670 = arith.constant 0 : i32
      %dma_wait3A_671 = arith.constant 1 : i32
      %dma_wait3A_672 = arith.constant 1 : i32
      %dma_wait3A_673 = arith.constant 0 : i32
      %dma_wait3A_674 = arith.constant 0 : i32
      %dma_wait3A_675 = tpu.memref_slice %arg8[%dma_wait3A_672, %dma_wait3A_673, %dma_wait3A_674] : memref<5x40x128xf32, #tpu.memory_space<vmem>> -> memref<1x40x128xf32, #tpu.memory_space<vmem>>
      %dma_wait3A_676 = tpu.memref_squeeze %dma_wait3A_675 : memref<1x40x128xf32, #tpu.memory_space<vmem>> -> memref<40x128xf32, #tpu.memory_space<vmem>>
      %dma_wait3A_677 = arith.constant 0 : i32
      %dma_wait3A_678 = arith.constant 0 : i32
      %dma_wait3A_679 = tpu.memref_slice %arg6[%dma_wait3A_670, %dma_wait3A_677, %dma_wait3A_678] : memref<2x5x40xi32, #tpu.memory_space<vmem>> -> memref<1x5x40xi32, #tpu.memory_space<vmem>>
      %dma_wait3A_680 = tpu.memref_squeeze %dma_wait3A_679 : memref<1x5x40xi32, #tpu.memory_space<vmem>> -> memref<5x40xi32, #tpu.memory_space<vmem>>
      %dma_wait3A_681 = arith.constant 0 : i32
      %dma_wait3A_682 = tpu.memref_slice %dma_wait3A_680[%dma_wait3A_671, %dma_wait3A_681] : memref<5x40xi32, #tpu.memory_space<vmem>> -> memref<1x40xi32, #tpu.memory_space<vmem>>
      %dma_wait3A_683 = tpu.memref_squeeze %dma_wait3A_682 : memref<1x40xi32, #tpu.memory_space<vmem>> -> memref<40xi32, #tpu.memory_space<vmem>>
      %dma_wait3A_684 = arith.constant 0 : i32
      %dma_wait3A_685 = arith.constant 0 : i32
      %dma_wait3A_686 = tpu.memref_slice %arg2[%dma_wait3A_684, %dma_wait3A_685] : memref<80000x128xf32, #tpu.memory_space<hbm>> -> memref<80000x128xf32, #tpu.memory_space<hbm>>
      tpu.wait_indirect_dma semaphore(%arg13 : memref<!tpu.dma_semaphore, #tpu.memory_space<semaphore_mem>>) src(%dma_wait3A_686 : memref<80000x128xf32, #tpu.memory_space<hbm>>) dst(%dma_wait3A_676 : memref<40x128xf32, #tpu.memory_space<vmem>>)
      %dma_start3A_687 = arith.constant 1 : i32
      %dma_start3A_688 = arith.constant 0 : i32
      %dma_start3A_689 = arith.constant 1 : i32
      %dma_start3A_690 = arith.constant 0 : i32
      %dma_start3A_691 = arith.constant 0 : i32
      %dma_start3A_692 = tpu.memref_slice %arg8[%dma_start3A_687, %dma_start3A_690, %dma_start3A_691] : memref<5x40x128xf32, #tpu.memory_space<vmem>> -> memref<1x40x128xf32, #tpu.memory_space<vmem>>
      %dma_start3A_693 = tpu.memref_squeeze %dma_start3A_692 : memref<1x40x128xf32, #tpu.memory_space<vmem>> -> memref<40x128xf32, #tpu.memory_space<vmem>>
      %dma_start3A_694 = arith.constant 0 : i32
      %dma_start3A_695 = arith.constant 0 : i32
      %dma_start3A_696 = tpu.memref_slice %arg7[%dma_start3A_688, %dma_start3A_694, %dma_start3A_695] : memref<2x5x40xi32, #tpu.memory_space<vmem>> -> memref<1x5x40xi32, #tpu.memory_space<vmem>>
      %dma_start3A_697 = tpu.memref_squeeze %dma_start3A_696 : memref<1x5x40xi32, #tpu.memory_space<vmem>> -> memref<5x40xi32, #tpu.memory_space<vmem>>
      %dma_start3A_698 = arith.constant 0 : i32
      %dma_start3A_699 = tpu.memref_slice %dma_start3A_697[%dma_start3A_689, %dma_start3A_698] : memref<5x40xi32, #tpu.memory_space<vmem>> -> memref<1x40xi32, #tpu.memory_space<vmem>>
      %dma_start3A_700 = tpu.memref_squeeze %dma_start3A_699 : memref<1x40xi32, #tpu.memory_space<vmem>> -> memref<40xi32, #tpu.memory_space<vmem>>
      %dma_start3A_701 = arith.constant 0 : i32
      %dma_start3A_702 = arith.constant 0 : i32
      %dma_start3A_703 = tpu.memref_slice %arg9[%dma_start3A_701, %dma_start3A_702] : memref<10240x128xf32, #tpu.memory_space<vmem_shared>> -> memref<10240x128xf32, #tpu.memory_space<vmem_shared>>
      tpu.enqueue_indirect_dma source(%dma_start3A_693 : memref<40x128xf32, #tpu.memory_space<vmem>>) target(%dma_start3A_703 : memref<10240x128xf32, #tpu.memory_space<vmem_shared>>) offsets(%dma_start3A_700 : memref<40xi32, #tpu.memory_space<vmem>>) semaphore(%arg18 : memref<!tpu.dma_semaphore, #tpu.memory_space<semaphore_mem>>) {add = true}
      %dma_wait3A_704 = arith.constant 0 : i32
      %dma_wait3A_705 = arith.constant 2 : i32
      %dma_wait3A_706 = arith.constant 2 : i32
      %dma_wait3A_707 = arith.constant 0 : i32
      %dma_wait3A_708 = arith.constant 0 : i32
      %dma_wait3A_709 = tpu.memref_slice %arg8[%dma_wait3A_706, %dma_wait3A_707, %dma_wait3A_708] : memref<5x40x128xf32, #tpu.memory_space<vmem>> -> memref<1x40x128xf32, #tpu.memory_space<vmem>>
      %dma_wait3A_710 = tpu.memref_squeeze %dma_wait3A_709 : memref<1x40x128xf32, #tpu.memory_space<vmem>> -> memref<40x128xf32, #tpu.memory_space<vmem>>
      %dma_wait3A_711 = arith.constant 0 : i32
      %dma_wait3A_712 = arith.constant 0 : i32
      %dma_wait3A_713 = tpu.memref_slice %arg6[%dma_wait3A_704, %dma_wait3A_711, %dma_wait3A_712] : memref<2x5x40xi32, #tpu.memory_space<vmem>> -> memref<1x5x40xi32, #tpu.memory_space<vmem>>
      %dma_wait3A_714 = tpu.memref_squeeze %dma_wait3A_713 : memref<1x5x40xi32, #tpu.memory_space<vmem>> -> memref<5x40xi32, #tpu.memory_space<vmem>>
      %dma_wait3A_715 = arith.constant 0 : i32
      %dma_wait3A_716 = tpu.memref_slice %dma_wait3A_714[%dma_wait3A_705, %dma_wait3A_715] : memref<5x40xi32, #tpu.memory_space<vmem>> -> memref<1x40xi32, #tpu.memory_space<vmem>>
      %dma_wait3A_717 = tpu.memref_squeeze %dma_wait3A_716 : memref<1x40xi32, #tpu.memory_space<vmem>> -> memref<40xi32, #tpu.memory_space<vmem>>
      %dma_wait3A_718 = arith.constant 0 : i32
      %dma_wait3A_719 = arith.constant 0 : i32
      %dma_wait3A_720 = tpu.memref_slice %arg2[%dma_wait3A_718, %dma_wait3A_719] : memref<80000x128xf32, #tpu.memory_space<hbm>> -> memref<80000x128xf32, #tpu.memory_space<hbm>>
      tpu.wait_indirect_dma semaphore(%arg14 : memref<!tpu.dma_semaphore, #tpu.memory_space<semaphore_mem>>) src(%dma_wait3A_720 : memref<80000x128xf32, #tpu.memory_space<hbm>>) dst(%dma_wait3A_710 : memref<40x128xf32, #tpu.memory_space<vmem>>)
      %dma_start3A_721 = arith.constant 2 : i32
      %dma_start3A_722 = arith.constant 0 : i32
      %dma_start3A_723 = arith.constant 2 : i32
      %dma_start3A_724 = arith.constant 0 : i32
      %dma_start3A_725 = arith.constant 0 : i32
      %dma_start3A_726 = tpu.memref_slice %arg8[%dma_start3A_721, %dma_start3A_724, %dma_start3A_725] : memref<5x40x128xf32, #tpu.memory_space<vmem>> -> memref<1x40x128xf32, #tpu.memory_space<vmem>>
      %dma_start3A_727 = tpu.memref_squeeze %dma_start3A_726 : memref<1x40x128xf32, #tpu.memory_space<vmem>> -> memref<40x128xf32, #tpu.memory_space<vmem>>
      %dma_start3A_728 = arith.constant 0 : i32
      %dma_start3A_729 = arith.constant 0 : i32
      %dma_start3A_730 = tpu.memref_slice %arg7[%dma_start3A_722, %dma_start3A_728, %dma_start3A_729] : memref<2x5x40xi32, #tpu.memory_space<vmem>> -> memref<1x5x40xi32, #tpu.memory_space<vmem>>
      %dma_start3A_731 = tpu.memref_squeeze %dma_start3A_730 : memref<1x5x40xi32, #tpu.memory_space<vmem>> -> memref<5x40xi32, #tpu.memory_space<vmem>>
      %dma_start3A_732 = arith.constant 0 : i32
      %dma_start3A_733 = tpu.memref_slice %dma_start3A_731[%dma_start3A_723, %dma_start3A_732] : memref<5x40xi32, #tpu.memory_space<vmem>> -> memref<1x40xi32, #tpu.memory_space<vmem>>
      %dma_start3A_734 = tpu.memref_squeeze %dma_start3A_733 : memref<1x40xi32, #tpu.memory_space<vmem>> -> memref<40xi32, #tpu.memory_space<vmem>>
      %dma_start3A_735 = arith.constant 0 : i32
      %dma_start3A_736 = arith.constant 0 : i32
      %dma_start3A_737 = tpu.memref_slice %arg9[%dma_start3A_735, %dma_start3A_736] : memref<10240x128xf32, #tpu.memory_space<vmem_shared>> -> memref<10240x128xf32, #tpu.memory_space<vmem_shared>>
      tpu.enqueue_indirect_dma source(%dma_start3A_727 : memref<40x128xf32, #tpu.memory_space<vmem>>) target(%dma_start3A_737 : memref<10240x128xf32, #tpu.memory_space<vmem_shared>>) offsets(%dma_start3A_734 : memref<40xi32, #tpu.memory_space<vmem>>) semaphore(%arg19 : memref<!tpu.dma_semaphore, #tpu.memory_space<semaphore_mem>>) {add = true}
      %dma_wait3A_738 = arith.constant 0 : i32
      %dma_wait3A_739 = arith.constant 3 : i32
      %dma_wait3A_740 = arith.constant 3 : i32
      %dma_wait3A_741 = arith.constant 0 : i32
      %dma_wait3A_742 = arith.constant 0 : i32
      %dma_wait3A_743 = tpu.memref_slice %arg8[%dma_wait3A_740, %dma_wait3A_741, %dma_wait3A_742] : memref<5x40x128xf32, #tpu.memory_space<vmem>> -> memref<1x40x128xf32, #tpu.memory_space<vmem>>
      %dma_wait3A_744 = tpu.memref_squeeze %dma_wait3A_743 : memref<1x40x128xf32, #tpu.memory_space<vmem>> -> memref<40x128xf32, #tpu.memory_space<vmem>>
      %dma_wait3A_745 = arith.constant 0 : i32
      %dma_wait3A_746 = arith.constant 0 : i32
      %dma_wait3A_747 = tpu.memref_slice %arg6[%dma_wait3A_738, %dma_wait3A_745, %dma_wait3A_746] : memref<2x5x40xi32, #tpu.memory_space<vmem>> -> memref<1x5x40xi32, #tpu.memory_space<vmem>>
      %dma_wait3A_748 = tpu.memref_squeeze %dma_wait3A_747 : memref<1x5x40xi32, #tpu.memory_space<vmem>> -> memref<5x40xi32, #tpu.memory_space<vmem>>
      %dma_wait3A_749 = arith.constant 0 : i32
      %dma_wait3A_750 = tpu.memref_slice %dma_wait3A_748[%dma_wait3A_739, %dma_wait3A_749] : memref<5x40xi32, #tpu.memory_space<vmem>> -> memref<1x40xi32, #tpu.memory_space<vmem>>
      %dma_wait3A_751 = tpu.memref_squeeze %dma_wait3A_750 : memref<1x40xi32, #tpu.memory_space<vmem>> -> memref<40xi32, #tpu.memory_space<vmem>>
      %dma_wait3A_752 = arith.constant 0 : i32
      %dma_wait3A_753 = arith.constant 0 : i32
      %dma_wait3A_754 = tpu.memref_slice %arg2[%dma_wait3A_752, %dma_wait3A_753] : memref<80000x128xf32, #tpu.memory_space<hbm>> -> memref<80000x128xf32, #tpu.memory_space<hbm>>
      tpu.wait_indirect_dma semaphore(%arg15 : memref<!tpu.dma_semaphore, #tpu.memory_space<semaphore_mem>>) src(%dma_wait3A_754 : memref<80000x128xf32, #tpu.memory_space<hbm>>) dst(%dma_wait3A_744 : memref<40x128xf32, #tpu.memory_space<vmem>>)
      %dma_start3A_755 = arith.constant 3 : i32
      %dma_start3A_756 = arith.constant 0 : i32
      %dma_start3A_757 = arith.constant 3 : i32
      %dma_start3A_758 = arith.constant 0 : i32
      %dma_start3A_759 = arith.constant 0 : i32
      %dma_start3A_760 = tpu.memref_slice %arg8[%dma_start3A_755, %dma_start3A_758, %dma_start3A_759] : memref<5x40x128xf32, #tpu.memory_space<vmem>> -> memref<1x40x128xf32, #tpu.memory_space<vmem>>
      %dma_start3A_761 = tpu.memref_squeeze %dma_start3A_760 : memref<1x40x128xf32, #tpu.memory_space<vmem>> -> memref<40x128xf32, #tpu.memory_space<vmem>>
      %dma_start3A_762 = arith.constant 0 : i32
      %dma_start3A_763 = arith.constant 0 : i32
      %dma_start3A_764 = tpu.memref_slice %arg7[%dma_start3A_756, %dma_start3A_762, %dma_start3A_763] : memref<2x5x40xi32, #tpu.memory_space<vmem>> -> memref<1x5x40xi32, #tpu.memory_space<vmem>>
      %dma_start3A_765 = tpu.memref_squeeze %dma_start3A_764 : memref<1x5x40xi32, #tpu.memory_space<vmem>> -> memref<5x40xi32, #tpu.memory_space<vmem>>
      %dma_start3A_766 = arith.constant 0 : i32
      %dma_start3A_767 = tpu.memref_slice %dma_start3A_765[%dma_start3A_757, %dma_start3A_766] : memref<5x40xi32, #tpu.memory_space<vmem>> -> memref<1x40xi32, #tpu.memory_space<vmem>>
      %dma_start3A_768 = tpu.memref_squeeze %dma_start3A_767 : memref<1x40xi32, #tpu.memory_space<vmem>> -> memref<40xi32, #tpu.memory_space<vmem>>
      %dma_start3A_769 = arith.constant 0 : i32
      %dma_start3A_770 = arith.constant 0 : i32
      %dma_start3A_771 = tpu.memref_slice %arg9[%dma_start3A_769, %dma_start3A_770] : memref<10240x128xf32, #tpu.memory_space<vmem_shared>> -> memref<10240x128xf32, #tpu.memory_space<vmem_shared>>
      tpu.enqueue_indirect_dma source(%dma_start3A_761 : memref<40x128xf32, #tpu.memory_space<vmem>>) target(%dma_start3A_771 : memref<10240x128xf32, #tpu.memory_space<vmem_shared>>) offsets(%dma_start3A_768 : memref<40xi32, #tpu.memory_space<vmem>>) semaphore(%arg20 : memref<!tpu.dma_semaphore, #tpu.memory_space<semaphore_mem>>) {add = true}
      %dma_wait3A_772 = arith.constant 0 : i32
      %dma_wait3A_773 = arith.constant 4 : i32
      %dma_wait3A_774 = arith.constant 4 : i32
      %dma_wait3A_775 = arith.constant 0 : i32
      %dma_wait3A_776 = arith.constant 0 : i32
      %dma_wait3A_777 = tpu.memref_slice %arg8[%dma_wait3A_774, %dma_wait3A_775, %dma_wait3A_776] : memref<5x40x128xf32, #tpu.memory_space<vmem>> -> memref<1x40x128xf32, #tpu.memory_space<vmem>>
      %dma_wait3A_778 = tpu.memref_squeeze %dma_wait3A_777 : memref<1x40x128xf32, #tpu.memory_space<vmem>> -> memref<40x128xf32, #tpu.memory_space<vmem>>
      %dma_wait3A_779 = arith.constant 0 : i32
      %dma_wait3A_780 = arith.constant 0 : i32
      %dma_wait3A_781 = tpu.memref_slice %arg6[%dma_wait3A_772, %dma_wait3A_779, %dma_wait3A_780] : memref<2x5x40xi32, #tpu.memory_space<vmem>> -> memref<1x5x40xi32, #tpu.memory_space<vmem>>
      %dma_wait3A_782 = tpu.memref_squeeze %dma_wait3A_781 : memref<1x5x40xi32, #tpu.memory_space<vmem>> -> memref<5x40xi32, #tpu.memory_space<vmem>>
      %dma_wait3A_783 = arith.constant 0 : i32
      %dma_wait3A_784 = tpu.memref_slice %dma_wait3A_782[%dma_wait3A_773, %dma_wait3A_783] : memref<5x40xi32, #tpu.memory_space<vmem>> -> memref<1x40xi32, #tpu.memory_space<vmem>>
      %dma_wait3A_785 = tpu.memref_squeeze %dma_wait3A_784 : memref<1x40xi32, #tpu.memory_space<vmem>> -> memref<40xi32, #tpu.memory_space<vmem>>
      %dma_wait3A_786 = arith.constant 0 : i32
      %dma_wait3A_787 = arith.constant 0 : i32
      %dma_wait3A_788 = tpu.memref_slice %arg2[%dma_wait3A_786, %dma_wait3A_787] : memref<80000x128xf32, #tpu.memory_space<hbm>> -> memref<80000x128xf32, #tpu.memory_space<hbm>>
      tpu.wait_indirect_dma semaphore(%arg16 : memref<!tpu.dma_semaphore, #tpu.memory_space<semaphore_mem>>) src(%dma_wait3A_788 : memref<80000x128xf32, #tpu.memory_space<hbm>>) dst(%dma_wait3A_778 : memref<40x128xf32, #tpu.memory_space<vmem>>)
      %dma_start3A_789 = arith.constant 4 : i32
      %dma_start3A_790 = arith.constant 0 : i32
      %dma_start3A_791 = arith.constant 4 : i32
      %dma_start3A_792 = arith.constant 0 : i32
      %dma_start3A_793 = arith.constant 0 : i32
      %dma_start3A_794 = tpu.memref_slice %arg8[%dma_start3A_789, %dma_start3A_792, %dma_start3A_793] : memref<5x40x128xf32, #tpu.memory_space<vmem>> -> memref<1x40x128xf32, #tpu.memory_space<vmem>>
      %dma_start3A_795 = tpu.memref_squeeze %dma_start3A_794 : memref<1x40x128xf32, #tpu.memory_space<vmem>> -> memref<40x128xf32, #tpu.memory_space<vmem>>
      %dma_start3A_796 = arith.constant 0 : i32
      %dma_start3A_797 = arith.constant 0 : i32
      %dma_start3A_798 = tpu.memref_slice %arg7[%dma_start3A_790, %dma_start3A_796, %dma_start3A_797] : memref<2x5x40xi32, #tpu.memory_space<vmem>> -> memref<1x5x40xi32, #tpu.memory_space<vmem>>
      %dma_start3A_799 = tpu.memref_squeeze %dma_start3A_798 : memref<1x5x40xi32, #tpu.memory_space<vmem>> -> memref<5x40xi32, #tpu.memory_space<vmem>>
      %dma_start3A_800 = arith.constant 0 : i32
      %dma_start3A_801 = tpu.memref_slice %dma_start3A_799[%dma_start3A_791, %dma_start3A_800] : memref<5x40xi32, #tpu.memory_space<vmem>> -> memref<1x40xi32, #tpu.memory_space<vmem>>
      %dma_start3A_802 = tpu.memref_squeeze %dma_start3A_801 : memref<1x40xi32, #tpu.memory_space<vmem>> -> memref<40xi32, #tpu.memory_space<vmem>>
      %dma_start3A_803 = arith.constant 0 : i32
      %dma_start3A_804 = arith.constant 0 : i32
      %dma_start3A_805 = tpu.memref_slice %arg9[%dma_start3A_803, %dma_start3A_804] : memref<10240x128xf32, #tpu.memory_space<vmem_shared>> -> memref<10240x128xf32, #tpu.memory_space<vmem_shared>>
      tpu.enqueue_indirect_dma source(%dma_start3A_795 : memref<40x128xf32, #tpu.memory_space<vmem>>) target(%dma_start3A_805 : memref<10240x128xf32, #tpu.memory_space<vmem_shared>>) offsets(%dma_start3A_802 : memref<40xi32, #tpu.memory_space<vmem>>) semaphore(%arg21 : memref<!tpu.dma_semaphore, #tpu.memory_space<semaphore_mem>>) {add = true}
      %mul3A_806 = arith.constant 2 : i32
      %mul3A_807 = arith.muli %mul3A_806, %scan3A_315 : i32
      %add3A_808 = arith.constant 1 : i32
      %add3A_809 = arith.addi %mul3A_807, %add3A_808 : i32
      %mul3A_810 = arith.constant 200 : i32
      %mul3A_811 = arith.muli %add3A_809, %mul3A_810 : i32
      %add3A_812 = arith.addi %mul3A_4, %mul3A_811 : i32
      %add3A_813 = arith.constant 0 : i32
      %add3A_814 = arith.addi %add3A_812, %add3A_813 : i32
      %dma_wait3A_815 = arith.constant 1 : i32
      %dma_wait3A_816 = arith.constant 0 : i32
      %dma_wait3A_817 = arith.constant 0 : i32
      %dma_wait3A_818 = arith.constant 0 : i32
      %dma_wait3A_819 = tpu.memref_slice %arg6[%dma_wait3A_815, %dma_wait3A_817, %dma_wait3A_818] : memref<2x5x40xi32, #tpu.memory_space<vmem>> -> memref<1x5x40xi32, #tpu.memory_space<vmem>>
      %dma_wait3A_820 = tpu.memref_squeeze %dma_wait3A_819 : memref<1x5x40xi32, #tpu.memory_space<vmem>> -> memref<5x40xi32, #tpu.memory_space<vmem>>
      %dma_wait3A_821 = arith.constant 0 : i32
      %dma_wait3A_822 = tpu.memref_slice %dma_wait3A_820[%dma_wait3A_816, %dma_wait3A_821] : memref<5x40xi32, #tpu.memory_space<vmem>> -> memref<1x40xi32, #tpu.memory_space<vmem>>
      %dma_wait3A_823 = tpu.memref_squeeze %dma_wait3A_822 : memref<1x40xi32, #tpu.memory_space<vmem>> -> memref<40xi32, #tpu.memory_space<vmem>>
      %dma_wait3A_824 = tpu.memref_slice %arg3[%add3A_814] : memref<320000xi32, #tpu.memory_space<hbm>> -> memref<40xi32, #tpu.memory_space<hbm>>
      %dma_wait3A_825 = arith.constant 0 : i32
      %dma_wait3A_826 = arith.constant 0 : i32
      %dma_wait3A_827 = tpu.memref_slice %arg6[%dma_wait3A_815, %dma_wait3A_825, %dma_wait3A_826] : memref<2x5x40xi32, #tpu.memory_space<vmem>> -> memref<1x5x40xi32, #tpu.memory_space<vmem>>
      %dma_wait3A_828 = tpu.memref_squeeze %dma_wait3A_827 : memref<1x5x40xi32, #tpu.memory_space<vmem>> -> memref<5x40xi32, #tpu.memory_space<vmem>>
      %dma_wait3A_829 = arith.constant 0 : i32
      %dma_wait3A_830 = tpu.memref_slice %dma_wait3A_828[%dma_wait3A_816, %dma_wait3A_829] : memref<5x40xi32, #tpu.memory_space<vmem>> -> memref<1x40xi32, #tpu.memory_space<vmem>>
      %dma_wait3A_831 = tpu.memref_squeeze %dma_wait3A_830 : memref<1x40xi32, #tpu.memory_space<vmem>> -> memref<40xi32, #tpu.memory_space<vmem>>
      %dma_wait3A_832 = tpu.memref_slice %arg3[%add3A_814] : memref<320000xi32, #tpu.memory_space<hbm>> -> memref<40xi32, #tpu.memory_space<hbm>>
      tpu.wait_dma2 semaphore(%arg11 : memref<!tpu.dma_semaphore, #tpu.memory_space<semaphore_mem>>) src(%dma_wait3A_832 : memref<40xi32, #tpu.memory_space<hbm>>) dst(%dma_wait3A_831 : memref<40xi32, #tpu.memory_space<vmem>>)
      %add3A_833 = arith.constant 0 : i32
      %add3A_834 = arith.addi %add3A_812, %add3A_833 : i32
      %dma_wait3A_835 = arith.constant 1 : i32
      %dma_wait3A_836 = arith.constant 0 : i32
      %dma_wait3A_837 = arith.constant 0 : i32
      %dma_wait3A_838 = arith.constant 0 : i32
      %dma_wait3A_839 = tpu.memref_slice %arg7[%dma_wait3A_835, %dma_wait3A_837, %dma_wait3A_838] : memref<2x5x40xi32, #tpu.memory_space<vmem>> -> memref<1x5x40xi32, #tpu.memory_space<vmem>>
      %dma_wait3A_840 = tpu.memref_squeeze %dma_wait3A_839 : memref<1x5x40xi32, #tpu.memory_space<vmem>> -> memref<5x40xi32, #tpu.memory_space<vmem>>
      %dma_wait3A_841 = arith.constant 0 : i32
      %dma_wait3A_842 = tpu.memref_slice %dma_wait3A_840[%dma_wait3A_836, %dma_wait3A_841] : memref<5x40xi32, #tpu.memory_space<vmem>> -> memref<1x40xi32, #tpu.memory_space<vmem>>
      %dma_wait3A_843 = tpu.memref_squeeze %dma_wait3A_842 : memref<1x40xi32, #tpu.memory_space<vmem>> -> memref<40xi32, #tpu.memory_space<vmem>>
      %dma_wait3A_844 = tpu.memref_slice %arg4[%add3A_834] : memref<320000xi32, #tpu.memory_space<hbm>> -> memref<40xi32, #tpu.memory_space<hbm>>
      %dma_wait3A_845 = arith.constant 0 : i32
      %dma_wait3A_846 = arith.constant 0 : i32
      %dma_wait3A_847 = tpu.memref_slice %arg7[%dma_wait3A_835, %dma_wait3A_845, %dma_wait3A_846] : memref<2x5x40xi32, #tpu.memory_space<vmem>> -> memref<1x5x40xi32, #tpu.memory_space<vmem>>
      %dma_wait3A_848 = tpu.memref_squeeze %dma_wait3A_847 : memref<1x5x40xi32, #tpu.memory_space<vmem>> -> memref<5x40xi32, #tpu.memory_space<vmem>>
      %dma_wait3A_849 = arith.constant 0 : i32
      %dma_wait3A_850 = tpu.memref_slice %dma_wait3A_848[%dma_wait3A_836, %dma_wait3A_849] : memref<5x40xi32, #tpu.memory_space<vmem>> -> memref<1x40xi32, #tpu.memory_space<vmem>>
      %dma_wait3A_851 = tpu.memref_squeeze %dma_wait3A_850 : memref<1x40xi32, #tpu.memory_space<vmem>> -> memref<40xi32, #tpu.memory_space<vmem>>
      %dma_wait3A_852 = tpu.memref_slice %arg4[%add3A_834] : memref<320000xi32, #tpu.memory_space<hbm>> -> memref<40xi32, #tpu.memory_space<hbm>>
      tpu.wait_dma2 semaphore(%arg11 : memref<!tpu.dma_semaphore, #tpu.memory_space<semaphore_mem>>) src(%dma_wait3A_852 : memref<40xi32, #tpu.memory_space<hbm>>) dst(%dma_wait3A_851 : memref<40xi32, #tpu.memory_space<vmem>>)
      %add3A_853 = arith.constant 40 : i32
      %add3A_854 = arith.addi %add3A_812, %add3A_853 : i32
      %dma_wait3A_855 = arith.constant 1 : i32
      %dma_wait3A_856 = arith.constant 1 : i32
      %dma_wait3A_857 = arith.constant 0 : i32
      %dma_wait3A_858 = arith.constant 0 : i32
      %dma_wait3A_859 = tpu.memref_slice %arg6[%dma_wait3A_855, %dma_wait3A_857, %dma_wait3A_858] : memref<2x5x40xi32, #tpu.memory_space<vmem>> -> memref<1x5x40xi32, #tpu.memory_space<vmem>>
      %dma_wait3A_860 = tpu.memref_squeeze %dma_wait3A_859 : memref<1x5x40xi32, #tpu.memory_space<vmem>> -> memref<5x40xi32, #tpu.memory_space<vmem>>
      %dma_wait3A_861 = arith.constant 0 : i32
      %dma_wait3A_862 = tpu.memref_slice %dma_wait3A_860[%dma_wait3A_856, %dma_wait3A_861] : memref<5x40xi32, #tpu.memory_space<vmem>> -> memref<1x40xi32, #tpu.memory_space<vmem>>
      %dma_wait3A_863 = tpu.memref_squeeze %dma_wait3A_862 : memref<1x40xi32, #tpu.memory_space<vmem>> -> memref<40xi32, #tpu.memory_space<vmem>>
      %dma_wait3A_864 = tpu.memref_slice %arg3[%add3A_854] : memref<320000xi32, #tpu.memory_space<hbm>> -> memref<40xi32, #tpu.memory_space<hbm>>
      %dma_wait3A_865 = arith.constant 0 : i32
      %dma_wait3A_866 = arith.constant 0 : i32
      %dma_wait3A_867 = tpu.memref_slice %arg6[%dma_wait3A_855, %dma_wait3A_865, %dma_wait3A_866] : memref<2x5x40xi32, #tpu.memory_space<vmem>> -> memref<1x5x40xi32, #tpu.memory_space<vmem>>
      %dma_wait3A_868 = tpu.memref_squeeze %dma_wait3A_867 : memref<1x5x40xi32, #tpu.memory_space<vmem>> -> memref<5x40xi32, #tpu.memory_space<vmem>>
      %dma_wait3A_869 = arith.constant 0 : i32
      %dma_wait3A_870 = tpu.memref_slice %dma_wait3A_868[%dma_wait3A_856, %dma_wait3A_869] : memref<5x40xi32, #tpu.memory_space<vmem>> -> memref<1x40xi32, #tpu.memory_space<vmem>>
      %dma_wait3A_871 = tpu.memref_squeeze %dma_wait3A_870 : memref<1x40xi32, #tpu.memory_space<vmem>> -> memref<40xi32, #tpu.memory_space<vmem>>
      %dma_wait3A_872 = tpu.memref_slice %arg3[%add3A_854] : memref<320000xi32, #tpu.memory_space<hbm>> -> memref<40xi32, #tpu.memory_space<hbm>>
      tpu.wait_dma2 semaphore(%arg11 : memref<!tpu.dma_semaphore, #tpu.memory_space<semaphore_mem>>) src(%dma_wait3A_872 : memref<40xi32, #tpu.memory_space<hbm>>) dst(%dma_wait3A_871 : memref<40xi32, #tpu.memory_space<vmem>>)
      %add3A_873 = arith.constant 40 : i32
      %add3A_874 = arith.addi %add3A_812, %add3A_873 : i32
      %dma_wait3A_875 = arith.constant 1 : i32
      %dma_wait3A_876 = arith.constant 1 : i32
      %dma_wait3A_877 = arith.constant 0 : i32
      %dma_wait3A_878 = arith.constant 0 : i32
      %dma_wait3A_879 = tpu.memref_slice %arg7[%dma_wait3A_875, %dma_wait3A_877, %dma_wait3A_878] : memref<2x5x40xi32, #tpu.memory_space<vmem>> -> memref<1x5x40xi32, #tpu.memory_space<vmem>>
      %dma_wait3A_880 = tpu.memref_squeeze %dma_wait3A_879 : memref<1x5x40xi32, #tpu.memory_space<vmem>> -> memref<5x40xi32, #tpu.memory_space<vmem>>
      %dma_wait3A_881 = arith.constant 0 : i32
      %dma_wait3A_882 = tpu.memref_slice %dma_wait3A_880[%dma_wait3A_876, %dma_wait3A_881] : memref<5x40xi32, #tpu.memory_space<vmem>> -> memref<1x40xi32, #tpu.memory_space<vmem>>
      %dma_wait3A_883 = tpu.memref_squeeze %dma_wait3A_882 : memref<1x40xi32, #tpu.memory_space<vmem>> -> memref<40xi32, #tpu.memory_space<vmem>>
      %dma_wait3A_884 = tpu.memref_slice %arg4[%add3A_874] : memref<320000xi32, #tpu.memory_space<hbm>> -> memref<40xi32, #tpu.memory_space<hbm>>
      %dma_wait3A_885 = arith.constant 0 : i32
      %dma_wait3A_886 = arith.constant 0 : i32
      %dma_wait3A_887 = tpu.memref_slice %arg7[%dma_wait3A_875, %dma_wait3A_885, %dma_wait3A_886] : memref<2x5x40xi32, #tpu.memory_space<vmem>> -> memref<1x5x40xi32, #tpu.memory_space<vmem>>
      %dma_wait3A_888 = tpu.memref_squeeze %dma_wait3A_887 : memref<1x5x40xi32, #tpu.memory_space<vmem>> -> memref<5x40xi32, #tpu.memory_space<vmem>>
      %dma_wait3A_889 = arith.constant 0 : i32
      %dma_wait3A_890 = tpu.memref_slice %dma_wait3A_888[%dma_wait3A_876, %dma_wait3A_889] : memref<5x40xi32, #tpu.memory_space<vmem>> -> memref<1x40xi32, #tpu.memory_space<vmem>>
      %dma_wait3A_891 = tpu.memref_squeeze %dma_wait3A_890 : memref<1x40xi32, #tpu.memory_space<vmem>> -> memref<40xi32, #tpu.memory_space<vmem>>
      %dma_wait3A_892 = tpu.memref_slice %arg4[%add3A_874] : memref<320000xi32, #tpu.memory_space<hbm>> -> memref<40xi32, #tpu.memory_space<hbm>>
      tpu.wait_dma2 semaphore(%arg11 : memref<!tpu.dma_semaphore, #tpu.memory_space<semaphore_mem>>) src(%dma_wait3A_892 : memref<40xi32, #tpu.memory_space<hbm>>) dst(%dma_wait3A_891 : memref<40xi32, #tpu.memory_space<vmem>>)
      %add3A_893 = arith.constant 80 : i32
      %add3A_894 = arith.addi %add3A_812, %add3A_893 : i32
      %dma_wait3A_895 = arith.constant 1 : i32
      %dma_wait3A_896 = arith.constant 2 : i32
      %dma_wait3A_897 = arith.constant 0 : i32
      %dma_wait3A_898 = arith.constant 0 : i32
      %dma_wait3A_899 = tpu.memref_slice %arg6[%dma_wait3A_895, %dma_wait3A_897, %dma_wait3A_898] : memref<2x5x40xi32, #tpu.memory_space<vmem>> -> memref<1x5x40xi32, #tpu.memory_space<vmem>>
      %dma_wait3A_900 = tpu.memref_squeeze %dma_wait3A_899 : memref<1x5x40xi32, #tpu.memory_space<vmem>> -> memref<5x40xi32, #tpu.memory_space<vmem>>
      %dma_wait3A_901 = arith.constant 0 : i32
      %dma_wait3A_902 = tpu.memref_slice %dma_wait3A_900[%dma_wait3A_896, %dma_wait3A_901] : memref<5x40xi32, #tpu.memory_space<vmem>> -> memref<1x40xi32, #tpu.memory_space<vmem>>
      %dma_wait3A_903 = tpu.memref_squeeze %dma_wait3A_902 : memref<1x40xi32, #tpu.memory_space<vmem>> -> memref<40xi32, #tpu.memory_space<vmem>>
      %dma_wait3A_904 = tpu.memref_slice %arg3[%add3A_894] : memref<320000xi32, #tpu.memory_space<hbm>> -> memref<40xi32, #tpu.memory_space<hbm>>
      %dma_wait3A_905 = arith.constant 0 : i32
      %dma_wait3A_906 = arith.constant 0 : i32
      %dma_wait3A_907 = tpu.memref_slice %arg6[%dma_wait3A_895, %dma_wait3A_905, %dma_wait3A_906] : memref<2x5x40xi32, #tpu.memory_space<vmem>> -> memref<1x5x40xi32, #tpu.memory_space<vmem>>
      %dma_wait3A_908 = tpu.memref_squeeze %dma_wait3A_907 : memref<1x5x40xi32, #tpu.memory_space<vmem>> -> memref<5x40xi32, #tpu.memory_space<vmem>>
      %dma_wait3A_909 = arith.constant 0 : i32
      %dma_wait3A_910 = tpu.memref_slice %dma_wait3A_908[%dma_wait3A_896, %dma_wait3A_909] : memref<5x40xi32, #tpu.memory_space<vmem>> -> memref<1x40xi32, #tpu.memory_space<vmem>>
      %dma_wait3A_911 = tpu.memref_squeeze %dma_wait3A_910 : memref<1x40xi32, #tpu.memory_space<vmem>> -> memref<40xi32, #tpu.memory_space<vmem>>
      %dma_wait3A_912 = tpu.memref_slice %arg3[%add3A_894] : memref<320000xi32, #tpu.memory_space<hbm>> -> memref<40xi32, #tpu.memory_space<hbm>>
      tpu.wait_dma2 semaphore(%arg11 : memref<!tpu.dma_semaphore, #tpu.memory_space<semaphore_mem>>) src(%dma_wait3A_912 : memref<40xi32, #tpu.memory_space<hbm>>) dst(%dma_wait3A_911 : memref<40xi32, #tpu.memory_space<vmem>>)
      %add3A_913 = arith.constant 80 : i32
      %add3A_914 = arith.addi %add3A_812, %add3A_913 : i32
      %dma_wait3A_915 = arith.constant 1 : i32
      %dma_wait3A_916 = arith.constant 2 : i32
      %dma_wait3A_917 = arith.constant 0 : i32
      %dma_wait3A_918 = arith.constant 0 : i32
      %dma_wait3A_919 = tpu.memref_slice %arg7[%dma_wait3A_915, %dma_wait3A_917, %dma_wait3A_918] : memref<2x5x40xi32, #tpu.memory_space<vmem>> -> memref<1x5x40xi32, #tpu.memory_space<vmem>>
      %dma_wait3A_920 = tpu.memref_squeeze %dma_wait3A_919 : memref<1x5x40xi32, #tpu.memory_space<vmem>> -> memref<5x40xi32, #tpu.memory_space<vmem>>
      %dma_wait3A_921 = arith.constant 0 : i32
      %dma_wait3A_922 = tpu.memref_slice %dma_wait3A_920[%dma_wait3A_916, %dma_wait3A_921] : memref<5x40xi32, #tpu.memory_space<vmem>> -> memref<1x40xi32, #tpu.memory_space<vmem>>
      %dma_wait3A_923 = tpu.memref_squeeze %dma_wait3A_922 : memref<1x40xi32, #tpu.memory_space<vmem>> -> memref<40xi32, #tpu.memory_space<vmem>>
      %dma_wait3A_924 = tpu.memref_slice %arg4[%add3A_914] : memref<320000xi32, #tpu.memory_space<hbm>> -> memref<40xi32, #tpu.memory_space<hbm>>
      %dma_wait3A_925 = arith.constant 0 : i32
      %dma_wait3A_926 = arith.constant 0 : i32
      %dma_wait3A_927 = tpu.memref_slice %arg7[%dma_wait3A_915, %dma_wait3A_925, %dma_wait3A_926] : memref<2x5x40xi32, #tpu.memory_space<vmem>> -> memref<1x5x40xi32, #tpu.memory_space<vmem>>
      %dma_wait3A_928 = tpu.memref_squeeze %dma_wait3A_927 : memref<1x5x40xi32, #tpu.memory_space<vmem>> -> memref<5x40xi32, #tpu.memory_space<vmem>>
      %dma_wait3A_929 = arith.constant 0 : i32
      %dma_wait3A_930 = tpu.memref_slice %dma_wait3A_928[%dma_wait3A_916, %dma_wait3A_929] : memref<5x40xi32, #tpu.memory_space<vmem>> -> memref<1x40xi32, #tpu.memory_space<vmem>>
      %dma_wait3A_931 = tpu.memref_squeeze %dma_wait3A_930 : memref<1x40xi32, #tpu.memory_space<vmem>> -> memref<40xi32, #tpu.memory_space<vmem>>
      %dma_wait3A_932 = tpu.memref_slice %arg4[%add3A_914] : memref<320000xi32, #tpu.memory_space<hbm>> -> memref<40xi32, #tpu.memory_space<hbm>>
      tpu.wait_dma2 semaphore(%arg11 : memref<!tpu.dma_semaphore, #tpu.memory_space<semaphore_mem>>) src(%dma_wait3A_932 : memref<40xi32, #tpu.memory_space<hbm>>) dst(%dma_wait3A_931 : memref<40xi32, #tpu.memory_space<vmem>>)
      %add3A_933 = arith.constant 120 : i32
      %add3A_934 = arith.addi %add3A_812, %add3A_933 : i32
      %dma_wait3A_935 = arith.constant 1 : i32
      %dma_wait3A_936 = arith.constant 3 : i32
      %dma_wait3A_937 = arith.constant 0 : i32
      %dma_wait3A_938 = arith.constant 0 : i32
      %dma_wait3A_939 = tpu.memref_slice %arg6[%dma_wait3A_935, %dma_wait3A_937, %dma_wait3A_938] : memref<2x5x40xi32, #tpu.memory_space<vmem>> -> memref<1x5x40xi32, #tpu.memory_space<vmem>>
      %dma_wait3A_940 = tpu.memref_squeeze %dma_wait3A_939 : memref<1x5x40xi32, #tpu.memory_space<vmem>> -> memref<5x40xi32, #tpu.memory_space<vmem>>
      %dma_wait3A_941 = arith.constant 0 : i32
      %dma_wait3A_942 = tpu.memref_slice %dma_wait3A_940[%dma_wait3A_936, %dma_wait3A_941] : memref<5x40xi32, #tpu.memory_space<vmem>> -> memref<1x40xi32, #tpu.memory_space<vmem>>
      %dma_wait3A_943 = tpu.memref_squeeze %dma_wait3A_942 : memref<1x40xi32, #tpu.memory_space<vmem>> -> memref<40xi32, #tpu.memory_space<vmem>>
      %dma_wait3A_944 = tpu.memref_slice %arg3[%add3A_934] : memref<320000xi32, #tpu.memory_space<hbm>> -> memref<40xi32, #tpu.memory_space<hbm>>
      %dma_wait3A_945 = arith.constant 0 : i32
      %dma_wait3A_946 = arith.constant 0 : i32
      %dma_wait3A_947 = tpu.memref_slice %arg6[%dma_wait3A_935, %dma_wait3A_945, %dma_wait3A_946] : memref<2x5x40xi32, #tpu.memory_space<vmem>> -> memref<1x5x40xi32, #tpu.memory_space<vmem>>
      %dma_wait3A_948 = tpu.memref_squeeze %dma_wait3A_947 : memref<1x5x40xi32, #tpu.memory_space<vmem>> -> memref<5x40xi32, #tpu.memory_space<vmem>>
      %dma_wait3A_949 = arith.constant 0 : i32
      %dma_wait3A_950 = tpu.memref_slice %dma_wait3A_948[%dma_wait3A_936, %dma_wait3A_949] : memref<5x40xi32, #tpu.memory_space<vmem>> -> memref<1x40xi32, #tpu.memory_space<vmem>>
      %dma_wait3A_951 = tpu.memref_squeeze %dma_wait3A_950 : memref<1x40xi32, #tpu.memory_space<vmem>> -> memref<40xi32, #tpu.memory_space<vmem>>
      %dma_wait3A_952 = tpu.memref_slice %arg3[%add3A_934] : memref<320000xi32, #tpu.memory_space<hbm>> -> memref<40xi32, #tpu.memory_space<hbm>>
      tpu.wait_dma2 semaphore(%arg11 : memref<!tpu.dma_semaphore, #tpu.memory_space<semaphore_mem>>) src(%dma_wait3A_952 : memref<40xi32, #tpu.memory_space<hbm>>) dst(%dma_wait3A_951 : memref<40xi32, #tpu.memory_space<vmem>>)
      %add3A_953 = arith.constant 120 : i32
      %add3A_954 = arith.addi %add3A_812, %add3A_953 : i32
      %dma_wait3A_955 = arith.constant 1 : i32
      %dma_wait3A_956 = arith.constant 3 : i32
      %dma_wait3A_957 = arith.constant 0 : i32
      %dma_wait3A_958 = arith.constant 0 : i32
      %dma_wait3A_959 = tpu.memref_slice %arg7[%dma_wait3A_955, %dma_wait3A_957, %dma_wait3A_958] : memref<2x5x40xi32, #tpu.memory_space<vmem>> -> memref<1x5x40xi32, #tpu.memory_space<vmem>>
      %dma_wait3A_960 = tpu.memref_squeeze %dma_wait3A_959 : memref<1x5x40xi32, #tpu.memory_space<vmem>> -> memref<5x40xi32, #tpu.memory_space<vmem>>
      %dma_wait3A_961 = arith.constant 0 : i32
      %dma_wait3A_962 = tpu.memref_slice %dma_wait3A_960[%dma_wait3A_956, %dma_wait3A_961] : memref<5x40xi32, #tpu.memory_space<vmem>> -> memref<1x40xi32, #tpu.memory_space<vmem>>
      %dma_wait3A_963 = tpu.memref_squeeze %dma_wait3A_962 : memref<1x40xi32, #tpu.memory_space<vmem>> -> memref<40xi32, #tpu.memory_space<vmem>>
      %dma_wait3A_964 = tpu.memref_slice %arg4[%add3A_954] : memref<320000xi32, #tpu.memory_space<hbm>> -> memref<40xi32, #tpu.memory_space<hbm>>
      %dma_wait3A_965 = arith.constant 0 : i32
      %dma_wait3A_966 = arith.constant 0 : i32
      %dma_wait3A_967 = tpu.memref_slice %arg7[%dma_wait3A_955, %dma_wait3A_965, %dma_wait3A_966] : memref<2x5x40xi32, #tpu.memory_space<vmem>> -> memref<1x5x40xi32, #tpu.memory_space<vmem>>
      %dma_wait3A_968 = tpu.memref_squeeze %dma_wait3A_967 : memref<1x5x40xi32, #tpu.memory_space<vmem>> -> memref<5x40xi32, #tpu.memory_space<vmem>>
      %dma_wait3A_969 = arith.constant 0 : i32
      %dma_wait3A_970 = tpu.memref_slice %dma_wait3A_968[%dma_wait3A_956, %dma_wait3A_969] : memref<5x40xi32, #tpu.memory_space<vmem>> -> memref<1x40xi32, #tpu.memory_space<vmem>>
      %dma_wait3A_971 = tpu.memref_squeeze %dma_wait3A_970 : memref<1x40xi32, #tpu.memory_space<vmem>> -> memref<40xi32, #tpu.memory_space<vmem>>
      %dma_wait3A_972 = tpu.memref_slice %arg4[%add3A_954] : memref<320000xi32, #tpu.memory_space<hbm>> -> memref<40xi32, #tpu.memory_space<hbm>>
      tpu.wait_dma2 semaphore(%arg11 : memref<!tpu.dma_semaphore, #tpu.memory_space<semaphore_mem>>) src(%dma_wait3A_972 : memref<40xi32, #tpu.memory_space<hbm>>) dst(%dma_wait3A_971 : memref<40xi32, #tpu.memory_space<vmem>>)
      %add3A_973 = arith.constant 160 : i32
      %add3A_974 = arith.addi %add3A_812, %add3A_973 : i32
      %dma_wait3A_975 = arith.constant 1 : i32
      %dma_wait3A_976 = arith.constant 4 : i32
      %dma_wait3A_977 = arith.constant 0 : i32
      %dma_wait3A_978 = arith.constant 0 : i32
      %dma_wait3A_979 = tpu.memref_slice %arg6[%dma_wait3A_975, %dma_wait3A_977, %dma_wait3A_978] : memref<2x5x40xi32, #tpu.memory_space<vmem>> -> memref<1x5x40xi32, #tpu.memory_space<vmem>>
      %dma_wait3A_980 = tpu.memref_squeeze %dma_wait3A_979 : memref<1x5x40xi32, #tpu.memory_space<vmem>> -> memref<5x40xi32, #tpu.memory_space<vmem>>
      %dma_wait3A_981 = arith.constant 0 : i32
      %dma_wait3A_982 = tpu.memref_slice %dma_wait3A_980[%dma_wait3A_976, %dma_wait3A_981] : memref<5x40xi32, #tpu.memory_space<vmem>> -> memref<1x40xi32, #tpu.memory_space<vmem>>
      %dma_wait3A_983 = tpu.memref_squeeze %dma_wait3A_982 : memref<1x40xi32, #tpu.memory_space<vmem>> -> memref<40xi32, #tpu.memory_space<vmem>>
      %dma_wait3A_984 = tpu.memref_slice %arg3[%add3A_974] : memref<320000xi32, #tpu.memory_space<hbm>> -> memref<40xi32, #tpu.memory_space<hbm>>
      %dma_wait3A_985 = arith.constant 0 : i32
      %dma_wait3A_986 = arith.constant 0 : i32
      %dma_wait3A_987 = tpu.memref_slice %arg6[%dma_wait3A_975, %dma_wait3A_985, %dma_wait3A_986] : memref<2x5x40xi32, #tpu.memory_space<vmem>> -> memref<1x5x40xi32, #tpu.memory_space<vmem>>
      %dma_wait3A_988 = tpu.memref_squeeze %dma_wait3A_987 : memref<1x5x40xi32, #tpu.memory_space<vmem>> -> memref<5x40xi32, #tpu.memory_space<vmem>>
      %dma_wait3A_989 = arith.constant 0 : i32
      %dma_wait3A_990 = tpu.memref_slice %dma_wait3A_988[%dma_wait3A_976, %dma_wait3A_989] : memref<5x40xi32, #tpu.memory_space<vmem>> -> memref<1x40xi32, #tpu.memory_space<vmem>>
      %dma_wait3A_991 = tpu.memref_squeeze %dma_wait3A_990 : memref<1x40xi32, #tpu.memory_space<vmem>> -> memref<40xi32, #tpu.memory_space<vmem>>
      %dma_wait3A_992 = tpu.memref_slice %arg3[%add3A_974] : memref<320000xi32, #tpu.memory_space<hbm>> -> memref<40xi32, #tpu.memory_space<hbm>>
      tpu.wait_dma2 semaphore(%arg11 : memref<!tpu.dma_semaphore, #tpu.memory_space<semaphore_mem>>) src(%dma_wait3A_992 : memref<40xi32, #tpu.memory_space<hbm>>) dst(%dma_wait3A_991 : memref<40xi32, #tpu.memory_space<vmem>>)
      %add3A_993 = arith.constant 160 : i32
      %add3A_994 = arith.addi %add3A_812, %add3A_993 : i32
      %dma_wait3A_995 = arith.constant 1 : i32
      %dma_wait3A_996 = arith.constant 4 : i32
      %dma_wait3A_997 = arith.constant 0 : i32
      %dma_wait3A_998 = arith.constant 0 : i32
      %dma_wait3A_999 = tpu.memref_slice %arg7[%dma_wait3A_995, %dma_wait3A_997, %dma_wait3A_998] : memref<2x5x40xi32, #tpu.memory_space<vmem>> -> memref<1x5x40xi32, #tpu.memory_space<vmem>>
      %dma_wait3A_1000 = tpu.memref_squeeze %dma_wait3A_999 : memref<1x5x40xi32, #tpu.memory_space<vmem>> -> memref<5x40xi32, #tpu.memory_space<vmem>>
      %dma_wait3A_1001 = arith.constant 0 : i32
      %dma_wait3A_1002 = tpu.memref_slice %dma_wait3A_1000[%dma_wait3A_996, %dma_wait3A_1001] : memref<5x40xi32, #tpu.memory_space<vmem>> -> memref<1x40xi32, #tpu.memory_space<vmem>>
      %dma_wait3A_1003 = tpu.memref_squeeze %dma_wait3A_1002 : memref<1x40xi32, #tpu.memory_space<vmem>> -> memref<40xi32, #tpu.memory_space<vmem>>
      %dma_wait3A_1004 = tpu.memref_slice %arg4[%add3A_994] : memref<320000xi32, #tpu.memory_space<hbm>> -> memref<40xi32, #tpu.memory_space<hbm>>
      %dma_wait3A_1005 = arith.constant 0 : i32
      %dma_wait3A_1006 = arith.constant 0 : i32
      %dma_wait3A_1007 = tpu.memref_slice %arg7[%dma_wait3A_995, %dma_wait3A_1005, %dma_wait3A_1006] : memref<2x5x40xi32, #tpu.memory_space<vmem>> -> memref<1x5x40xi32, #tpu.memory_space<vmem>>
      %dma_wait3A_1008 = tpu.memref_squeeze %dma_wait3A_1007 : memref<1x5x40xi32, #tpu.memory_space<vmem>> -> memref<5x40xi32, #tpu.memory_space<vmem>>
      %dma_wait3A_1009 = arith.constant 0 : i32
      %dma_wait3A_1010 = tpu.memref_slice %dma_wait3A_1008[%dma_wait3A_996, %dma_wait3A_1009] : memref<5x40xi32, #tpu.memory_space<vmem>> -> memref<1x40xi32, #tpu.memory_space<vmem>>
      %dma_wait3A_1011 = tpu.memref_squeeze %dma_wait3A_1010 : memref<1x40xi32, #tpu.memory_space<vmem>> -> memref<40xi32, #tpu.memory_space<vmem>>
      %dma_wait3A_1012 = tpu.memref_slice %arg4[%add3A_994] : memref<320000xi32, #tpu.memory_space<hbm>> -> memref<40xi32, #tpu.memory_space<hbm>>
      tpu.wait_dma2 semaphore(%arg11 : memref<!tpu.dma_semaphore, #tpu.memory_space<semaphore_mem>>) src(%dma_wait3A_1012 : memref<40xi32, #tpu.memory_space<hbm>>) dst(%dma_wait3A_1011 : memref<40xi32, #tpu.memory_space<vmem>>)
      %gt3A_1013 = arith.constant 0 : i32
      %gt3A_1014 = arith.cmpi sgt, %add3A_809, %gt3A_1013 : i32
      %convert_element_type3A_1015 = arith.extui %gt3A_1014 : i1 to i32
      %cond3A_1016 = arith.constant 0 : i32
      %cond3A_1017 = arith.cmpi ne, %convert_element_type3A_1015, %cond3A_1016 : i32
      scf.if %cond3A_1017 {
        %dma_wait3A_1300 = arith.constant 0 : i32
        %dma_wait3A_1301 = arith.constant 0 : i32
        %dma_wait3A_1302 = arith.constant 0 : i32
        %dma_wait3A_1303 = arith.constant 0 : i32
        %dma_wait3A_1304 = arith.constant 0 : i32
        %dma_wait3A_1305 = tpu.memref_slice %arg8[%dma_wait3A_1300, %dma_wait3A_1303, %dma_wait3A_1304] : memref<5x40x128xf32, #tpu.memory_space<vmem>> -> memref<1x40x128xf32, #tpu.memory_space<vmem>>
        %dma_wait3A_1306 = tpu.memref_squeeze %dma_wait3A_1305 : memref<1x40x128xf32, #tpu.memory_space<vmem>> -> memref<40x128xf32, #tpu.memory_space<vmem>>
        %dma_wait3A_1307 = arith.constant 0 : i32
        %dma_wait3A_1308 = arith.constant 0 : i32
        %dma_wait3A_1309 = tpu.memref_slice %arg7[%dma_wait3A_1301, %dma_wait3A_1307, %dma_wait3A_1308] : memref<2x5x40xi32, #tpu.memory_space<vmem>> -> memref<1x5x40xi32, #tpu.memory_space<vmem>>
        %dma_wait3A_1310 = tpu.memref_squeeze %dma_wait3A_1309 : memref<1x5x40xi32, #tpu.memory_space<vmem>> -> memref<5x40xi32, #tpu.memory_space<vmem>>
        %dma_wait3A_1311 = arith.constant 0 : i32
        %dma_wait3A_1312 = tpu.memref_slice %dma_wait3A_1310[%dma_wait3A_1302, %dma_wait3A_1311] : memref<5x40xi32, #tpu.memory_space<vmem>> -> memref<1x40xi32, #tpu.memory_space<vmem>>
        %dma_wait3A_1313 = tpu.memref_squeeze %dma_wait3A_1312 : memref<1x40xi32, #tpu.memory_space<vmem>> -> memref<40xi32, #tpu.memory_space<vmem>>
        %dma_wait3A_1314 = arith.constant 0 : i32
        %dma_wait3A_1315 = arith.constant 0 : i32
        %dma_wait3A_1316 = tpu.memref_slice %arg9[%dma_wait3A_1314, %dma_wait3A_1315] : memref<10240x128xf32, #tpu.memory_space<vmem_shared>> -> memref<10240x128xf32, #tpu.memory_space<vmem_shared>>
        tpu.wait_indirect_dma semaphore(%arg17 : memref<!tpu.dma_semaphore, #tpu.memory_space<semaphore_mem>>) src(%dma_wait3A_1306 : memref<40x128xf32, #tpu.memory_space<vmem>>) dst(%dma_wait3A_1316 : memref<10240x128xf32, #tpu.memory_space<vmem_shared>>)
      } else {
      }
      %dma_start3A_1018 = arith.constant 1 : i32
      %dma_start3A_1019 = arith.constant 0 : i32
      %dma_start3A_1020 = arith.constant 0 : i32
      %dma_start3A_1021 = arith.constant 0 : i32
      %dma_start3A_1022 = arith.constant 0 : i32
      %dma_start3A_1023 = tpu.memref_slice %arg8[%dma_start3A_1020, %dma_start3A_1021, %dma_start3A_1022] : memref<5x40x128xf32, #tpu.memory_space<vmem>> -> memref<1x40x128xf32, #tpu.memory_space<vmem>>
      %dma_start3A_1024 = tpu.memref_squeeze %dma_start3A_1023 : memref<1x40x128xf32, #tpu.memory_space<vmem>> -> memref<40x128xf32, #tpu.memory_space<vmem>>
      %dma_start3A_1025 = arith.constant 0 : i32
      %dma_start3A_1026 = arith.constant 0 : i32
      %dma_start3A_1027 = tpu.memref_slice %arg6[%dma_start3A_1018, %dma_start3A_1025, %dma_start3A_1026] : memref<2x5x40xi32, #tpu.memory_space<vmem>> -> memref<1x5x40xi32, #tpu.memory_space<vmem>>
      %dma_start3A_1028 = tpu.memref_squeeze %dma_start3A_1027 : memref<1x5x40xi32, #tpu.memory_space<vmem>> -> memref<5x40xi32, #tpu.memory_space<vmem>>
      %dma_start3A_1029 = arith.constant 0 : i32
      %dma_start3A_1030 = tpu.memref_slice %dma_start3A_1028[%dma_start3A_1019, %dma_start3A_1029] : memref<5x40xi32, #tpu.memory_space<vmem>> -> memref<1x40xi32, #tpu.memory_space<vmem>>
      %dma_start3A_1031 = tpu.memref_squeeze %dma_start3A_1030 : memref<1x40xi32, #tpu.memory_space<vmem>> -> memref<40xi32, #tpu.memory_space<vmem>>
      %dma_start3A_1032 = arith.constant 0 : i32
      %dma_start3A_1033 = arith.constant 0 : i32
      %dma_start3A_1034 = tpu.memref_slice %arg2[%dma_start3A_1032, %dma_start3A_1033] : memref<80000x128xf32, #tpu.memory_space<hbm>> -> memref<80000x128xf32, #tpu.memory_space<hbm>>
      tpu.enqueue_indirect_dma source(%dma_start3A_1034 : memref<80000x128xf32, #tpu.memory_space<hbm>>) target(%dma_start3A_1024 : memref<40x128xf32, #tpu.memory_space<vmem>>) offsets(%dma_start3A_1031 : memref<40xi32, #tpu.memory_space<vmem>>) semaphore(%arg12 : memref<!tpu.dma_semaphore, #tpu.memory_space<semaphore_mem>>)
      %gt3A_1035 = arith.constant 0 : i32
      %gt3A_1036 = arith.cmpi sgt, %add3A_809, %gt3A_1035 : i32
      %convert_element_type3A_1037 = arith.extui %gt3A_1036 : i1 to i32
      %cond3A_1038 = arith.constant 0 : i32
      %cond3A_1039 = arith.cmpi ne, %convert_element_type3A_1037, %cond3A_1038 : i32
      scf.if %cond3A_1039 {
        %dma_wait3A_1300 = arith.constant 1 : i32
        %dma_wait3A_1301 = arith.constant 0 : i32
        %dma_wait3A_1302 = arith.constant 1 : i32
        %dma_wait3A_1303 = arith.constant 0 : i32
        %dma_wait3A_1304 = arith.constant 0 : i32
        %dma_wait3A_1305 = tpu.memref_slice %arg8[%dma_wait3A_1300, %dma_wait3A_1303, %dma_wait3A_1304] : memref<5x40x128xf32, #tpu.memory_space<vmem>> -> memref<1x40x128xf32, #tpu.memory_space<vmem>>
        %dma_wait3A_1306 = tpu.memref_squeeze %dma_wait3A_1305 : memref<1x40x128xf32, #tpu.memory_space<vmem>> -> memref<40x128xf32, #tpu.memory_space<vmem>>
        %dma_wait3A_1307 = arith.constant 0 : i32
        %dma_wait3A_1308 = arith.constant 0 : i32
        %dma_wait3A_1309 = tpu.memref_slice %arg7[%dma_wait3A_1301, %dma_wait3A_1307, %dma_wait3A_1308] : memref<2x5x40xi32, #tpu.memory_space<vmem>> -> memref<1x5x40xi32, #tpu.memory_space<vmem>>
        %dma_wait3A_1310 = tpu.memref_squeeze %dma_wait3A_1309 : memref<1x5x40xi32, #tpu.memory_space<vmem>> -> memref<5x40xi32, #tpu.memory_space<vmem>>
        %dma_wait3A_1311 = arith.constant 0 : i32
        %dma_wait3A_1312 = tpu.memref_slice %dma_wait3A_1310[%dma_wait3A_1302, %dma_wait3A_1311] : memref<5x40xi32, #tpu.memory_space<vmem>> -> memref<1x40xi32, #tpu.memory_space<vmem>>
        %dma_wait3A_1313 = tpu.memref_squeeze %dma_wait3A_1312 : memref<1x40xi32, #tpu.memory_space<vmem>> -> memref<40xi32, #tpu.memory_space<vmem>>
        %dma_wait3A_1314 = arith.constant 0 : i32
        %dma_wait3A_1315 = arith.constant 0 : i32
        %dma_wait3A_1316 = tpu.memref_slice %arg9[%dma_wait3A_1314, %dma_wait3A_1315] : memref<10240x128xf32, #tpu.memory_space<vmem_shared>> -> memref<10240x128xf32, #tpu.memory_space<vmem_shared>>
        tpu.wait_indirect_dma semaphore(%arg18 : memref<!tpu.dma_semaphore, #tpu.memory_space<semaphore_mem>>) src(%dma_wait3A_1306 : memref<40x128xf32, #tpu.memory_space<vmem>>) dst(%dma_wait3A_1316 : memref<10240x128xf32, #tpu.memory_space<vmem_shared>>)
      } else {
      }
      %dma_start3A_1040 = arith.constant 1 : i32
      %dma_start3A_1041 = arith.constant 1 : i32
      %dma_start3A_1042 = arith.constant 1 : i32
      %dma_start3A_1043 = arith.constant 0 : i32
      %dma_start3A_1044 = arith.constant 0 : i32
      %dma_start3A_1045 = tpu.memref_slice %arg8[%dma_start3A_1042, %dma_start3A_1043, %dma_start3A_1044] : memref<5x40x128xf32, #tpu.memory_space<vmem>> -> memref<1x40x128xf32, #tpu.memory_space<vmem>>
      %dma_start3A_1046 = tpu.memref_squeeze %dma_start3A_1045 : memref<1x40x128xf32, #tpu.memory_space<vmem>> -> memref<40x128xf32, #tpu.memory_space<vmem>>
      %dma_start3A_1047 = arith.constant 0 : i32
      %dma_start3A_1048 = arith.constant 0 : i32
      %dma_start3A_1049 = tpu.memref_slice %arg6[%dma_start3A_1040, %dma_start3A_1047, %dma_start3A_1048] : memref<2x5x40xi32, #tpu.memory_space<vmem>> -> memref<1x5x40xi32, #tpu.memory_space<vmem>>
      %dma_start3A_1050 = tpu.memref_squeeze %dma_start3A_1049 : memref<1x5x40xi32, #tpu.memory_space<vmem>> -> memref<5x40xi32, #tpu.memory_space<vmem>>
      %dma_start3A_1051 = arith.constant 0 : i32
      %dma_start3A_1052 = tpu.memref_slice %dma_start3A_1050[%dma_start3A_1041, %dma_start3A_1051] : memref<5x40xi32, #tpu.memory_space<vmem>> -> memref<1x40xi32, #tpu.memory_space<vmem>>
      %dma_start3A_1053 = tpu.memref_squeeze %dma_start3A_1052 : memref<1x40xi32, #tpu.memory_space<vmem>> -> memref<40xi32, #tpu.memory_space<vmem>>
      %dma_start3A_1054 = arith.constant 0 : i32
      %dma_start3A_1055 = arith.constant 0 : i32
      %dma_start3A_1056 = tpu.memref_slice %arg2[%dma_start3A_1054, %dma_start3A_1055] : memref<80000x128xf32, #tpu.memory_space<hbm>> -> memref<80000x128xf32, #tpu.memory_space<hbm>>
      tpu.enqueue_indirect_dma source(%dma_start3A_1056 : memref<80000x128xf32, #tpu.memory_space<hbm>>) target(%dma_start3A_1046 : memref<40x128xf32, #tpu.memory_space<vmem>>) offsets(%dma_start3A_1053 : memref<40xi32, #tpu.memory_space<vmem>>) semaphore(%arg13 : memref<!tpu.dma_semaphore, #tpu.memory_space<semaphore_mem>>)
      %gt3A_1057 = arith.constant 0 : i32
      %gt3A_1058 = arith.cmpi sgt, %add3A_809, %gt3A_1057 : i32
      %convert_element_type3A_1059 = arith.extui %gt3A_1058 : i1 to i32
      %cond3A_1060 = arith.constant 0 : i32
      %cond3A_1061 = arith.cmpi ne, %convert_element_type3A_1059, %cond3A_1060 : i32
      scf.if %cond3A_1061 {
        %dma_wait3A_1300 = arith.constant 2 : i32
        %dma_wait3A_1301 = arith.constant 0 : i32
        %dma_wait3A_1302 = arith.constant 2 : i32
        %dma_wait3A_1303 = arith.constant 0 : i32
        %dma_wait3A_1304 = arith.constant 0 : i32
        %dma_wait3A_1305 = tpu.memref_slice %arg8[%dma_wait3A_1300, %dma_wait3A_1303, %dma_wait3A_1304] : memref<5x40x128xf32, #tpu.memory_space<vmem>> -> memref<1x40x128xf32, #tpu.memory_space<vmem>>
        %dma_wait3A_1306 = tpu.memref_squeeze %dma_wait3A_1305 : memref<1x40x128xf32, #tpu.memory_space<vmem>> -> memref<40x128xf32, #tpu.memory_space<vmem>>
        %dma_wait3A_1307 = arith.constant 0 : i32
        %dma_wait3A_1308 = arith.constant 0 : i32
        %dma_wait3A_1309 = tpu.memref_slice %arg7[%dma_wait3A_1301, %dma_wait3A_1307, %dma_wait3A_1308] : memref<2x5x40xi32, #tpu.memory_space<vmem>> -> memref<1x5x40xi32, #tpu.memory_space<vmem>>
        %dma_wait3A_1310 = tpu.memref_squeeze %dma_wait3A_1309 : memref<1x5x40xi32, #tpu.memory_space<vmem>> -> memref<5x40xi32, #tpu.memory_space<vmem>>
        %dma_wait3A_1311 = arith.constant 0 : i32
        %dma_wait3A_1312 = tpu.memref_slice %dma_wait3A_1310[%dma_wait3A_1302, %dma_wait3A_1311] : memref<5x40xi32, #tpu.memory_space<vmem>> -> memref<1x40xi32, #tpu.memory_space<vmem>>
        %dma_wait3A_1313 = tpu.memref_squeeze %dma_wait3A_1312 : memref<1x40xi32, #tpu.memory_space<vmem>> -> memref<40xi32, #tpu.memory_space<vmem>>
        %dma_wait3A_1314 = arith.constant 0 : i32
        %dma_wait3A_1315 = arith.constant 0 : i32
        %dma_wait3A_1316 = tpu.memref_slice %arg9[%dma_wait3A_1314, %dma_wait3A_1315] : memref<10240x128xf32, #tpu.memory_space<vmem_shared>> -> memref<10240x128xf32, #tpu.memory_space<vmem_shared>>
        tpu.wait_indirect_dma semaphore(%arg19 : memref<!tpu.dma_semaphore, #tpu.memory_space<semaphore_mem>>) src(%dma_wait3A_1306 : memref<40x128xf32, #tpu.memory_space<vmem>>) dst(%dma_wait3A_1316 : memref<10240x128xf32, #tpu.memory_space<vmem_shared>>)
      } else {
      }
      %dma_start3A_1062 = arith.constant 1 : i32
      %dma_start3A_1063 = arith.constant 2 : i32
      %dma_start3A_1064 = arith.constant 2 : i32
      %dma_start3A_1065 = arith.constant 0 : i32
      %dma_start3A_1066 = arith.constant 0 : i32
      %dma_start3A_1067 = tpu.memref_slice %arg8[%dma_start3A_1064, %dma_start3A_1065, %dma_start3A_1066] : memref<5x40x128xf32, #tpu.memory_space<vmem>> -> memref<1x40x128xf32, #tpu.memory_space<vmem>>
      %dma_start3A_1068 = tpu.memref_squeeze %dma_start3A_1067 : memref<1x40x128xf32, #tpu.memory_space<vmem>> -> memref<40x128xf32, #tpu.memory_space<vmem>>
      %dma_start3A_1069 = arith.constant 0 : i32
      %dma_start3A_1070 = arith.constant 0 : i32
      %dma_start3A_1071 = tpu.memref_slice %arg6[%dma_start3A_1062, %dma_start3A_1069, %dma_start3A_1070] : memref<2x5x40xi32, #tpu.memory_space<vmem>> -> memref<1x5x40xi32, #tpu.memory_space<vmem>>
      %dma_start3A_1072 = tpu.memref_squeeze %dma_start3A_1071 : memref<1x5x40xi32, #tpu.memory_space<vmem>> -> memref<5x40xi32, #tpu.memory_space<vmem>>
      %dma_start3A_1073 = arith.constant 0 : i32
      %dma_start3A_1074 = tpu.memref_slice %dma_start3A_1072[%dma_start3A_1063, %dma_start3A_1073] : memref<5x40xi32, #tpu.memory_space<vmem>> -> memref<1x40xi32, #tpu.memory_space<vmem>>
      %dma_start3A_1075 = tpu.memref_squeeze %dma_start3A_1074 : memref<1x40xi32, #tpu.memory_space<vmem>> -> memref<40xi32, #tpu.memory_space<vmem>>
      %dma_start3A_1076 = arith.constant 0 : i32
      %dma_start3A_1077 = arith.constant 0 : i32
      %dma_start3A_1078 = tpu.memref_slice %arg2[%dma_start3A_1076, %dma_start3A_1077] : memref<80000x128xf32, #tpu.memory_space<hbm>> -> memref<80000x128xf32, #tpu.memory_space<hbm>>
      tpu.enqueue_indirect_dma source(%dma_start3A_1078 : memref<80000x128xf32, #tpu.memory_space<hbm>>) target(%dma_start3A_1068 : memref<40x128xf32, #tpu.memory_space<vmem>>) offsets(%dma_start3A_1075 : memref<40xi32, #tpu.memory_space<vmem>>) semaphore(%arg14 : memref<!tpu.dma_semaphore, #tpu.memory_space<semaphore_mem>>)
      %gt3A_1079 = arith.constant 0 : i32
      %gt3A_1080 = arith.cmpi sgt, %add3A_809, %gt3A_1079 : i32
      %convert_element_type3A_1081 = arith.extui %gt3A_1080 : i1 to i32
      %cond3A_1082 = arith.constant 0 : i32
      %cond3A_1083 = arith.cmpi ne, %convert_element_type3A_1081, %cond3A_1082 : i32
      scf.if %cond3A_1083 {
        %dma_wait3A_1300 = arith.constant 3 : i32
        %dma_wait3A_1301 = arith.constant 0 : i32
        %dma_wait3A_1302 = arith.constant 3 : i32
        %dma_wait3A_1303 = arith.constant 0 : i32
        %dma_wait3A_1304 = arith.constant 0 : i32
        %dma_wait3A_1305 = tpu.memref_slice %arg8[%dma_wait3A_1300, %dma_wait3A_1303, %dma_wait3A_1304] : memref<5x40x128xf32, #tpu.memory_space<vmem>> -> memref<1x40x128xf32, #tpu.memory_space<vmem>>
        %dma_wait3A_1306 = tpu.memref_squeeze %dma_wait3A_1305 : memref<1x40x128xf32, #tpu.memory_space<vmem>> -> memref<40x128xf32, #tpu.memory_space<vmem>>
        %dma_wait3A_1307 = arith.constant 0 : i32
        %dma_wait3A_1308 = arith.constant 0 : i32
        %dma_wait3A_1309 = tpu.memref_slice %arg7[%dma_wait3A_1301, %dma_wait3A_1307, %dma_wait3A_1308] : memref<2x5x40xi32, #tpu.memory_space<vmem>> -> memref<1x5x40xi32, #tpu.memory_space<vmem>>
        %dma_wait3A_1310 = tpu.memref_squeeze %dma_wait3A_1309 : memref<1x5x40xi32, #tpu.memory_space<vmem>> -> memref<5x40xi32, #tpu.memory_space<vmem>>
        %dma_wait3A_1311 = arith.constant 0 : i32
        %dma_wait3A_1312 = tpu.memref_slice %dma_wait3A_1310[%dma_wait3A_1302, %dma_wait3A_1311] : memref<5x40xi32, #tpu.memory_space<vmem>> -> memref<1x40xi32, #tpu.memory_space<vmem>>
        %dma_wait3A_1313 = tpu.memref_squeeze %dma_wait3A_1312 : memref<1x40xi32, #tpu.memory_space<vmem>> -> memref<40xi32, #tpu.memory_space<vmem>>
        %dma_wait3A_1314 = arith.constant 0 : i32
        %dma_wait3A_1315 = arith.constant 0 : i32
        %dma_wait3A_1316 = tpu.memref_slice %arg9[%dma_wait3A_1314, %dma_wait3A_1315] : memref<10240x128xf32, #tpu.memory_space<vmem_shared>> -> memref<10240x128xf32, #tpu.memory_space<vmem_shared>>
        tpu.wait_indirect_dma semaphore(%arg20 : memref<!tpu.dma_semaphore, #tpu.memory_space<semaphore_mem>>) src(%dma_wait3A_1306 : memref<40x128xf32, #tpu.memory_space<vmem>>) dst(%dma_wait3A_1316 : memref<10240x128xf32, #tpu.memory_space<vmem_shared>>)
      } else {
      }
      %dma_start3A_1084 = arith.constant 1 : i32
      %dma_start3A_1085 = arith.constant 3 : i32
      %dma_start3A_1086 = arith.constant 3 : i32
      %dma_start3A_1087 = arith.constant 0 : i32
      %dma_start3A_1088 = arith.constant 0 : i32
      %dma_start3A_1089 = tpu.memref_slice %arg8[%dma_start3A_1086, %dma_start3A_1087, %dma_start3A_1088] : memref<5x40x128xf32, #tpu.memory_space<vmem>> -> memref<1x40x128xf32, #tpu.memory_space<vmem>>
      %dma_start3A_1090 = tpu.memref_squeeze %dma_start3A_1089 : memref<1x40x128xf32, #tpu.memory_space<vmem>> -> memref<40x128xf32, #tpu.memory_space<vmem>>
      %dma_start3A_1091 = arith.constant 0 : i32
      %dma_start3A_1092 = arith.constant 0 : i32
      %dma_start3A_1093 = tpu.memref_slice %arg6[%dma_start3A_1084, %dma_start3A_1091, %dma_start3A_1092] : memref<2x5x40xi32, #tpu.memory_space<vmem>> -> memref<1x5x40xi32, #tpu.memory_space<vmem>>
      %dma_start3A_1094 = tpu.memref_squeeze %dma_start3A_1093 : memref<1x5x40xi32, #tpu.memory_space<vmem>> -> memref<5x40xi32, #tpu.memory_space<vmem>>
      %dma_start3A_1095 = arith.constant 0 : i32
      %dma_start3A_1096 = tpu.memref_slice %dma_start3A_1094[%dma_start3A_1085, %dma_start3A_1095] : memref<5x40xi32, #tpu.memory_space<vmem>> -> memref<1x40xi32, #tpu.memory_space<vmem>>
      %dma_start3A_1097 = tpu.memref_squeeze %dma_start3A_1096 : memref<1x40xi32, #tpu.memory_space<vmem>> -> memref<40xi32, #tpu.memory_space<vmem>>
      %dma_start3A_1098 = arith.constant 0 : i32
      %dma_start3A_1099 = arith.constant 0 : i32
      %dma_start3A_1100 = tpu.memref_slice %arg2[%dma_start3A_1098, %dma_start3A_1099] : memref<80000x128xf32, #tpu.memory_space<hbm>> -> memref<80000x128xf32, #tpu.memory_space<hbm>>
      tpu.enqueue_indirect_dma source(%dma_start3A_1100 : memref<80000x128xf32, #tpu.memory_space<hbm>>) target(%dma_start3A_1090 : memref<40x128xf32, #tpu.memory_space<vmem>>) offsets(%dma_start3A_1097 : memref<40xi32, #tpu.memory_space<vmem>>) semaphore(%arg15 : memref<!tpu.dma_semaphore, #tpu.memory_space<semaphore_mem>>)
      %gt3A_1101 = arith.constant 0 : i32
      %gt3A_1102 = arith.cmpi sgt, %add3A_809, %gt3A_1101 : i32
      %convert_element_type3A_1103 = arith.extui %gt3A_1102 : i1 to i32
      %cond3A_1104 = arith.constant 0 : i32
      %cond3A_1105 = arith.cmpi ne, %convert_element_type3A_1103, %cond3A_1104 : i32
      scf.if %cond3A_1105 {
        %dma_wait3A_1300 = arith.constant 4 : i32
        %dma_wait3A_1301 = arith.constant 0 : i32
        %dma_wait3A_1302 = arith.constant 4 : i32
        %dma_wait3A_1303 = arith.constant 0 : i32
        %dma_wait3A_1304 = arith.constant 0 : i32
        %dma_wait3A_1305 = tpu.memref_slice %arg8[%dma_wait3A_1300, %dma_wait3A_1303, %dma_wait3A_1304] : memref<5x40x128xf32, #tpu.memory_space<vmem>> -> memref<1x40x128xf32, #tpu.memory_space<vmem>>
        %dma_wait3A_1306 = tpu.memref_squeeze %dma_wait3A_1305 : memref<1x40x128xf32, #tpu.memory_space<vmem>> -> memref<40x128xf32, #tpu.memory_space<vmem>>
        %dma_wait3A_1307 = arith.constant 0 : i32
        %dma_wait3A_1308 = arith.constant 0 : i32
        %dma_wait3A_1309 = tpu.memref_slice %arg7[%dma_wait3A_1301, %dma_wait3A_1307, %dma_wait3A_1308] : memref<2x5x40xi32, #tpu.memory_space<vmem>> -> memref<1x5x40xi32, #tpu.memory_space<vmem>>
        %dma_wait3A_1310 = tpu.memref_squeeze %dma_wait3A_1309 : memref<1x5x40xi32, #tpu.memory_space<vmem>> -> memref<5x40xi32, #tpu.memory_space<vmem>>
        %dma_wait3A_1311 = arith.constant 0 : i32
        %dma_wait3A_1312 = tpu.memref_slice %dma_wait3A_1310[%dma_wait3A_1302, %dma_wait3A_1311] : memref<5x40xi32, #tpu.memory_space<vmem>> -> memref<1x40xi32, #tpu.memory_space<vmem>>
        %dma_wait3A_1313 = tpu.memref_squeeze %dma_wait3A_1312 : memref<1x40xi32, #tpu.memory_space<vmem>> -> memref<40xi32, #tpu.memory_space<vmem>>
        %dma_wait3A_1314 = arith.constant 0 : i32
        %dma_wait3A_1315 = arith.constant 0 : i32
        %dma_wait3A_1316 = tpu.memref_slice %arg9[%dma_wait3A_1314, %dma_wait3A_1315] : memref<10240x128xf32, #tpu.memory_space<vmem_shared>> -> memref<10240x128xf32, #tpu.memory_space<vmem_shared>>
        tpu.wait_indirect_dma semaphore(%arg21 : memref<!tpu.dma_semaphore, #tpu.memory_space<semaphore_mem>>) src(%dma_wait3A_1306 : memref<40x128xf32, #tpu.memory_space<vmem>>) dst(%dma_wait3A_1316 : memref<10240x128xf32, #tpu.memory_space<vmem_shared>>)
      } else {
      }
      %dma_start3A_1106 = arith.constant 1 : i32
      %dma_start3A_1107 = arith.constant 4 : i32
      %dma_start3A_1108 = arith.constant 4 : i32
      %dma_start3A_1109 = arith.constant 0 : i32
      %dma_start3A_1110 = arith.constant 0 : i32
      %dma_start3A_1111 = tpu.memref_slice %arg8[%dma_start3A_1108, %dma_start3A_1109, %dma_start3A_1110] : memref<5x40x128xf32, #tpu.memory_space<vmem>> -> memref<1x40x128xf32, #tpu.memory_space<vmem>>
      %dma_start3A_1112 = tpu.memref_squeeze %dma_start3A_1111 : memref<1x40x128xf32, #tpu.memory_space<vmem>> -> memref<40x128xf32, #tpu.memory_space<vmem>>
      %dma_start3A_1113 = arith.constant 0 : i32
      %dma_start3A_1114 = arith.constant 0 : i32
      %dma_start3A_1115 = tpu.memref_slice %arg6[%dma_start3A_1106, %dma_start3A_1113, %dma_start3A_1114] : memref<2x5x40xi32, #tpu.memory_space<vmem>> -> memref<1x5x40xi32, #tpu.memory_space<vmem>>
      %dma_start3A_1116 = tpu.memref_squeeze %dma_start3A_1115 : memref<1x5x40xi32, #tpu.memory_space<vmem>> -> memref<5x40xi32, #tpu.memory_space<vmem>>
      %dma_start3A_1117 = arith.constant 0 : i32
      %dma_start3A_1118 = tpu.memref_slice %dma_start3A_1116[%dma_start3A_1107, %dma_start3A_1117] : memref<5x40xi32, #tpu.memory_space<vmem>> -> memref<1x40xi32, #tpu.memory_space<vmem>>
      %dma_start3A_1119 = tpu.memref_squeeze %dma_start3A_1118 : memref<1x40xi32, #tpu.memory_space<vmem>> -> memref<40xi32, #tpu.memory_space<vmem>>
      %dma_start3A_1120 = arith.constant 0 : i32
      %dma_start3A_1121 = arith.constant 0 : i32
      %dma_start3A_1122 = tpu.memref_slice %arg2[%dma_start3A_1120, %dma_start3A_1121] : memref<80000x128xf32, #tpu.memory_space<hbm>> -> memref<80000x128xf32, #tpu.memory_space<hbm>>
      tpu.enqueue_indirect_dma source(%dma_start3A_1122 : memref<80000x128xf32, #tpu.memory_space<hbm>>) target(%dma_start3A_1112 : memref<40x128xf32, #tpu.memory_space<vmem>>) offsets(%dma_start3A_1119 : memref<40xi32, #tpu.memory_space<vmem>>) semaphore(%arg16 : memref<!tpu.dma_semaphore, #tpu.memory_space<semaphore_mem>>)
      %add3A_1123 = arith.constant 1 : i32
      %add3A_1124 = arith.addi %add3A_809, %add3A_1123 : i32
      %lt3A_1125 = arith.constant 50 : i32
      %lt3A_1126 = arith.cmpi slt, %add3A_1124, %lt3A_1125 : i32
      %convert_element_type3A_1127 = arith.extui %lt3A_1126 : i1 to i32
      %cond3A_1128 = arith.constant 0 : i32
      %cond3A_1129 = arith.cmpi ne, %convert_element_type3A_1127, %cond3A_1128 : i32
      scf.if %cond3A_1129 {
        %add3A_1300 = arith.constant 1 : i32
        %add3A_1301 = arith.addi %add3A_809, %add3A_1300 : i32
        %mul3A_1302 = arith.constant 200 : i32
        %mul3A_1303 = arith.muli %add3A_1301, %mul3A_1302 : i32
        %add3A_1304 = arith.addi %mul3A_4, %mul3A_1303 : i32
        %add3A_1305 = arith.constant 0 : i32
        %add3A_1306 = arith.addi %add3A_1304, %add3A_1305 : i32
        %dma_start3A_1307 = arith.constant 0 : i32
        %dma_start3A_1308 = arith.constant 0 : i32
        %dma_start3A_1309 = arith.constant 0 : i32
        %dma_start3A_1310 = arith.constant 0 : i32
        %dma_start3A_1311 = tpu.memref_slice %arg6[%dma_start3A_1307, %dma_start3A_1309, %dma_start3A_1310] : memref<2x5x40xi32, #tpu.memory_space<vmem>> -> memref<1x5x40xi32, #tpu.memory_space<vmem>>
        %dma_start3A_1312 = tpu.memref_squeeze %dma_start3A_1311 : memref<1x5x40xi32, #tpu.memory_space<vmem>> -> memref<5x40xi32, #tpu.memory_space<vmem>>
        %dma_start3A_1313 = arith.constant 0 : i32
        %dma_start3A_1314 = tpu.memref_slice %dma_start3A_1312[%dma_start3A_1308, %dma_start3A_1313] : memref<5x40xi32, #tpu.memory_space<vmem>> -> memref<1x40xi32, #tpu.memory_space<vmem>>
        %dma_start3A_1315 = tpu.memref_squeeze %dma_start3A_1314 : memref<1x40xi32, #tpu.memory_space<vmem>> -> memref<40xi32, #tpu.memory_space<vmem>>
        %dma_start3A_1316 = tpu.memref_slice %arg3[%add3A_1306] : memref<320000xi32, #tpu.memory_space<hbm>> -> memref<40xi32, #tpu.memory_space<hbm>>
        %dma_start3A_1317 = arith.constant 0 : i32
        %dma_start3A_1318 = arith.constant 0 : i32
        %dma_start3A_1319 = tpu.memref_slice %arg6[%dma_start3A_1307, %dma_start3A_1317, %dma_start3A_1318] : memref<2x5x40xi32, #tpu.memory_space<vmem>> -> memref<1x5x40xi32, #tpu.memory_space<vmem>>
        %dma_start3A_1320 = tpu.memref_squeeze %dma_start3A_1319 : memref<1x5x40xi32, #tpu.memory_space<vmem>> -> memref<5x40xi32, #tpu.memory_space<vmem>>
        %dma_start3A_1321 = arith.constant 0 : i32
        %dma_start3A_1322 = tpu.memref_slice %dma_start3A_1320[%dma_start3A_1308, %dma_start3A_1321] : memref<5x40xi32, #tpu.memory_space<vmem>> -> memref<1x40xi32, #tpu.memory_space<vmem>>
        %dma_start3A_1323 = tpu.memref_squeeze %dma_start3A_1322 : memref<1x40xi32, #tpu.memory_space<vmem>> -> memref<40xi32, #tpu.memory_space<vmem>>
        %dma_start3A_1324 = tpu.memref_slice %arg3[%add3A_1306] : memref<320000xi32, #tpu.memory_space<hbm>> -> memref<40xi32, #tpu.memory_space<hbm>>
        tpu.enqueue_dma source(%dma_start3A_1324 : memref<40xi32, #tpu.memory_space<hbm>>) target(%dma_start3A_1323 : memref<40xi32, #tpu.memory_space<vmem>>) target_semaphore(%arg10 : memref<!tpu.dma_semaphore, #tpu.memory_space<semaphore_mem>>)
        %add3A_1325 = arith.constant 0 : i32
        %add3A_1326 = arith.addi %add3A_1304, %add3A_1325 : i32
        %dma_start3A_1327 = arith.constant 0 : i32
        %dma_start3A_1328 = arith.constant 0 : i32
        %dma_start3A_1329 = arith.constant 0 : i32
        %dma_start3A_1330 = arith.constant 0 : i32
        %dma_start3A_1331 = tpu.memref_slice %arg7[%dma_start3A_1327, %dma_start3A_1329, %dma_start3A_1330] : memref<2x5x40xi32, #tpu.memory_space<vmem>> -> memref<1x5x40xi32, #tpu.memory_space<vmem>>
        %dma_start3A_1332 = tpu.memref_squeeze %dma_start3A_1331 : memref<1x5x40xi32, #tpu.memory_space<vmem>> -> memref<5x40xi32, #tpu.memory_space<vmem>>
        %dma_start3A_1333 = arith.constant 0 : i32
        %dma_start3A_1334 = tpu.memref_slice %dma_start3A_1332[%dma_start3A_1328, %dma_start3A_1333] : memref<5x40xi32, #tpu.memory_space<vmem>> -> memref<1x40xi32, #tpu.memory_space<vmem>>
        %dma_start3A_1335 = tpu.memref_squeeze %dma_start3A_1334 : memref<1x40xi32, #tpu.memory_space<vmem>> -> memref<40xi32, #tpu.memory_space<vmem>>
        %dma_start3A_1336 = tpu.memref_slice %arg4[%add3A_1326] : memref<320000xi32, #tpu.memory_space<hbm>> -> memref<40xi32, #tpu.memory_space<hbm>>
        %dma_start3A_1337 = arith.constant 0 : i32
        %dma_start3A_1338 = arith.constant 0 : i32
        %dma_start3A_1339 = tpu.memref_slice %arg7[%dma_start3A_1327, %dma_start3A_1337, %dma_start3A_1338] : memref<2x5x40xi32, #tpu.memory_space<vmem>> -> memref<1x5x40xi32, #tpu.memory_space<vmem>>
        %dma_start3A_1340 = tpu.memref_squeeze %dma_start3A_1339 : memref<1x5x40xi32, #tpu.memory_space<vmem>> -> memref<5x40xi32, #tpu.memory_space<vmem>>
        %dma_start3A_1341 = arith.constant 0 : i32
        %dma_start3A_1342 = tpu.memref_slice %dma_start3A_1340[%dma_start3A_1328, %dma_start3A_1341] : memref<5x40xi32, #tpu.memory_space<vmem>> -> memref<1x40xi32, #tpu.memory_space<vmem>>
        %dma_start3A_1343 = tpu.memref_squeeze %dma_start3A_1342 : memref<1x40xi32, #tpu.memory_space<vmem>> -> memref<40xi32, #tpu.memory_space<vmem>>
        %dma_start3A_1344 = tpu.memref_slice %arg4[%add3A_1326] : memref<320000xi32, #tpu.memory_space<hbm>> -> memref<40xi32, #tpu.memory_space<hbm>>
        tpu.enqueue_dma source(%dma_start3A_1344 : memref<40xi32, #tpu.memory_space<hbm>>) target(%dma_start3A_1343 : memref<40xi32, #tpu.memory_space<vmem>>) target_semaphore(%arg10 : memref<!tpu.dma_semaphore, #tpu.memory_space<semaphore_mem>>)
        %add3A_1345 = arith.constant 40 : i32
        %add3A_1346 = arith.addi %add3A_1304, %add3A_1345 : i32
        %dma_start3A_1347 = arith.constant 0 : i32
        %dma_start3A_1348 = arith.constant 1 : i32
        %dma_start3A_1349 = arith.constant 0 : i32
        %dma_start3A_1350 = arith.constant 0 : i32
        %dma_start3A_1351 = tpu.memref_slice %arg6[%dma_start3A_1347, %dma_start3A_1349, %dma_start3A_1350] : memref<2x5x40xi32, #tpu.memory_space<vmem>> -> memref<1x5x40xi32, #tpu.memory_space<vmem>>
        %dma_start3A_1352 = tpu.memref_squeeze %dma_start3A_1351 : memref<1x5x40xi32, #tpu.memory_space<vmem>> -> memref<5x40xi32, #tpu.memory_space<vmem>>
        %dma_start3A_1353 = arith.constant 0 : i32
        %dma_start3A_1354 = tpu.memref_slice %dma_start3A_1352[%dma_start3A_1348, %dma_start3A_1353] : memref<5x40xi32, #tpu.memory_space<vmem>> -> memref<1x40xi32, #tpu.memory_space<vmem>>
        %dma_start3A_1355 = tpu.memref_squeeze %dma_start3A_1354 : memref<1x40xi32, #tpu.memory_space<vmem>> -> memref<40xi32, #tpu.memory_space<vmem>>
        %dma_start3A_1356 = tpu.memref_slice %arg3[%add3A_1346] : memref<320000xi32, #tpu.memory_space<hbm>> -> memref<40xi32, #tpu.memory_space<hbm>>
        %dma_start3A_1357 = arith.constant 0 : i32
        %dma_start3A_1358 = arith.constant 0 : i32
        %dma_start3A_1359 = tpu.memref_slice %arg6[%dma_start3A_1347, %dma_start3A_1357, %dma_start3A_1358] : memref<2x5x40xi32, #tpu.memory_space<vmem>> -> memref<1x5x40xi32, #tpu.memory_space<vmem>>
        %dma_start3A_1360 = tpu.memref_squeeze %dma_start3A_1359 : memref<1x5x40xi32, #tpu.memory_space<vmem>> -> memref<5x40xi32, #tpu.memory_space<vmem>>
        %dma_start3A_1361 = arith.constant 0 : i32
        %dma_start3A_1362 = tpu.memref_slice %dma_start3A_1360[%dma_start3A_1348, %dma_start3A_1361] : memref<5x40xi32, #tpu.memory_space<vmem>> -> memref<1x40xi32, #tpu.memory_space<vmem>>
        %dma_start3A_1363 = tpu.memref_squeeze %dma_start3A_1362 : memref<1x40xi32, #tpu.memory_space<vmem>> -> memref<40xi32, #tpu.memory_space<vmem>>
        %dma_start3A_1364 = tpu.memref_slice %arg3[%add3A_1346] : memref<320000xi32, #tpu.memory_space<hbm>> -> memref<40xi32, #tpu.memory_space<hbm>>
        tpu.enqueue_dma source(%dma_start3A_1364 : memref<40xi32, #tpu.memory_space<hbm>>) target(%dma_start3A_1363 : memref<40xi32, #tpu.memory_space<vmem>>) target_semaphore(%arg10 : memref<!tpu.dma_semaphore, #tpu.memory_space<semaphore_mem>>)
        %add3A_1365 = arith.constant 40 : i32
        %add3A_1366 = arith.addi %add3A_1304, %add3A_1365 : i32
        %dma_start3A_1367 = arith.constant 0 : i32
        %dma_start3A_1368 = arith.constant 1 : i32
        %dma_start3A_1369 = arith.constant 0 : i32
        %dma_start3A_1370 = arith.constant 0 : i32
        %dma_start3A_1371 = tpu.memref_slice %arg7[%dma_start3A_1367, %dma_start3A_1369, %dma_start3A_1370] : memref<2x5x40xi32, #tpu.memory_space<vmem>> -> memref<1x5x40xi32, #tpu.memory_space<vmem>>
        %dma_start3A_1372 = tpu.memref_squeeze %dma_start3A_1371 : memref<1x5x40xi32, #tpu.memory_space<vmem>> -> memref<5x40xi32, #tpu.memory_space<vmem>>
        %dma_start3A_1373 = arith.constant 0 : i32
        %dma_start3A_1374 = tpu.memref_slice %dma_start3A_1372[%dma_start3A_1368, %dma_start3A_1373] : memref<5x40xi32, #tpu.memory_space<vmem>> -> memref<1x40xi32, #tpu.memory_space<vmem>>
        %dma_start3A_1375 = tpu.memref_squeeze %dma_start3A_1374 : memref<1x40xi32, #tpu.memory_space<vmem>> -> memref<40xi32, #tpu.memory_space<vmem>>
        %dma_start3A_1376 = tpu.memref_slice %arg4[%add3A_1366] : memref<320000xi32, #tpu.memory_space<hbm>> -> memref<40xi32, #tpu.memory_space<hbm>>
        %dma_start3A_1377 = arith.constant 0 : i32
        %dma_start3A_1378 = arith.constant 0 : i32
        %dma_start3A_1379 = tpu.memref_slice %arg7[%dma_start3A_1367, %dma_start3A_1377, %dma_start3A_1378] : memref<2x5x40xi32, #tpu.memory_space<vmem>> -> memref<1x5x40xi32, #tpu.memory_space<vmem>>
        %dma_start3A_1380 = tpu.memref_squeeze %dma_start3A_1379 : memref<1x5x40xi32, #tpu.memory_space<vmem>> -> memref<5x40xi32, #tpu.memory_space<vmem>>
        %dma_start3A_1381 = arith.constant 0 : i32
        %dma_start3A_1382 = tpu.memref_slice %dma_start3A_1380[%dma_start3A_1368, %dma_start3A_1381] : memref<5x40xi32, #tpu.memory_space<vmem>> -> memref<1x40xi32, #tpu.memory_space<vmem>>
        %dma_start3A_1383 = tpu.memref_squeeze %dma_start3A_1382 : memref<1x40xi32, #tpu.memory_space<vmem>> -> memref<40xi32, #tpu.memory_space<vmem>>
        %dma_start3A_1384 = tpu.memref_slice %arg4[%add3A_1366] : memref<320000xi32, #tpu.memory_space<hbm>> -> memref<40xi32, #tpu.memory_space<hbm>>
        tpu.enqueue_dma source(%dma_start3A_1384 : memref<40xi32, #tpu.memory_space<hbm>>) target(%dma_start3A_1383 : memref<40xi32, #tpu.memory_space<vmem>>) target_semaphore(%arg10 : memref<!tpu.dma_semaphore, #tpu.memory_space<semaphore_mem>>)
        %add3A_1385 = arith.constant 80 : i32
        %add3A_1386 = arith.addi %add3A_1304, %add3A_1385 : i32
        %dma_start3A_1387 = arith.constant 0 : i32
        %dma_start3A_1388 = arith.constant 2 : i32
        %dma_start3A_1389 = arith.constant 0 : i32
        %dma_start3A_1390 = arith.constant 0 : i32
        %dma_start3A_1391 = tpu.memref_slice %arg6[%dma_start3A_1387, %dma_start3A_1389, %dma_start3A_1390] : memref<2x5x40xi32, #tpu.memory_space<vmem>> -> memref<1x5x40xi32, #tpu.memory_space<vmem>>
        %dma_start3A_1392 = tpu.memref_squeeze %dma_start3A_1391 : memref<1x5x40xi32, #tpu.memory_space<vmem>> -> memref<5x40xi32, #tpu.memory_space<vmem>>
        %dma_start3A_1393 = arith.constant 0 : i32
        %dma_start3A_1394 = tpu.memref_slice %dma_start3A_1392[%dma_start3A_1388, %dma_start3A_1393] : memref<5x40xi32, #tpu.memory_space<vmem>> -> memref<1x40xi32, #tpu.memory_space<vmem>>
        %dma_start3A_1395 = tpu.memref_squeeze %dma_start3A_1394 : memref<1x40xi32, #tpu.memory_space<vmem>> -> memref<40xi32, #tpu.memory_space<vmem>>
        %dma_start3A_1396 = tpu.memref_slice %arg3[%add3A_1386] : memref<320000xi32, #tpu.memory_space<hbm>> -> memref<40xi32, #tpu.memory_space<hbm>>
        %dma_start3A_1397 = arith.constant 0 : i32
        %dma_start3A_1398 = arith.constant 0 : i32
        %dma_start3A_1399 = tpu.memref_slice %arg6[%dma_start3A_1387, %dma_start3A_1397, %dma_start3A_1398] : memref<2x5x40xi32, #tpu.memory_space<vmem>> -> memref<1x5x40xi32, #tpu.memory_space<vmem>>
        %dma_start3A_1400 = tpu.memref_squeeze %dma_start3A_1399 : memref<1x5x40xi32, #tpu.memory_space<vmem>> -> memref<5x40xi32, #tpu.memory_space<vmem>>
        %dma_start3A_1401 = arith.constant 0 : i32
        %dma_start3A_1402 = tpu.memref_slice %dma_start3A_1400[%dma_start3A_1388, %dma_start3A_1401] : memref<5x40xi32, #tpu.memory_space<vmem>> -> memref<1x40xi32, #tpu.memory_space<vmem>>
        %dma_start3A_1403 = tpu.memref_squeeze %dma_start3A_1402 : memref<1x40xi32, #tpu.memory_space<vmem>> -> memref<40xi32, #tpu.memory_space<vmem>>
        %dma_start3A_1404 = tpu.memref_slice %arg3[%add3A_1386] : memref<320000xi32, #tpu.memory_space<hbm>> -> memref<40xi32, #tpu.memory_space<hbm>>
        tpu.enqueue_dma source(%dma_start3A_1404 : memref<40xi32, #tpu.memory_space<hbm>>) target(%dma_start3A_1403 : memref<40xi32, #tpu.memory_space<vmem>>) target_semaphore(%arg10 : memref<!tpu.dma_semaphore, #tpu.memory_space<semaphore_mem>>)
        %add3A_1405 = arith.constant 80 : i32
        %add3A_1406 = arith.addi %add3A_1304, %add3A_1405 : i32
        %dma_start3A_1407 = arith.constant 0 : i32
        %dma_start3A_1408 = arith.constant 2 : i32
        %dma_start3A_1409 = arith.constant 0 : i32
        %dma_start3A_1410 = arith.constant 0 : i32
        %dma_start3A_1411 = tpu.memref_slice %arg7[%dma_start3A_1407, %dma_start3A_1409, %dma_start3A_1410] : memref<2x5x40xi32, #tpu.memory_space<vmem>> -> memref<1x5x40xi32, #tpu.memory_space<vmem>>
        %dma_start3A_1412 = tpu.memref_squeeze %dma_start3A_1411 : memref<1x5x40xi32, #tpu.memory_space<vmem>> -> memref<5x40xi32, #tpu.memory_space<vmem>>
        %dma_start3A_1413 = arith.constant 0 : i32
        %dma_start3A_1414 = tpu.memref_slice %dma_start3A_1412[%dma_start3A_1408, %dma_start3A_1413] : memref<5x40xi32, #tpu.memory_space<vmem>> -> memref<1x40xi32, #tpu.memory_space<vmem>>
        %dma_start3A_1415 = tpu.memref_squeeze %dma_start3A_1414 : memref<1x40xi32, #tpu.memory_space<vmem>> -> memref<40xi32, #tpu.memory_space<vmem>>
        %dma_start3A_1416 = tpu.memref_slice %arg4[%add3A_1406] : memref<320000xi32, #tpu.memory_space<hbm>> -> memref<40xi32, #tpu.memory_space<hbm>>
        %dma_start3A_1417 = arith.constant 0 : i32
        %dma_start3A_1418 = arith.constant 0 : i32
        %dma_start3A_1419 = tpu.memref_slice %arg7[%dma_start3A_1407, %dma_start3A_1417, %dma_start3A_1418] : memref<2x5x40xi32, #tpu.memory_space<vmem>> -> memref<1x5x40xi32, #tpu.memory_space<vmem>>
        %dma_start3A_1420 = tpu.memref_squeeze %dma_start3A_1419 : memref<1x5x40xi32, #tpu.memory_space<vmem>> -> memref<5x40xi32, #tpu.memory_space<vmem>>
        %dma_start3A_1421 = arith.constant 0 : i32
        %dma_start3A_1422 = tpu.memref_slice %dma_start3A_1420[%dma_start3A_1408, %dma_start3A_1421] : memref<5x40xi32, #tpu.memory_space<vmem>> -> memref<1x40xi32, #tpu.memory_space<vmem>>
        %dma_start3A_1423 = tpu.memref_squeeze %dma_start3A_1422 : memref<1x40xi32, #tpu.memory_space<vmem>> -> memref<40xi32, #tpu.memory_space<vmem>>
        %dma_start3A_1424 = tpu.memref_slice %arg4[%add3A_1406] : memref<320000xi32, #tpu.memory_space<hbm>> -> memref<40xi32, #tpu.memory_space<hbm>>
        tpu.enqueue_dma source(%dma_start3A_1424 : memref<40xi32, #tpu.memory_space<hbm>>) target(%dma_start3A_1423 : memref<40xi32, #tpu.memory_space<vmem>>) target_semaphore(%arg10 : memref<!tpu.dma_semaphore, #tpu.memory_space<semaphore_mem>>)
        %add3A_1425 = arith.constant 120 : i32
        %add3A_1426 = arith.addi %add3A_1304, %add3A_1425 : i32
        %dma_start3A_1427 = arith.constant 0 : i32
        %dma_start3A_1428 = arith.constant 3 : i32
        %dma_start3A_1429 = arith.constant 0 : i32
        %dma_start3A_1430 = arith.constant 0 : i32
        %dma_start3A_1431 = tpu.memref_slice %arg6[%dma_start3A_1427, %dma_start3A_1429, %dma_start3A_1430] : memref<2x5x40xi32, #tpu.memory_space<vmem>> -> memref<1x5x40xi32, #tpu.memory_space<vmem>>
        %dma_start3A_1432 = tpu.memref_squeeze %dma_start3A_1431 : memref<1x5x40xi32, #tpu.memory_space<vmem>> -> memref<5x40xi32, #tpu.memory_space<vmem>>
        %dma_start3A_1433 = arith.constant 0 : i32
        %dma_start3A_1434 = tpu.memref_slice %dma_start3A_1432[%dma_start3A_1428, %dma_start3A_1433] : memref<5x40xi32, #tpu.memory_space<vmem>> -> memref<1x40xi32, #tpu.memory_space<vmem>>
        %dma_start3A_1435 = tpu.memref_squeeze %dma_start3A_1434 : memref<1x40xi32, #tpu.memory_space<vmem>> -> memref<40xi32, #tpu.memory_space<vmem>>
        %dma_start3A_1436 = tpu.memref_slice %arg3[%add3A_1426] : memref<320000xi32, #tpu.memory_space<hbm>> -> memref<40xi32, #tpu.memory_space<hbm>>
        %dma_start3A_1437 = arith.constant 0 : i32
        %dma_start3A_1438 = arith.constant 0 : i32
        %dma_start3A_1439 = tpu.memref_slice %arg6[%dma_start3A_1427, %dma_start3A_1437, %dma_start3A_1438] : memref<2x5x40xi32, #tpu.memory_space<vmem>> -> memref<1x5x40xi32, #tpu.memory_space<vmem>>
        %dma_start3A_1440 = tpu.memref_squeeze %dma_start3A_1439 : memref<1x5x40xi32, #tpu.memory_space<vmem>> -> memref<5x40xi32, #tpu.memory_space<vmem>>
        %dma_start3A_1441 = arith.constant 0 : i32
        %dma_start3A_1442 = tpu.memref_slice %dma_start3A_1440[%dma_start3A_1428, %dma_start3A_1441] : memref<5x40xi32, #tpu.memory_space<vmem>> -> memref<1x40xi32, #tpu.memory_space<vmem>>
        %dma_start3A_1443 = tpu.memref_squeeze %dma_start3A_1442 : memref<1x40xi32, #tpu.memory_space<vmem>> -> memref<40xi32, #tpu.memory_space<vmem>>
        %dma_start3A_1444 = tpu.memref_slice %arg3[%add3A_1426] : memref<320000xi32, #tpu.memory_space<hbm>> -> memref<40xi32, #tpu.memory_space<hbm>>
        tpu.enqueue_dma source(%dma_start3A_1444 : memref<40xi32, #tpu.memory_space<hbm>>) target(%dma_start3A_1443 : memref<40xi32, #tpu.memory_space<vmem>>) target_semaphore(%arg10 : memref<!tpu.dma_semaphore, #tpu.memory_space<semaphore_mem>>)
        %add3A_1445 = arith.constant 120 : i32
        %add3A_1446 = arith.addi %add3A_1304, %add3A_1445 : i32
        %dma_start3A_1447 = arith.constant 0 : i32
        %dma_start3A_1448 = arith.constant 3 : i32
        %dma_start3A_1449 = arith.constant 0 : i32
        %dma_start3A_1450 = arith.constant 0 : i32
        %dma_start3A_1451 = tpu.memref_slice %arg7[%dma_start3A_1447, %dma_start3A_1449, %dma_start3A_1450] : memref<2x5x40xi32, #tpu.memory_space<vmem>> -> memref<1x5x40xi32, #tpu.memory_space<vmem>>
        %dma_start3A_1452 = tpu.memref_squeeze %dma_start3A_1451 : memref<1x5x40xi32, #tpu.memory_space<vmem>> -> memref<5x40xi32, #tpu.memory_space<vmem>>
        %dma_start3A_1453 = arith.constant 0 : i32
        %dma_start3A_1454 = tpu.memref_slice %dma_start3A_1452[%dma_start3A_1448, %dma_start3A_1453] : memref<5x40xi32, #tpu.memory_space<vmem>> -> memref<1x40xi32, #tpu.memory_space<vmem>>
        %dma_start3A_1455 = tpu.memref_squeeze %dma_start3A_1454 : memref<1x40xi32, #tpu.memory_space<vmem>> -> memref<40xi32, #tpu.memory_space<vmem>>
        %dma_start3A_1456 = tpu.memref_slice %arg4[%add3A_1446] : memref<320000xi32, #tpu.memory_space<hbm>> -> memref<40xi32, #tpu.memory_space<hbm>>
        %dma_start3A_1457 = arith.constant 0 : i32
        %dma_start3A_1458 = arith.constant 0 : i32
        %dma_start3A_1459 = tpu.memref_slice %arg7[%dma_start3A_1447, %dma_start3A_1457, %dma_start3A_1458] : memref<2x5x40xi32, #tpu.memory_space<vmem>> -> memref<1x5x40xi32, #tpu.memory_space<vmem>>
        %dma_start3A_1460 = tpu.memref_squeeze %dma_start3A_1459 : memref<1x5x40xi32, #tpu.memory_space<vmem>> -> memref<5x40xi32, #tpu.memory_space<vmem>>
        %dma_start3A_1461 = arith.constant 0 : i32
        %dma_start3A_1462 = tpu.memref_slice %dma_start3A_1460[%dma_start3A_1448, %dma_start3A_1461] : memref<5x40xi32, #tpu.memory_space<vmem>> -> memref<1x40xi32, #tpu.memory_space<vmem>>
        %dma_start3A_1463 = tpu.memref_squeeze %dma_start3A_1462 : memref<1x40xi32, #tpu.memory_space<vmem>> -> memref<40xi32, #tpu.memory_space<vmem>>
        %dma_start3A_1464 = tpu.memref_slice %arg4[%add3A_1446] : memref<320000xi32, #tpu.memory_space<hbm>> -> memref<40xi32, #tpu.memory_space<hbm>>
        tpu.enqueue_dma source(%dma_start3A_1464 : memref<40xi32, #tpu.memory_space<hbm>>) target(%dma_start3A_1463 : memref<40xi32, #tpu.memory_space<vmem>>) target_semaphore(%arg10 : memref<!tpu.dma_semaphore, #tpu.memory_space<semaphore_mem>>)
        %add3A_1465 = arith.constant 160 : i32
        %add3A_1466 = arith.addi %add3A_1304, %add3A_1465 : i32
        %dma_start3A_1467 = arith.constant 0 : i32
        %dma_start3A_1468 = arith.constant 4 : i32
        %dma_start3A_1469 = arith.constant 0 : i32
        %dma_start3A_1470 = arith.constant 0 : i32
        %dma_start3A_1471 = tpu.memref_slice %arg6[%dma_start3A_1467, %dma_start3A_1469, %dma_start3A_1470] : memref<2x5x40xi32, #tpu.memory_space<vmem>> -> memref<1x5x40xi32, #tpu.memory_space<vmem>>
        %dma_start3A_1472 = tpu.memref_squeeze %dma_start3A_1471 : memref<1x5x40xi32, #tpu.memory_space<vmem>> -> memref<5x40xi32, #tpu.memory_space<vmem>>
        %dma_start3A_1473 = arith.constant 0 : i32
        %dma_start3A_1474 = tpu.memref_slice %dma_start3A_1472[%dma_start3A_1468, %dma_start3A_1473] : memref<5x40xi32, #tpu.memory_space<vmem>> -> memref<1x40xi32, #tpu.memory_space<vmem>>
        %dma_start3A_1475 = tpu.memref_squeeze %dma_start3A_1474 : memref<1x40xi32, #tpu.memory_space<vmem>> -> memref<40xi32, #tpu.memory_space<vmem>>
        %dma_start3A_1476 = tpu.memref_slice %arg3[%add3A_1466] : memref<320000xi32, #tpu.memory_space<hbm>> -> memref<40xi32, #tpu.memory_space<hbm>>
        %dma_start3A_1477 = arith.constant 0 : i32
        %dma_start3A_1478 = arith.constant 0 : i32
        %dma_start3A_1479 = tpu.memref_slice %arg6[%dma_start3A_1467, %dma_start3A_1477, %dma_start3A_1478] : memref<2x5x40xi32, #tpu.memory_space<vmem>> -> memref<1x5x40xi32, #tpu.memory_space<vmem>>
        %dma_start3A_1480 = tpu.memref_squeeze %dma_start3A_1479 : memref<1x5x40xi32, #tpu.memory_space<vmem>> -> memref<5x40xi32, #tpu.memory_space<vmem>>
        %dma_start3A_1481 = arith.constant 0 : i32
        %dma_start3A_1482 = tpu.memref_slice %dma_start3A_1480[%dma_start3A_1468, %dma_start3A_1481] : memref<5x40xi32, #tpu.memory_space<vmem>> -> memref<1x40xi32, #tpu.memory_space<vmem>>
        %dma_start3A_1483 = tpu.memref_squeeze %dma_start3A_1482 : memref<1x40xi32, #tpu.memory_space<vmem>> -> memref<40xi32, #tpu.memory_space<vmem>>
        %dma_start3A_1484 = tpu.memref_slice %arg3[%add3A_1466] : memref<320000xi32, #tpu.memory_space<hbm>> -> memref<40xi32, #tpu.memory_space<hbm>>
        tpu.enqueue_dma source(%dma_start3A_1484 : memref<40xi32, #tpu.memory_space<hbm>>) target(%dma_start3A_1483 : memref<40xi32, #tpu.memory_space<vmem>>) target_semaphore(%arg10 : memref<!tpu.dma_semaphore, #tpu.memory_space<semaphore_mem>>)
        %add3A_1485 = arith.constant 160 : i32
        %add3A_1486 = arith.addi %add3A_1304, %add3A_1485 : i32
        %dma_start3A_1487 = arith.constant 0 : i32
        %dma_start3A_1488 = arith.constant 4 : i32
        %dma_start3A_1489 = arith.constant 0 : i32
        %dma_start3A_1490 = arith.constant 0 : i32
        %dma_start3A_1491 = tpu.memref_slice %arg7[%dma_start3A_1487, %dma_start3A_1489, %dma_start3A_1490] : memref<2x5x40xi32, #tpu.memory_space<vmem>> -> memref<1x5x40xi32, #tpu.memory_space<vmem>>
        %dma_start3A_1492 = tpu.memref_squeeze %dma_start3A_1491 : memref<1x5x40xi32, #tpu.memory_space<vmem>> -> memref<5x40xi32, #tpu.memory_space<vmem>>
        %dma_start3A_1493 = arith.constant 0 : i32
        %dma_start3A_1494 = tpu.memref_slice %dma_start3A_1492[%dma_start3A_1488, %dma_start3A_1493] : memref<5x40xi32, #tpu.memory_space<vmem>> -> memref<1x40xi32, #tpu.memory_space<vmem>>
        %dma_start3A_1495 = tpu.memref_squeeze %dma_start3A_1494 : memref<1x40xi32, #tpu.memory_space<vmem>> -> memref<40xi32, #tpu.memory_space<vmem>>
        %dma_start3A_1496 = tpu.memref_slice %arg4[%add3A_1486] : memref<320000xi32, #tpu.memory_space<hbm>> -> memref<40xi32, #tpu.memory_space<hbm>>
        %dma_start3A_1497 = arith.constant 0 : i32
        %dma_start3A_1498 = arith.constant 0 : i32
        %dma_start3A_1499 = tpu.memref_slice %arg7[%dma_start3A_1487, %dma_start3A_1497, %dma_start3A_1498] : memref<2x5x40xi32, #tpu.memory_space<vmem>> -> memref<1x5x40xi32, #tpu.memory_space<vmem>>
        %dma_start3A_1500 = tpu.memref_squeeze %dma_start3A_1499 : memref<1x5x40xi32, #tpu.memory_space<vmem>> -> memref<5x40xi32, #tpu.memory_space<vmem>>
        %dma_start3A_1501 = arith.constant 0 : i32
        %dma_start3A_1502 = tpu.memref_slice %dma_start3A_1500[%dma_start3A_1488, %dma_start3A_1501] : memref<5x40xi32, #tpu.memory_space<vmem>> -> memref<1x40xi32, #tpu.memory_space<vmem>>
        %dma_start3A_1503 = tpu.memref_squeeze %dma_start3A_1502 : memref<1x40xi32, #tpu.memory_space<vmem>> -> memref<40xi32, #tpu.memory_space<vmem>>
        %dma_start3A_1504 = tpu.memref_slice %arg4[%add3A_1486] : memref<320000xi32, #tpu.memory_space<hbm>> -> memref<40xi32, #tpu.memory_space<hbm>>
        tpu.enqueue_dma source(%dma_start3A_1504 : memref<40xi32, #tpu.memory_space<hbm>>) target(%dma_start3A_1503 : memref<40xi32, #tpu.memory_space<vmem>>) target_semaphore(%arg10 : memref<!tpu.dma_semaphore, #tpu.memory_space<semaphore_mem>>)
      } else {
      }
      %dma_wait3A_1130 = arith.constant 1 : i32
      %dma_wait3A_1131 = arith.constant 0 : i32
      %dma_wait3A_1132 = arith.constant 0 : i32
      %dma_wait3A_1133 = arith.constant 0 : i32
      %dma_wait3A_1134 = arith.constant 0 : i32
      %dma_wait3A_1135 = tpu.memref_slice %arg8[%dma_wait3A_1132, %dma_wait3A_1133, %dma_wait3A_1134] : memref<5x40x128xf32, #tpu.memory_space<vmem>> -> memref<1x40x128xf32, #tpu.memory_space<vmem>>
      %dma_wait3A_1136 = tpu.memref_squeeze %dma_wait3A_1135 : memref<1x40x128xf32, #tpu.memory_space<vmem>> -> memref<40x128xf32, #tpu.memory_space<vmem>>
      %dma_wait3A_1137 = arith.constant 0 : i32
      %dma_wait3A_1138 = arith.constant 0 : i32
      %dma_wait3A_1139 = tpu.memref_slice %arg6[%dma_wait3A_1130, %dma_wait3A_1137, %dma_wait3A_1138] : memref<2x5x40xi32, #tpu.memory_space<vmem>> -> memref<1x5x40xi32, #tpu.memory_space<vmem>>
      %dma_wait3A_1140 = tpu.memref_squeeze %dma_wait3A_1139 : memref<1x5x40xi32, #tpu.memory_space<vmem>> -> memref<5x40xi32, #tpu.memory_space<vmem>>
      %dma_wait3A_1141 = arith.constant 0 : i32
      %dma_wait3A_1142 = tpu.memref_slice %dma_wait3A_1140[%dma_wait3A_1131, %dma_wait3A_1141] : memref<5x40xi32, #tpu.memory_space<vmem>> -> memref<1x40xi32, #tpu.memory_space<vmem>>
      %dma_wait3A_1143 = tpu.memref_squeeze %dma_wait3A_1142 : memref<1x40xi32, #tpu.memory_space<vmem>> -> memref<40xi32, #tpu.memory_space<vmem>>
      %dma_wait3A_1144 = arith.constant 0 : i32
      %dma_wait3A_1145 = arith.constant 0 : i32
      %dma_wait3A_1146 = tpu.memref_slice %arg2[%dma_wait3A_1144, %dma_wait3A_1145] : memref<80000x128xf32, #tpu.memory_space<hbm>> -> memref<80000x128xf32, #tpu.memory_space<hbm>>
      tpu.wait_indirect_dma semaphore(%arg12 : memref<!tpu.dma_semaphore, #tpu.memory_space<semaphore_mem>>) src(%dma_wait3A_1146 : memref<80000x128xf32, #tpu.memory_space<hbm>>) dst(%dma_wait3A_1136 : memref<40x128xf32, #tpu.memory_space<vmem>>)
      %dma_start3A_1147 = arith.constant 0 : i32
      %dma_start3A_1148 = arith.constant 1 : i32
      %dma_start3A_1149 = arith.constant 0 : i32
      %dma_start3A_1150 = arith.constant 0 : i32
      %dma_start3A_1151 = arith.constant 0 : i32
      %dma_start3A_1152 = tpu.memref_slice %arg8[%dma_start3A_1147, %dma_start3A_1150, %dma_start3A_1151] : memref<5x40x128xf32, #tpu.memory_space<vmem>> -> memref<1x40x128xf32, #tpu.memory_space<vmem>>
      %dma_start3A_1153 = tpu.memref_squeeze %dma_start3A_1152 : memref<1x40x128xf32, #tpu.memory_space<vmem>> -> memref<40x128xf32, #tpu.memory_space<vmem>>
      %dma_start3A_1154 = arith.constant 0 : i32
      %dma_start3A_1155 = arith.constant 0 : i32
      %dma_start3A_1156 = tpu.memref_slice %arg7[%dma_start3A_1148, %dma_start3A_1154, %dma_start3A_1155] : memref<2x5x40xi32, #tpu.memory_space<vmem>> -> memref<1x5x40xi32, #tpu.memory_space<vmem>>
      %dma_start3A_1157 = tpu.memref_squeeze %dma_start3A_1156 : memref<1x5x40xi32, #tpu.memory_space<vmem>> -> memref<5x40xi32, #tpu.memory_space<vmem>>
      %dma_start3A_1158 = arith.constant 0 : i32
      %dma_start3A_1159 = tpu.memref_slice %dma_start3A_1157[%dma_start3A_1149, %dma_start3A_1158] : memref<5x40xi32, #tpu.memory_space<vmem>> -> memref<1x40xi32, #tpu.memory_space<vmem>>
      %dma_start3A_1160 = tpu.memref_squeeze %dma_start3A_1159 : memref<1x40xi32, #tpu.memory_space<vmem>> -> memref<40xi32, #tpu.memory_space<vmem>>
      %dma_start3A_1161 = arith.constant 0 : i32
      %dma_start3A_1162 = arith.constant 0 : i32
      %dma_start3A_1163 = tpu.memref_slice %arg9[%dma_start3A_1161, %dma_start3A_1162] : memref<10240x128xf32, #tpu.memory_space<vmem_shared>> -> memref<10240x128xf32, #tpu.memory_space<vmem_shared>>
      tpu.enqueue_indirect_dma source(%dma_start3A_1153 : memref<40x128xf32, #tpu.memory_space<vmem>>) target(%dma_start3A_1163 : memref<10240x128xf32, #tpu.memory_space<vmem_shared>>) offsets(%dma_start3A_1160 : memref<40xi32, #tpu.memory_space<vmem>>) semaphore(%arg17 : memref<!tpu.dma_semaphore, #tpu.memory_space<semaphore_mem>>) {add = true}
      %dma_wait3A_1164 = arith.constant 1 : i32
      %dma_wait3A_1165 = arith.constant 1 : i32
      %dma_wait3A_1166 = arith.constant 1 : i32
      %dma_wait3A_1167 = arith.constant 0 : i32
      %dma_wait3A_1168 = arith.constant 0 : i32
      %dma_wait3A_1169 = tpu.memref_slice %arg8[%dma_wait3A_1166, %dma_wait3A_1167, %dma_wait3A_1168] : memref<5x40x128xf32, #tpu.memory_space<vmem>> -> memref<1x40x128xf32, #tpu.memory_space<vmem>>
      %dma_wait3A_1170 = tpu.memref_squeeze %dma_wait3A_1169 : memref<1x40x128xf32, #tpu.memory_space<vmem>> -> memref<40x128xf32, #tpu.memory_space<vmem>>
      %dma_wait3A_1171 = arith.constant 0 : i32
      %dma_wait3A_1172 = arith.constant 0 : i32
      %dma_wait3A_1173 = tpu.memref_slice %arg6[%dma_wait3A_1164, %dma_wait3A_1171, %dma_wait3A_1172] : memref<2x5x40xi32, #tpu.memory_space<vmem>> -> memref<1x5x40xi32, #tpu.memory_space<vmem>>
      %dma_wait3A_1174 = tpu.memref_squeeze %dma_wait3A_1173 : memref<1x5x40xi32, #tpu.memory_space<vmem>> -> memref<5x40xi32, #tpu.memory_space<vmem>>
      %dma_wait3A_1175 = arith.constant 0 : i32
      %dma_wait3A_1176 = tpu.memref_slice %dma_wait3A_1174[%dma_wait3A_1165, %dma_wait3A_1175] : memref<5x40xi32, #tpu.memory_space<vmem>> -> memref<1x40xi32, #tpu.memory_space<vmem>>
      %dma_wait3A_1177 = tpu.memref_squeeze %dma_wait3A_1176 : memref<1x40xi32, #tpu.memory_space<vmem>> -> memref<40xi32, #tpu.memory_space<vmem>>
      %dma_wait3A_1178 = arith.constant 0 : i32
      %dma_wait3A_1179 = arith.constant 0 : i32
      %dma_wait3A_1180 = tpu.memref_slice %arg2[%dma_wait3A_1178, %dma_wait3A_1179] : memref<80000x128xf32, #tpu.memory_space<hbm>> -> memref<80000x128xf32, #tpu.memory_space<hbm>>
      tpu.wait_indirect_dma semaphore(%arg13 : memref<!tpu.dma_semaphore, #tpu.memory_space<semaphore_mem>>) src(%dma_wait3A_1180 : memref<80000x128xf32, #tpu.memory_space<hbm>>) dst(%dma_wait3A_1170 : memref<40x128xf32, #tpu.memory_space<vmem>>)
      %dma_start3A_1181 = arith.constant 1 : i32
      %dma_start3A_1182 = arith.constant 1 : i32
      %dma_start3A_1183 = arith.constant 1 : i32
      %dma_start3A_1184 = arith.constant 0 : i32
      %dma_start3A_1185 = arith.constant 0 : i32
      %dma_start3A_1186 = tpu.memref_slice %arg8[%dma_start3A_1181, %dma_start3A_1184, %dma_start3A_1185] : memref<5x40x128xf32, #tpu.memory_space<vmem>> -> memref<1x40x128xf32, #tpu.memory_space<vmem>>
      %dma_start3A_1187 = tpu.memref_squeeze %dma_start3A_1186 : memref<1x40x128xf32, #tpu.memory_space<vmem>> -> memref<40x128xf32, #tpu.memory_space<vmem>>
      %dma_start3A_1188 = arith.constant 0 : i32
      %dma_start3A_1189 = arith.constant 0 : i32
      %dma_start3A_1190 = tpu.memref_slice %arg7[%dma_start3A_1182, %dma_start3A_1188, %dma_start3A_1189] : memref<2x5x40xi32, #tpu.memory_space<vmem>> -> memref<1x5x40xi32, #tpu.memory_space<vmem>>
      %dma_start3A_1191 = tpu.memref_squeeze %dma_start3A_1190 : memref<1x5x40xi32, #tpu.memory_space<vmem>> -> memref<5x40xi32, #tpu.memory_space<vmem>>
      %dma_start3A_1192 = arith.constant 0 : i32
      %dma_start3A_1193 = tpu.memref_slice %dma_start3A_1191[%dma_start3A_1183, %dma_start3A_1192] : memref<5x40xi32, #tpu.memory_space<vmem>> -> memref<1x40xi32, #tpu.memory_space<vmem>>
      %dma_start3A_1194 = tpu.memref_squeeze %dma_start3A_1193 : memref<1x40xi32, #tpu.memory_space<vmem>> -> memref<40xi32, #tpu.memory_space<vmem>>
      %dma_start3A_1195 = arith.constant 0 : i32
      %dma_start3A_1196 = arith.constant 0 : i32
      %dma_start3A_1197 = tpu.memref_slice %arg9[%dma_start3A_1195, %dma_start3A_1196] : memref<10240x128xf32, #tpu.memory_space<vmem_shared>> -> memref<10240x128xf32, #tpu.memory_space<vmem_shared>>
      tpu.enqueue_indirect_dma source(%dma_start3A_1187 : memref<40x128xf32, #tpu.memory_space<vmem>>) target(%dma_start3A_1197 : memref<10240x128xf32, #tpu.memory_space<vmem_shared>>) offsets(%dma_start3A_1194 : memref<40xi32, #tpu.memory_space<vmem>>) semaphore(%arg18 : memref<!tpu.dma_semaphore, #tpu.memory_space<semaphore_mem>>) {add = true}
      %dma_wait3A_1198 = arith.constant 1 : i32
      %dma_wait3A_1199 = arith.constant 2 : i32
      %dma_wait3A_1200 = arith.constant 2 : i32
      %dma_wait3A_1201 = arith.constant 0 : i32
      %dma_wait3A_1202 = arith.constant 0 : i32
      %dma_wait3A_1203 = tpu.memref_slice %arg8[%dma_wait3A_1200, %dma_wait3A_1201, %dma_wait3A_1202] : memref<5x40x128xf32, #tpu.memory_space<vmem>> -> memref<1x40x128xf32, #tpu.memory_space<vmem>>
      %dma_wait3A_1204 = tpu.memref_squeeze %dma_wait3A_1203 : memref<1x40x128xf32, #tpu.memory_space<vmem>> -> memref<40x128xf32, #tpu.memory_space<vmem>>
      %dma_wait3A_1205 = arith.constant 0 : i32
      %dma_wait3A_1206 = arith.constant 0 : i32
      %dma_wait3A_1207 = tpu.memref_slice %arg6[%dma_wait3A_1198, %dma_wait3A_1205, %dma_wait3A_1206] : memref<2x5x40xi32, #tpu.memory_space<vmem>> -> memref<1x5x40xi32, #tpu.memory_space<vmem>>
      %dma_wait3A_1208 = tpu.memref_squeeze %dma_wait3A_1207 : memref<1x5x40xi32, #tpu.memory_space<vmem>> -> memref<5x40xi32, #tpu.memory_space<vmem>>
      %dma_wait3A_1209 = arith.constant 0 : i32
      %dma_wait3A_1210 = tpu.memref_slice %dma_wait3A_1208[%dma_wait3A_1199, %dma_wait3A_1209] : memref<5x40xi32, #tpu.memory_space<vmem>> -> memref<1x40xi32, #tpu.memory_space<vmem>>
      %dma_wait3A_1211 = tpu.memref_squeeze %dma_wait3A_1210 : memref<1x40xi32, #tpu.memory_space<vmem>> -> memref<40xi32, #tpu.memory_space<vmem>>
      %dma_wait3A_1212 = arith.constant 0 : i32
      %dma_wait3A_1213 = arith.constant 0 : i32
      %dma_wait3A_1214 = tpu.memref_slice %arg2[%dma_wait3A_1212, %dma_wait3A_1213] : memref<80000x128xf32, #tpu.memory_space<hbm>> -> memref<80000x128xf32, #tpu.memory_space<hbm>>
      tpu.wait_indirect_dma semaphore(%arg14 : memref<!tpu.dma_semaphore, #tpu.memory_space<semaphore_mem>>) src(%dma_wait3A_1214 : memref<80000x128xf32, #tpu.memory_space<hbm>>) dst(%dma_wait3A_1204 : memref<40x128xf32, #tpu.memory_space<vmem>>)
      %dma_start3A_1215 = arith.constant 2 : i32
      %dma_start3A_1216 = arith.constant 1 : i32
      %dma_start3A_1217 = arith.constant 2 : i32
      %dma_start3A_1218 = arith.constant 0 : i32
      %dma_start3A_1219 = arith.constant 0 : i32
      %dma_start3A_1220 = tpu.memref_slice %arg8[%dma_start3A_1215, %dma_start3A_1218, %dma_start3A_1219] : memref<5x40x128xf32, #tpu.memory_space<vmem>> -> memref<1x40x128xf32, #tpu.memory_space<vmem>>
      %dma_start3A_1221 = tpu.memref_squeeze %dma_start3A_1220 : memref<1x40x128xf32, #tpu.memory_space<vmem>> -> memref<40x128xf32, #tpu.memory_space<vmem>>
      %dma_start3A_1222 = arith.constant 0 : i32
      %dma_start3A_1223 = arith.constant 0 : i32
      %dma_start3A_1224 = tpu.memref_slice %arg7[%dma_start3A_1216, %dma_start3A_1222, %dma_start3A_1223] : memref<2x5x40xi32, #tpu.memory_space<vmem>> -> memref<1x5x40xi32, #tpu.memory_space<vmem>>
      %dma_start3A_1225 = tpu.memref_squeeze %dma_start3A_1224 : memref<1x5x40xi32, #tpu.memory_space<vmem>> -> memref<5x40xi32, #tpu.memory_space<vmem>>
      %dma_start3A_1226 = arith.constant 0 : i32
      %dma_start3A_1227 = tpu.memref_slice %dma_start3A_1225[%dma_start3A_1217, %dma_start3A_1226] : memref<5x40xi32, #tpu.memory_space<vmem>> -> memref<1x40xi32, #tpu.memory_space<vmem>>
      %dma_start3A_1228 = tpu.memref_squeeze %dma_start3A_1227 : memref<1x40xi32, #tpu.memory_space<vmem>> -> memref<40xi32, #tpu.memory_space<vmem>>
      %dma_start3A_1229 = arith.constant 0 : i32
      %dma_start3A_1230 = arith.constant 0 : i32
      %dma_start3A_1231 = tpu.memref_slice %arg9[%dma_start3A_1229, %dma_start3A_1230] : memref<10240x128xf32, #tpu.memory_space<vmem_shared>> -> memref<10240x128xf32, #tpu.memory_space<vmem_shared>>
      tpu.enqueue_indirect_dma source(%dma_start3A_1221 : memref<40x128xf32, #tpu.memory_space<vmem>>) target(%dma_start3A_1231 : memref<10240x128xf32, #tpu.memory_space<vmem_shared>>) offsets(%dma_start3A_1228 : memref<40xi32, #tpu.memory_space<vmem>>) semaphore(%arg19 : memref<!tpu.dma_semaphore, #tpu.memory_space<semaphore_mem>>) {add = true}
      %dma_wait3A_1232 = arith.constant 1 : i32
      %dma_wait3A_1233 = arith.constant 3 : i32
      %dma_wait3A_1234 = arith.constant 3 : i32
      %dma_wait3A_1235 = arith.constant 0 : i32
      %dma_wait3A_1236 = arith.constant 0 : i32
      %dma_wait3A_1237 = tpu.memref_slice %arg8[%dma_wait3A_1234, %dma_wait3A_1235, %dma_wait3A_1236] : memref<5x40x128xf32, #tpu.memory_space<vmem>> -> memref<1x40x128xf32, #tpu.memory_space<vmem>>
      %dma_wait3A_1238 = tpu.memref_squeeze %dma_wait3A_1237 : memref<1x40x128xf32, #tpu.memory_space<vmem>> -> memref<40x128xf32, #tpu.memory_space<vmem>>
      %dma_wait3A_1239 = arith.constant 0 : i32
      %dma_wait3A_1240 = arith.constant 0 : i32
      %dma_wait3A_1241 = tpu.memref_slice %arg6[%dma_wait3A_1232, %dma_wait3A_1239, %dma_wait3A_1240] : memref<2x5x40xi32, #tpu.memory_space<vmem>> -> memref<1x5x40xi32, #tpu.memory_space<vmem>>
      %dma_wait3A_1242 = tpu.memref_squeeze %dma_wait3A_1241 : memref<1x5x40xi32, #tpu.memory_space<vmem>> -> memref<5x40xi32, #tpu.memory_space<vmem>>
      %dma_wait3A_1243 = arith.constant 0 : i32
      %dma_wait3A_1244 = tpu.memref_slice %dma_wait3A_1242[%dma_wait3A_1233, %dma_wait3A_1243] : memref<5x40xi32, #tpu.memory_space<vmem>> -> memref<1x40xi32, #tpu.memory_space<vmem>>
      %dma_wait3A_1245 = tpu.memref_squeeze %dma_wait3A_1244 : memref<1x40xi32, #tpu.memory_space<vmem>> -> memref<40xi32, #tpu.memory_space<vmem>>
      %dma_wait3A_1246 = arith.constant 0 : i32
      %dma_wait3A_1247 = arith.constant 0 : i32
      %dma_wait3A_1248 = tpu.memref_slice %arg2[%dma_wait3A_1246, %dma_wait3A_1247] : memref<80000x128xf32, #tpu.memory_space<hbm>> -> memref<80000x128xf32, #tpu.memory_space<hbm>>
      tpu.wait_indirect_dma semaphore(%arg15 : memref<!tpu.dma_semaphore, #tpu.memory_space<semaphore_mem>>) src(%dma_wait3A_1248 : memref<80000x128xf32, #tpu.memory_space<hbm>>) dst(%dma_wait3A_1238 : memref<40x128xf32, #tpu.memory_space<vmem>>)
      %dma_start3A_1249 = arith.constant 3 : i32
      %dma_start3A_1250 = arith.constant 1 : i32
      %dma_start3A_1251 = arith.constant 3 : i32
      %dma_start3A_1252 = arith.constant 0 : i32
      %dma_start3A_1253 = arith.constant 0 : i32
      %dma_start3A_1254 = tpu.memref_slice %arg8[%dma_start3A_1249, %dma_start3A_1252, %dma_start3A_1253] : memref<5x40x128xf32, #tpu.memory_space<vmem>> -> memref<1x40x128xf32, #tpu.memory_space<vmem>>
      %dma_start3A_1255 = tpu.memref_squeeze %dma_start3A_1254 : memref<1x40x128xf32, #tpu.memory_space<vmem>> -> memref<40x128xf32, #tpu.memory_space<vmem>>
      %dma_start3A_1256 = arith.constant 0 : i32
      %dma_start3A_1257 = arith.constant 0 : i32
      %dma_start3A_1258 = tpu.memref_slice %arg7[%dma_start3A_1250, %dma_start3A_1256, %dma_start3A_1257] : memref<2x5x40xi32, #tpu.memory_space<vmem>> -> memref<1x5x40xi32, #tpu.memory_space<vmem>>
      %dma_start3A_1259 = tpu.memref_squeeze %dma_start3A_1258 : memref<1x5x40xi32, #tpu.memory_space<vmem>> -> memref<5x40xi32, #tpu.memory_space<vmem>>
      %dma_start3A_1260 = arith.constant 0 : i32
      %dma_start3A_1261 = tpu.memref_slice %dma_start3A_1259[%dma_start3A_1251, %dma_start3A_1260] : memref<5x40xi32, #tpu.memory_space<vmem>> -> memref<1x40xi32, #tpu.memory_space<vmem>>
      %dma_start3A_1262 = tpu.memref_squeeze %dma_start3A_1261 : memref<1x40xi32, #tpu.memory_space<vmem>> -> memref<40xi32, #tpu.memory_space<vmem>>
      %dma_start3A_1263 = arith.constant 0 : i32
      %dma_start3A_1264 = arith.constant 0 : i32
      %dma_start3A_1265 = tpu.memref_slice %arg9[%dma_start3A_1263, %dma_start3A_1264] : memref<10240x128xf32, #tpu.memory_space<vmem_shared>> -> memref<10240x128xf32, #tpu.memory_space<vmem_shared>>
      tpu.enqueue_indirect_dma source(%dma_start3A_1255 : memref<40x128xf32, #tpu.memory_space<vmem>>) target(%dma_start3A_1265 : memref<10240x128xf32, #tpu.memory_space<vmem_shared>>) offsets(%dma_start3A_1262 : memref<40xi32, #tpu.memory_space<vmem>>) semaphore(%arg20 : memref<!tpu.dma_semaphore, #tpu.memory_space<semaphore_mem>>) {add = true}
      %dma_wait3A_1266 = arith.constant 1 : i32
      %dma_wait3A_1267 = arith.constant 4 : i32
      %dma_wait3A_1268 = arith.constant 4 : i32
      %dma_wait3A_1269 = arith.constant 0 : i32
      %dma_wait3A_1270 = arith.constant 0 : i32
      %dma_wait3A_1271 = tpu.memref_slice %arg8[%dma_wait3A_1268, %dma_wait3A_1269, %dma_wait3A_1270] : memref<5x40x128xf32, #tpu.memory_space<vmem>> -> memref<1x40x128xf32, #tpu.memory_space<vmem>>
      %dma_wait3A_1272 = tpu.memref_squeeze %dma_wait3A_1271 : memref<1x40x128xf32, #tpu.memory_space<vmem>> -> memref<40x128xf32, #tpu.memory_space<vmem>>
      %dma_wait3A_1273 = arith.constant 0 : i32
      %dma_wait3A_1274 = arith.constant 0 : i32
      %dma_wait3A_1275 = tpu.memref_slice %arg6[%dma_wait3A_1266, %dma_wait3A_1273, %dma_wait3A_1274] : memref<2x5x40xi32, #tpu.memory_space<vmem>> -> memref<1x5x40xi32, #tpu.memory_space<vmem>>
      %dma_wait3A_1276 = tpu.memref_squeeze %dma_wait3A_1275 : memref<1x5x40xi32, #tpu.memory_space<vmem>> -> memref<5x40xi32, #tpu.memory_space<vmem>>
      %dma_wait3A_1277 = arith.constant 0 : i32
      %dma_wait3A_1278 = tpu.memref_slice %dma_wait3A_1276[%dma_wait3A_1267, %dma_wait3A_1277] : memref<5x40xi32, #tpu.memory_space<vmem>> -> memref<1x40xi32, #tpu.memory_space<vmem>>
      %dma_wait3A_1279 = tpu.memref_squeeze %dma_wait3A_1278 : memref<1x40xi32, #tpu.memory_space<vmem>> -> memref<40xi32, #tpu.memory_space<vmem>>
      %dma_wait3A_1280 = arith.constant 0 : i32
      %dma_wait3A_1281 = arith.constant 0 : i32
      %dma_wait3A_1282 = tpu.memref_slice %arg2[%dma_wait3A_1280, %dma_wait3A_1281] : memref<80000x128xf32, #tpu.memory_space<hbm>> -> memref<80000x128xf32, #tpu.memory_space<hbm>>
      tpu.wait_indirect_dma semaphore(%arg16 : memref<!tpu.dma_semaphore, #tpu.memory_space<semaphore_mem>>) src(%dma_wait3A_1282 : memref<80000x128xf32, #tpu.memory_space<hbm>>) dst(%dma_wait3A_1272 : memref<40x128xf32, #tpu.memory_space<vmem>>)
      %dma_start3A_1283 = arith.constant 4 : i32
      %dma_start3A_1284 = arith.constant 1 : i32
      %dma_start3A_1285 = arith.constant 4 : i32
      %dma_start3A_1286 = arith.constant 0 : i32
      %dma_start3A_1287 = arith.constant 0 : i32
      %dma_start3A_1288 = tpu.memref_slice %arg8[%dma_start3A_1283, %dma_start3A_1286, %dma_start3A_1287] : memref<5x40x128xf32, #tpu.memory_space<vmem>> -> memref<1x40x128xf32, #tpu.memory_space<vmem>>
      %dma_start3A_1289 = tpu.memref_squeeze %dma_start3A_1288 : memref<1x40x128xf32, #tpu.memory_space<vmem>> -> memref<40x128xf32, #tpu.memory_space<vmem>>
      %dma_start3A_1290 = arith.constant 0 : i32
      %dma_start3A_1291 = arith.constant 0 : i32
      %dma_start3A_1292 = tpu.memref_slice %arg7[%dma_start3A_1284, %dma_start3A_1290, %dma_start3A_1291] : memref<2x5x40xi32, #tpu.memory_space<vmem>> -> memref<1x5x40xi32, #tpu.memory_space<vmem>>
      %dma_start3A_1293 = tpu.memref_squeeze %dma_start3A_1292 : memref<1x5x40xi32, #tpu.memory_space<vmem>> -> memref<5x40xi32, #tpu.memory_space<vmem>>
      %dma_start3A_1294 = arith.constant 0 : i32
      %dma_start3A_1295 = tpu.memref_slice %dma_start3A_1293[%dma_start3A_1285, %dma_start3A_1294] : memref<5x40xi32, #tpu.memory_space<vmem>> -> memref<1x40xi32, #tpu.memory_space<vmem>>
      %dma_start3A_1296 = tpu.memref_squeeze %dma_start3A_1295 : memref<1x40xi32, #tpu.memory_space<vmem>> -> memref<40xi32, #tpu.memory_space<vmem>>
      %dma_start3A_1297 = arith.constant 0 : i32
      %dma_start3A_1298 = arith.constant 0 : i32
      %dma_start3A_1299 = tpu.memref_slice %arg9[%dma_start3A_1297, %dma_start3A_1298] : memref<10240x128xf32, #tpu.memory_space<vmem_shared>> -> memref<10240x128xf32, #tpu.memory_space<vmem_shared>>
      tpu.enqueue_indirect_dma source(%dma_start3A_1289 : memref<40x128xf32, #tpu.memory_space<vmem>>) target(%dma_start3A_1299 : memref<10240x128xf32, #tpu.memory_space<vmem_shared>>) offsets(%dma_start3A_1296 : memref<40xi32, #tpu.memory_space<vmem>>) semaphore(%arg21 : memref<!tpu.dma_semaphore, #tpu.memory_space<semaphore_mem>>) {add = true}
    }
    %scan3A_223 = arith.constant 25 : i32
    %dma_wait3A = arith.constant 0 : i32
    %dma_wait3A_224 = arith.constant 1 : i32
    %dma_wait3A_225 = arith.constant 0 : i32
    %dma_wait3A_226 = arith.constant 0 : i32
    %dma_wait3A_227 = arith.constant 0 : i32
    %dma_wait3A_228 = tpu.memref_slice %arg8[%dma_wait3A, %dma_wait3A_226, %dma_wait3A_227] : memref<5x40x128xf32, #tpu.memory_space<vmem>> -> memref<1x40x128xf32, #tpu.memory_space<vmem>>
    %dma_wait3A_229 = tpu.memref_squeeze %dma_wait3A_228 : memref<1x40x128xf32, #tpu.memory_space<vmem>> -> memref<40x128xf32, #tpu.memory_space<vmem>>
    %dma_wait3A_230 = arith.constant 0 : i32
    %dma_wait3A_231 = arith.constant 0 : i32
    %dma_wait3A_232 = tpu.memref_slice %arg7[%dma_wait3A_224, %dma_wait3A_230, %dma_wait3A_231] : memref<2x5x40xi32, #tpu.memory_space<vmem>> -> memref<1x5x40xi32, #tpu.memory_space<vmem>>
    %dma_wait3A_233 = tpu.memref_squeeze %dma_wait3A_232 : memref<1x5x40xi32, #tpu.memory_space<vmem>> -> memref<5x40xi32, #tpu.memory_space<vmem>>
    %dma_wait3A_234 = arith.constant 0 : i32
    %dma_wait3A_235 = tpu.memref_slice %dma_wait3A_233[%dma_wait3A_225, %dma_wait3A_234] : memref<5x40xi32, #tpu.memory_space<vmem>> -> memref<1x40xi32, #tpu.memory_space<vmem>>
    %dma_wait3A_236 = tpu.memref_squeeze %dma_wait3A_235 : memref<1x40xi32, #tpu.memory_space<vmem>> -> memref<40xi32, #tpu.memory_space<vmem>>
    %dma_wait3A_237 = arith.constant 0 : i32
    %dma_wait3A_238 = arith.constant 0 : i32
    %dma_wait3A_239 = tpu.memref_slice %arg9[%dma_wait3A_237, %dma_wait3A_238] : memref<10240x128xf32, #tpu.memory_space<vmem_shared>> -> memref<10240x128xf32, #tpu.memory_space<vmem_shared>>
    tpu.wait_indirect_dma semaphore(%arg17 : memref<!tpu.dma_semaphore, #tpu.memory_space<semaphore_mem>>) src(%dma_wait3A_229 : memref<40x128xf32, #tpu.memory_space<vmem>>) dst(%dma_wait3A_239 : memref<10240x128xf32, #tpu.memory_space<vmem_shared>>)
    %dma_wait3A_240 = arith.constant 1 : i32
    %dma_wait3A_241 = arith.constant 1 : i32
    %dma_wait3A_242 = arith.constant 1 : i32
    %dma_wait3A_243 = arith.constant 0 : i32
    %dma_wait3A_244 = arith.constant 0 : i32
    %dma_wait3A_245 = tpu.memref_slice %arg8[%dma_wait3A_240, %dma_wait3A_243, %dma_wait3A_244] : memref<5x40x128xf32, #tpu.memory_space<vmem>> -> memref<1x40x128xf32, #tpu.memory_space<vmem>>
    %dma_wait3A_246 = tpu.memref_squeeze %dma_wait3A_245 : memref<1x40x128xf32, #tpu.memory_space<vmem>> -> memref<40x128xf32, #tpu.memory_space<vmem>>
    %dma_wait3A_247 = arith.constant 0 : i32
    %dma_wait3A_248 = arith.constant 0 : i32
    %dma_wait3A_249 = tpu.memref_slice %arg7[%dma_wait3A_241, %dma_wait3A_247, %dma_wait3A_248] : memref<2x5x40xi32, #tpu.memory_space<vmem>> -> memref<1x5x40xi32, #tpu.memory_space<vmem>>
    %dma_wait3A_250 = tpu.memref_squeeze %dma_wait3A_249 : memref<1x5x40xi32, #tpu.memory_space<vmem>> -> memref<5x40xi32, #tpu.memory_space<vmem>>
    %dma_wait3A_251 = arith.constant 0 : i32
    %dma_wait3A_252 = tpu.memref_slice %dma_wait3A_250[%dma_wait3A_242, %dma_wait3A_251] : memref<5x40xi32, #tpu.memory_space<vmem>> -> memref<1x40xi32, #tpu.memory_space<vmem>>
    %dma_wait3A_253 = tpu.memref_squeeze %dma_wait3A_252 : memref<1x40xi32, #tpu.memory_space<vmem>> -> memref<40xi32, #tpu.memory_space<vmem>>
    %dma_wait3A_254 = arith.constant 0 : i32
    %dma_wait3A_255 = arith.constant 0 : i32
    %dma_wait3A_256 = tpu.memref_slice %arg9[%dma_wait3A_254, %dma_wait3A_255] : memref<10240x128xf32, #tpu.memory_space<vmem_shared>> -> memref<10240x128xf32, #tpu.memory_space<vmem_shared>>
    tpu.wait_indirect_dma semaphore(%arg18 : memref<!tpu.dma_semaphore, #tpu.memory_space<semaphore_mem>>) src(%dma_wait3A_246 : memref<40x128xf32, #tpu.memory_space<vmem>>) dst(%dma_wait3A_256 : memref<10240x128xf32, #tpu.memory_space<vmem_shared>>)
    %dma_wait3A_257 = arith.constant 2 : i32
    %dma_wait3A_258 = arith.constant 1 : i32
    %dma_wait3A_259 = arith.constant 2 : i32
    %dma_wait3A_260 = arith.constant 0 : i32
    %dma_wait3A_261 = arith.constant 0 : i32
    %dma_wait3A_262 = tpu.memref_slice %arg8[%dma_wait3A_257, %dma_wait3A_260, %dma_wait3A_261] : memref<5x40x128xf32, #tpu.memory_space<vmem>> -> memref<1x40x128xf32, #tpu.memory_space<vmem>>
    %dma_wait3A_263 = tpu.memref_squeeze %dma_wait3A_262 : memref<1x40x128xf32, #tpu.memory_space<vmem>> -> memref<40x128xf32, #tpu.memory_space<vmem>>
    %dma_wait3A_264 = arith.constant 0 : i32
    %dma_wait3A_265 = arith.constant 0 : i32
    %dma_wait3A_266 = tpu.memref_slice %arg7[%dma_wait3A_258, %dma_wait3A_264, %dma_wait3A_265] : memref<2x5x40xi32, #tpu.memory_space<vmem>> -> memref<1x5x40xi32, #tpu.memory_space<vmem>>
    %dma_wait3A_267 = tpu.memref_squeeze %dma_wait3A_266 : memref<1x5x40xi32, #tpu.memory_space<vmem>> -> memref<5x40xi32, #tpu.memory_space<vmem>>
    %dma_wait3A_268 = arith.constant 0 : i32
    %dma_wait3A_269 = tpu.memref_slice %dma_wait3A_267[%dma_wait3A_259, %dma_wait3A_268] : memref<5x40xi32, #tpu.memory_space<vmem>> -> memref<1x40xi32, #tpu.memory_space<vmem>>
    %dma_wait3A_270 = tpu.memref_squeeze %dma_wait3A_269 : memref<1x40xi32, #tpu.memory_space<vmem>> -> memref<40xi32, #tpu.memory_space<vmem>>
    %dma_wait3A_271 = arith.constant 0 : i32
    %dma_wait3A_272 = arith.constant 0 : i32
    %dma_wait3A_273 = tpu.memref_slice %arg9[%dma_wait3A_271, %dma_wait3A_272] : memref<10240x128xf32, #tpu.memory_space<vmem_shared>> -> memref<10240x128xf32, #tpu.memory_space<vmem_shared>>
    tpu.wait_indirect_dma semaphore(%arg19 : memref<!tpu.dma_semaphore, #tpu.memory_space<semaphore_mem>>) src(%dma_wait3A_263 : memref<40x128xf32, #tpu.memory_space<vmem>>) dst(%dma_wait3A_273 : memref<10240x128xf32, #tpu.memory_space<vmem_shared>>)
    %dma_wait3A_274 = arith.constant 3 : i32
    %dma_wait3A_275 = arith.constant 1 : i32
    %dma_wait3A_276 = arith.constant 3 : i32
    %dma_wait3A_277 = arith.constant 0 : i32
    %dma_wait3A_278 = arith.constant 0 : i32
    %dma_wait3A_279 = tpu.memref_slice %arg8[%dma_wait3A_274, %dma_wait3A_277, %dma_wait3A_278] : memref<5x40x128xf32, #tpu.memory_space<vmem>> -> memref<1x40x128xf32, #tpu.memory_space<vmem>>
    %dma_wait3A_280 = tpu.memref_squeeze %dma_wait3A_279 : memref<1x40x128xf32, #tpu.memory_space<vmem>> -> memref<40x128xf32, #tpu.memory_space<vmem>>
    %dma_wait3A_281 = arith.constant 0 : i32
    %dma_wait3A_282 = arith.constant 0 : i32
    %dma_wait3A_283 = tpu.memref_slice %arg7[%dma_wait3A_275, %dma_wait3A_281, %dma_wait3A_282] : memref<2x5x40xi32, #tpu.memory_space<vmem>> -> memref<1x5x40xi32, #tpu.memory_space<vmem>>
    %dma_wait3A_284 = tpu.memref_squeeze %dma_wait3A_283 : memref<1x5x40xi32, #tpu.memory_space<vmem>> -> memref<5x40xi32, #tpu.memory_space<vmem>>
    %dma_wait3A_285 = arith.constant 0 : i32
    %dma_wait3A_286 = tpu.memref_slice %dma_wait3A_284[%dma_wait3A_276, %dma_wait3A_285] : memref<5x40xi32, #tpu.memory_space<vmem>> -> memref<1x40xi32, #tpu.memory_space<vmem>>
    %dma_wait3A_287 = tpu.memref_squeeze %dma_wait3A_286 : memref<1x40xi32, #tpu.memory_space<vmem>> -> memref<40xi32, #tpu.memory_space<vmem>>
    %dma_wait3A_288 = arith.constant 0 : i32
    %dma_wait3A_289 = arith.constant 0 : i32
    %dma_wait3A_290 = tpu.memref_slice %arg9[%dma_wait3A_288, %dma_wait3A_289] : memref<10240x128xf32, #tpu.memory_space<vmem_shared>> -> memref<10240x128xf32, #tpu.memory_space<vmem_shared>>
    tpu.wait_indirect_dma semaphore(%arg20 : memref<!tpu.dma_semaphore, #tpu.memory_space<semaphore_mem>>) src(%dma_wait3A_280 : memref<40x128xf32, #tpu.memory_space<vmem>>) dst(%dma_wait3A_290 : memref<10240x128xf32, #tpu.memory_space<vmem_shared>>)
    %dma_wait3A_291 = arith.constant 4 : i32
    %dma_wait3A_292 = arith.constant 1 : i32
    %dma_wait3A_293 = arith.constant 4 : i32
    %dma_wait3A_294 = arith.constant 0 : i32
    %dma_wait3A_295 = arith.constant 0 : i32
    %dma_wait3A_296 = tpu.memref_slice %arg8[%dma_wait3A_291, %dma_wait3A_294, %dma_wait3A_295] : memref<5x40x128xf32, #tpu.memory_space<vmem>> -> memref<1x40x128xf32, #tpu.memory_space<vmem>>
    %dma_wait3A_297 = tpu.memref_squeeze %dma_wait3A_296 : memref<1x40x128xf32, #tpu.memory_space<vmem>> -> memref<40x128xf32, #tpu.memory_space<vmem>>
    %dma_wait3A_298 = arith.constant 0 : i32
    %dma_wait3A_299 = arith.constant 0 : i32
    %dma_wait3A_300 = tpu.memref_slice %arg7[%dma_wait3A_292, %dma_wait3A_298, %dma_wait3A_299] : memref<2x5x40xi32, #tpu.memory_space<vmem>> -> memref<1x5x40xi32, #tpu.memory_space<vmem>>
    %dma_wait3A_301 = tpu.memref_squeeze %dma_wait3A_300 : memref<1x5x40xi32, #tpu.memory_space<vmem>> -> memref<5x40xi32, #tpu.memory_space<vmem>>
    %dma_wait3A_302 = arith.constant 0 : i32
    %dma_wait3A_303 = tpu.memref_slice %dma_wait3A_301[%dma_wait3A_293, %dma_wait3A_302] : memref<5x40xi32, #tpu.memory_space<vmem>> -> memref<1x40xi32, #tpu.memory_space<vmem>>
    %dma_wait3A_304 = tpu.memref_squeeze %dma_wait3A_303 : memref<1x40xi32, #tpu.memory_space<vmem>> -> memref<40xi32, #tpu.memory_space<vmem>>
    %dma_wait3A_305 = arith.constant 0 : i32
    %dma_wait3A_306 = arith.constant 0 : i32
    %dma_wait3A_307 = tpu.memref_slice %arg9[%dma_wait3A_305, %dma_wait3A_306] : memref<10240x128xf32, #tpu.memory_space<vmem_shared>> -> memref<10240x128xf32, #tpu.memory_space<vmem_shared>>
    tpu.wait_indirect_dma semaphore(%arg21 : memref<!tpu.dma_semaphore, #tpu.memory_space<semaphore_mem>>) src(%dma_wait3A_297 : memref<40x128xf32, #tpu.memory_space<vmem>>) dst(%dma_wait3A_307 : memref<10240x128xf32, #tpu.memory_space<vmem_shared>>)
    %barrier3A_308 = arith.constant 0 : index
    tpu.barrier barrier_id(%barrier3A_308)
    %scan3A_309 = arith.constant 0 : i32
    %scan3A_310 = arith.constant 0 : i32
    %scan3A_311 = arith.constant 16 : i32
    %scan3A_312 = arith.addi %scan3A_310, %scan3A_311 : i32
    %scan3A_313 = arith.constant 1 : i32
    scf.for %scan3A_315 = %scan3A_310 to %scan3A_312 step %scan3A_313  : i32 {
      %mul3A_316 = arith.constant 40 : i32
      %mul3A_317 = arith.muli %scan3A_315, %mul3A_316 : i32
      %add3A_318 = arith.addi %mul3A_2, %mul3A_317 : i32
      "tpu.region"() ({
        %run_scoped3A = tpu.sem_alloc : memref<!tpu.dma_semaphore, #tpu.memory_space<semaphore_mem>>
        %dma_start3A_319 = arith.constant 0 : i32
        %dma_start3A_320 = tpu.memref_slice %arg5[%arg0, %add3A_318, %dma_start3A_319] : memref<2x10240x128xf32, #tpu.memory_space<hbm>> -> memref<1x40x128xf32, #tpu.memory_space<hbm>>
        %dma_start3A_321 = tpu.memref_squeeze %dma_start3A_320 : memref<1x40x128xf32, #tpu.memory_space<hbm>> -> memref<40x128xf32, #tpu.memory_space<hbm>>
        %dma_start3A_322 = arith.constant 0 : i32
        %dma_start3A_323 = tpu.memref_slice %arg9[%add3A_318, %dma_start3A_322] : memref<10240x128xf32, #tpu.memory_space<vmem_shared>> -> memref<40x128xf32, #tpu.memory_space<vmem_shared>>
        tpu.enqueue_dma source(%dma_start3A_323 : memref<40x128xf32, #tpu.memory_space<vmem_shared>>) target(%dma_start3A_321 : memref<40x128xf32, #tpu.memory_space<hbm>>) target_semaphore(%run_scoped3A : memref<!tpu.dma_semaphore, #tpu.memory_space<semaphore_mem>>)
        %dma_wait3A_324 = arith.constant 0 : i32
        %dma_wait3A_325 = tpu.memref_slice %arg5[%arg0, %add3A_318, %dma_wait3A_324] : memref<2x10240x128xf32, #tpu.memory_space<hbm>> -> memref<1x40x128xf32, #tpu.memory_space<hbm>>
        %dma_wait3A_326 = tpu.memref_squeeze %dma_wait3A_325 : memref<1x40x128xf32, #tpu.memory_space<hbm>> -> memref<40x128xf32, #tpu.memory_space<hbm>>
        %dma_wait3A_327 = arith.constant 0 : i32
        %dma_wait3A_328 = tpu.memref_slice %arg9[%add3A_318, %dma_wait3A_327] : memref<10240x128xf32, #tpu.memory_space<vmem_shared>> -> memref<40x128xf32, #tpu.memory_space<vmem_shared>>
        tpu.wait_dma2 semaphore(%run_scoped3A : memref<!tpu.dma_semaphore, #tpu.memory_space<semaphore_mem>>) src(%dma_wait3A_328 : memref<40x128xf32, #tpu.memory_space<vmem_shared>>) dst(%dma_wait3A_326 : memref<40x128xf32, #tpu.memory_space<hbm>>)
        tpu.yield
      }) : () -> ()
    }
    %scan3A_314 = arith.constant 16 : i32
    return
  }
}

module attributes {stable_mosaic.version = 14 : i64} {
  func.func @_t1_body(%arg0: i32, %arg1: memref<1000x128xf32, #tpu.memory_space<vmem>>, %arg2: memref<8x128x128xf32, #tpu.memory_space<vmem>>, %arg3: memref<8x1000x128xf32, #tpu.memory_space<vmem>>) attributes {dimension_semantics = [#tpu.dimension_semantics<arbitrary>], iteration_bounds = array<i64: 10>, scalar_prefetch = 0 : i64, scratch_operands = 0 : i64, tpu.core_type = #tpu.core_type<tc>, window_params = [{transform_indices = @transform_0, window_bounds = array<i64: 1000, 128>}, {pipeline_mode = #tpu.pipeline_mode<synchronous>, transform_indices = @transform_1, window_bounds = array<i64: 8, 128, 128>}, {transform_indices = @transform_2, window_bounds = array<i64: 8, 1000, 128>}]} {
    %get3A = arith.constant 0 : index
    %get3A_0 = arith.constant 0 : index
    %get3A_1 = vector.load %arg1[%get3A, %get3A_0] : memref<1000x128xf32, #tpu.memory_space<vmem>>, vector<1000x128xf32>
    %get3A_2 = arith.constant 0 : index
    %get3A_3 = arith.constant 0 : index
    %get3A_4 = arith.constant 0 : index
    %get3A_5 = vector.load %arg2[%get3A_2, %get3A_3, %get3A_4] : memref<8x128x128xf32, #tpu.memory_space<vmem>>, vector<1x128x128xf32>
    %get3A_6 = vector.shape_cast %get3A_5 : vector<1x128x128xf32> to vector<128x128xf32>
    %dot_general3A = arith.constant dense<0.000000e+00> : vector<1000x128xf32>
    %dot_general3A_7 = tpu.matmul %get3A_1, %get3A_6, %dot_general3A {dimension_numbers = #tpu.dot_dimension_numbers<[1], [0], [0], [1], [0, 0, 1, 1], [], []>, transpose_lhs_hint = false} : vector<1000x128xf32>, vector<128x128xf32>, vector<1000x128xf32> -> vector<1000x128xf32>
    %swap3A = arith.constant 0 : index
    %swap3A_8 = arith.constant 0 : index
    %swap3A_9 = arith.constant 0 : index
    %swap3A_10 = vector.load %arg3[%swap3A, %swap3A_8, %swap3A_9] : memref<8x1000x128xf32, #tpu.memory_space<vmem>>, vector<1x1000x128xf32>
    %swap3A_11 = vector.shape_cast %swap3A_10 : vector<1x1000x128xf32> to vector<1000x128xf32>
    %swap3A_12 = vector.shape_cast %dot_general3A_7 : vector<1000x128xf32> to vector<1x1000x128xf32>
    tpu.vector_store %arg3[%swap3A, %swap3A_8, %swap3A_9], %swap3A_12 {strides = array<i32>} : memref<8x1000x128xf32, #tpu.memory_space<vmem>>, vector<1x1000x128xf32>,
    %get3A_13 = arith.constant 0 : index
    %get3A_14 = arith.constant 0 : index
    %get3A_15 = vector.load %arg1[%get3A_13, %get3A_14] : memref<1000x128xf32, #tpu.memory_space<vmem>>, vector<1000x128xf32>
    %get3A_16 = arith.constant 1 : index
    %get3A_17 = arith.constant 0 : index
    %get3A_18 = arith.constant 0 : index
    %get3A_19 = vector.load %arg2[%get3A_16, %get3A_17, %get3A_18] : memref<8x128x128xf32, #tpu.memory_space<vmem>>, vector<1x128x128xf32>
    %get3A_20 = vector.shape_cast %get3A_19 : vector<1x128x128xf32> to vector<128x128xf32>
    %dot_general3A_21 = arith.constant dense<0.000000e+00> : vector<1000x128xf32>
    %dot_general3A_22 = tpu.matmul %get3A_15, %get3A_20, %dot_general3A_21 {dimension_numbers = #tpu.dot_dimension_numbers<[1], [0], [0], [1], [0, 0, 1, 1], [], []>, transpose_lhs_hint = false} : vector<1000x128xf32>, vector<128x128xf32>, vector<1000x128xf32> -> vector<1000x128xf32>
    %swap3A_23 = arith.constant 1 : index
    %swap3A_24 = arith.constant 0 : index
    %swap3A_25 = arith.constant 0 : index
    %swap3A_26 = vector.load %arg3[%swap3A_23, %swap3A_24, %swap3A_25] : memref<8x1000x128xf32, #tpu.memory_space<vmem>>, vector<1x1000x128xf32>
    %swap3A_27 = vector.shape_cast %swap3A_26 : vector<1x1000x128xf32> to vector<1000x128xf32>
    %swap3A_28 = vector.shape_cast %dot_general3A_22 : vector<1000x128xf32> to vector<1x1000x128xf32>
    tpu.vector_store %arg3[%swap3A_23, %swap3A_24, %swap3A_25], %swap3A_28 {strides = array<i32>} : memref<8x1000x128xf32, #tpu.memory_space<vmem>>, vector<1x1000x128xf32>,
    %get3A_29 = arith.constant 0 : index
    %get3A_30 = arith.constant 0 : index
    %get3A_31 = vector.load %arg1[%get3A_29, %get3A_30] : memref<1000x128xf32, #tpu.memory_space<vmem>>, vector<1000x128xf32>
    %get3A_32 = arith.constant 2 : index
    %get3A_33 = arith.constant 0 : index
    %get3A_34 = arith.constant 0 : index
    %get3A_35 = vector.load %arg2[%get3A_32, %get3A_33, %get3A_34] : memref<8x128x128xf32, #tpu.memory_space<vmem>>, vector<1x128x128xf32>
    %get3A_36 = vector.shape_cast %get3A_35 : vector<1x128x128xf32> to vector<128x128xf32>
    %dot_general3A_37 = arith.constant dense<0.000000e+00> : vector<1000x128xf32>
    %dot_general3A_38 = tpu.matmul %get3A_31, %get3A_36, %dot_general3A_37 {dimension_numbers = #tpu.dot_dimension_numbers<[1], [0], [0], [1], [0, 0, 1, 1], [], []>, transpose_lhs_hint = false} : vector<1000x128xf32>, vector<128x128xf32>, vector<1000x128xf32> -> vector<1000x128xf32>
    %swap3A_39 = arith.constant 2 : index
    %swap3A_40 = arith.constant 0 : index
    %swap3A_41 = arith.constant 0 : index
    %swap3A_42 = vector.load %arg3[%swap3A_39, %swap3A_40, %swap3A_41] : memref<8x1000x128xf32, #tpu.memory_space<vmem>>, vector<1x1000x128xf32>
    %swap3A_43 = vector.shape_cast %swap3A_42 : vector<1x1000x128xf32> to vector<1000x128xf32>
    %swap3A_44 = vector.shape_cast %dot_general3A_38 : vector<1000x128xf32> to vector<1x1000x128xf32>
    tpu.vector_store %arg3[%swap3A_39, %swap3A_40, %swap3A_41], %swap3A_44 {strides = array<i32>} : memref<8x1000x128xf32, #tpu.memory_space<vmem>>, vector<1x1000x128xf32>,
    %get3A_45 = arith.constant 0 : index
    %get3A_46 = arith.constant 0 : index
    %get3A_47 = vector.load %arg1[%get3A_45, %get3A_46] : memref<1000x128xf32, #tpu.memory_space<vmem>>, vector<1000x128xf32>
    %get3A_48 = arith.constant 3 : index
    %get3A_49 = arith.constant 0 : index
    %get3A_50 = arith.constant 0 : index
    %get3A_51 = vector.load %arg2[%get3A_48, %get3A_49, %get3A_50] : memref<8x128x128xf32, #tpu.memory_space<vmem>>, vector<1x128x128xf32>
    %get3A_52 = vector.shape_cast %get3A_51 : vector<1x128x128xf32> to vector<128x128xf32>
    %dot_general3A_53 = arith.constant dense<0.000000e+00> : vector<1000x128xf32>
    %dot_general3A_54 = tpu.matmul %get3A_47, %get3A_52, %dot_general3A_53 {dimension_numbers = #tpu.dot_dimension_numbers<[1], [0], [0], [1], [0, 0, 1, 1], [], []>, transpose_lhs_hint = false} : vector<1000x128xf32>, vector<128x128xf32>, vector<1000x128xf32> -> vector<1000x128xf32>
    %swap3A_55 = arith.constant 3 : index
    %swap3A_56 = arith.constant 0 : index
    %swap3A_57 = arith.constant 0 : index
    %swap3A_58 = vector.load %arg3[%swap3A_55, %swap3A_56, %swap3A_57] : memref<8x1000x128xf32, #tpu.memory_space<vmem>>, vector<1x1000x128xf32>
    %swap3A_59 = vector.shape_cast %swap3A_58 : vector<1x1000x128xf32> to vector<1000x128xf32>
    %swap3A_60 = vector.shape_cast %dot_general3A_54 : vector<1000x128xf32> to vector<1x1000x128xf32>
    tpu.vector_store %arg3[%swap3A_55, %swap3A_56, %swap3A_57], %swap3A_60 {strides = array<i32>} : memref<8x1000x128xf32, #tpu.memory_space<vmem>>, vector<1x1000x128xf32>,
    %get3A_61 = arith.constant 0 : index
    %get3A_62 = arith.constant 0 : index
    %get3A_63 = vector.load %arg1[%get3A_61, %get3A_62] : memref<1000x128xf32, #tpu.memory_space<vmem>>, vector<1000x128xf32>
    %get3A_64 = arith.constant 4 : index
    %get3A_65 = arith.constant 0 : index
    %get3A_66 = arith.constant 0 : index
    %get3A_67 = vector.load %arg2[%get3A_64, %get3A_65, %get3A_66] : memref<8x128x128xf32, #tpu.memory_space<vmem>>, vector<1x128x128xf32>
    %get3A_68 = vector.shape_cast %get3A_67 : vector<1x128x128xf32> to vector<128x128xf32>
    %dot_general3A_69 = arith.constant dense<0.000000e+00> : vector<1000x128xf32>
    %dot_general3A_70 = tpu.matmul %get3A_63, %get3A_68, %dot_general3A_69 {dimension_numbers = #tpu.dot_dimension_numbers<[1], [0], [0], [1], [0, 0, 1, 1], [], []>, transpose_lhs_hint = false} : vector<1000x128xf32>, vector<128x128xf32>, vector<1000x128xf32> -> vector<1000x128xf32>
    %swap3A_71 = arith.constant 4 : index
    %swap3A_72 = arith.constant 0 : index
    %swap3A_73 = arith.constant 0 : index
    %swap3A_74 = vector.load %arg3[%swap3A_71, %swap3A_72, %swap3A_73] : memref<8x1000x128xf32, #tpu.memory_space<vmem>>, vector<1x1000x128xf32>
    %swap3A_75 = vector.shape_cast %swap3A_74 : vector<1x1000x128xf32> to vector<1000x128xf32>
    %swap3A_76 = vector.shape_cast %dot_general3A_70 : vector<1000x128xf32> to vector<1x1000x128xf32>
    tpu.vector_store %arg3[%swap3A_71, %swap3A_72, %swap3A_73], %swap3A_76 {strides = array<i32>} : memref<8x1000x128xf32, #tpu.memory_space<vmem>>, vector<1x1000x128xf32>,
    %get3A_77 = arith.constant 0 : index
    %get3A_78 = arith.constant 0 : index
    %get3A_79 = vector.load %arg1[%get3A_77, %get3A_78] : memref<1000x128xf32, #tpu.memory_space<vmem>>, vector<1000x128xf32>
    %get3A_80 = arith.constant 5 : index
    %get3A_81 = arith.constant 0 : index
    %get3A_82 = arith.constant 0 : index
    %get3A_83 = vector.load %arg2[%get3A_80, %get3A_81, %get3A_82] : memref<8x128x128xf32, #tpu.memory_space<vmem>>, vector<1x128x128xf32>
    %get3A_84 = vector.shape_cast %get3A_83 : vector<1x128x128xf32> to vector<128x128xf32>
    %dot_general3A_85 = arith.constant dense<0.000000e+00> : vector<1000x128xf32>
    %dot_general3A_86 = tpu.matmul %get3A_79, %get3A_84, %dot_general3A_85 {dimension_numbers = #tpu.dot_dimension_numbers<[1], [0], [0], [1], [0, 0, 1, 1], [], []>, transpose_lhs_hint = false} : vector<1000x128xf32>, vector<128x128xf32>, vector<1000x128xf32> -> vector<1000x128xf32>
    %swap3A_87 = arith.constant 5 : index
    %swap3A_88 = arith.constant 0 : index
    %swap3A_89 = arith.constant 0 : index
    %swap3A_90 = vector.load %arg3[%swap3A_87, %swap3A_88, %swap3A_89] : memref<8x1000x128xf32, #tpu.memory_space<vmem>>, vector<1x1000x128xf32>
    %swap3A_91 = vector.shape_cast %swap3A_90 : vector<1x1000x128xf32> to vector<1000x128xf32>
    %swap3A_92 = vector.shape_cast %dot_general3A_86 : vector<1000x128xf32> to vector<1x1000x128xf32>
    tpu.vector_store %arg3[%swap3A_87, %swap3A_88, %swap3A_89], %swap3A_92 {strides = array<i32>} : memref<8x1000x128xf32, #tpu.memory_space<vmem>>, vector<1x1000x128xf32>,
    %get3A_93 = arith.constant 0 : index
    %get3A_94 = arith.constant 0 : index
    %get3A_95 = vector.load %arg1[%get3A_93, %get3A_94] : memref<1000x128xf32, #tpu.memory_space<vmem>>, vector<1000x128xf32>
    %get3A_96 = arith.constant 6 : index
    %get3A_97 = arith.constant 0 : index
    %get3A_98 = arith.constant 0 : index
    %get3A_99 = vector.load %arg2[%get3A_96, %get3A_97, %get3A_98] : memref<8x128x128xf32, #tpu.memory_space<vmem>>, vector<1x128x128xf32>
    %get3A_100 = vector.shape_cast %get3A_99 : vector<1x128x128xf32> to vector<128x128xf32>
    %dot_general3A_101 = arith.constant dense<0.000000e+00> : vector<1000x128xf32>
    %dot_general3A_102 = tpu.matmul %get3A_95, %get3A_100, %dot_general3A_101 {dimension_numbers = #tpu.dot_dimension_numbers<[1], [0], [0], [1], [0, 0, 1, 1], [], []>, transpose_lhs_hint = false} : vector<1000x128xf32>, vector<128x128xf32>, vector<1000x128xf32> -> vector<1000x128xf32>
    %swap3A_103 = arith.constant 6 : index
    %swap3A_104 = arith.constant 0 : index
    %swap3A_105 = arith.constant 0 : index
    %swap3A_106 = vector.load %arg3[%swap3A_103, %swap3A_104, %swap3A_105] : memref<8x1000x128xf32, #tpu.memory_space<vmem>>, vector<1x1000x128xf32>
    %swap3A_107 = vector.shape_cast %swap3A_106 : vector<1x1000x128xf32> to vector<1000x128xf32>
    %swap3A_108 = vector.shape_cast %dot_general3A_102 : vector<1000x128xf32> to vector<1x1000x128xf32>
    tpu.vector_store %arg3[%swap3A_103, %swap3A_104, %swap3A_105], %swap3A_108 {strides = array<i32>} : memref<8x1000x128xf32, #tpu.memory_space<vmem>>, vector<1x1000x128xf32>,
    %get3A_109 = arith.constant 0 : index
    %get3A_110 = arith.constant 0 : index
    %get3A_111 = vector.load %arg1[%get3A_109, %get3A_110] : memref<1000x128xf32, #tpu.memory_space<vmem>>, vector<1000x128xf32>
    %get3A_112 = arith.constant 7 : index
    %get3A_113 = arith.constant 0 : index
    %get3A_114 = arith.constant 0 : index
    %get3A_115 = vector.load %arg2[%get3A_112, %get3A_113, %get3A_114] : memref<8x128x128xf32, #tpu.memory_space<vmem>>, vector<1x128x128xf32>
    %get3A_116 = vector.shape_cast %get3A_115 : vector<1x128x128xf32> to vector<128x128xf32>
    %dot_general3A_117 = arith.constant dense<0.000000e+00> : vector<1000x128xf32>
    %dot_general3A_118 = tpu.matmul %get3A_111, %get3A_116, %dot_general3A_117 {dimension_numbers = #tpu.dot_dimension_numbers<[1], [0], [0], [1], [0, 0, 1, 1], [], []>, transpose_lhs_hint = false} : vector<1000x128xf32>, vector<128x128xf32>, vector<1000x128xf32> -> vector<1000x128xf32>
    %swap3A_119 = arith.constant 7 : index
    %swap3A_120 = arith.constant 0 : index
    %swap3A_121 = arith.constant 0 : index
    %swap3A_122 = vector.load %arg3[%swap3A_119, %swap3A_120, %swap3A_121] : memref<8x1000x128xf32, #tpu.memory_space<vmem>>, vector<1x1000x128xf32>
    %swap3A_123 = vector.shape_cast %swap3A_122 : vector<1x1000x128xf32> to vector<1000x128xf32>
    %swap3A_124 = vector.shape_cast %dot_general3A_118 : vector<1000x128xf32> to vector<1x1000x128xf32>
    tpu.vector_store %arg3[%swap3A_119, %swap3A_120, %swap3A_121], %swap3A_124 {strides = array<i32>} : memref<8x1000x128xf32, #tpu.memory_space<vmem>>, vector<1x1000x128xf32>,
    return
  }
  func.func @transform_0(%arg0: i32) -> (i32, i32) {
    %c0_i32 = arith.constant 0 : i32
    %c0_i32_0 = arith.constant 0 : i32
    return %arg0, %c0_i32 : i32, i32
  }
  func.func @transform_1(%arg0: i32) -> (i32, i32, i32) {
    %c0_i32 = arith.constant 0 : i32
    %c0_i32_0 = arith.constant 0 : i32
    %c0_i32_1 = arith.constant 0 : i32
    %c0_i32_2 = arith.constant 0 : i32
    return %c0_i32, %c0_i32_0, %c0_i32_1 : i32, i32, i32
  }
  func.func @transform_2(%arg0: i32) -> (i32, i32, i32) {
    %c0_i32 = arith.constant 0 : i32
    %c0_i32_0 = arith.constant 0 : i32
    %c0_i32_1 = arith.constant 0 : i32
    return %c0_i32, %arg0, %c0_i32_0 : i32, i32, i32
  }
}

module attributes {stable_mosaic.version = 14 : i64} {
  func.func @_t2_body(%arg0: i32, %arg1: memref<2x1000x128xf32, #tpu.memory_space<vmem>>, %arg2: memref<1000x128xf32, #tpu.memory_space<vmem>>, %arg3: memref<128x128xf32, #tpu.memory_space<vmem>>, %arg4: memref<128x128xf32, #tpu.memory_space<vmem>>, %arg5: memref<1x128xf32, #tpu.memory_space<vmem>>, %arg6: memref<1x128xf32, #tpu.memory_space<vmem>>, %arg7: memref<128x128xf32, #tpu.memory_space<vmem>>, %arg8: memref<128x128xf32, #tpu.memory_space<vmem>>, %arg9: memref<1x128xf32, #tpu.memory_space<vmem>>, %arg10: memref<1000x128xf32, #tpu.memory_space<vmem>>, %arg11: memref<1x128xf32, #tpu.memory_space<vmem>>, %arg12: memref<1x128xf32, #tpu.memory_space<vmem>>) attributes {dimension_semantics = [#tpu.dimension_semantics<arbitrary>], iteration_bounds = array<i64: 10>, scalar_prefetch = 0 : i64, scratch_operands = 1 : i64, tpu.core_type = #tpu.core_type<tc>, window_params = [{transform_indices = @transform_0, window_bounds = array<i64: 2, 1000, 128>}, {transform_indices = @transform_1, window_bounds = array<i64: 1000, 128>}, {pipeline_mode = #tpu.pipeline_mode<synchronous>, transform_indices = @transform_2, window_bounds = array<i64: 128, 128>}, {pipeline_mode = #tpu.pipeline_mode<synchronous>, transform_indices = @transform_3, window_bounds = array<i64: 128, 128>}, {pipeline_mode = #tpu.pipeline_mode<synchronous>, transform_indices = @transform_4, window_bounds = array<i64: 1, 128>}, {pipeline_mode = #tpu.pipeline_mode<synchronous>, transform_indices = @transform_5, window_bounds = array<i64: 1, 128>}, {pipeline_mode = #tpu.pipeline_mode<synchronous>, transform_indices = @transform_6, window_bounds = array<i64: 128, 128>}, {pipeline_mode = #tpu.pipeline_mode<synchronous>, transform_indices = @transform_7, window_bounds = array<i64: 128, 128>}, {pipeline_mode = #tpu.pipeline_mode<synchronous>, transform_indices = @transform_8, window_bounds = array<i64: 1, 128>}, {transform_indices = @transform_9, window_bounds = array<i64: 1000, 128>}, {pipeline_mode = #tpu.pipeline_mode<synchronous>, transform_indices = @transform_10, window_bounds = array<i64: 1, 128>}]} {
    %get3A = arith.constant 0 : index
    %get3A_0 = arith.constant 0 : index
    %get3A_1 = arith.constant 0 : index
    %get3A_2 = vector.load %arg1[%get3A, %get3A_0, %get3A_1] : memref<2x1000x128xf32, #tpu.memory_space<vmem>>, vector<1x1000x128xf32>
    %get3A_3 = vector.shape_cast %get3A_2 : vector<1x1000x128xf32> to vector<1000x128xf32>
    %get3A_4 = arith.constant 1 : index
    %get3A_5 = arith.constant 0 : index
    %get3A_6 = arith.constant 0 : index
    %get3A_7 = vector.load %arg1[%get3A_4, %get3A_5, %get3A_6] : memref<2x1000x128xf32, #tpu.memory_space<vmem>>, vector<1x1000x128xf32>
    %get3A_8 = vector.shape_cast %get3A_7 : vector<1x1000x128xf32> to vector<1000x128xf32>
    %add3A = arith.addf %get3A_3, %get3A_8 : vector<1000x128xf32>
    %get3A_9 = arith.constant 0 : index
    %get3A_10 = arith.constant 0 : index
    %get3A_11 = vector.load %arg2[%get3A_9, %get3A_10] : memref<1000x128xf32, #tpu.memory_space<vmem>>, vector<1000x128xf32>
    %get3A_12 = arith.constant 0 : index
    %get3A_13 = arith.constant 0 : index
    %get3A_14 = vector.load %arg3[%get3A_12, %get3A_13] : memref<128x128xf32, #tpu.memory_space<vmem>>, vector<128x128xf32>
    %dot_general3A = arith.constant dense<0.000000e+00> : vector<1000x128xf32>
    %dot_general3A_15 = tpu.matmul %get3A_11, %get3A_14, %dot_general3A {dimension_numbers = #tpu.dot_dimension_numbers<[1], [0], [0], [1], [0, 0, 1, 1], [], []>, transpose_lhs_hint = false} : vector<1000x128xf32>, vector<128x128xf32>, vector<1000x128xf32> -> vector<1000x128xf32>
    %add3A_16 = arith.addf %add3A, %dot_general3A_15 : vector<1000x128xf32>
    %get3A_17 = arith.constant 0 : index
    %get3A_18 = arith.constant 0 : index
    %get3A_19 = vector.load %arg4[%get3A_17, %get3A_18] : memref<128x128xf32, #tpu.memory_space<vmem>>, vector<128x128xf32>
    %dot_general3A_20 = arith.constant dense<0.000000e+00> : vector<1000x128xf32>
    %dot_general3A_21 = tpu.matmul %add3A_16, %get3A_19, %dot_general3A_20 {dimension_numbers = #tpu.dot_dimension_numbers<[1], [0], [0], [1], [0, 0, 1, 1], [], []>, transpose_lhs_hint = false} : vector<1000x128xf32>, vector<128x128xf32>, vector<1000x128xf32> -> vector<1000x128xf32>
    %get3A_22 = arith.constant 0 : index
    %get3A_23 = arith.constant 0 : index
    %get3A_24 = vector.load %arg5[%get3A_22, %get3A_23] : memref<1x128xf32, #tpu.memory_space<vmem>>, vector<1x128xf32>
    %add3A_25 = vector.broadcast %get3A_24 : vector<1x128xf32> to vector<1000x128xf32>
    %add3A_26 = arith.addf %dot_general3A_21, %add3A_25 : vector<1000x128xf32>
    %max3A = arith.constant 0.000000e+00 : f32
    %max3A_27 = vector.broadcast %max3A : f32 to vector<1000x128xf32>
    %max3A_28 = arith.maximumf %add3A_26, %max3A_27 : vector<1000x128xf32>
    %swap3A = arith.constant 0 : index
    %swap3A_29 = arith.constant 0 : index
    %swap3A_30 = vector.load %arg10[%swap3A, %swap3A_29] : memref<1000x128xf32, #tpu.memory_space<vmem>>, vector<1000x128xf32>
    tpu.vector_store %arg10[%swap3A, %swap3A_29], %max3A_28 {strides = array<i32>} : memref<1000x128xf32, #tpu.memory_space<vmem>>, vector<1000x128xf32>,
    %reduce_sum3A = arith.constant dense<0.000000e+00> : vector<128xf32>
    %reduce_sum3A_31 = vector.multi_reduction <add>, %add3A_16, %reduce_sum3A [0] : vector<1000x128xf32> to vector<128xf32>
    %broadcast_in_dim3A = vector.shape_cast %reduce_sum3A_31 : vector<128xf32> to vector<1x128xf32>
    %eq3A = arith.constant 0 : i32
    %eq3A_32 = arith.cmpi eq, %arg0, %eq3A : i32
    %convert_element_type3A = arith.extui %eq3A_32 : i1 to i32
    %cond3A = arith.constant 0 : i32
    %cond3A_33 = arith.cmpi ne, %convert_element_type3A, %cond3A : i32
    scf.if %cond3A_33 {
      %swap3A_43 = arith.constant 0 : index
      %swap3A_44 = arith.constant 0 : index
      %swap3A_45 = vector.load %arg12[%swap3A_43, %swap3A_44] : memref<1x128xf32, #tpu.memory_space<vmem>>, vector<1x128xf32>
      tpu.vector_store %arg12[%swap3A_43, %swap3A_44], %broadcast_in_dim3A {strides = array<i32>} : memref<1x128xf32, #tpu.memory_space<vmem>>, vector<1x128xf32>,
    } else {
    }
    %gt3A = arith.constant 0 : i32
    %gt3A_34 = arith.cmpi sgt, %arg0, %gt3A : i32
    %convert_element_type3A_35 = arith.extui %gt3A_34 : i1 to i32
    %cond3A_36 = arith.constant 0 : i32
    %cond3A_37 = arith.cmpi ne, %convert_element_type3A_35, %cond3A_36 : i32
    scf.if %cond3A_37 {
      %get3A_43 = arith.constant 0 : index
      %get3A_44 = arith.constant 0 : index
      %get3A_45 = vector.load %arg12[%get3A_43, %get3A_44] : memref<1x128xf32, #tpu.memory_space<vmem>>, vector<1x128xf32>
      %add3A_46 = arith.addf %get3A_45, %broadcast_in_dim3A : vector<1x128xf32>
      %swap3A_47 = arith.constant 0 : index
      %swap3A_48 = arith.constant 0 : index
      %swap3A_49 = vector.load %arg12[%swap3A_47, %swap3A_48] : memref<1x128xf32, #tpu.memory_space<vmem>>, vector<1x128xf32>
      tpu.vector_store %arg12[%swap3A_47, %swap3A_48], %add3A_46 {strides = array<i32>} : memref<1x128xf32, #tpu.memory_space<vmem>>, vector<1x128xf32>,
    } else {
    }
    %eq3A_38 = arith.constant 9 : i32
    %eq3A_39 = arith.cmpi eq, %arg0, %eq3A_38 : i32
    %convert_element_type3A_40 = arith.extui %eq3A_39 : i1 to i32
    %cond3A_41 = arith.constant 0 : i32
    %cond3A_42 = arith.cmpi ne, %convert_element_type3A_40, %cond3A_41 : i32
    scf.if %cond3A_42 {
      %get3A_43 = arith.constant 0 : index
      %get3A_44 = arith.constant 0 : index
      %get3A_45 = vector.load %arg6[%get3A_43, %get3A_44] : memref<1x128xf32, #tpu.memory_space<vmem>>, vector<1x128xf32>
      %get3A_46 = arith.constant 0 : index
      %get3A_47 = arith.constant 0 : index
      %get3A_48 = vector.load %arg7[%get3A_46, %get3A_47] : memref<128x128xf32, #tpu.memory_space<vmem>>, vector<128x128xf32>
      %dot_general3A_49 = arith.constant dense<0.000000e+00> : vector<1x128xf32>
      %dot_general3A_50 = tpu.matmul %get3A_45, %get3A_48, %dot_general3A_49 {dimension_numbers = #tpu.dot_dimension_numbers<[1], [0], [0], [1], [0, 0, 1, 1], [], []>, transpose_lhs_hint = false} : vector<1x128xf32>, vector<128x128xf32>, vector<1x128xf32> -> vector<1x128xf32>
      %get3A_51 = arith.constant 0 : index
      %get3A_52 = arith.constant 0 : index
      %get3A_53 = vector.load %arg12[%get3A_51, %get3A_52] : memref<1x128xf32, #tpu.memory_space<vmem>>, vector<1x128xf32>
      %get3A_54 = arith.constant 0 : index
      %get3A_55 = arith.constant 0 : index
      %get3A_56 = vector.load %arg8[%get3A_54, %get3A_55] : memref<128x128xf32, #tpu.memory_space<vmem>>, vector<128x128xf32>
      %dot_general3A_57 = arith.constant dense<0.000000e+00> : vector<1x128xf32>
      %dot_general3A_58 = tpu.matmul %get3A_53, %get3A_56, %dot_general3A_57 {dimension_numbers = #tpu.dot_dimension_numbers<[1], [0], [0], [1], [0, 0, 1, 1], [], []>, transpose_lhs_hint = false} : vector<1x128xf32>, vector<128x128xf32>, vector<1x128xf32> -> vector<1x128xf32>
      %add3A_59 = arith.addf %dot_general3A_50, %dot_general3A_58 : vector<1x128xf32>
      %get3A_60 = arith.constant 0 : index
      %get3A_61 = arith.constant 0 : index
      %get3A_62 = vector.load %arg9[%get3A_60, %get3A_61] : memref<1x128xf32, #tpu.memory_space<vmem>>, vector<1x128xf32>
      %add3A_63 = arith.addf %add3A_59, %get3A_62 : vector<1x128xf32>
      %max3A_64 = arith.constant 0.000000e+00 : f32
      %max3A_65 = vector.broadcast %max3A_64 : f32 to vector<1x128xf32>
      %max3A_66 = arith.maximumf %add3A_63, %max3A_65 : vector<1x128xf32>
      %swap3A_67 = arith.constant 0 : index
      %swap3A_68 = arith.constant 0 : index
      %swap3A_69 = vector.load %arg11[%swap3A_67, %swap3A_68] : memref<1x128xf32, #tpu.memory_space<vmem>>, vector<1x128xf32>
      tpu.vector_store %arg11[%swap3A_67, %swap3A_68], %max3A_66 {strides = array<i32>} : memref<1x128xf32, #tpu.memory_space<vmem>>, vector<1x128xf32>,
    } else {
    }
    return
  }
  func.func @transform_0(%arg0: i32) -> (i32, i32, i32) {
    %c0_i32 = arith.constant 0 : i32
    %c0_i32_0 = arith.constant 0 : i32
    %c0_i32_1 = arith.constant 0 : i32
    return %c0_i32, %arg0, %c0_i32_0 : i32, i32, i32
  }
  func.func @transform_1(%arg0: i32) -> (i32, i32) {
    %c0_i32 = arith.constant 0 : i32
    %c0_i32_0 = arith.constant 0 : i32
    return %arg0, %c0_i32 : i32, i32
  }
  func.func @transform_2(%arg0: i32) -> (i32, i32) {
    %c0_i32 = arith.constant 0 : i32
    %c0_i32_0 = arith.constant 0 : i32
    %c0_i32_1 = arith.constant 0 : i32
    return %c0_i32, %c0_i32_0 : i32, i32
  }
  func.func @transform_3(%arg0: i32) -> (i32, i32) {
    %c0_i32 = arith.constant 0 : i32
    %c0_i32_0 = arith.constant 0 : i32
    %c0_i32_1 = arith.constant 0 : i32
    return %c0_i32, %c0_i32_0 : i32, i32
  }
  func.func @transform_4(%arg0: i32) -> (i32, i32) {
    %c0_i32 = arith.constant 0 : i32
    %c0_i32_0 = arith.constant 0 : i32
    %c0_i32_1 = arith.constant 0 : i32
    return %c0_i32, %c0_i32_0 : i32, i32
  }
  func.func @transform_5(%arg0: i32) -> (i32, i32) {
    %c0_i32 = arith.constant 0 : i32
    %c0_i32_0 = arith.constant 0 : i32
    %c0_i32_1 = arith.constant 0 : i32
    return %c0_i32, %c0_i32_0 : i32, i32
  }
  func.func @transform_6(%arg0: i32) -> (i32, i32) {
    %c0_i32 = arith.constant 0 : i32
    %c0_i32_0 = arith.constant 0 : i32
    %c0_i32_1 = arith.constant 0 : i32
    return %c0_i32, %c0_i32_0 : i32, i32
  }
  func.func @transform_7(%arg0: i32) -> (i32, i32) {
    %c0_i32 = arith.constant 0 : i32
    %c0_i32_0 = arith.constant 0 : i32
    %c0_i32_1 = arith.constant 0 : i32
    return %c0_i32, %c0_i32_0 : i32, i32
  }
  func.func @transform_8(%arg0: i32) -> (i32, i32) {
    %c0_i32 = arith.constant 0 : i32
    %c0_i32_0 = arith.constant 0 : i32
    %c0_i32_1 = arith.constant 0 : i32
    return %c0_i32, %c0_i32_0 : i32, i32
  }
  func.func @transform_9(%arg0: i32) -> (i32, i32) {
    %c0_i32 = arith.constant 0 : i32
    %c0_i32_0 = arith.constant 0 : i32
    return %arg0, %c0_i32 : i32, i32
  }
  func.func @transform_10(%arg0: i32) -> (i32, i32) {
    %c0_i32 = arith.constant 0 : i32
    %c0_i32_0 = arith.constant 0 : i32
    %c0_i32_1 = arith.constant 0 : i32
    return %c0_i32, %c0_i32_0 : i32, i32
  }
}

</mosaic_0001>

<sc_bundles>
// kernel: kernel.5.cloned.1.call-start
scs
__scs_entry_jumppad:
0x0: {  	(pc) =	sbr.rel $0x88, $3  }
0x1: {  	(tag) =	ssettag $0x0;
	lr =	simm.s32 $0x1  }
0x2: {  	[smem:$0x3F97] =	sst lr;
	_ =	strace $0xD0000000  }
0x3: {  	_ = 	snop  }
0x4: {  	_ = 	snop  }
0x5: {  	_ = 	snop  }
0x6: {  	_ = 	snop  }
0x7: {  	_ = 	snop  }
__scs_overlays_trampoline_lowered:
0x8: {  	[smem:$0x3FA6] =	sst s0  }
0x9: {  	[smem:$0x3FA7] =	sst s1  }
0xa: {  	[smem:$0x3FA8] =	sst s2  }
0xb: {  	[smem:$0x3FA9] =	sst s3  }
0xc: {  	[smem:$0x3FAA] =	sst s4  }
0xd: {  	[smem:$0x3FAB] =	sst s5  }
0xe: {  	[smem:$0x3FAC] =	sst s6  }
0xf: {  	[smem:$0x3FAD] =	sst s7  }
0x10: {  	[smem:$0x3FAE] =	sst s8  }
0x11: {  	[smem:$0x3FAF] =	sst s9;
	s0 =	simm.s32 @!p0 $0x0  }
0x12: {  	s1 =	sld [smem:$0x3F95];
	s0 =	simm.s32 @p0 $0x1  }
0x13: {  	[smem:$0x3FB0] =	sst s0;
	s0 =	simm.s32 @!p1 $0x0  }
0x14: {  	s2 =	sld [smem:$0x3F94];
	s0 =	simm.s32 @p1 $0x1  }
0x15: {  	[smem:$0x3FB1] =	sst s0;
	s0 =	simm.s32 @!p2 $0x0  }
0x16: {  	s3 =	sld [smem:$0x3FDB];
	s0 =	simm.s32 @p2 $0x1  }
0x17: {  	s4 =	simm.s32 $0x1BF5;
	[smem:$0x3FB3] =	sst s0  }
0x18: {  	s0 =	sld [smem:$0x3F96];
	_ =	swait.ge [sflag:s4], $0x0  }
0x19: {  	s7 =	sld [smem:$0x3F97]  }
0x1a: {  	s8 =	sadd.s32 $0xFFFFE003, lr  }
0x1b: {  	s9 =	sadd.s32 $0xFFFFFEF7, lr;
	s5 =	simm.s32 $0xFFFFFFFF;
	p2 =	slt.u32 s8, $0xFFFFF086  }
0x1c: {  	p1 =	slt.u32 s9, $0xF7A;
	s5 =	simm.s32 @!p2 $0x0  }
0x1d: {  	s5 =	simm.s32 @p1 $0x1;
	p0 =	seq.s32 s7, s2  }
0x1e: {  	s7 =	smul.u32 @!p0 $0xF7A, s2;
	p2 =	seq.s32 @!p0 s5, $0x0  }
0x1f: {  	s9 =	smul.u32 $0xF7A, s1;
	s8 =	simm.s32 @!p0 $0x1BF5;
	p2 =	por !p2, p0  }
0x20: {  	[sflag:s8] =	ssyncset.s32 @!p0 $0xFFFFF086;
	s6 =	sadd.s32 @!p0 s3, s7;
	s7 =	simm.s32 @!p0 $0x108  }
0x21: {  	s3 =	sadd.s32 s3, s9;
	s6 =	sadd.s32 @!p0 $0x88, s6;
	s7 =	simm.s32 @p2 $0x1082  }
0x22: {  	[simem:s7], [sflag:s8] =	dma.local @!p0 [hbm:s6], $0xF7A  }
0x23: {  	s9 =	sor.u32 $0xD0000000, s2;
	s6 =	simm.s32 $0x108;
	_ =	swait.ge @!p0 [sflag:s8], $0x0  }
0x24: {  	s3 =	sadd.s32 $0x88, s3;
	s6 =	simm.s32 @!p1 $0x1082;
	[sflag:s4] =	ssyncset.s32 $0xFFFFF086  }
0x25: {  	[simem:s6], [sflag:s4] =	dma.local [hbm:s3], $0xF7A  }
0x26: {  	[smem:$0x3F97] =	sst s1;
	(tag) =	ssettag s2;
	_ =	strace s9  }
0x27: {  	s1 =	sld [smem:$0x3FA7]  }
0x28: {  	s2 =	sld [smem:$0x3FA8]  }
0x29: {  	s4 =	sld [smem:$0x3FAA]  }
0x2a: {  	p0 =	seq.s32 s5, $0x0;
	s5 =	sld [smem:$0x3FAB]  }
0x2b: {  	s6 =	sld [smem:$0x3FAC]  }
0x2c: {  	s7 =	sld [smem:$0x3FAD]  }
0x2d: {  	s3 =	simm.s32 $0x108;
	s8 =	sld [smem:$0x3FAE]  }
0x2e: {  	s3 =	simm.s32 @!p0 $0x1082;
	s9 =	sld [smem:$0x3FAF]  }
0x2f: {  	lr =	sadd.s32 s0, s3;
	s0 =	sld [smem:$0x3FA6]  }
0x30: {  	s3 =	sld [smem:$0x3FA9]  }
0x31: {  	[smem:$0x3FB2] =	sst s10  }
0x32: {  	s10 =	sld [smem:$0x3FB0];
	_ =	sdelay $0x3  }
0x33: {  	p0 =	seq.s32 s10, $0x1;
	s10 =	sld [smem:$0x3FB2];
	_ =	sdelay $0x3  }
0x34: {  	[smem:$0x3FB2] =	sst s10  }
0x35: {  	s10 =	sld [smem:$0x3FB1];
	_ =	sdelay $0x3  }
0x36: {  	p1 =	seq.s32 s10, $0x1;
	s10 =	sld [smem:$0x3FB2];
	_ =	sdelay $0x3  }
0x37: {  	[smem:$0x3FB2] =	sst s10  }
0x38: {  	s10 =	sld [smem:$0x3FB3]  }
0x39: {  	_ = 	snop;
	(pc) =	sbr.ind lr, $3  }
0x3a: {  	_ = 	snop  }
0x3b: {  	_ = 	snop  }
0x3c: {  	p2 =	seq.s32 s10, $0x1;
	s10 =	sld [smem:$0x3FB2]  }
0x3d: {  	_ =	shalt  }
0x3e: {  	_ =	shalt  }
0x3f: {  	_ =	shalt  }
0x40: {  	_ =	shalt  }
0x41: {  	_ =	shalt  }
0x42: {  	_ =	shalt  }
0x43: {  	_ =	shalt  }
0x44: {  	_ =	shalt  }
0x45: {  	_ =	shalt  }
0x46: {  	_ =	shalt  }
0x47: {  	_ =	shalt  }
0x48: {  	_ =	shalt  }
0x49: {  	_ =	shalt  }
0x4a: {  	_ =	shalt  }
0x4b: {  	_ =	shalt  }
0x4c: {  	_ =	shalt  }
0x4d: {  	_ =	shalt  }
0x4e: {  	_ =	shalt  }
0x4f: {  	_ =	shalt  }
0x50: {  	_ =	shalt  }
0x51: {  	_ =	shalt  }
0x52: {  	_ =	shalt  }
0x53: {  	_ =	shalt  }
0x54: {  	_ =	shalt  }
0x55: {  	_ =	shalt  }
0x56: {  	_ =	shalt  }
0x57: {  	_ =	shalt  }
0x58: {  	_ =	shalt  }
0x59: {  	_ =	shalt  }
0x5a: {  	_ =	shalt  }
0x5b: {  	_ =	shalt  }
0x5c: {  	_ =	shalt  }
0x5d: {  	_ =	shalt  }
0x5e: {  	_ =	shalt  }
0x5f: {  	_ =	shalt  }
0x60: {  	_ =	shalt  }
0x61: {  	_ =	shalt  }
0x62: {  	_ =	shalt  }
0x63: {  	_ =	shalt  }
0x64: {  	_ =	shalt  }
0x65: {  	_ =	shalt  }
0x66: {  	_ =	shalt  }
0x67: {  	_ =	shalt  }
0x68: {  	_ =	shalt  }
0x69: {  	_ =	shalt  }
0x6a: {  	_ =	shalt  }
0x6b: {  	_ =	shalt  }
0x6c: {  	_ =	shalt  }
0x6d: {  	_ =	shalt  }
0x6e: {  	_ =	shalt  }
0x6f: {  	_ =	shalt  }
0x70: {  	_ =	shalt  }
0x71: {  	_ =	shalt  }
0x72: {  	_ =	shalt  }
0x73: {  	_ =	shalt  }
0x74: {  	_ =	shalt  }
0x75: {  	_ =	shalt  }
0x76: {  	_ =	shalt  }
0x77: {  	_ =	shalt  }
0x78: {  	_ =	shalt  }
0x79: {  	_ =	shalt  }
0x7a: {  	_ =	shalt  }
0x7b: {  	_ =	shalt  }
0x7c: {  	_ =	shalt  }
0x7d: {  	_ =	shalt  }
0x7e: {  	_ =	shalt  }
0x7f: {  	_ =	shalt  }
0x80: {  	_ =	shalt  }
0x81: {  	_ =	shalt  }
0x82: {  	_ =	shalt  }
0x83: {  	_ =	shalt  }
0x84: {  	_ =	shalt  }
0x85: {  	_ =	shalt  }
0x86: {  	_ =	shalt  }
0x87: {  	_ =	shalt  }
.Lfunc_end0:
.L_simem_size_0:
called_computation_lowered:
.L_overlay_start_0:
0x88: {  	s2 =	sld [smem:$0x3FD9]  }
0x89: {  	s3 =	sld [smem:$0x3FFE];
	_ =	sdelay $0x1  }
0x8a: {  	s1 =	srdreg.scid  }
0x8b: {  	s0 =	sand.u32 $0x1, s1  }
0x8c: {  	s17 =	sshll.u32 s0, $0xA;
	s2 =	sadd.s32 s3, s2  }
0x8d: {  	s2 =	sadd.s32 s2, s17  }
0x8e: {  	[smem:$0x3FBE] =	sst s2  }
0x8f: {  	_ = 	snop  }
0x90: {  	s2 =	sld [smem:$0x3FD0];
	(tm) =	ssettm $0x1  }
0x91: {  	s18 =	sld [smem:$0x3FFB];
	_ =	sdelay $0x3  }
0x92: {  	_ =	strace s18  }
0x93: {  	s3 =	sld [smem:$0x3FFC];
	_ =	sdelay $0x3  }
0x94: {  	_ =	strace s3  }
0x95: {  	s3 =	sld [smem:$0x3FFD];
	_ =	sdelay $0x3  }
0x96: {  	_ =	strace s3  }
0x97: {  	_ =	strace $0x8FFFFFFF  }
0x98: {  	s19 =	sld [smem:$0x3FDB];
	_ =	sdelay $0x1  }
0x99: {  	s4 =	simm.s32 $_scs_section_size  }
0x9a: {  	s5 =	simm.s32 $_size__tile_overlayer_lowered;
	s6 =	simm.s32 $_tile_overlayer_lowered  }
0x9b: {  	s22 =	simm.s32 $0x1BFF;
	s21 =	sshll.u32 s6, $0x1;
	s3 =	sadd.s32 s4, s19  }
0x9c: {  	s7 =	simm.s32 $0x0;
	s20 =	sshll.u32 s5, $0x1;
	s5 =	sadd.s32 s21, s3  }
0x9d: {  	[timem:s7], [sflag:s22] =	dma.local [hbm:s5], s20  }
0x9e: {  	_ =	swait.ge [sflag:s22], s20  }
0x9f: {  	s4 =	ssub.s32 $0x0, s20;
	[sflag:s22] =	ssyncset.done $0x0  }
0xa0: {  	[sflag:s22] =	ssyncadd.s32 s4;
	_ =	sdelay $0x1  }
0xa1: {  	s23 =	simm.s32 $0x1B8B  }
0xa2: {  	_ =	swait.ge [sflag:s23], $0x1  }
0xa3: {  	[sflag:s23] =	ssyncset.done $0x0  }
0xa4: {  	s25 =	simm.s32 $0x1B8E;
	s24 =	sld [smem:$0x3FFE];
	[sflag:s23] =	ssyncadd.s32 $0xFFFFFFFF  }
0xa5: {  	s26 =	simm.s32 $execute0_lowered;
	[smem:$0x3FD2] =	sst s25  }
0xa6: {  	s5 =	sshll.u32 s26, $0x1;
	_ =	strace $0x80000046;
	[dreg:$0x1] =	wrdreg $0xFFFFFFFF  }
0xa7: {  	s28 =	simm.s32 $_size_execute0_lowered;
	s3 =	sadd.s32 s3, s5;
	[dreg:$0x0] =	wrdreg $0x0  }
0xa8: {  	s5 =	sshll.u32 s28, $0x1;
	[dreg:$0x2] =	wrdreg s3  }
0xa9: {  	[dreg:$0x3] =	wrdreg s5  }
0xaa: {  	[dreg:$0x4] =	wrdreg $0xC0  }
0xab: {  	_ =	task [dreg:s7], $0x5FFFF  }
0xac: {  	[dreg:$0x1] =	wrdreg $0xFFFFFFFF  }
0xad: {  	[dreg:$0x0] =	wrdreg $0x60  }
0xae: {  	[dreg:$0x2] =	wrdreg s24  }
0xaf: {  	[dreg:$0x3] =	wrdreg s2  }
0xb0: {  	[dreg:$0x4] =	wrdreg $0x74000  }
0xb1: {  	[dreg:$0x5] =	wrdreg $0x9  }
0xb2: {  	_ =	task.clear_ibuf [dreg:s7], $0x6FFFF;
	_ =	strace $0x90000046  }
0xb3: {  	s29 =	simm.s32 $0x9;
	_ =	strace $0x80000048  }
0xb4: {  	_ =	swait.ge [sflag:s29], $0x1  }
0xb5: {  	[sflag:s29] =	ssyncadd.s32 $0xFFFFFFFF  }
0xb6: {  	_ =	strace $0x90000048  }
0xb7: {  	_ =	sfence  }
0xb8: {  	s30 =	sld [smem:$0x0];
	_ =	sdelay $0x2  }
0xb9: {  	s31 =	sshll.u32 s1, $0xD;
	s1 =	sshrl.u32 s1, $0x2  }
0xba: {  	s3 =	sand.u32 $0x4000, s31;
	s1 =	sadd.s32 s1, s30  }
0xbb: {  	s0 =	sor.u32 s3, s0;
	s1 =	sshll.u32 s1, $0x11  }
0xbc: {  	s0 =	sor.u32 s1, s0  }
0xbd: {  	s0 =	sadd.s32 $0x8F2B, s0  }
0xbe: {  	[sflag:s0] =	ssyncadd.remote.s32 $0x1  }
0xbf: {  	_ =	sfence.sel $0xFFFF  }
0xc0: {  	[dreg:$0x0] =	wrdreg $0xFFFFFFFF;
	(pc) =	sbr.abs _section_cstart, $3  }
0xc1: {  	[dreg:$0x1] =	wrdreg $0xFFFFFFFF  }
0xc2: {  	_ =	task.clear_ibuf [dreg:s7], $0x2FFFF;
	_ =	strace $0x9FFFFFFF  }
0xc3: {  	(tm) =	ssettm $0x7FFFFFFF  }
tec
execute0_lowered:
.L_overlay_start_1:
0x0: {  	(tag) =	ssettag $0x1  }
0x1: {  	s0 =	rddreg [dreg:$0x0]  }
0x2: {  	s10 =	rddreg [dreg:$0x1]  }
0x3: {  	s2 =	rddreg [dreg:$0x2];
	s9 =	stileid.u32  }
0x4: {  	s1 =	srdreg.scid;
	s4 =	simm.s32 $0x0;
	s6 =	smul.u32 $0x14000, s9  }
0x5: {  	s1 =	sand.u32 $0x1, s1;
	[smem:$0x7FF] =	sst s4;
	s18 =	smul.u32 $0x2710, s9  }
0x6: {  	s5 =	sadd.s32 $0xB000, s0;
	s3 =	smul.u32 $0x140000, s1;
	s7 =	sshll.u32 s1, $0x4  }
0x7: {  	s8 =	ssub.s32 $0x2, s1;
	s1 =	smul.u32 $0x27100, s1;
	s7 =	sor.u32 s9, s7  }
0x8: {  	s16 =	sadd.s32 $0x1200, s0;
	s3 =	sadd.s32 s6, s3;
	s6 =	smul.u32 $0x2710, s7  }
0x9: {  	_ =	strace $0x80000047;
	s11 =	sshrl.u32 s8, $0x1;
	s1 =	sadd.s32 s18, s1  }
0xa: {  	s3 =	sshrl.u32 s3, $0x3;
	s23 =	sadd.s32 $0x230, s1;
	s12 =	sshrl.u32 s6, $0x3  }
0xb: {  	s0 =	sadd.s32 s3, s0;
	s3 =	ssub.s32 s8, s11;
	s11 =	sadd.s32 s16, s12  }
0xc: {  	s8 =	sadd.s32 $0x28, s6;
	s13 =	sadd.s32 s10, s12;
	[dreg:$0x16] =	wrdreg s11  }
0xd: {  	s24 =	sshrl.u32 s23, $0x3;
	s3 =	smax.u32 s3, $0x1;
	[dreg:$0x17] =	wrdreg s13  }
0xe: {  	s8 =	sshrl.u32 s8, $0x3;
	s25 =	sadd.s32 s24, s10;
	[smem:$0x7EB] =	sst s3  }
0xf: {  	s6 =	sadd.s32 $0x78, s6;
	s14 =	sadd.s32 s16, s8;
	[dreg:$0x4] =	wrdreg s25  }
0x10: {  	s15 =	sadd.s32 $0xA, s12;
	s8 =	sadd.s32 s10, s8;
	[dreg:$0x18] =	wrdreg s14  }
0x11: {  	s6 =	sshrl.u32 s6, $0x3;
	s17 =	sadd.s32 s16, s15;
	[dreg:$0x19] =	wrdreg s8  }
0x12: {  	s9 =	smul.u32 $0x50000, s9;
	s19 =	sadd.s32 s16, s6;
	[dreg:$0x1a] =	wrdreg s17  }
0x13: {  	s7 =	sadd.s32 $0x14, s12;
	s6 =	sadd.s32 s10, s6;
	[dreg:$0x1c] =	wrdreg s19  }
0x14: {  	s22 =	sshrl.u32 s9, $0x2;
	s20 =	sadd.s32 s16, s7;
	[dreg:$0x1d] =	wrdreg s6  }
0x15: {  	s26 =	sadd.s32 $0x208, s1;
	s21 =	sadd.s32 s10, s7;
	[dreg:$0x1e] =	wrdreg s20  }
0x16: {  	s9 =	sshrl.u32 s26, $0x3;
	s3 =	sadd.s32 s24, s16;
	[dreg:$0x1f] =	wrdreg s21  }
0x17: {  	s11 =	sadd.s32 s9, s10;
	[dreg:$0x5] =	wrdreg s3  }
0x18: {  	s26 =	sadd.s32 $0x168, s1;
	s13 =	sadd.s32 s9, s16;
	[dreg:$0x6] =	wrdreg s11  }
0x19: {  	s7 =	sshrl.u32 s26, $0x3;
	s8 =	sadd.s32 s10, s15;
	[dreg:$0x7] =	wrdreg s13  }
0x1a: {  	s12 =	sadd.s32 $0x1E0, s1;
	s9 =	sadd.s32 s7, s10;
	[dreg:$0x1b] =	wrdreg s8  }
0x1b: {  	s14 =	sshrl.u32 s12, $0x3;
	s12 =	sadd.s32 s7, s16;
	[dreg:$0xe] =	wrdreg s9  }
0x1c: {  	s17 =	sadd.s32 s22, s2;
	[dreg:$0xf] =	wrdreg s12  }
0x1d: {  	s18 =	sadd.s32 $0x1B8, s1;
	s15 =	sadd.s32 s14, s10;
	[smem:$0x7FB] =	sst s17  }
0x1e: {  	s20 =	sshrl.u32 s18, $0x3;
	s19 =	sadd.s32 s14, s16;
	[dreg:$0x8] =	wrdreg s15  }
0x1f: {  	s21 =	sadd.s32 s20, s10;
	[dreg:$0x9] =	wrdreg s19  }
0x20: {  	s23 =	sadd.s32 s20, s16;
	[dreg:$0xa] =	wrdreg s21  }
0x21: {  	s11 =	sadd.s32 $0x140, s1;
	s26 =	sadd.s32 $0x3C00, s17;
	[dreg:$0xb] =	wrdreg s23  }
0x22: {  	s13 =	sshrl.u32 s11, $0x3;
	s11 =	sadd.s32 $0x6400, s17;
	[smem:$0x7ED] =	sst s26  }
0x23: {  	s22 =	sadd.s32 $0xC8, s1;
	s31 =	sadd.s32 $0x1400, s17;
	[smem:$0x7EF] =	sst s11  }
0x24: {  	s24 =	sshrl.u32 s22, $0x3;
	s12 =	sadd.s32 $0x143800, s0;
	[smem:$0x7FC] =	sst s31  }
0x25: {  	s25 =	sadd.s32 s24, s10;
	[smem:$0x7FD] =	sst s12  }
0x26: {  	s6 =	sadd.s32 s24, s16;
	[dreg:$0xc] =	wrdreg s25  }
0x27: {  	s14 =	sadd.s32 s13, s10;
	[dreg:$0xd] =	wrdreg s6  }
0x28: {  	s18 =	sadd.s32 s13, s16;
	[dreg:$0x10] =	wrdreg s14  }
0x29: {  	s15 =	sadd.s32 $0x118, s1;
	s24 =	sadd.s32 $0x2800, s17;
	[dreg:$0x11] =	wrdreg s18  }
0x2a: {  	s21 =	sadd.s32 $0xF0, s1;
	s1 =	sadd.s32 $0x190, s1;
	[smem:$0x7EC] =	sst s24  }
0x2b: {  	s26 =	sadd.s32 $0x12C00, s17;
	[smem:$0x7F0] =	sst s1  }
0x2c: {  	s19 =	sshrl.u32 s15, $0x3;
	s15 =	sadd.s32 $0x7800, s17;
	[smem:$0x7FA] =	sst s26  }
0x2d: {  	s28 =	simm.s32 $0x900;
	s18 =	sadd.s32 $0x8C00, s17;
	[smem:$0x7F1] =	sst s15  }
0x2e: {  	s23 =	sshrl.u32 s21, $0x3;
	s21 =	sadd.s32 $0xC800, s17;
	[smem:$0x7F2] =	sst s18  }
0x2f: {  	s29 =	simm.s32 $0x980;
	s24 =	sadd.s32 $0x10400, s17;
	[smem:$0x7F5] =	sst s21  }
0x30: {  	s30 =	simm.s32 $0x200;
	s20 =	sadd.s32 s19, s10;
	[smem:$0x7F8] =	sst s24  }
0x31: {  	s3 =	simm.s32 $0x800;
	s22 =	sadd.s32 s19, s16;
	[dreg:$0x12] =	wrdreg s20  }
0x32: {  	s8 =	smov.u32 s10;
	s25 =	sadd.s32 s23, s10;
	[dreg:$0x13] =	wrdreg s22  }
0x33: {  	s13 =	simm.s32 $0x2;
	s10 =	sadd.s32 $0x5000, s17;
	[dreg:$0x14] =	wrdreg s25  }
0x34: {  	s14 =	simm.s32 $0x8;
	s9 =	sadd.s32 s23, s16;
	[smem:$0x7EE] =	sst s10  }
0x35: {  	s26 =	simm.s32 $0x0;
	s19 =	sadd.s32 $0xA000, s17;
	[dreg:$0x15] =	wrdreg s9  }
0x36: {  	s23 =	sadd.s32 $0xF000, s17;
	s21 =	simm.s32 $0x28;
	[smem:$0x7F3] =	sst s19  }
0x37: {  	s24 =	simm.s32 $0x2400;
	s20 =	sadd.s32 $0xB400, s17;
	[smem:$0x7F7] =	sst s23  }
0x38: {  	s22 =	sadd.s32 $0xDC00, s17;
	s25 =	sadd.s32 $0x11800, s17;
	[smem:$0x7F4] =	sst s20  }
0x39: {  	s23 =	simm.s32 $0xB;
	s9 =	simm.s32 $0xC;
	[smem:$0x7F6] =	sst s22  }
0x3a: {  	v0 =	vimm.f32 $0.0e+00;
	[smem:$0x7F9] =	sst s25;
	s20 =	simm.s32 $0x1;
	s25 =	simm.s32 $0x9  }
.LBB2_1:
0x3b: {  	[smem:$0x7EA] =	sst s26  }
0x3c: {  	s0 =	rddreg [dreg:$0x16]  }
0x3d: {  	[tilespmem:s4], [sflag:$0x1] =	stream.linear.gather [hbm4b:s0+s4], $0x28, $0x38;
	[tilespmem:$0x1B400] =	vst v63  }
0x3e: {  	s19 =	rddreg [dreg:$0x17]  }
0x3f: {  	[tilespmem:s3], [sflag:$0x1] =	stream.linear.gather [hbm4b:s19+s4], $0x28, $0x38;
	[tilespmem:$0x1B400] =	vst v63  }
0x40: {  	s22 =	rddreg [dreg:$0x18];
	s7 =	simm.s32 $0x80  }
0x41: {  	[tilespmem:s7], [sflag:$0x1] =	stream.linear.gather [hbm4b:s22+s4], $0x28, $0x38;
	[tilespmem:$0x1B400] =	vst v63  }
0x42: {  	s26 =	rddreg [dreg:$0x19];
	s7 =	simm.s32 $0x880  }
0x43: {  	[tilespmem:s7], [sflag:$0x1] =	stream.linear.gather [hbm4b:s26+s4], $0x28, $0x38;
	[tilespmem:$0x1B400] =	vst v63  }
0x44: {  	s1 =	rddreg [dreg:$0x1a];
	s6 =	simm.s32 $0x100  }
0x45: {  	[tilespmem:s6], [sflag:$0x1] =	stream.linear.gather [hbm4b:s1+s4], $0x28, $0x38;
	[tilespmem:$0x1B400] =	vst v63  }
0x46: {  	s10 =	rddreg [dreg:$0x1b]  }
0x47: {  	[tilespmem:s28], [sflag:$0x1] =	stream.linear.gather [hbm4b:s10+s4], $0x28, $0x38;
	[tilespmem:$0x1B400] =	vst v63  }
0x48: {  	s11 =	rddreg [dreg:$0x1c];
	s12 =	simm.s32 $0x180  }
0x49: {  	[tilespmem:s12], [sflag:$0x1] =	stream.linear.gather [hbm4b:s11+s4], $0x28, $0x38;
	[tilespmem:$0x1B400] =	vst v63  }
0x4a: {  	s15 =	rddreg [dreg:$0x1d]  }
0x4b: {  	[tilespmem:s29], [sflag:$0x1] =	stream.linear.gather [hbm4b:s15+s4], $0x28, $0x38;
	[tilespmem:$0x1B400] =	vst v63  }
0x4c: {  	s18 =	rddreg [dreg:$0x1e]  }
0x4d: {  	[tilespmem:s30], [sflag:$0x1] =	stream.linear.gather [hbm4b:s18+s4], $0x28, $0x38;
	[tilespmem:$0x1B400] =	vst v63  }
0x4e: {  	s19 =	rddreg [dreg:$0x1f];
	s30 =	sand.u32 $0x7E00, s4  }
0x4f: {  	s22 =	simm.s32 $0xA00;
	s28 =	sand.u32 $0x70, s4;
	s29 =	sshrl.u32 s30, $0x2  }
0x50: {  	[tilespmem:s22], [sflag:$0x1] =	stream.linear.gather [hbm4b:s19+s4], $0x28, $0x38;
	[tilespmem:$0x1B400] =	vst v63  }
0x51: {  	s26 =	simm.s32 $0x40;
	s29 =	sor.u32 s28, s29;
	s28 =	simm.s32 $0x0  }
.LBB2_2:
0x52: {  	p0 =	sne.s32 s26, $0x4FC0  }
0x53: {  	[tilespmem:s29+$0x1000] =	vst v0;
	s28 =	sadd.s32 $0x10, s28;
	s29 =	smov.u32 s26;
	s26 =	sadd.s32 $0x40, s26  }
.Ltmp0:
0x54: {  	(pc) =	sbr.rel @p0 .LBB2_2-.Ltmp0, $4  }
0x55: {  	_ = 	snop  }
0x56: {  	s29 =	sand.u32 $0x7E00, s29  }
0x57: {  	s30 =	sand.u32 $0x70, s28;
	s29 =	sshrl.u32 s29, $0x2  }
0x58: {  	s29 =	sor.u32 s30, s29  }
0x59: {  	[tilespmem:s29+$0x1000] =	vst v0;
	s0 =	simm.s32 $0x1000;
	s26 =	simm.s32 $0xD  }
0x5a: {  	[spmem:s17] =	stream.linear.scatter [tilespmem:s0], [sflag:$0xD], $0x1400, $0x38;
	[tilespmem:$0x1B400] =	vst v63  }
0x5b: {  	_ =	swait.ge [sflag:s26], $0x1400  }
0x5c: {  	[sflag:s26] =	ssyncset.done $0x0  }
0x5d: {  	s17 =	simm.s32 $0x1000;
	[sflag:s26] =	ssyncadd.s32 $0xFFFFEC00  }
0x5e: {  	[spmem:s31] =	stream.linear.scatter [tilespmem:s17], [sflag:$0xD], $0x1400, $0x38;
	[tilespmem:$0x1B400] =	vst v63  }
0x5f: {  	_ =	swait.ge [sflag:s26], $0x1400  }
0x60: {  	s1 =	sld [smem:$0x7EC]  }
0x61: {  	[sflag:s26] =	ssyncset.done $0x0  }
0x62: {  	[sflag:s26] =	ssyncadd.s32 $0xFFFFEC00  }
0x63: {  	[spmem:s1] =	stream.linear.scatter [tilespmem:s17], [sflag:$0xD], $0x1400, $0x38;
	[tilespmem:$0x1B400] =	vst v63  }
0x64: {  	_ =	swait.ge [sflag:s26], $0x1400  }
0x65: {  	s6 =	sld [smem:$0x7ED]  }
0x66: {  	[sflag:s26] =	ssyncset.done $0x0  }
0x67: {  	[sflag:s26] =	ssyncadd.s32 $0xFFFFEC00  }
0x68: {  	[spmem:s6] =	stream.linear.scatter [tilespmem:s17], [sflag:$0xD], $0x1400, $0x38;
	[tilespmem:$0x1B400] =	vst v63  }
0x69: {  	_ =	swait.ge [sflag:s26], $0x1400  }
0x6a: {  	s10 =	sld [smem:$0x7EE]  }
0x6b: {  	[sflag:s26] =	ssyncset.done $0x0  }
0x6c: {  	[sflag:s26] =	ssyncadd.s32 $0xFFFFEC00  }
0x6d: {  	[spmem:s10] =	stream.linear.scatter [tilespmem:s17], [sflag:$0xD], $0x1400, $0x38;
	[tilespmem:$0x1B400] =	vst v63  }
0x6e: {  	_ =	swait.ge [sflag:s26], $0x1400  }
0x6f: {  	s11 =	sld [smem:$0x7EF]  }
0x70: {  	[sflag:s26] =	ssyncset.done $0x0  }
0x71: {  	[sflag:s26] =	ssyncadd.s32 $0xFFFFEC00  }
0x72: {  	[spmem:s11] =	stream.linear.scatter [tilespmem:s17], [sflag:$0xD], $0x1400, $0x38;
	[tilespmem:$0x1B400] =	vst v63  }
0x73: {  	_ =	swait.ge [sflag:s26], $0x1400  }
0x74: {  	s12 =	sld [smem:$0x7F1]  }
0x75: {  	[sflag:s26] =	ssyncset.done $0x0  }
0x76: {  	[sflag:s26] =	ssyncadd.s32 $0xFFFFEC00  }
0x77: {  	[spmem:s12] =	stream.linear.scatter [tilespmem:s17], [sflag:$0xD], $0x1400, $0x38;
	[tilespmem:$0x1B400] =	vst v63  }
0x78: {  	_ =	swait.ge [sflag:s26], $0x1400  }
0x79: {  	s15 =	sld [smem:$0x7F2]  }
0x7a: {  	[sflag:s26] =	ssyncset.done $0x0  }
0x7b: {  	[sflag:s26] =	ssyncadd.s32 $0xFFFFEC00  }
0x7c: {  	[spmem:s15] =	stream.linear.scatter [tilespmem:s17], [sflag:$0xD], $0x1400, $0x38;
	[tilespmem:$0x1B400] =	vst v63  }
0x7d: {  	_ =	swait.ge [sflag:s26], $0x1400  }
0x7e: {  	s18 =	sld [smem:$0x7F3]  }
0x7f: {  	[sflag:s26] =	ssyncset.done $0x0  }
0x80: {  	[sflag:s26] =	ssyncadd.s32 $0xFFFFEC00  }
0x81: {  	[spmem:s18] =	stream.linear.scatter [tilespmem:s17], [sflag:$0xD], $0x1400, $0x38;
	[tilespmem:$0x1B400] =	vst v63  }
0x82: {  	_ =	swait.ge [sflag:s26], $0x1400  }
0x83: {  	s19 =	sld [smem:$0x7F4]  }
0x84: {  	[sflag:s26] =	ssyncset.done $0x0  }
0x85: {  	[sflag:s26] =	ssyncadd.s32 $0xFFFFEC00  }
0x86: {  	[spmem:s19] =	stream.linear.scatter [tilespmem:s17], [sflag:$0xD], $0x1400, $0x38;
	[tilespmem:$0x1B400] =	vst v63  }
0x87: {  	_ =	swait.ge [sflag:s26], $0x1400  }
0x88: {  	s22 =	sld [smem:$0x7F5]  }
0x89: {  	[sflag:s26] =	ssyncset.done $0x0  }
0x8a: {  	[sflag:s26] =	ssyncadd.s32 $0xFFFFEC00  }
0x8b: {  	[spmem:s22] =	stream.linear.scatter [tilespmem:s17], [sflag:$0xD], $0x1400, $0x38;
	[tilespmem:$0x1B400] =	vst v63  }
0x8c: {  	_ =	swait.ge [sflag:s26], $0x1400  }
0x8d: {  	s29 =	sld [smem:$0x7F6]  }
0x8e: {  	[sflag:s26] =	ssyncset.done $0x0  }
0x8f: {  	[sflag:s26] =	ssyncadd.s32 $0xFFFFEC00  }
0x90: {  	[spmem:s29] =	stream.linear.scatter [tilespmem:s17], [sflag:$0xD], $0x1400, $0x38;
	[tilespmem:$0x1B400] =	vst v63  }
0x91: {  	_ =	swait.ge [sflag:s26], $0x1400  }
0x92: {  	s30 =	sld [smem:$0x7F7]  }
0x93: {  	[sflag:s26] =	ssyncset.done $0x0  }
0x94: {  	[sflag:s26] =	ssyncadd.s32 $0xFFFFEC00  }
0x95: {  	[spmem:s30] =	stream.linear.scatter [tilespmem:s17], [sflag:$0xD], $0x1400, $0x38;
	[tilespmem:$0x1B400] =	vst v63  }
0x96: {  	_ =	swait.ge [sflag:s26], $0x1400  }
0x97: {  	s1 =	sld [smem:$0x7F8]  }
0x98: {  	[sflag:s26] =	ssyncset.done $0x0  }
0x99: {  	[sflag:s26] =	ssyncadd.s32 $0xFFFFEC00  }
0x9a: {  	[spmem:s1] =	stream.linear.scatter [tilespmem:s17], [sflag:$0xD], $0x1400, $0x38;
	[tilespmem:$0x1B400] =	vst v63  }
0x9b: {  	_ =	swait.ge [sflag:s26], $0x1400  }
0x9c: {  	s6 =	sld [smem:$0x7F9]  }
0x9d: {  	[sflag:s26] =	ssyncset.done $0x0  }
0x9e: {  	[sflag:s26] =	ssyncadd.s32 $0xFFFFEC00  }
0x9f: {  	[spmem:s6] =	stream.linear.scatter [tilespmem:s17], [sflag:$0xD], $0x1400, $0x38;
	[tilespmem:$0x1B400] =	vst v63  }
0xa0: {  	_ =	swait.ge [sflag:s26], $0x1400  }
0xa1: {  	s10 =	sld [smem:$0x7FA]  }
0xa2: {  	[sflag:s26] =	ssyncset.done $0x0  }
0xa3: {  	[sflag:s26] =	ssyncadd.s32 $0xFFFFEC00  }
0xa4: {  	[spmem:s10] =	stream.linear.scatter [tilespmem:s17], [sflag:$0xD], $0x1400, $0x38;
	[tilespmem:$0x1B400] =	vst v63  }
0xa5: {  	_ =	swait.ge [sflag:s26], $0x1400  }
0xa6: {  	[sflag:s26] =	ssyncset.done $0x0  }
0xa7: {  	[sflag:s26] =	ssyncadd.s32 $0xFFFFEC00  }
0xa8: {  	[bflag:$0x0] =	sbarrier.arrive $0xFFFF  }
0xa9: {  	_ =	swait.ge [sflag:s20], $0x28  }
0xaa: {  	[sflag:s20] =	ssyncset.done $0x0  }
0xab: {  	[sflag:s20] =	ssyncadd.s32 $0xFFFFFFD8  }
0xac: {  	_ =	swait.ge [sflag:s20], $0x28  }
0xad: {  	[sflag:s20] =	ssyncset.done $0x0  }
0xae: {  	[sflag:s20] =	ssyncadd.s32 $0xFFFFFFD8  }
0xaf: {  	_ =	swait.ge [sflag:s20], $0x28  }
0xb0: {  	[sflag:s20] =	ssyncset.done $0x0  }
0xb1: {  	[sflag:s20] =	ssyncadd.s32 $0xFFFFFFD8  }
0xb2: {  	_ =	swait.ge [sflag:s20], $0x28  }
0xb3: {  	[sflag:s20] =	ssyncset.done $0x0  }
0xb4: {  	[sflag:s20] =	ssyncadd.s32 $0xFFFFFFD8  }
0xb5: {  	_ =	swait.ge [sflag:s20], $0x28  }
0xb6: {  	[sflag:s20] =	ssyncset.done $0x0  }
0xb7: {  	[sflag:s20] =	ssyncadd.s32 $0xFFFFFFD8  }
0xb8: {  	_ =	swait.ge [sflag:s20], $0x28  }
0xb9: {  	[sflag:s20] =	ssyncset.done $0x0  }
0xba: {  	[sflag:s20] =	ssyncadd.s32 $0xFFFFFFD8  }
0xbb: {  	_ =	swait.ge [sflag:s20], $0x28  }
0xbc: {  	[sflag:s20] =	ssyncset.done $0x0  }
0xbd: {  	[sflag:s20] =	ssyncadd.s32 $0xFFFFFFD8  }
0xbe: {  	_ =	swait.ge [sflag:s20], $0x28  }
0xbf: {  	[sflag:s20] =	ssyncset.done $0x0  }
0xc0: {  	[sflag:s20] =	ssyncadd.s32 $0xFFFFFFD8  }
0xc1: {  	_ =	swait.ge [sflag:s20], $0x28  }
0xc2: {  	[sflag:s20] =	ssyncset.done $0x0  }
0xc3: {  	[sflag:s20] =	ssyncadd.s32 $0xFFFFFFD8  }
0xc4: {  	_ =	swait.ge [sflag:s20], $0x28  }
0xc5: {  	p0 =	por $0x0, $0x0;
	[sflag:s20] =	ssyncset.done $0x0  }
0xc6: {  	s26 =	simm.s32 @p0 $0x8;
	[sflag:s20] =	ssyncadd.s32 $0xFFFFFFD8  }
0xc7: {  	_ =	swait.ge @p0 [sflag:s26], $0x1400  }
0xc8: {  	s28 =	simm.s32 @p0 $0x1000;
	s29 =	simm.s32 @p0 $0x9;
	[sflag:s26] =	ssyncset.done @p0 $0x0  }
0xc9: {  	s30 =	simm.s32 @p0 $0x28;
	[sflag:s26] =	ssyncadd.s32 @p0 $0xFFFFEC00;
	s26 =	simm.s32 @p0 $0x0  }
0xca: {  	[tilespmem:s28], [sflag:$0x3] =	stream.indirect.gather @p0 [hbm4b:s5+s30], $0x80, s26, s30, $0xb8;
	[tilespmem:$0x1B400] =	vst v63  }
0xcb: {  	_ =	swait.ge @p0 [sflag:s29], $0x1400  }
0xcc: {  	s26 =	simm.s32 @p0 $0x80;
	[sflag:s29] =	ssyncset.done @p0 $0x0  }
0xcd: {  	s28 =	simm.s32 @p0 $0x2400;
	[sflag:s29] =	ssyncadd.s32 @p0 $0xFFFFEC00;
	s29 =	simm.s32 @p0 $0xA  }
0xce: {  	[tilespmem:s28], [sflag:$0x4] =	stream.indirect.gather @p0 [hbm4b:s5+s30], $0x80, s26, s30, $0xb8;
	[tilespmem:$0x1B400] =	vst v63  }
0xcf: {  	_ =	swait.ge @p0 [sflag:s29], $0x1400  }
0xd0: {  	s26 =	simm.s32 @p0 $0x100;
	[sflag:s29] =	ssyncset.done @p0 $0x0  }
0xd1: {  	s28 =	simm.s32 @p0 $0x3800;
	[sflag:s29] =	ssyncadd.s32 @p0 $0xFFFFEC00;
	s29 =	simm.s32 @p0 $0xB  }
0xd2: {  	[tilespmem:s28], [sflag:$0x5] =	stream.indirect.gather @p0 [hbm4b:s5+s30], $0x80, s26, s30, $0xb8;
	[tilespmem:$0x1B400] =	vst v63  }
0xd3: {  	_ =	swait.ge @p0 [sflag:s29], $0x1400  }
0xd4: {  	s26 =	simm.s32 @p0 $0x180;
	[sflag:s29] =	ssyncset.done @p0 $0x0  }
0xd5: {  	s28 =	simm.s32 @p0 $0x4C00;
	[sflag:s29] =	ssyncadd.s32 @p0 $0xFFFFEC00;
	s29 =	simm.s32 @p0 $0xC  }
0xd6: {  	[tilespmem:s28], [sflag:$0x6] =	stream.indirect.gather @p0 [hbm4b:s5+s30], $0x80, s26, s30, $0xb8;
	[tilespmem:$0x1B400] =	vst v63  }
0xd7: {  	_ =	swait.ge @p0 [sflag:s29], $0x1400  }
0xd8: {  	s26 =	simm.s32 @!p0 $0x28;
	[sflag:s29] =	ssyncset.done @p0 $0x0  }
0xd9: {  	s28 =	simm.s32 @!p0 $0x0;
	[sflag:s29] =	ssyncadd.s32 @p0 $0xFFFFEC00;
	s29 =	simm.s32 @!p0 $0x1000  }
0xda: {  	[tilespmem:s29], [sflag:$0x3] =	stream.indirect.gather @!p0 [hbm4b:s5+s26], $0x80, s28, s26, $0xb8;
	[tilespmem:$0x1B400] =	vst v63  }
0xdb: {  	s28 =	simm.s32 @!p0 $0x80;
	s29 =	simm.s32 @!p0 $0x2400  }
0xdc: {  	[tilespmem:s29], [sflag:$0x4] =	stream.indirect.gather @!p0 [hbm4b:s5+s26], $0x80, s28, s26, $0xb8;
	[tilespmem:$0x1B400] =	vst v63  }
0xdd: {  	s28 =	simm.s32 @!p0 $0x100;
	s29 =	simm.s32 @!p0 $0x3800  }
0xde: {  	[tilespmem:s29], [sflag:$0x5] =	stream.indirect.gather @!p0 [hbm4b:s5+s26], $0x80, s28, s26, $0xb8;
	[tilespmem:$0x1B400] =	vst v63  }
0xdf: {  	s28 =	simm.s32 @!p0 $0x180;
	s29 =	simm.s32 @!p0 $0x4C00  }
0xe0: {  	[tilespmem:s29], [sflag:$0x6] =	stream.indirect.gather @!p0 [hbm4b:s5+s26], $0x80, s28, s26, $0xb8;
	[tilespmem:$0x1B400] =	vst v63  }
0xe1: {  	s15 =	simm.s32 $0x200;
	s22 =	simm.s32 $0x6000;
	s11 =	rddreg [dreg:$0xd]  }
0xe2: {  	[tilespmem:s22], [sflag:$0x7] =	stream.indirect.gather [hbm4b:s5+s21], $0x80, s15, s21, $0xb8;
	[tilespmem:$0x1B400] =	vst v63  }
0xe3: {  	s0 =	simm.s32 $0x400;
	s12 =	rddreg [dreg:$0xc];
	s28 =	sadd.s32 $0x0, s11  }
0xe4: {  	[tilespmem:s0], [sflag:$0x2] =	stream.linear.gather [hbm4b:s28+s4], $0x28, $0x38;
	[tilespmem:$0x1B400] =	vst v63  }
0xe5: {  	s1 =	simm.s32 $0xC00;
	s18 =	rddreg [dreg:$0x15];
	s26 =	sadd.s32 $0x0, s12  }
0xe6: {  	[tilespmem:s1], [sflag:$0x2] =	stream.linear.gather [hbm4b:s26+s4], $0x28, $0x38;
	[tilespmem:$0x1B400] =	vst v63  }
0xe7: {  	s19 =	sadd.s32 $0x0, s18;
	s11 =	simm.s32 $0x480;
	s28 =	rddreg [dreg:$0x14]  }
0xe8: {  	[tilespmem:s11], [sflag:$0x2] =	stream.linear.gather [hbm4b:s19+s4], $0x28, $0x38;
	[tilespmem:$0x1B400] =	vst v63  }
0xe9: {  	s10 =	simm.s32 $0xC80;
	s30 =	rddreg [dreg:$0x13];
	s6 =	sadd.s32 $0x0, s28  }
0xea: {  	[tilespmem:s10], [sflag:$0x2] =	stream.linear.gather [hbm4b:s6+s4], $0x28, $0x38;
	[tilespmem:$0x1B400] =	vst v63  }
0xeb: {  	s12 =	sadd.s32 $0x0, s30;
	s30 =	simm.s32 $0x500;
	s28 =	rddreg [dreg:$0x12]  }
0xec: {  	[tilespmem:s30], [sflag:$0x2] =	stream.linear.gather [hbm4b:s12+s4], $0x28, $0x38;
	[tilespmem:$0x1B400] =	vst v63  }
0xed: {  	s15 =	rddreg [dreg:$0x11];
	s18 =	sadd.s32 $0x0, s28;
	s19 =	simm.s32 $0xD00  }
0xee: {  	[tilespmem:s19], [sflag:$0x2] =	stream.linear.gather [hbm4b:s18+s4], $0x28, $0x38;
	[tilespmem:$0x1B400] =	vst v63  }
0xef: {  	s28 =	rddreg [dreg:$0x10];
	s1 =	simm.s32 $0x580;
	s6 =	sadd.s32 $0x0, s15  }
0xf0: {  	[tilespmem:s1], [sflag:$0x2] =	stream.linear.gather [hbm4b:s6+s4], $0x28, $0x38;
	[tilespmem:$0x1B400] =	vst v63  }
0xf1: {  	s10 =	rddreg [dreg:$0xf];
	s12 =	sadd.s32 $0x0, s28;
	s6 =	simm.s32 $0xD80  }
0xf2: {  	[tilespmem:s6], [sflag:$0x2] =	stream.linear.gather [hbm4b:s12+s4], $0x28, $0x38;
	[tilespmem:$0x1B400] =	vst v63  }
0xf3: {  	s15 =	sadd.s32 $0x0, s10;
	s28 =	rddreg [dreg:$0xe];
	s18 =	simm.s32 $0x600  }
0xf4: {  	[tilespmem:s18], [sflag:$0x2] =	stream.linear.gather [hbm4b:s15+s4], $0x28, $0x38;
	[tilespmem:$0x1B400] =	vst v63  }
0xf5: {  	s31 =	simm.s32 $0xE00;
	s10 =	simm.s32 $0x3;
	s19 =	sadd.s32 $0x0, s28  }
0xf6: {  	[tilespmem:s31], [sflag:$0x2] =	stream.linear.gather [hbm4b:s19+s4], $0x28, $0x38;
	[tilespmem:$0x1B400] =	vst v63  }
0xf7: {  	_ =	swait.ge [sflag:s10], $0x1400  }
0xf8: {  	[sflag:s10] =	ssyncset.done $0x0  }
0xf9: {  	s12 =	simm.s32 $0x4;
	[sflag:s10] =	ssyncadd.s32 $0xFFFFEC00  }
0xfa: {  	[spmem:s2] =	stream.indirect.scatter.add.f32 [tilespmem:s17], [sflag:$0x8], $0x80, s3, s21, $0xb8;
	[tilespmem:$0x1B400] =	vst v63  }
0xfb: {  	_ =	swait.ge [sflag:s12], $0x1400  }
0xfc: {  	[sflag:s12] =	ssyncset.done $0x0  }
0xfd: {  	s19 =	simm.s32 $0x5;
	[sflag:s12] =	ssyncadd.s32 $0xFFFFEC00  }
0xfe: {  	[spmem:s2] =	stream.indirect.scatter.add.f32 [tilespmem:s24], [sflag:$0x9], $0x80, s7, s21, $0xb8;
	[tilespmem:$0x1B400] =	vst v63  }
0xff: {  	_ =	swait.ge [sflag:s19], $0x1400  }
0x100: {  	s29 =	simm.s32 $0x900;
	[sflag:s19] =	ssyncset.done $0x0  }
0x101: {  	s15 =	simm.s32 $0x6;
	s3 =	simm.s32 $0x3800;
	[sflag:s19] =	ssyncadd.s32 $0xFFFFEC00  }
0x102: {  	[spmem:s2] =	stream.indirect.scatter.add.f32 [tilespmem:s3], [sflag:$0xA], $0x80, s29, s21, $0xb8;
	[tilespmem:$0x1B400] =	vst v63  }
0x103: {  	_ =	swait.ge [sflag:s15], $0x1400  }
0x104: {  	s26 =	simm.s32 $0x7;
	[sflag:s15] =	ssyncset.done $0x0  }
0x105: {  	s6 =	simm.s32 $0x980;
	s7 =	simm.s32 $0x4C00;
	[sflag:s15] =	ssyncadd.s32 $0xFFFFEC00  }
0x106: {  	[spmem:s2] =	stream.indirect.scatter.add.f32 [tilespmem:s7], [sflag:$0xB], $0x80, s6, s21, $0xb8;
	[tilespmem:$0x1B400] =	vst v63  }
0x107: {  	_ =	swait.ge [sflag:s26], $0x1400  }
0x108: {  	[sflag:s26] =	ssyncset.done $0x0  }
0x109: {  	s4 =	smov.u32 s2;
	s29 =	simm.s32 $0xA00;
	[sflag:s26] =	ssyncadd.s32 $0xFFFFEC00  }
0x10a: {  	[spmem:s4] =	stream.indirect.scatter.add.f32 [tilespmem:s22], [sflag:$0xC], $0x80, s29, s21, $0xb8;
	[tilespmem:$0x1B400] =	vst v63  }
0x10b: {  	_ =	swait.ge [sflag:s13], $0x28  }
0x10c: {  	[sflag:s13] =	ssyncset.done $0x0  }
0x10d: {  	[sflag:s13] =	ssyncadd.s32 $0xFFFFFFD8  }
0x10e: {  	_ =	swait.ge [sflag:s13], $0x28  }
0x10f: {  	[sflag:s13] =	ssyncset.done $0x0  }
0x110: {  	[sflag:s13] =	ssyncadd.s32 $0xFFFFFFD8  }
0x111: {  	_ =	swait.ge [sflag:s13], $0x28  }
0x112: {  	[sflag:s13] =	ssyncset.done $0x0  }
0x113: {  	[sflag:s13] =	ssyncadd.s32 $0xFFFFFFD8  }
0x114: {  	_ =	swait.ge [sflag:s13], $0x28  }
0x115: {  	[sflag:s13] =	ssyncset.done $0x0  }
0x116: {  	[sflag:s13] =	ssyncadd.s32 $0xFFFFFFD8  }
0x117: {  	_ =	swait.ge [sflag:s13], $0x28  }
0x118: {  	[sflag:s13] =	ssyncset.done $0x0  }
0x119: {  	[sflag:s13] =	ssyncadd.s32 $0xFFFFFFD8  }
0x11a: {  	_ =	swait.ge [sflag:s13], $0x28  }
0x11b: {  	[sflag:s13] =	ssyncset.done $0x0  }
0x11c: {  	[sflag:s13] =	ssyncadd.s32 $0xFFFFFFD8  }
0x11d: {  	_ =	swait.ge [sflag:s13], $0x28  }
0x11e: {  	[sflag:s13] =	ssyncset.done $0x0  }
0x11f: {  	[sflag:s13] =	ssyncadd.s32 $0xFFFFFFD8  }
0x120: {  	_ =	swait.ge [sflag:s13], $0x28  }
0x121: {  	[sflag:s13] =	ssyncset.done $0x0  }
0x122: {  	[sflag:s13] =	ssyncadd.s32 $0xFFFFFFD8  }
0x123: {  	_ =	swait.ge [sflag:s13], $0x28  }
0x124: {  	[sflag:s13] =	ssyncset.done $0x0  }
0x125: {  	[sflag:s13] =	ssyncadd.s32 $0xFFFFFFD8  }
0x126: {  	_ =	swait.ge [sflag:s13], $0x28  }
0x127: {  	[sflag:s13] =	ssyncset.done $0x0  }
0x128: {  	[sflag:s13] =	ssyncadd.s32 $0xFFFFFFD8  }
0x129: {  	_ =	swait.ge [sflag:s14], $0x1400  }
0x12a: {  	[sflag:s14] =	ssyncset.done $0x0  }
0x12b: {  	[sflag:s14] =	ssyncadd.s32 $0xFFFFEC00  }
0x12c: {  	[tilespmem:s17], [sflag:$0x3] =	stream.indirect.gather [hbm4b:s5+s21], $0x80, s0, s21, $0xb8;
	[tilespmem:$0x1B400] =	vst v63  }
0x12d: {  	_ =	swait.ge [sflag:s25], $0x1400  }
0x12e: {  	[sflag:s25] =	ssyncset.done $0x0  }
0x12f: {  	[sflag:s25] =	ssyncadd.s32 $0xFFFFEC00  }
0x130: {  	[tilespmem:s24], [sflag:$0x4] =	stream.indirect.gather [hbm4b:s5+s21], $0x80, s11, s21, $0xb8;
	[tilespmem:$0x1B400] =	vst v63  }
0x131: {  	s11 =	simm.s32 $0xA  }
0x132: {  	_ =	swait.ge [sflag:s11], $0x1400  }
0x133: {  	[sflag:s11] =	ssyncset.done $0x0  }
0x134: {  	[sflag:s11] =	ssyncadd.s32 $0xFFFFEC00  }
0x135: {  	[tilespmem:s3], [sflag:$0x5] =	stream.indirect.gather [hbm4b:s5+s21], $0x80, s30, s21, $0xb8;
	[tilespmem:$0x1B400] =	vst v63  }
0x136: {  	_ =	swait.ge [sflag:s23], $0x1400  }
0x137: {  	[sflag:s23] =	ssyncset.done $0x0  }
0x138: {  	[sflag:s23] =	ssyncadd.s32 $0xFFFFEC00  }
0x139: {  	[tilespmem:s7], [sflag:$0x6] =	stream.indirect.gather [hbm4b:s5+s21], $0x80, s1, s21, $0xb8;
	[tilespmem:$0x1B400] =	vst v63  }
0x13a: {  	_ =	swait.ge [sflag:s9], $0x1400  }
0x13b: {  	[sflag:s9] =	ssyncset.done $0x0;
	s0 =	sld [smem:$0x7F0]  }
0x13c: {  	p0 =	por $0x0, $0x0;
	s14 =	simm.s32 $0x6000;
	[sflag:s9] =	ssyncadd.s32 $0xFFFFEC00  }
0x13d: {  	[tilespmem:s14], [sflag:$0x7] =	stream.indirect.gather [hbm4b:s5+s21], $0x80, s18, s21, $0xb8;
	[tilespmem:$0x1B400] =	vst v63  }
0x13e: {  	s26 =	sshrl.u32 @!p0 s0, $0x3  }
0x13f: {  	s28 =	simm.s32 @!p0 $0x0;
	s29 =	sadd.s32 @!p0 s16, s26  }
0x140: {  	[tilespmem:s28], [sflag:$0x1] =	stream.linear.gather @!p0 [hbm4b:s29+s28], $0x28, $0x38;
	[tilespmem:$0x1B400] =	vst v63  }
0x141: {  	s30 =	simm.s32 @!p0 $0x800;
	s26 =	sadd.s32 @!p0 s8, s26;
	s29 =	rddreg [dreg:$0xb]  }
0x142: {  	[tilespmem:s30], [sflag:$0x1] =	stream.linear.gather @!p0 [hbm4b:s26+s28], $0x28, $0x38;
	[tilespmem:$0x1B400] =	vst v63  }
0x143: {  	s29 =	sadd.s32 @!p0 $0x0, s29;
	s26 =	rddreg [dreg:$0xa];
	s30 =	simm.s32 @!p0 $0x80  }
0x144: {  	[tilespmem:s30], [sflag:$0x1] =	stream.linear.gather @!p0 [hbm4b:s29+s28], $0x28, $0x38;
	[tilespmem:$0x1B400] =	vst v63  }
0x145: {  	s26 =	sadd.s32 @!p0 $0x0, s26;
	s29 =	rddreg [dreg:$0x9];
	s30 =	simm.s32 @!p0 $0x880  }
0x146: {  	[tilespmem:s30], [sflag:$0x1] =	stream.linear.gather @!p0 [hbm4b:s26+s28], $0x28, $0x38;
	[tilespmem:$0x1B400] =	vst v63  }
0x147: {  	s29 =	sadd.s32 @!p0 $0x0, s29;
	s26 =	rddreg [dreg:$0x8];
	s30 =	simm.s32 @!p0 $0x100  }
0x148: {  	[tilespmem:s30], [sflag:$0x1] =	stream.linear.gather @!p0 [hbm4b:s29+s28], $0x28, $0x38;
	[tilespmem:$0x1B400] =	vst v63  }
0x149: {  	s26 =	sadd.s32 @!p0 $0x0, s26;
	s29 =	rddreg [dreg:$0x7];
	s30 =	simm.s32 @!p0 $0x900  }
0x14a: {  	[tilespmem:s30], [sflag:$0x1] =	stream.linear.gather @!p0 [hbm4b:s26+s28], $0x28, $0x38;
	[tilespmem:$0x1B400] =	vst v63  }
0x14b: {  	s29 =	sadd.s32 @!p0 $0x0, s29;
	s26 =	rddreg [dreg:$0x6];
	s30 =	simm.s32 @!p0 $0x180  }
0x14c: {  	[tilespmem:s30], [sflag:$0x1] =	stream.linear.gather @!p0 [hbm4b:s29+s28], $0x28, $0x38;
	[tilespmem:$0x1B400] =	vst v63  }
0x14d: {  	s26 =	sadd.s32 @!p0 $0x0, s26;
	s29 =	rddreg [dreg:$0x5];
	s30 =	simm.s32 @!p0 $0x980  }
0x14e: {  	[tilespmem:s30], [sflag:$0x1] =	stream.linear.gather @!p0 [hbm4b:s26+s28], $0x28, $0x38;
	[tilespmem:$0x1B400] =	vst v63  }
0x14f: {  	s29 =	sadd.s32 @!p0 $0x0, s29;
	s26 =	rddreg [dreg:$0x4];
	s30 =	simm.s32 @!p0 $0x200  }
0x150: {  	[tilespmem:s30], [sflag:$0x1] =	stream.linear.gather @!p0 [hbm4b:s29+s28], $0x28, $0x38;
	[tilespmem:$0x1B400] =	vst v63  }
0x151: {  	s26 =	sadd.s32 @!p0 $0x0, s26;
	s29 =	simm.s32 @!p0 $0xA00  }
0x152: {  	[tilespmem:s29], [sflag:$0x1] =	stream.linear.gather @!p0 [hbm4b:s26+s28], $0x28, $0x38;
	[tilespmem:$0x1B400] =	vst v63  }
0x153: {  	_ =	swait.ge [sflag:s10], $0x1400  }
0x154: {  	[sflag:s10] =	ssyncset.done $0x0  }
0x155: {  	s22 =	simm.s32 $0xC00;
	[sflag:s10] =	ssyncadd.s32 $0xFFFFEC00  }
0x156: {  	[spmem:s4] =	stream.indirect.scatter.add.f32 [tilespmem:s17], [sflag:$0x8], $0x80, s22, s21, $0xb8;
	[tilespmem:$0x1B400] =	vst v63  }
0x157: {  	_ =	swait.ge [sflag:s12], $0x1400  }
0x158: {  	[sflag:s12] =	ssyncset.done $0x0  }
0x159: {  	s25 =	simm.s32 $0xC80;
	[sflag:s12] =	ssyncadd.s32 $0xFFFFEC00  }
0x15a: {  	[spmem:s4] =	stream.indirect.scatter.add.f32 [tilespmem:s24], [sflag:$0x9], $0x80, s25, s21, $0xb8;
	[tilespmem:$0x1B400] =	vst v63  }
0x15b: {  	_ =	swait.ge [sflag:s19], $0x1400  }
0x15c: {  	[sflag:s19] =	ssyncset.done $0x0  }
0x15d: {  	s23 =	simm.s32 $0x3800;
	s26 =	simm.s32 $0xD00;
	[sflag:s19] =	ssyncadd.s32 $0xFFFFEC00  }
0x15e: {  	[spmem:s4] =	stream.indirect.scatter.add.f32 [tilespmem:s23], [sflag:$0xA], $0x80, s26, s21, $0xb8;
	[tilespmem:$0x1B400] =	vst v63  }
0x15f: {  	s6 =	simm.s32 $0x0;
	_ =	swait.ge [sflag:s15], $0x1400  }
0x160: {  	s2 =	smov.u32 s4;
	s1 =	simm.s32 $0x7;
	[sflag:s15] =	ssyncset.done $0x0  }
0x161: {  	s30 =	simm.s32 $0xD80;
	s29 =	simm.s32 $0x4C00;
	[sflag:s15] =	ssyncadd.s32 $0xFFFFEC00  }
0x162: {  	[spmem:s4] =	stream.indirect.scatter.add.f32 [tilespmem:s29], [sflag:$0xB], $0x80, s30, s21, $0xb8;
	[tilespmem:$0x1B400] =	vst v63  }
0x163: {  	s28 =	smov.u32 s0;
	s26 =	simm.s32 $0x32;
	_ =	swait.ge [sflag:s1], $0x1400  }
.LBB2_4:
0x164: {  	[sflag:s1] =	ssyncset.done $0x0  }
0x165: {  	[sflag:s1] =	ssyncadd.s32 $0xFFFFEC00  }
0x166: {  	[spmem:s2] =	stream.indirect.scatter.add.f32 [tilespmem:s14], [sflag:$0xC], $0x80, s31, s21, $0xb8;
	[tilespmem:$0x1B400] =	vst v63  }
0x167: {  	_ =	swait.ge [sflag:s20], $0x28  }
0x168: {  	[sflag:s20] =	ssyncset.done $0x0  }
0x169: {  	[sflag:s20] =	ssyncadd.s32 $0xFFFFFFD8  }
0x16a: {  	_ =	swait.ge [sflag:s20], $0x28  }
0x16b: {  	[sflag:s20] =	ssyncset.done $0x0  }
0x16c: {  	[sflag:s20] =	ssyncadd.s32 $0xFFFFFFD8  }
0x16d: {  	_ =	swait.ge [sflag:s20], $0x28  }
0x16e: {  	[sflag:s20] =	ssyncset.done $0x0  }
0x16f: {  	[sflag:s20] =	ssyncadd.s32 $0xFFFFFFD8  }
0x170: {  	_ =	swait.ge [sflag:s20], $0x28  }
0x171: {  	[sflag:s20] =	ssyncset.done $0x0  }
0x172: {  	[sflag:s20] =	ssyncadd.s32 $0xFFFFFFD8  }
0x173: {  	_ =	swait.ge [sflag:s20], $0x28  }
0x174: {  	[sflag:s20] =	ssyncset.done $0x0  }
0x175: {  	[sflag:s20] =	ssyncadd.s32 $0xFFFFFFD8  }
0x176: {  	_ =	swait.ge [sflag:s20], $0x28  }
0x177: {  	[sflag:s20] =	ssyncset.done $0x0  }
0x178: {  	[sflag:s20] =	ssyncadd.s32 $0xFFFFFFD8  }
0x179: {  	_ =	swait.ge [sflag:s20], $0x28  }
0x17a: {  	[sflag:s20] =	ssyncset.done $0x0  }
0x17b: {  	[sflag:s20] =	ssyncadd.s32 $0xFFFFFFD8  }
0x17c: {  	_ =	swait.ge [sflag:s20], $0x28  }
0x17d: {  	[sflag:s20] =	ssyncset.done $0x0  }
0x17e: {  	[sflag:s20] =	ssyncadd.s32 $0xFFFFFFD8  }
0x17f: {  	_ =	swait.ge [sflag:s20], $0x28  }
0x180: {  	[sflag:s20] =	ssyncset.done $0x0  }
0x181: {  	[sflag:s20] =	ssyncadd.s32 $0xFFFFFFD8  }
0x182: {  	s29 =	smov.u32 s26;
	_ =	swait.ge [sflag:s20], $0x28  }
0x183: {  	p1 =	sne.s32 s29, $0x0;
	[sflag:s20] =	ssyncset.done $0x0  }
0x184: {  	s30 =	simm.s32 @p1 $0x8;
	[sflag:s20] =	ssyncadd.s32 $0xFFFFFFD8  }
0x185: {  	_ =	swait.ge @p1 [sflag:s30], $0x1400  }
0x186: {  	s31 =	simm.s32 @p1 $0x1000;
	s0 =	simm.s32 @p1 $0x9;
	[sflag:s30] =	ssyncset.done @p1 $0x0  }
0x187: {  	s3 =	simm.s32 @p1 $0x28;
	s7 =	simm.s32 @p1 $0x0;
	[sflag:s30] =	ssyncadd.s32 @p1 $0xFFFFEC00  }
0x188: {  	[tilespmem:s31], [sflag:$0x3] =	stream.indirect.gather @p1 [hbm4b:s5+s3], $0x80, s7, s3, $0xb8;
	[tilespmem:$0x1B400] =	vst v63  }
0x189: {  	_ =	swait.ge @p1 [sflag:s0], $0x1400  }
0x18a: {  	s30 =	simm.s32 @p1 $0x2400;
	[sflag:s0] =	ssyncset.done @p1 $0x0  }
0x18b: {  	s7 =	simm.s32 @p1 $0x80;
	[sflag:s0] =	ssyncadd.s32 @p1 $0xFFFFEC00;
	s0 =	simm.s32 @p1 $0xA  }
0x18c: {  	[tilespmem:s30], [sflag:$0x4] =	stream.indirect.gather @p1 [hbm4b:s5+s3], $0x80, s7, s3, $0xb8;
	[tilespmem:$0x1B400] =	vst v63  }
0x18d: {  	_ =	swait.ge @p1 [sflag:s0], $0x1400  }
0x18e: {  	s7 =	simm.s32 @p1 $0x100;
	[sflag:s0] =	ssyncset.done @p1 $0x0  }
0x18f: {  	s30 =	simm.s32 @p1 $0x3800;
	[sflag:s0] =	ssyncadd.s32 @p1 $0xFFFFEC00;
	s0 =	simm.s32 @p1 $0xB  }
0x190: {  	[tilespmem:s30], [sflag:$0x5] =	stream.indirect.gather @p1 [hbm4b:s5+s3], $0x80, s7, s3, $0xb8;
	[tilespmem:$0x1B400] =	vst v63  }
0x191: {  	_ =	swait.ge @p1 [sflag:s0], $0x1400  }
0x192: {  	s7 =	simm.s32 @p1 $0x180;
	[sflag:s0] =	ssyncset.done @p1 $0x0  }
0x193: {  	s30 =	simm.s32 @p1 $0x4C00;
	[sflag:s0] =	ssyncadd.s32 @p1 $0xFFFFEC00;
	s0 =	simm.s32 @p1 $0xC  }
0x194: {  	[tilespmem:s30], [sflag:$0x6] =	stream.indirect.gather @p1 [hbm4b:s5+s3], $0x80, s7, s3, $0xb8;
	[tilespmem:$0x1B400] =	vst v63  }
0x195: {  	_ =	swait.ge @p1 [sflag:s0], $0x1400  }
0x196: {  	s3 =	simm.s32 @!p1 $0x28;
	[sflag:s0] =	ssyncset.done @p1 $0x0  }
0x197: {  	s7 =	simm.s32 @!p1 $0x0;
	[sflag:s0] =	ssyncadd.s32 @p1 $0xFFFFEC00;
	s0 =	simm.s32 @!p1 $0x1000  }
0x198: {  	[tilespmem:s0], [sflag:$0x3] =	stream.indirect.gather @!p1 [hbm4b:s5+s3], $0x80, s7, s3, $0xb8;
	[tilespmem:$0x1B400] =	vst v63  }
0x199: {  	s0 =	simm.s32 @!p1 $0x80;
	s7 =	simm.s32 @!p1 $0x2400  }
0x19a: {  	[tilespmem:s7], [sflag:$0x4] =	stream.indirect.gather @!p1 [hbm4b:s5+s3], $0x80, s0, s3, $0xb8;
	[tilespmem:$0x1B400] =	vst v63  }
0x19b: {  	s0 =	simm.s32 @!p1 $0x100;
	s7 =	simm.s32 @!p1 $0x3800  }
0x19c: {  	[tilespmem:s7], [sflag:$0x5] =	stream.indirect.gather @!p1 [hbm4b:s5+s3], $0x80, s0, s3, $0xb8;
	[tilespmem:$0x1B400] =	vst v63  }
0x19d: {  	s0 =	simm.s32 @!p1 $0x180;
	s7 =	simm.s32 @!p1 $0x4C00  }
0x19e: {  	[tilespmem:s7], [sflag:$0x6] =	stream.indirect.gather @!p1 [hbm4b:s5+s3], $0x80, s0, s3, $0xb8;
	[tilespmem:$0x1B400] =	vst v63  }
0x19f: {  	s12 =	simm.s32 $0x200;
	s10 =	rddreg [dreg:$0xd]  }
0x1a0: {  	[tilespmem:s14], [sflag:$0x7] =	stream.indirect.gather [hbm4b:s5+s21], $0x80, s12, s21, $0xb8;
	[tilespmem:$0x1B400] =	vst v63  }
0x1a1: {  	s30 =	simm.s32 $0x400;
	s11 =	rddreg [dreg:$0xc];
	s15 =	sadd.s32 s29, s10  }
0x1a2: {  	[tilespmem:s30], [sflag:$0x2] =	stream.linear.gather [hbm4b:s15+s6], $0x28, $0x38;
	[tilespmem:$0x1B400] =	vst v63  }
0x1a3: {  	s1 =	simm.s32 $0xC00;
	s18 =	rddreg [dreg:$0x15];
	s0 =	sadd.s32 s29, s11  }
0x1a4: {  	[tilespmem:s1], [sflag:$0x2] =	stream.linear.gather [hbm4b:s0+s6], $0x28, $0x38;
	[tilespmem:$0x1B400] =	vst v63  }
0x1a5: {  	s19 =	rddreg [dreg:$0x14];
	s23 =	sadd.s32 s29, s18;
	s11 =	simm.s32 $0x480  }
0x1a6: {  	[tilespmem:s11], [sflag:$0x2] =	stream.linear.gather [hbm4b:s23+s6], $0x28, $0x38;
	[tilespmem:$0x1B400] =	vst v63  }
0x1a7: {  	s9 =	simm.s32 $0xC80;
	s25 =	rddreg [dreg:$0x13];
	s10 =	sadd.s32 s29, s19  }
0x1a8: {  	[tilespmem:s9], [sflag:$0x2] =	stream.linear.gather [hbm4b:s10+s6], $0x28, $0x38;
	[tilespmem:$0x1B400] =	vst v63  }
0x1a9: {  	s12 =	rddreg [dreg:$0x12];
	s15 =	sadd.s32 s29, s25;
	s23 =	simm.s32 $0x500  }
0x1aa: {  	[tilespmem:s23], [sflag:$0x2] =	stream.linear.gather [hbm4b:s15+s6], $0x28, $0x38;
	[tilespmem:$0x1B400] =	vst v63  }
0x1ab: {  	s18 =	rddreg [dreg:$0x11];
	s19 =	sadd.s32 s29, s12;
	s10 =	simm.s32 $0xD00  }
0x1ac: {  	[tilespmem:s10], [sflag:$0x2] =	stream.linear.gather [hbm4b:s19+s6], $0x28, $0x38;
	[tilespmem:$0x1B400] =	vst v63  }
0x1ad: {  	s12 =	sadd.s32 s29, s18;
	s25 =	rddreg [dreg:$0x10];
	s15 =	simm.s32 $0x580  }
0x1ae: {  	[tilespmem:s15], [sflag:$0x2] =	stream.linear.gather [hbm4b:s12+s6], $0x28, $0x38;
	[tilespmem:$0x1B400] =	vst v63  }
0x1af: {  	s18 =	rddreg [dreg:$0xf];
	s9 =	simm.s32 $0xD80;
	s19 =	sadd.s32 s29, s25  }
0x1b0: {  	[tilespmem:s9], [sflag:$0x2] =	stream.linear.gather [hbm4b:s19+s6], $0x28, $0x38;
	[tilespmem:$0x1B400] =	vst v63  }
0x1b1: {  	s25 =	rddreg [dreg:$0xe];
	s10 =	sadd.s32 s29, s18;
	s18 =	simm.s32 $0x600  }
0x1b2: {  	[tilespmem:s18], [sflag:$0x2] =	stream.linear.gather [hbm4b:s10+s6], $0x28, $0x38;
	[tilespmem:$0x1B400] =	vst v63  }
0x1b3: {  	s24 =	simm.s32 $0xE00;
	s12 =	sadd.s32 s29, s25;
	s10 =	simm.s32 $0x3  }
0x1b4: {  	[tilespmem:s24], [sflag:$0x2] =	stream.linear.gather [hbm4b:s12+s6], $0x28, $0x38;
	[tilespmem:$0x1B400] =	vst v63  }
0x1b5: {  	_ =	swait.ge [sflag:s10], $0x1400  }
0x1b6: {  	[sflag:s10] =	ssyncset.done $0x0  }
0x1b7: {  	s19 =	simm.s32 $0x800;
	s12 =	simm.s32 $0x4;
	[sflag:s10] =	ssyncadd.s32 $0xFFFFEC00  }
0x1b8: {  	[spmem:s4] =	stream.indirect.scatter.add.f32 [tilespmem:s17], [sflag:$0x8], $0x80, s19, s21, $0xb8;
	[tilespmem:$0x1B400] =	vst v63  }
0x1b9: {  	_ =	swait.ge [sflag:s12], $0x1400  }
0x1ba: {  	s25 =	simm.s32 $0x880;
	[sflag:s12] =	ssyncset.done $0x0  }
0x1bb: {  	s24 =	simm.s32 $0x2400;
	s19 =	simm.s32 $0x5;
	[sflag:s12] =	ssyncadd.s32 $0xFFFFEC00  }
0x1bc: {  	[spmem:s4] =	stream.indirect.scatter.add.f32 [tilespmem:s24], [sflag:$0x9], $0x80, s25, s21, $0xb8;
	[tilespmem:$0x1B400] =	vst v63  }
0x1bd: {  	_ =	swait.ge [sflag:s19], $0x1400  }
0x1be: {  	s31 =	simm.s32 $0x3800;
	[sflag:s19] =	ssyncset.done $0x0  }
0x1bf: {  	s3 =	simm.s32 $0x900;
	s25 =	simm.s32 $0x6;
	[sflag:s19] =	ssyncadd.s32 $0xFFFFEC00  }
0x1c0: {  	[spmem:s4] =	stream.indirect.scatter.add.f32 [tilespmem:s31], [sflag:$0xA], $0x80, s3, s21, $0xb8;
	[tilespmem:$0x1B400] =	vst v63  }
0x1c1: {  	_ =	swait.ge [sflag:s25], $0x1400  }
0x1c2: {  	s2 =	simm.s32 $0x7;
	[sflag:s25] =	ssyncset.done $0x0  }
0x1c3: {  	s7 =	simm.s32 $0x980;
	s14 =	simm.s32 $0x4C00;
	[sflag:s25] =	ssyncadd.s32 $0xFFFFEC00  }
0x1c4: {  	[spmem:s4] =	stream.indirect.scatter.add.f32 [tilespmem:s14], [sflag:$0xB], $0x80, s7, s21, $0xb8;
	[tilespmem:$0x1B400] =	vst v63  }
0x1c5: {  	_ =	swait.ge [sflag:s2], $0x1400  }
0x1c6: {  	[sflag:s2] =	ssyncset.done $0x0  }
0x1c7: {  	s22 =	simm.s32 $0x6000;
	s3 =	simm.s32 $0xA00;
	[sflag:s2] =	ssyncadd.s32 $0xFFFFEC00  }
0x1c8: {  	[spmem:s4] =	stream.indirect.scatter.add.f32 [tilespmem:s22], [sflag:$0xC], $0x80, s3, s21, $0xb8;
	[tilespmem:$0x1B400] =	vst v63  }
0x1c9: {  	_ =	swait.ge [sflag:s13], $0x28  }
0x1ca: {  	[sflag:s13] =	ssyncset.done $0x0  }
0x1cb: {  	[sflag:s13] =	ssyncadd.s32 $0xFFFFFFD8  }
0x1cc: {  	_ =	swait.ge [sflag:s13], $0x28  }
0x1cd: {  	[sflag:s13] =	ssyncset.done $0x0  }
0x1ce: {  	[sflag:s13] =	ssyncadd.s32 $0xFFFFFFD8  }
0x1cf: {  	_ =	swait.ge [sflag:s13], $0x28  }
0x1d0: {  	[sflag:s13] =	ssyncset.done $0x0  }
0x1d1: {  	[sflag:s13] =	ssyncadd.s32 $0xFFFFFFD8  }
0x1d2: {  	_ =	swait.ge [sflag:s13], $0x28  }
0x1d3: {  	[sflag:s13] =	ssyncset.done $0x0  }
0x1d4: {  	[sflag:s13] =	ssyncadd.s32 $0xFFFFFFD8  }
0x1d5: {  	_ =	swait.ge [sflag:s13], $0x28  }
0x1d6: {  	[sflag:s13] =	ssyncset.done $0x0  }
0x1d7: {  	[sflag:s13] =	ssyncadd.s32 $0xFFFFFFD8  }
0x1d8: {  	_ =	swait.ge [sflag:s13], $0x28  }
0x1d9: {  	[sflag:s13] =	ssyncset.done $0x0  }
0x1da: {  	[sflag:s13] =	ssyncadd.s32 $0xFFFFFFD8  }
0x1db: {  	_ =	swait.ge [sflag:s13], $0x28  }
0x1dc: {  	[sflag:s13] =	ssyncset.done $0x0  }
0x1dd: {  	[sflag:s13] =	ssyncadd.s32 $0xFFFFFFD8  }
0x1de: {  	_ =	swait.ge [sflag:s13], $0x28  }
0x1df: {  	[sflag:s13] =	ssyncset.done $0x0  }
0x1e0: {  	[sflag:s13] =	ssyncadd.s32 $0xFFFFFFD8  }
0x1e1: {  	_ =	swait.ge [sflag:s13], $0x28  }
0x1e2: {  	[sflag:s13] =	ssyncset.done $0x0  }
0x1e3: {  	[sflag:s13] =	ssyncadd.s32 $0xFFFFFFD8  }
0x1e4: {  	_ =	swait.ge [sflag:s13], $0x28  }
0x1e5: {  	[sflag:s13] =	ssyncset.done $0x0  }
0x1e6: {  	s7 =	simm.s32 $0x8;
	[sflag:s13] =	ssyncadd.s32 $0xFFFFFFD8  }
0x1e7: {  	_ =	swait.ge [sflag:s7], $0x1400  }
0x1e8: {  	[sflag:s7] =	ssyncset.done $0x0  }
0x1e9: {  	s22 =	simm.s32 $0x9;
	[sflag:s7] =	ssyncadd.s32 $0xFFFFEC00  }
0x1ea: {  	[tilespmem:s17], [sflag:$0x3] =	stream.indirect.gather [hbm4b:s5+s21], $0x80, s30, s21, $0xb8;
	[tilespmem:$0x1B400] =	vst v63  }
0x1eb: {  	_ =	swait.ge [sflag:s22], $0x1400  }
0x1ec: {  	[sflag:s22] =	ssyncset.done $0x0  }
0x1ed: {  	[sflag:s22] =	ssyncadd.s32 $0xFFFFEC00  }
0x1ee: {  	[tilespmem:s24], [sflag:$0x4] =	stream.indirect.gather [hbm4b:s5+s21], $0x80, s11, s21, $0xb8;
	[tilespmem:$0x1B400] =	vst v63  }
0x1ef: {  	s11 =	simm.s32 $0xA  }
0x1f0: {  	_ =	swait.ge [sflag:s11], $0x1400  }
0x1f1: {  	[sflag:s11] =	ssyncset.done $0x0  }
0x1f2: {  	[sflag:s11] =	ssyncadd.s32 $0xFFFFEC00  }
0x1f3: {  	[tilespmem:s31], [sflag:$0x5] =	stream.indirect.gather [hbm4b:s5+s21], $0x80, s23, s21, $0xb8;
	[tilespmem:$0x1B400] =	vst v63  }
0x1f4: {  	s23 =	simm.s32 $0xB  }
0x1f5: {  	_ =	swait.ge [sflag:s23], $0x1400  }
0x1f6: {  	[sflag:s23] =	ssyncset.done $0x0  }
0x1f7: {  	s30 =	simm.s32 $0xC;
	[sflag:s23] =	ssyncadd.s32 $0xFFFFEC00  }
0x1f8: {  	[tilespmem:s14], [sflag:$0x6] =	stream.indirect.gather [hbm4b:s5+s21], $0x80, s15, s21, $0xb8;
	[tilespmem:$0x1B400] =	vst v63  }
0x1f9: {  	_ =	swait.ge [sflag:s30], $0x1400  }
0x1fa: {  	s28 =	sadd.s32 $0x190, s28;
	p1 =	seq.s32 s29, $0x4B0;
	[sflag:s30] =	ssyncset.done $0x0  }
0x1fb: {  	s0 =	sshrl.u32 @!p1 s28, $0x3;
	s14 =	simm.s32 $0x6000;
	[sflag:s30] =	ssyncadd.s32 $0xFFFFEC00  }
0x1fc: {  	[tilespmem:s14], [sflag:$0x7] =	stream.indirect.gather [hbm4b:s5+s21], $0x80, s18, s21, $0xb8;
	[tilespmem:$0x1B400] =	vst v63  }
0x1fd: {  	s3 =	simm.s32 @!p1 $0x0;
	s7 =	sadd.s32 @!p1 s16, s0;
	s0 =	sadd.s32 @!p1 s8, s0  }
0x1fe: {  	[tilespmem:s3], [sflag:$0x1] =	stream.linear.gather @!p1 [hbm4b:s7+s3], $0x28, $0x38;
	[tilespmem:$0x1B400] =	vst v63  }
0x1ff: {  	s31 =	simm.s32 @!p1 $0x800;
	s30 =	rddreg [dreg:$0xb];
	s18 =	smov.u32 s8  }
0x200: {  	[tilespmem:s31], [sflag:$0x1] =	stream.linear.gather @!p1 [hbm4b:s0+s3], $0x28, $0x38;
	[tilespmem:$0x1B400] =	vst v63  }
0x201: {  	s8 =	rddreg [dreg:$0xa];
	s7 =	sadd.s32 @!p1 s29, s30;
	s0 =	simm.s32 @!p1 $0x80  }
0x202: {  	[tilespmem:s0], [sflag:$0x1] =	stream.linear.gather @!p1 [hbm4b:s7+s3], $0x28, $0x38;
	[tilespmem:$0x1B400] =	vst v63  }
0x203: {  	s8 =	sadd.s32 @!p1 s29, s8;
	s30 =	rddreg [dreg:$0x9];
	s0 =	simm.s32 @!p1 $0x880  }
0x204: {  	[tilespmem:s0], [sflag:$0x1] =	stream.linear.gather @!p1 [hbm4b:s8+s3], $0x28, $0x38;
	[tilespmem:$0x1B400] =	vst v63  }
0x205: {  	s7 =	rddreg [dreg:$0x8];
	s0 =	sadd.s32 @!p1 s29, s30;
	s8 =	simm.s32 @!p1 $0x100  }
0x206: {  	[tilespmem:s8], [sflag:$0x1] =	stream.linear.gather @!p1 [hbm4b:s0+s3], $0x28, $0x38;
	[tilespmem:$0x1B400] =	vst v63  }
0x207: {  	s30 =	rddreg [dreg:$0x7];
	s0 =	sadd.s32 @!p1 s29, s7;
	s7 =	simm.s32 @!p1 $0x900  }
0x208: {  	[tilespmem:s7], [sflag:$0x1] =	stream.linear.gather @!p1 [hbm4b:s0+s3], $0x28, $0x38;
	[tilespmem:$0x1B400] =	vst v63  }
0x209: {  	s8 =	rddreg [dreg:$0x6];
	s0 =	sadd.s32 @!p1 s29, s30;
	s7 =	simm.s32 @!p1 $0x180  }
0x20a: {  	[tilespmem:s7], [sflag:$0x1] =	stream.linear.gather @!p1 [hbm4b:s0+s3], $0x28, $0x38;
	[tilespmem:$0x1B400] =	vst v63  }
0x20b: {  	s30 =	rddreg [dreg:$0x5];
	s0 =	sadd.s32 @!p1 s29, s8;
	s7 =	simm.s32 @!p1 $0x980  }
0x20c: {  	[tilespmem:s7], [sflag:$0x1] =	stream.linear.gather @!p1 [hbm4b:s0+s3], $0x28, $0x38;
	[tilespmem:$0x1B400] =	vst v63  }
0x20d: {  	s8 =	rddreg [dreg:$0x4];
	s0 =	sadd.s32 @!p1 s29, s30;
	s7 =	simm.s32 @!p1 $0x200  }
0x20e: {  	[tilespmem:s7], [sflag:$0x1] =	stream.linear.gather @!p1 [hbm4b:s0+s3], $0x28, $0x38;
	[tilespmem:$0x1B400] =	vst v63  }
0x20f: {  	s30 =	simm.s32 @!p1 $0xA00;
	s0 =	sadd.s32 @!p1 s29, s8  }
0x210: {  	[tilespmem:s30], [sflag:$0x1] =	stream.linear.gather @!p1 [hbm4b:s0+s3], $0x28, $0x38;
	[tilespmem:$0x1B400] =	vst v63  }
0x211: {  	_ =	swait.ge [sflag:s10], $0x1400  }
0x212: {  	[sflag:s10] =	ssyncset.done $0x0  }
0x213: {  	s17 =	simm.s32 $0x1000;
	[sflag:s10] =	ssyncadd.s32 $0xFFFFEC00  }
0x214: {  	[spmem:s4] =	stream.indirect.scatter.add.f32 [tilespmem:s17], [sflag:$0x8], $0x80, s1, s21, $0xb8;
	[tilespmem:$0x1B400] =	vst v63  }
0x215: {  	_ =	swait.ge [sflag:s12], $0x1400  }
0x216: {  	[sflag:s12] =	ssyncset.done $0x0  }
0x217: {  	s29 =	simm.s32 $0xC80;
	[sflag:s12] =	ssyncadd.s32 $0xFFFFEC00  }
0x218: {  	[spmem:s4] =	stream.indirect.scatter.add.f32 [tilespmem:s24], [sflag:$0x9], $0x80, s29, s21, $0xb8;
	[tilespmem:$0x1B400] =	vst v63  }
0x219: {  	s26 =	sadd.s32 $0x32, s26;
	_ =	swait.ge [sflag:s19], $0x1400  }
0x21a: {  	p0 =	sne.s32 s26, $0x4E2;
	[sflag:s19] =	ssyncset.done $0x0  }
0x21b: {  	s23 =	simm.s32 $0x3800;
	s30 =	simm.s32 $0xD00;
	[sflag:s19] =	ssyncadd.s32 $0xFFFFEC00  }
0x21c: {  	[spmem:s4] =	stream.indirect.scatter.add.f32 [tilespmem:s23], [sflag:$0xA], $0x80, s30, s21, $0xb8;
	[tilespmem:$0x1B400] =	vst v63  }
.Ltmp1:
0x21d: {  	s2 =	smov.u32 s4;
	_ =	swait.ge [sflag:s25], $0x1400;
	(pc) =	sbr.rel @p0 .LBB2_4-.Ltmp1, $4  }
0x21e: {  	s22 =	simm.s32 $0x4C00;
	s15 =	smov.u32 s16;
	[sflag:s25] =	ssyncset.done $0x0  }
0x21f: {  	s16 =	smov.u32 s15;
	s1 =	simm.s32 $0x7;
	[sflag:s25] =	ssyncadd.s32 $0xFFFFEC00  }
0x220: {  	[spmem:s4] =	stream.indirect.scatter.add.f32 [tilespmem:s22], [sflag:$0xB], $0x80, s9, s21, $0xb8;
	[tilespmem:$0x1B400] =	vst v63  }
0x221: {  	s31 =	simm.s32 $0xE00;
	s8 =	smov.u32 s18;
	_ =	swait.ge [sflag:s1], $0x1400  }
0x222: {  	[sflag:s1] =	ssyncset.done $0x0  }
0x223: {  	s0 =	simm.s32 $0x8;
	[sflag:s1] =	ssyncadd.s32 $0xFFFFEC00  }
0x224: {  	[spmem:s2] =	stream.indirect.scatter.add.f32 [tilespmem:s14], [sflag:$0xC], $0x80, s31, s21, $0xb8;
	[tilespmem:$0x1B400] =	vst v63  }
0x225: {  	_ =	swait.ge [sflag:s0], $0x1400  }
0x226: {  	[sflag:s0] =	ssyncset.done $0x0  }
0x227: {  	s18 =	simm.s32 $0x9;
	[sflag:s0] =	ssyncadd.s32 $0xFFFFEC00  }
0x228: {  	_ =	swait.ge [sflag:s18], $0x1400  }
0x229: {  	[sflag:s18] =	ssyncset.done $0x0  }
0x22a: {  	[sflag:s18] =	ssyncadd.s32 $0xFFFFEC00  }
0x22b: {  	_ =	swait.ge [sflag:s11], $0x1400  }
0x22c: {  	[sflag:s11] =	ssyncset.done $0x0  }
0x22d: {  	s19 =	simm.s32 $0xB;
	[sflag:s11] =	ssyncadd.s32 $0xFFFFEC00  }
0x22e: {  	_ =	swait.ge [sflag:s19], $0x1400  }
0x22f: {  	[sflag:s19] =	ssyncset.done $0x0  }
0x230: {  	s22 =	simm.s32 $0xC;
	[sflag:s19] =	ssyncadd.s32 $0xFFFFEC00  }
0x231: {  	_ =	swait.ge [sflag:s22], $0x1400  }
0x232: {  	[sflag:s22] =	ssyncset.done $0x0  }
0x233: {  	[sflag:s22] =	ssyncadd.s32 $0xFFFFEC00  }
0x234: {  	[bflag:$0x0] =	sbarrier.arrive $0xFFFF  }
0x235: {  	s7 =	sld [smem:$0x7FD]  }
0x236: {  	s17 =	sld [smem:$0x7FB]  }
0x237: {  	s23 =	stileid.u32  }
0x238: {  	s30 =	simm.s32 $0xD;
	s0 =	sshll.u32 s23, $0x6  }
0x239: {  	s26 =	sor.u32 $0x1C0D, s0;
	s3 =	sadd.s32 $0x0, s7;
	s25 =	sshrl.u32 s17, $0x3  }
0x23a: {  	[hbm:s3], [sflag:s26] =	dma.local [spmem:s25], $0x280  }
0x23b: {  	_ =	swait.ge [sflag:s30], $0x280  }
0x23c: {  	s31 =	sld [smem:$0x7FC];
	_ =	sdelay $0x1  }
0x23d: {  	s28 =	simm.s32 $0x280;
	s9 =	simm.s32 $0xC;
	s14 =	simm.s32 $0x8  }
0x23e: {  	s23 =	simm.s32 $0xB;
	s25 =	simm.s32 $0x9;
	s29 =	smov.u32 s31  }
.LBB2_6:
0x23f: {  	s0 =	sadd.s32 s28, s7;
	[sflag:s30] =	ssyncset.done $0x0;
	p0 =	sne.s32 s28, $0x2580  }
.Ltmp2:
0x240: {  	s3 =	sshrl.u32 s29, $0x3;
	[sflag:s30] =	ssyncadd.s32 $0xFFFFFD80;
	(pc) =	sbr.rel @p0 .LBB2_6-.Ltmp2, $3  }
0x241: {  	[hbm:s0], [sflag:s26] =	dma.local [spmem:s3], $0x280  }
0x242: {  	s28 =	sadd.s32 $0x280, s28;
	_ =	sdelay $0x1  }
0x243: {  	s29 =	sadd.s32 $0x1400, s29;
	_ =	swait.ge [sflag:s30], $0x280  }
0x244: {  	s26 =	sld [smem:$0x7EA]  }
0x245: {  	s0 =	sld [smem:$0x7EB];
	_ =	sdelay $0x1  }
0x246: {  	s26 =	sadd.s32 $0x1, s26  }
0x247: {  	p0 =	sne.s32 s26, s0  }
.Ltmp3:
0x248: {  	_ = 	snop;
	(pc) =	sbr.rel @p0 .LBB2_1-.Ltmp3, $4  }
0x249: {  	_ = 	snop  }
0x24a: {  	[sflag:s30] =	ssyncset.done $0x0  }
0x24b: {  	s3 =	simm.s32 $0x800;
	s28 =	simm.s32 $0x900;
	s29 =	simm.s32 $0x980  }
0x24c: {  	s4 =	simm.s32 $0x0;
	[sflag:s30] =	ssyncadd.s32 $0xFFFFFD80;
	s30 =	simm.s32 $0x200  }
0x24d: {  	_ =	sfence.sel $0x180000  }
0x24e: {  	[bflag:$0x0] =	sbarrier.arrive $0xFFFF  }
0x24f: {  	_ =	strace $0x90000047  }
0x250: {  	s0 =	stileid.u32;
	[bflag:$0x2] =	sbarrier.arrive $0xFFFF  }
0x251: {  	p0 =	sne.s32 s0, $0x0;
	s0 =	rddreg [dreg:$0x3]  }
0x252: {  	s0 =	sadd.s32 @!p0 $0x100000, s0  }
0x253: {  	[sflag:s0] =	ssyncadd.tile.s32 @!p0 $0x1;
	_ =	shalt  }
.Lfunc_end2:
_tile_overlayer_lowered:
.L_overlay_start_2:
0x254: {  	(tag) =	ssettag $0x2  }
0x255: {  	s0 =	rddreg [dreg:$0x0];
	s2 =	stileid.u32  }
0x256: {  	s1 =	rddreg [dreg:$0x1];
	p0 =	sne.s32 s2, $0x0  }
0x257: {  	s3 =	rddreg [dreg:$0x2];
	[bflag:$0x3] =	sbarrier.arrive $0xFFFF;
	s2 =	simm.s32 @!p0 $0x1C0D  }
0x258: {  	[timem:s3], [sflag:s2] =	dma.local @!p0 [hbm:s0], s1  }
0x259: {  	s0 =	simm.s32 @!p0 $0xD  }
0x25a: {  	_ =	swait.ge @!p0 [sflag:s0], s1  }
0x25b: {  	s1 =	ssub.s32 @!p0 $0x0, s1;
	[sflag:s0] =	ssyncset.done @!p0 $0x0  }
0x25c: {  	[sflag:s0] =	ssyncadd.s32 @!p0 s1  }
0x25d: {  	[bflag:$0x3] =	sbarrier.arrive $0xFFFF  }
0x25e: {  	_ =	shalt  }

</sc_bundles>
